<compile_context>
chip_gen: v7x
topology: tpu7x:2x2x1
jax: 0.10.2.dev20260603
libtpu: 0.0.44.dev20260713+nightly
codegen_flags: <defaults>
</compile_context>

<pallas_src>
import functools

import jax
import jax.numpy as jnp
from jax import lax
from jax.experimental import pallas as pl
from jax.experimental.pallas import tpu as pltpu
from jax.experimental.pallas import tpu_sc as plsc

_ALPHA = 0.2
_BETA = 0.1
_CE = 120
_NW = 32

f32 = jnp.float32



def _prep(xp, W_cat, A_src, A_dst):
    NPp, KD = xp.shape
    FD = W_cat.shape[1]
    BN = 1024

    def body(x_ref, w_ref, as_ref, ad_ref, hx_ref, d_ref):
        h = jnp.dot(x_ref[...], w_ref[...], preferred_element_type=f32)
        s = jnp.dot(h, as_ref[...], preferred_element_type=f32)
        hx_ref[...] = jnp.concatenate([h, s], axis=1)
        d_ref[...] = jnp.dot(h, ad_ref[...], preferred_element_type=f32)

    return pl.pallas_call(
        body,
        grid=(pl.cdiv(NPp, BN),),
        in_specs=[
            pl.BlockSpec((BN, KD), lambda i: (i, 0)),
            pl.BlockSpec((KD, FD), lambda i: (0, 0)),
            pl.BlockSpec((FD, 16), lambda i: (0, 0)),
            pl.BlockSpec((FD, 16), lambda i: (0, 0)),
        ],
        out_specs=[
            pl.BlockSpec((BN, FD + 16), lambda i: (i, 0)),
            pl.BlockSpec((BN, 16), lambda i: (i, 0)),
        ],
        out_shape=[
            jax.ShapeDtypeStruct((NPp, FD + 16), f32),
            jax.ShapeDtypeStruct((NPp, 16), f32),
        ],
    )(xp, W_cat, A_src, A_dst)


def _merge(p2, hx, expand, apply_elu):
    NPp, Fx = hx.shape
    F = Fx - 16
    BN = 512

    def body(p_ref, hx_ref, e_ref, o_ref):
        den = p_ref[0, :, F:] + p_ref[1, :, F:] + 1e-16
        inv = jnp.dot(1.0 / den, e_ref[...], preferred_element_type=f32)
        v = ((1.0 - _BETA) * (p_ref[0, :, :F] + p_ref[1, :, :F]) * inv
             + _BETA * hx_ref[:, :F])
        if apply_elu:
            v = jnp.where(v > 0, v, jnp.exp(v) - 1.0)
        o_ref[...] = jnp.concatenate([v, hx_ref[:, F:]], axis=1)

    return pl.pallas_call(
        body,
        grid=(pl.cdiv(NPp, BN),),
        in_specs=[
            pl.BlockSpec((2, BN, Fx), lambda i: (0, i, 0)),
            pl.BlockSpec((BN, Fx), lambda i: (i, 0)),
            pl.BlockSpec((16, F), lambda i: (0, 0)),
        ],
        out_specs=pl.BlockSpec((BN, Fx), lambda i: (i, 0)),
        out_shape=jax.ShapeDtypeStruct((NPp, Fx), f32),
    )(p2, hx, expand)


def _log_softmax(x):
    NPp, C = x.shape
    BN = 2048

    def body(x_ref, o_ref):
        v = x_ref[...]
        m = jnp.max(v, axis=1, keepdims=True)
        ex = jnp.exp(v - m)
        s = jnp.sum(ex, axis=1, keepdims=True)
        o_ref[...] = v - m - jnp.log(s)

    return pl.pallas_call(
        body,
        grid=(pl.cdiv(NPp, BN),),
        in_specs=[pl.BlockSpec((BN, C), lambda i: (i, 0))],
        out_specs=pl.BlockSpec((BN, C), lambda i: (i, 0)),
        out_shape=jax.ShapeDtypeStruct((NPp, C), f32),
    )(x)



def _make_edge_pass(NPp, F, H, Ep):
    B = F // 16
    cpb = F // H
    Fx = F + 16
    BX = Fx // 16
    ZR = NPp // 16
    n_chunks = Ep // (_NW * _CE)
    mesh = plsc.VectorSubcoreMesh(
        core_axis_name="c", subcore_axis_name="s", num_cores=2, num_subcores=16
    )

    def body(src_hbm, dst_hbm, adst_hbm, featx_hbm, p_out,
             sidxA, didxA, adA, frxA,
             sidxB, didxB, adB, frxB,
             px_sh, gsemA, gsemB, ssem):
        c = lax.axis_index("c")
        s = lax.axis_index("s")
        wid = s * 2 + c

        zvec = jnp.zeros((16,), f32)

        @pl.loop(0, _CE)
        def _zbuf(r):
            for b in range(BX):
                frxA[r, b * 16:(b + 1) * 16] = zvec

        r0 = s * ZR

        @pl.loop(0, ZR // _CE)
        def _zacc(j):
            pltpu.sync_copy(frxA, px_sh.at[pl.ds(r0 + j * _CE, _CE)])

        zrem = ZR % _CE
        if zrem:
            zoff = r0 + (ZR // _CE) * _CE
            pltpu.sync_copy(frxA.at[pl.ds(0, zrem)], px_sh.at[pl.ds(zoff, zrem)])

        plsc.subcore_barrier()

        base = wid * n_chunks * _CE

        def load_and_fire(off, sidx, didx, ad, frx, sem):
            pltpu.sync_copy(src_hbm.at[pl.ds(off, _CE)], sidx)
            pltpu.sync_copy(dst_hbm.at[pl.ds(off, _CE)], didx)
            pltpu.async_copy(featx_hbm.at[sidx], frx, sem)
            pltpu.async_copy(adst_hbm.at[didx], ad, sem)

        def wait_gathers(sidx, didx, ad, frx, sem):
            pltpu.make_async_copy(featx_hbm.at[sidx], frx, sem).wait()
            pltpu.make_async_copy(adst_hbm.at[didx], ad, sem).wait()

        def compute(ad, frx):
            @pl.loop(0, _CE)
            def _edge(i):
                e = frx[i, F:Fx] + ad[i, :]
                e = jnp.where(e >= 0.0, e, _ALPHA * e)
                ex_vec = jnp.exp(e)
                for b in range(B):
                    hd = (b * 16) // cpb
                    sc = ex_vec[hd]
                    frx[i, b * 16:(b + 1) * 16] = sc * frx[i, b * 16:(b + 1) * 16]
                frx[i, F:Fx] = ex_vec

        def scatter_sync(frx, didx):
            pltpu.async_copy(frx, px_sh.at[didx], ssem, add=True)
            pltpu.make_async_copy(frx, px_sh.at[didx], ssem).wait()

        gbufA = (sidxA, didxA, adA, frxA)
        gbufB = (sidxB, didxB, adB, frxB)

        load_and_fire(base, *gbufA, gsemA)

        @pl.loop(0, n_chunks // 2)
        def _pair(q):
            off = base + q * (2 * _CE)
            load_and_fire(off + _CE, *gbufB, gsemB)
            wait_gathers(*gbufA, gsemA)
            compute(adA, frxA)
            scatter_sync(frxA, didxA)
            load_and_fire(off + 2 * _CE, *gbufA, gsemA)
            wait_gathers(*gbufB, gsemB)
            compute(adB, frxB)
            scatter_sync(frxB, didxB)

        wait_gathers(*gbufA, gsemA)

        plsc.subcore_barrier()
        pltpu.sync_copy(px_sh.at[pl.ds(r0, ZR)], p_out.at[c, pl.ds(r0, ZR)])

    return pl.kernel(
        body,
        out_type=jax.ShapeDtypeStruct((2, NPp, Fx), f32),
        mesh=mesh,
        compiler_params=pltpu.CompilerParams(use_tc_tiling_on_sc=False),
        scratch_types=(
            [
                pltpu.VMEM((_CE,), jnp.int32),
                pltpu.VMEM((_CE,), jnp.int32),
                pltpu.VMEM((_CE, 16), f32),
                pltpu.VMEM((_CE, Fx), f32),
            ] * 2
            + [
                pltpu.VMEM_SHARED((NPp, Fx), f32),
                pltpu.SemaphoreType.DMA,
                pltpu.SemaphoreType.DMA,
                pltpu.SemaphoreType.DMA,
            ]
        ),
    )



def _ceil_to(v, m):
    return ((v + m - 1) // m) * m


def kernel(x, k_edges, W, a, W_out, a_out):
    n, nfeat = x.shape
    nheads, _, nhid = W.shape
    nclass = W_out.shape[1]
    K, _, E = k_edges.shape
    F1 = nheads * nhid

    NPp = _ceil_to(n, 32)
    if NPp == n:
        NPp += 32
    Ep = _ceil_to(E, _NW * _CE * 2)

    xp = jnp.zeros((NPp, nfeat), f32).at[:n].set(x)
    W_cat = W.transpose(1, 0, 2).reshape(nfeat, F1)
    rows = jnp.arange(F1)
    A_src = jnp.zeros((F1, 16), f32).at[rows, rows // nhid].set(
        a[:, :nhid].reshape(-1))
    A_dst = jnp.zeros((F1, 16), f32).at[rows, rows // nhid].set(
        a[:, nhid:].reshape(-1))
    Exp1 = jnp.zeros((16, F1), f32).at[rows // nhid, rows].set(1.0)
    A2_src = jnp.zeros((nclass, 16), f32).at[:, 0].set(a_out[:nclass])
    A2_dst = jnp.zeros((nclass, 16), f32).at[:, 0].set(a_out[nclass:])
    Exp2 = jnp.zeros((16, nclass), f32).at[0, :].set(1.0)

    pad = Ep + _CE - E
    srcp = jnp.concatenate(
        [k_edges[:, 0, :], jnp.zeros((K, pad), jnp.int32)], axis=1)
    dstp = jnp.concatenate(
        [k_edges[:, 1, :], jnp.full((K, pad), NPp - 1, jnp.int32)], axis=1)

    edge1 = _make_edge_pass(NPp, F1, nheads, Ep)
    edge2 = _make_edge_pass(NPp, nclass, 1, Ep)

    h1x, d1 = _prep(xp, W_cat, A_src, A_dst)
    featx = h1x
    for l in range(K):
        p2 = edge1(srcp[l], dstp[l], d1, featx)
        featx = _merge(p2, h1x, Exp1, apply_elu=(l == K - 1))

    h2x, d2 = _prep(featx[:, :F1], W_out, A2_src, A2_dst)
    featx2 = h2x
    for l in range(K):
        p2 = edge2(srcp[l], dstp[l], d2, featx2)
        featx2 = _merge(p2, h2x, Exp2, apply_elu=(l == K - 1))

    return _log_softmax(featx2[:, :nclass])[:n]

# --- scband reference (transcript-rebuilt; emitter-appended) ---
"""Pipeline reference for scband-sp-gkhda-85847806313252 (READ-ONLY COPY).

The authoritative reference and input builder live on the scoring server;
editing this copy changes nothing except your own understanding.
"""

import jax, jax.numpy as jnp
import numpy as np

N = 10000
E = 320000
K = 3
NFEAT = 128
NHID = 16
NHEADS = 8
NCLASS = 32
ALPHA = 0.2
BETA = 0.1


def setup_inputs(seed: int = 0) -> dict:
    key = jax.random.key(seed)
    ks = jax.random.split(key, 8)
    x = jax.random.normal(ks[0], (N, NFEAT), dtype=jnp.float32)
    # k_edge_list: K hop-wise edge lists derived from adj by preprocess_khop;
    # modeled here as K random edge sets of E edges each (src row 0, dst row 1).
    k_edges = jax.random.randint(ks[1], (K, 2, E), 0, N, dtype=jnp.int32)
    W = jax.random.normal(ks[2], (NHEADS, NFEAT, NHID), dtype=jnp.float32) * 0.1
    a = jax.random.normal(ks[3], (NHEADS, 2 * NHID), dtype=jnp.float32) * 0.1
    W_out = jax.random.normal(ks[4], (NHID * NHEADS, NCLASS), dtype=jnp.float32) * 0.1
    a_out = jax.random.normal(ks[5], (2 * NCLASS,), dtype=jnp.float32) * 0.1
    return {"x": x, "k_edges": k_edges, "W": W, "a": a, "W_out": W_out, "a_out": a_out}


def _edge_softmax(logits, dst, n):
    m = jax.ops.segment_max(logits, dst, num_segments=n)
    m = jnp.where(jnp.isfinite(m), m, 0.0)
    ex = jnp.exp(logits - m[dst])
    s = jax.ops.segment_sum(ex, dst, num_segments=n)
    return ex / (s[dst] + 1e-16)


def _khop_att_layer(x, k_edges, W, a, concat):
    # spGraphKHopDecentDiffAttentionLayer: sparse GAT attention per hop edge list
    # with decaying (beta-teleport) diffusion over K hops.
    h = x @ W
    nhid = h.shape[1]
    n = x.shape[0]
    feat = h
    for l in range(k_edges.shape[0]):
        src = k_edges[l, 0]
        dst = k_edges[l, 1]
        e = h[src] @ a[:nhid] + h[dst] @ a[nhid:]
        e = jax.nn.leaky_relu(e, ALPHA)
        att = _edge_softmax(e, dst, n)
        agg = jax.ops.segment_sum(att[:, None] * feat[src], dst, num_segments=n)
        feat = (1.0 - BETA) * agg + BETA * h
    return jax.nn.elu(feat) if concat else feat


def reference(x, k_edges, W, a, W_out, a_out):
    # dropout layers omitted (eval mode, deterministic reference)
    heads = [_khop_att_layer(x, k_edges, W[i], a[i], True) for i in range(NHEADS)]
    hcat = jnp.concatenate(heads, axis=1)
    out = jax.nn.elu(_khop_att_layer(hcat, k_edges, W_out, a_out, False))
    return jax.nn.log_softmax(out, axis=1)

if __name__ == "__main__":
    import jax
    _d = setup_inputs()
    print(jax.jit(kernel)(*tuple(_d.values())))

</pallas_src>

<mosaic_0001>
#map = affine_map<(d0, d1) -> (0)>
#map1 = affine_map<(d0, d1) -> (0, 0)>
#map2 = affine_map<(d0, d1) -> (0, 0, 0)>
module attributes {stable_mosaic.version = 14 : i64} {
  func.func @body(%arg0: i32, %arg1: i32, %arg2: memref<322680xi32, #tpu.memory_space<hbm>>, %arg3: memref<322680xi32, #tpu.memory_space<hbm>>, %arg4: memref<10016x16xf32, #tpu.memory_space<hbm>>, %arg5: memref<10016x48xf32, #tpu.memory_space<hbm>>, %arg6: memref<2x10016x48xf32, #tpu.memory_space<hbm>>, %arg7: memref<120xi32, #tpu.memory_space<vmem>>, %arg8: memref<120xi32, #tpu.memory_space<vmem>>, %arg9: memref<120x16xf32, #tpu.memory_space<vmem>>, %arg10: memref<120x48xf32, #tpu.memory_space<vmem>>, %arg11: memref<120xi32, #tpu.memory_space<vmem>>, %arg12: memref<120xi32, #tpu.memory_space<vmem>>, %arg13: memref<120x16xf32, #tpu.memory_space<vmem>>, %arg14: memref<120x48xf32, #tpu.memory_space<vmem>>, %arg15: memref<10016x48xf32, #tpu.memory_space<vmem_shared>>, %arg16: memref<!tpu.dma_semaphore, #tpu.memory_space<semaphore_mem>>, %arg17: memref<!tpu.dma_semaphore, #tpu.memory_space<semaphore_mem>>, %arg18: memref<!tpu.dma_semaphore, #tpu.memory_space<semaphore_mem>>) attributes {dimension_semantics = [#tpu.dimension_semantics<core_parallel>, #tpu.dimension_semantics<subcore_parallel>], iteration_bounds = array<i64: 2, 16>, scalar_prefetch = 0 : i64, scratch_operands = 12 : i64, tpu.core_type = #tpu.core_type<sc_vector_subcore>, window_params = [{transform_indices = #map}, {transform_indices = #map}, {transform_indices = #map1}, {transform_indices = #map1}, {transform_indices = #map2}]} {
    %mul3A = arith.constant 2 : i32
    %mul3A_0 = arith.muli %arg1, %mul3A : i32
    %add3A = arith.addi %mul3A_0, %arg0 : i32
    %broadcast_in_dim3A = arith.constant 0.000000e+00 : f32
    %broadcast_in_dim3A_1 = vector.broadcast %broadcast_in_dim3A : f32 to vector<16xf32>
    %scan3A = arith.constant 0 : i32
    %scan3A_2 = arith.constant 120 : i32
    %scan3A_3 = arith.addi %scan3A, %scan3A_2 : i32
    %scan3A_4 = arith.constant 1 : i32
    scf.for %scan3A_35 = %scan3A to %scan3A_3 step %scan3A_4  : i32 {
      %mul3A_36 = arith.constant 1 : i32
      %mul3A_37 = arith.muli %scan3A_35, %mul3A_36 : i32
      %add3A_38 = arith.constant 0 : i32
      %add3A_39 = arith.addi %add3A_38, %mul3A_37 : i32
      %swap3A = arith.index_cast %add3A_39 : i32 to index
      %swap3A_40 = arith.constant 0 : index
      %swap3A_41 = tpu.vector_load %arg10[%swap3A, %swap3A_40] {strides = array<i32>} : memref<120x48xf32, #tpu.memory_space<vmem>>, vector<1x16xf32>,
      %swap3A_42 = vector.shape_cast %swap3A_41 : vector<1x16xf32> to vector<16xf32>
      %swap3A_43 = vector.shape_cast %broadcast_in_dim3A_1 : vector<16xf32> to vector<1x16xf32>
      tpu.vector_store %arg10[%swap3A, %swap3A_40], %swap3A_43 {strides = array<i32>} : memref<120x48xf32, #tpu.memory_space<vmem>>, vector<1x16xf32>,
      %swap3A_44 = arith.index_cast %add3A_39 : i32 to index
      %swap3A_45 = arith.constant 16 : index
      %swap3A_46 = tpu.vector_load %arg10[%swap3A_44, %swap3A_45] {strides = array<i32>} : memref<120x48xf32, #tpu.memory_space<vmem>>, vector<1x16xf32>,
      %swap3A_47 = vector.shape_cast %swap3A_46 : vector<1x16xf32> to vector<16xf32>
      %swap3A_48 = vector.shape_cast %broadcast_in_dim3A_1 : vector<16xf32> to vector<1x16xf32>
      tpu.vector_store %arg10[%swap3A_44, %swap3A_45], %swap3A_48 {strides = array<i32>} : memref<120x48xf32, #tpu.memory_space<vmem>>, vector<1x16xf32>,
      %swap3A_49 = arith.index_cast %add3A_39 : i32 to index
      %swap3A_50 = arith.constant 32 : index
      %swap3A_51 = tpu.vector_load %arg10[%swap3A_49, %swap3A_50] {strides = array<i32>} : memref<120x48xf32, #tpu.memory_space<vmem>>, vector<1x16xf32>,
      %swap3A_52 = vector.shape_cast %swap3A_51 : vector<1x16xf32> to vector<16xf32>
      %swap3A_53 = vector.shape_cast %broadcast_in_dim3A_1 : vector<16xf32> to vector<1x16xf32>
      tpu.vector_store %arg10[%swap3A_49, %swap3A_50], %swap3A_53 {strides = array<i32>} : memref<120x48xf32, #tpu.memory_space<vmem>>, vector<1x16xf32>,
    }
    %scan3A_5 = arith.constant 120 : i32
    %mul3A_6 = arith.constant 626 : i32
    %mul3A_7 = arith.muli %arg1, %mul3A_6 : i32
    %scan3A_8 = arith.constant 0 : i32
    %scan3A_9 = arith.constant 5 : i32
    %scan3A_10 = arith.addi %scan3A_8, %scan3A_9 : i32
    %scan3A_11 = arith.constant 1 : i32
    scf.for %scan3A_35 = %scan3A_8 to %scan3A_10 step %scan3A_11  : i32 {
      %mul3A_36 = arith.constant 1 : i32
      %mul3A_37 = arith.muli %scan3A_35, %mul3A_36 : i32
      %add3A_38 = arith.constant 0 : i32
      %add3A_39 = arith.addi %add3A_38, %mul3A_37 : i32
      %mul3A_40 = arith.constant 120 : i32
      %mul3A_41 = arith.muli %add3A_39, %mul3A_40 : i32
      %add3A_42 = arith.addi %mul3A_7, %mul3A_41 : i32
      "tpu.region"() ({
        %run_scoped3A = tpu.sem_alloc : memref<!tpu.dma_semaphore, #tpu.memory_space<semaphore_mem>>
        %dma_start3A_43 = arith.constant 0 : i32
        %dma_start3A_44 = tpu.memref_slice %arg15[%add3A_42, %dma_start3A_43] : memref<10016x48xf32, #tpu.memory_space<vmem_shared>> -> memref<120x48xf32, #tpu.memory_space<vmem_shared>>
        %dma_start3A_45 = arith.constant 0 : i32
        %dma_start3A_46 = tpu.memref_slice %arg15[%add3A_42, %dma_start3A_45] : memref<10016x48xf32, #tpu.memory_space<vmem_shared>> -> memref<120x48xf32, #tpu.memory_space<vmem_shared>>
        tpu.enqueue_dma source(%arg10 : memref<120x48xf32, #tpu.memory_space<vmem>>) target(%dma_start3A_46 : memref<120x48xf32, #tpu.memory_space<vmem_shared>>) target_semaphore(%run_scoped3A : memref<!tpu.dma_semaphore, #tpu.memory_space<semaphore_mem>>)
        %dma_wait3A_47 = arith.constant 0 : i32
        %dma_wait3A_48 = tpu.memref_slice %arg15[%add3A_42, %dma_wait3A_47] : memref<10016x48xf32, #tpu.memory_space<vmem_shared>> -> memref<120x48xf32, #tpu.memory_space<vmem_shared>>
        %dma_wait3A_49 = arith.constant 0 : i32
        %dma_wait3A_50 = tpu.memref_slice %arg15[%add3A_42, %dma_wait3A_49] : memref<10016x48xf32, #tpu.memory_space<vmem_shared>> -> memref<120x48xf32, #tpu.memory_space<vmem_shared>>
        tpu.wait_dma2 semaphore(%run_scoped3A : memref<!tpu.dma_semaphore, #tpu.memory_space<semaphore_mem>>) src(%arg10 : memref<120x48xf32, #tpu.memory_space<vmem>>) dst(%dma_wait3A_50 : memref<120x48xf32, #tpu.memory_space<vmem_shared>>)
        tpu.yield
      }) : () -> ()
    }
    %scan3A_12 = arith.constant 5 : i32
    %add3A_13 = arith.constant 600 : i32
    %add3A_14 = arith.addi %mul3A_7, %add3A_13 : i32
    "tpu.region"() ({
      %run_scoped3A = tpu.sem_alloc : memref<!tpu.dma_semaphore, #tpu.memory_space<semaphore_mem>>
      %dma_start3A_35 = arith.constant 0 : i32
      %dma_start3A_36 = arith.constant 0 : i32
      %dma_start3A_37 = tpu.memref_slice %arg10[%dma_start3A_35, %dma_start3A_36] : memref<120x48xf32, #tpu.memory_space<vmem>> -> memref<26x48xf32, #tpu.memory_space<vmem>>
      %dma_start3A_38 = arith.constant 0 : i32
      %dma_start3A_39 = tpu.memref_slice %arg15[%add3A_14, %dma_start3A_38] : memref<10016x48xf32, #tpu.memory_space<vmem_shared>> -> memref<26x48xf32, #tpu.memory_space<vmem_shared>>
      %dma_start3A_40 = arith.constant 0 : i32
      %dma_start3A_41 = tpu.memref_slice %arg15[%add3A_14, %dma_start3A_40] : memref<10016x48xf32, #tpu.memory_space<vmem_shared>> -> memref<26x48xf32, #tpu.memory_space<vmem_shared>>
      %dma_start3A_42 = arith.constant 0 : i32
      %dma_start3A_43 = arith.constant 0 : i32
      %dma_start3A_44 = tpu.memref_slice %arg10[%dma_start3A_42, %dma_start3A_43] : memref<120x48xf32, #tpu.memory_space<vmem>> -> memref<26x48xf32, #tpu.memory_space<vmem>>
      tpu.enqueue_dma source(%dma_start3A_44 : memref<26x48xf32, #tpu.memory_space<vmem>>) target(%dma_start3A_41 : memref<26x48xf32, #tpu.memory_space<vmem_shared>>) target_semaphore(%run_scoped3A : memref<!tpu.dma_semaphore, #tpu.memory_space<semaphore_mem>>)
      %dma_wait3A_45 = arith.constant 0 : i32
      %dma_wait3A_46 = arith.constant 0 : i32
      %dma_wait3A_47 = tpu.memref_slice %arg10[%dma_wait3A_45, %dma_wait3A_46] : memref<120x48xf32, #tpu.memory_space<vmem>> -> memref<26x48xf32, #tpu.memory_space<vmem>>
      %dma_wait3A_48 = arith.constant 0 : i32
      %dma_wait3A_49 = tpu.memref_slice %arg15[%add3A_14, %dma_wait3A_48] : memref<10016x48xf32, #tpu.memory_space<vmem_shared>> -> memref<26x48xf32, #tpu.memory_space<vmem_shared>>
      %dma_wait3A_50 = arith.constant 0 : i32
      %dma_wait3A_51 = tpu.memref_slice %arg15[%add3A_14, %dma_wait3A_50] : memref<10016x48xf32, #tpu.memory_space<vmem_shared>> -> memref<26x48xf32, #tpu.memory_space<vmem_shared>>
      %dma_wait3A_52 = arith.constant 0 : i32
      %dma_wait3A_53 = arith.constant 0 : i32
      %dma_wait3A_54 = tpu.memref_slice %arg10[%dma_wait3A_52, %dma_wait3A_53] : memref<120x48xf32, #tpu.memory_space<vmem>> -> memref<26x48xf32, #tpu.memory_space<vmem>>
      tpu.wait_dma2 semaphore(%run_scoped3A : memref<!tpu.dma_semaphore, #tpu.memory_space<semaphore_mem>>) src(%dma_wait3A_54 : memref<26x48xf32, #tpu.memory_space<vmem>>) dst(%dma_wait3A_51 : memref<26x48xf32, #tpu.memory_space<vmem_shared>>)
      tpu.yield
    }) : () -> ()
    %barrier3A = arith.constant 0 : index
    tpu.barrier barrier_id(%barrier3A)
    %mul3A_15 = arith.constant 84 : i32
    %mul3A_16 = arith.muli %add3A, %mul3A_15 : i32
    %mul3A_17 = arith.constant 120 : i32
    %mul3A_18 = arith.muli %mul3A_16, %mul3A_17 : i32
    "tpu.region"() ({
      %run_scoped3A = tpu.sem_alloc : memref<!tpu.dma_semaphore, #tpu.memory_space<semaphore_mem>>
      %dma_start3A_35 = tpu.memref_slice %arg2[%mul3A_18] : memref<322680xi32, #tpu.memory_space<hbm>> -> memref<120xi32, #tpu.memory_space<hbm>>
      %dma_start3A_36 = tpu.memref_slice %arg2[%mul3A_18] : memref<322680xi32, #tpu.memory_space<hbm>> -> memref<120xi32, #tpu.memory_space<hbm>>
      tpu.enqueue_dma source(%dma_start3A_36 : memref<120xi32, #tpu.memory_space<hbm>>) target(%arg7 : memref<120xi32, #tpu.memory_space<vmem>>) target_semaphore(%run_scoped3A : memref<!tpu.dma_semaphore, #tpu.memory_space<semaphore_mem>>)
      %dma_wait3A_37 = tpu.memref_slice %arg2[%mul3A_18] : memref<322680xi32, #tpu.memory_space<hbm>> -> memref<120xi32, #tpu.memory_space<hbm>>
      %dma_wait3A_38 = tpu.memref_slice %arg2[%mul3A_18] : memref<322680xi32, #tpu.memory_space<hbm>> -> memref<120xi32, #tpu.memory_space<hbm>>
      tpu.wait_dma2 semaphore(%run_scoped3A : memref<!tpu.dma_semaphore, #tpu.memory_space<semaphore_mem>>) src(%dma_wait3A_38 : memref<120xi32, #tpu.memory_space<hbm>>) dst(%arg7 : memref<120xi32, #tpu.memory_space<vmem>>)
      tpu.yield
    }) : () -> ()
    "tpu.region"() ({
      %run_scoped3A = tpu.sem_alloc : memref<!tpu.dma_semaphore, #tpu.memory_space<semaphore_mem>>
      %dma_start3A_35 = tpu.memref_slice %arg3[%mul3A_18] : memref<322680xi32, #tpu.memory_space<hbm>> -> memref<120xi32, #tpu.memory_space<hbm>>
      %dma_start3A_36 = tpu.memref_slice %arg3[%mul3A_18] : memref<322680xi32, #tpu.memory_space<hbm>> -> memref<120xi32, #tpu.memory_space<hbm>>
      tpu.enqueue_dma source(%dma_start3A_36 : memref<120xi32, #tpu.memory_space<hbm>>) target(%arg8 : memref<120xi32, #tpu.memory_space<vmem>>) target_semaphore(%run_scoped3A : memref<!tpu.dma_semaphore, #tpu.memory_space<semaphore_mem>>)
      %dma_wait3A_37 = tpu.memref_slice %arg3[%mul3A_18] : memref<322680xi32, #tpu.memory_space<hbm>> -> memref<120xi32, #tpu.memory_space<hbm>>
      %dma_wait3A_38 = tpu.memref_slice %arg3[%mul3A_18] : memref<322680xi32, #tpu.memory_space<hbm>> -> memref<120xi32, #tpu.memory_space<hbm>>
      tpu.wait_dma2 semaphore(%run_scoped3A : memref<!tpu.dma_semaphore, #tpu.memory_space<semaphore_mem>>) src(%dma_wait3A_38 : memref<120xi32, #tpu.memory_space<hbm>>) dst(%arg8 : memref<120xi32, #tpu.memory_space<vmem>>)
      tpu.yield
    }) : () -> ()
    %dma_start3A = arith.constant 0 : i32
    %dma_start3A_19 = arith.constant 0 : i32
    %dma_start3A_20 = tpu.memref_slice %arg5[%dma_start3A, %dma_start3A_19] : memref<10016x48xf32, #tpu.memory_space<hbm>> -> memref<10016x48xf32, #tpu.memory_space<hbm>>
    tpu.enqueue_indirect_dma source(%dma_start3A_20 : memref<10016x48xf32, #tpu.memory_space<hbm>>) target(%arg10 : memref<120x48xf32, #tpu.memory_space<vmem>>) offsets(%arg7 : memref<120xi32, #tpu.memory_space<vmem>>) semaphore(%arg16 : memref<!tpu.dma_semaphore, #tpu.memory_space<semaphore_mem>>)
    %dma_start3A_21 = arith.constant 0 : i32
    %dma_start3A_22 = arith.constant 0 : i32
    %dma_start3A_23 = tpu.memref_slice %arg4[%dma_start3A_21, %dma_start3A_22] : memref<10016x16xf32, #tpu.memory_space<hbm>> -> memref<10016x16xf32, #tpu.memory_space<hbm>>
    tpu.enqueue_indirect_dma source(%dma_start3A_23 : memref<10016x16xf32, #tpu.memory_space<hbm>>) target(%arg9 : memref<120x16xf32, #tpu.memory_space<vmem>>) offsets(%arg8 : memref<120xi32, #tpu.memory_space<vmem>>) semaphore(%arg16 : memref<!tpu.dma_semaphore, #tpu.memory_space<semaphore_mem>>)
    %scan3A_24 = arith.constant 0 : i32
    %scan3A_25 = arith.constant 42 : i32
    %scan3A_26 = arith.addi %scan3A_24, %scan3A_25 : i32
    %scan3A_27 = arith.constant 1 : i32
    scf.for %scan3A_35 = %scan3A_24 to %scan3A_26 step %scan3A_27  : i32 {
      %mul3A_36 = arith.constant 1 : i32
      %mul3A_37 = arith.muli %scan3A_35, %mul3A_36 : i32
      %add3A_38 = arith.constant 0 : i32
      %add3A_39 = arith.addi %add3A_38, %mul3A_37 : i32
      %mul3A_40 = arith.constant 240 : i32
      %mul3A_41 = arith.muli %add3A_39, %mul3A_40 : i32
      %add3A_42 = arith.addi %mul3A_18, %mul3A_41 : i32
      %add3A_43 = arith.constant 120 : i32
      %add3A_44 = arith.addi %add3A_42, %add3A_43 : i32
      "tpu.region"() ({
        %run_scoped3A = tpu.sem_alloc : memref<!tpu.dma_semaphore, #tpu.memory_space<semaphore_mem>>
        %dma_start3A_93 = tpu.memref_slice %arg2[%add3A_44] : memref<322680xi32, #tpu.memory_space<hbm>> -> memref<120xi32, #tpu.memory_space<hbm>>
        %dma_start3A_94 = tpu.memref_slice %arg2[%add3A_44] : memref<322680xi32, #tpu.memory_space<hbm>> -> memref<120xi32, #tpu.memory_space<hbm>>
        tpu.enqueue_dma source(%dma_start3A_94 : memref<120xi32, #tpu.memory_space<hbm>>) target(%arg11 : memref<120xi32, #tpu.memory_space<vmem>>) target_semaphore(%run_scoped3A : memref<!tpu.dma_semaphore, #tpu.memory_space<semaphore_mem>>)
        %dma_wait3A_95 = tpu.memref_slice %arg2[%add3A_44] : memref<322680xi32, #tpu.memory_space<hbm>> -> memref<120xi32, #tpu.memory_space<hbm>>
        %dma_wait3A_96 = tpu.memref_slice %arg2[%add3A_44] : memref<322680xi32, #tpu.memory_space<hbm>> -> memref<120xi32, #tpu.memory_space<hbm>>
        tpu.wait_dma2 semaphore(%run_scoped3A : memref<!tpu.dma_semaphore, #tpu.memory_space<semaphore_mem>>) src(%dma_wait3A_96 : memref<120xi32, #tpu.memory_space<hbm>>) dst(%arg11 : memref<120xi32, #tpu.memory_space<vmem>>)
        tpu.yield
      }) : () -> ()
      "tpu.region"() ({
        %run_scoped3A = tpu.sem_alloc : memref<!tpu.dma_semaphore, #tpu.memory_space<semaphore_mem>>
        %dma_start3A_93 = tpu.memref_slice %arg3[%add3A_44] : memref<322680xi32, #tpu.memory_space<hbm>> -> memref<120xi32, #tpu.memory_space<hbm>>
        %dma_start3A_94 = tpu.memref_slice %arg3[%add3A_44] : memref<322680xi32, #tpu.memory_space<hbm>> -> memref<120xi32, #tpu.memory_space<hbm>>
        tpu.enqueue_dma source(%dma_start3A_94 : memref<120xi32, #tpu.memory_space<hbm>>) target(%arg12 : memref<120xi32, #tpu.memory_space<vmem>>) target_semaphore(%run_scoped3A : memref<!tpu.dma_semaphore, #tpu.memory_space<semaphore_mem>>)
        %dma_wait3A_95 = tpu.memref_slice %arg3[%add3A_44] : memref<322680xi32, #tpu.memory_space<hbm>> -> memref<120xi32, #tpu.memory_space<hbm>>
        %dma_wait3A_96 = tpu.memref_slice %arg3[%add3A_44] : memref<322680xi32, #tpu.memory_space<hbm>> -> memref<120xi32, #tpu.memory_space<hbm>>
        tpu.wait_dma2 semaphore(%run_scoped3A : memref<!tpu.dma_semaphore, #tpu.memory_space<semaphore_mem>>) src(%dma_wait3A_96 : memref<120xi32, #tpu.memory_space<hbm>>) dst(%arg12 : memref<120xi32, #tpu.memory_space<vmem>>)
        tpu.yield
      }) : () -> ()
      %dma_start3A_45 = arith.constant 0 : i32
      %dma_start3A_46 = arith.constant 0 : i32
      %dma_start3A_47 = tpu.memref_slice %arg5[%dma_start3A_45, %dma_start3A_46] : memref<10016x48xf32, #tpu.memory_space<hbm>> -> memref<10016x48xf32, #tpu.memory_space<hbm>>
      tpu.enqueue_indirect_dma source(%dma_start3A_47 : memref<10016x48xf32, #tpu.memory_space<hbm>>) target(%arg14 : memref<120x48xf32, #tpu.memory_space<vmem>>) offsets(%arg11 : memref<120xi32, #tpu.memory_space<vmem>>) semaphore(%arg17 : memref<!tpu.dma_semaphore, #tpu.memory_space<semaphore_mem>>)
      %dma_start3A_48 = arith.constant 0 : i32
      %dma_start3A_49 = arith.constant 0 : i32
      %dma_start3A_50 = tpu.memref_slice %arg4[%dma_start3A_48, %dma_start3A_49] : memref<10016x16xf32, #tpu.memory_space<hbm>> -> memref<10016x16xf32, #tpu.memory_space<hbm>>
      tpu.enqueue_indirect_dma source(%dma_start3A_50 : memref<10016x16xf32, #tpu.memory_space<hbm>>) target(%arg13 : memref<120x16xf32, #tpu.memory_space<vmem>>) offsets(%arg12 : memref<120xi32, #tpu.memory_space<vmem>>) semaphore(%arg17 : memref<!tpu.dma_semaphore, #tpu.memory_space<semaphore_mem>>)
      %dma_wait3A_51 = arith.constant 0 : i32
      %dma_wait3A_52 = arith.constant 0 : i32
      %dma_wait3A_53 = tpu.memref_slice %arg5[%dma_wait3A_51, %dma_wait3A_52] : memref<10016x48xf32, #tpu.memory_space<hbm>> -> memref<10016x48xf32, #tpu.memory_space<hbm>>
      tpu.wait_indirect_dma semaphore(%arg16 : memref<!tpu.dma_semaphore, #tpu.memory_space<semaphore_mem>>) src(%dma_wait3A_53 : memref<10016x48xf32, #tpu.memory_space<hbm>>) dst(%arg10 : memref<120x48xf32, #tpu.memory_space<vmem>>)
      %dma_wait3A_54 = arith.constant 0 : i32
      %dma_wait3A_55 = arith.constant 0 : i32
      %dma_wait3A_56 = tpu.memref_slice %arg4[%dma_wait3A_54, %dma_wait3A_55] : memref<10016x16xf32, #tpu.memory_space<hbm>> -> memref<10016x16xf32, #tpu.memory_space<hbm>>
      tpu.wait_indirect_dma semaphore(%arg16 : memref<!tpu.dma_semaphore, #tpu.memory_space<semaphore_mem>>) src(%dma_wait3A_56 : memref<10016x16xf32, #tpu.memory_space<hbm>>) dst(%arg9 : memref<120x16xf32, #tpu.memory_space<vmem>>)
      %scan3A_57 = arith.constant 0 : i32
      %scan3A_58 = arith.constant 120 : i32
      %scan3A_59 = arith.addi %scan3A_57, %scan3A_58 : i32
      %scan3A_60 = arith.constant 1 : i32
      scf.for %scan3A_93 = %scan3A_57 to %scan3A_59 step %scan3A_60  : i32 {
        %mul3A_94 = arith.constant 1 : i32
        %mul3A_95 = arith.muli %scan3A_93, %mul3A_94 : i32
        %add3A_96 = arith.constant 0 : i32
        %add3A_97 = arith.addi %add3A_96, %mul3A_95 : i32
        %get3A = arith.index_cast %add3A_97 : i32 to index
        %get3A_98 = arith.constant 32 : index
        %get3A_99 = tpu.vector_load %arg10[%get3A, %get3A_98] {strides = array<i32>} : memref<120x48xf32, #tpu.memory_space<vmem>>, vector<1x16xf32>,
        %get3A_100 = vector.shape_cast %get3A_99 : vector<1x16xf32> to vector<16xf32>
        %get3A_101 = arith.index_cast %add3A_97 : i32 to index
        %get3A_102 = arith.constant 0 : index
        %get3A_103 = tpu.vector_load %arg9[%get3A_101, %get3A_102] {strides = array<i32>} : memref<120x16xf32, #tpu.memory_space<vmem>>, vector<1x16xf32>,
        %get3A_104 = vector.shape_cast %get3A_103 : vector<1x16xf32> to vector<16xf32>
        %add3A_105 = arith.addf %get3A_100, %get3A_104 : vector<16xf32>
        %ge3A = arith.constant 0.000000e+00 : f32
        %ge3A_106 = vector.broadcast %ge3A : f32 to vector<16xf32>
        %ge3A_107 = arith.cmpf oge, %add3A_105, %ge3A_106 : vector<16xf32>
        %mul3A_108 = arith.constant 2.000000e-01 : f32
        %mul3A_109 = vector.broadcast %mul3A_108 : f32 to vector<16xf32>
        %mul3A_110 = arith.mulf %mul3A_109, %add3A_105 : vector<16xf32>
        %select_n3A = arith.select %ge3A_107, %add3A_105, %mul3A_110 : vector<16xi1>, vector<16xf32>
        %exp3A = math.exp %select_n3A : vector<16xf32>
        %slice3A = vector.extract_strided_slice %exp3A {offsets = [0], sizes = [1], strides = [1]} : vector<16xf32> to vector<1xf32>
        %squeeze3A = vector.extract %slice3A[0] : f32 from vector<1xf32>
        %get3A_111 = arith.index_cast %add3A_97 : i32 to index
        %get3A_112 = arith.constant 0 : index
        %get3A_113 = tpu.vector_load %arg10[%get3A_111, %get3A_112] {strides = array<i32>} : memref<120x48xf32, #tpu.memory_space<vmem>>, vector<1x16xf32>,
        %get3A_114 = vector.shape_cast %get3A_113 : vector<1x16xf32> to vector<16xf32>
        %mul3A_115 = vector.broadcast %squeeze3A : f32 to vector<16xf32>
        %mul3A_116 = arith.mulf %mul3A_115, %get3A_114 : vector<16xf32>
        %swap3A = arith.index_cast %add3A_97 : i32 to index
        %swap3A_117 = arith.constant 0 : index
        %swap3A_118 = tpu.vector_load %arg10[%swap3A, %swap3A_117] {strides = array<i32>} : memref<120x48xf32, #tpu.memory_space<vmem>>, vector<1x16xf32>,
        %swap3A_119 = vector.shape_cast %swap3A_118 : vector<1x16xf32> to vector<16xf32>
        %swap3A_120 = vector.shape_cast %mul3A_116 : vector<16xf32> to vector<1x16xf32>
        tpu.vector_store %arg10[%swap3A, %swap3A_117], %swap3A_120 {strides = array<i32>} : memref<120x48xf32, #tpu.memory_space<vmem>>, vector<1x16xf32>,
        %slice3A_121 = vector.extract_strided_slice %exp3A {offsets = [0], sizes = [1], strides = [1]} : vector<16xf32> to vector<1xf32>
        %squeeze3A_122 = vector.extract %slice3A_121[0] : f32 from vector<1xf32>
        %get3A_123 = arith.index_cast %add3A_97 : i32 to index
        %get3A_124 = arith.constant 16 : index
        %get3A_125 = tpu.vector_load %arg10[%get3A_123, %get3A_124] {strides = array<i32>} : memref<120x48xf32, #tpu.memory_space<vmem>>, vector<1x16xf32>,
        %get3A_126 = vector.shape_cast %get3A_125 : vector<1x16xf32> to vector<16xf32>
        %mul3A_127 = vector.broadcast %squeeze3A_122 : f32 to vector<16xf32>
        %mul3A_128 = arith.mulf %mul3A_127, %get3A_126 : vector<16xf32>
        %swap3A_129 = arith.index_cast %add3A_97 : i32 to index
        %swap3A_130 = arith.constant 16 : index
        %swap3A_131 = tpu.vector_load %arg10[%swap3A_129, %swap3A_130] {strides = array<i32>} : memref<120x48xf32, #tpu.memory_space<vmem>>, vector<1x16xf32>,
        %swap3A_132 = vector.shape_cast %swap3A_131 : vector<1x16xf32> to vector<16xf32>
        %swap3A_133 = vector.shape_cast %mul3A_128 : vector<16xf32> to vector<1x16xf32>
        tpu.vector_store %arg10[%swap3A_129, %swap3A_130], %swap3A_133 {strides = array<i32>} : memref<120x48xf32, #tpu.memory_space<vmem>>, vector<1x16xf32>,
        %swap3A_134 = arith.index_cast %add3A_97 : i32 to index
        %swap3A_135 = arith.constant 32 : index
        %swap3A_136 = tpu.vector_load %arg10[%swap3A_134, %swap3A_135] {strides = array<i32>} : memref<120x48xf32, #tpu.memory_space<vmem>>, vector<1x16xf32>,
        %swap3A_137 = vector.shape_cast %swap3A_136 : vector<1x16xf32> to vector<16xf32>
        %swap3A_138 = vector.shape_cast %exp3A : vector<16xf32> to vector<1x16xf32>
        tpu.vector_store %arg10[%swap3A_134, %swap3A_135], %swap3A_138 {strides = array<i32>} : memref<120x48xf32, #tpu.memory_space<vmem>>, vector<1x16xf32>,
      }
      %scan3A_61 = arith.constant 120 : i32
      %dma_start3A_62 = arith.constant 0 : i32
      %dma_start3A_63 = arith.constant 0 : i32
      %dma_start3A_64 = tpu.memref_slice %arg15[%dma_start3A_62, %dma_start3A_63] : memref<10016x48xf32, #tpu.memory_space<vmem_shared>> -> memref<10016x48xf32, #tpu.memory_space<vmem_shared>>
      tpu.enqueue_indirect_dma source(%arg10 : memref<120x48xf32, #tpu.memory_space<vmem>>) target(%dma_start3A_64 : memref<10016x48xf32, #tpu.memory_space<vmem_shared>>) offsets(%arg8 : memref<120xi32, #tpu.memory_space<vmem>>) semaphore(%arg18 : memref<!tpu.dma_semaphore, #tpu.memory_space<semaphore_mem>>) {add = true}
      %dma_wait3A_65 = arith.constant 0 : i32
      %dma_wait3A_66 = arith.constant 0 : i32
      %dma_wait3A_67 = tpu.memref_slice %arg15[%dma_wait3A_65, %dma_wait3A_66] : memref<10016x48xf32, #tpu.memory_space<vmem_shared>> -> memref<10016x48xf32, #tpu.memory_space<vmem_shared>>
      tpu.wait_indirect_dma semaphore(%arg18 : memref<!tpu.dma_semaphore, #tpu.memory_space<semaphore_mem>>) src(%arg10 : memref<120x48xf32, #tpu.memory_space<vmem>>) dst(%dma_wait3A_67 : memref<10016x48xf32, #tpu.memory_space<vmem_shared>>)
      %add3A_68 = arith.constant 240 : i32
      %add3A_69 = arith.addi %add3A_42, %add3A_68 : i32
      "tpu.region"() ({
        %run_scoped3A = tpu.sem_alloc : memref<!tpu.dma_semaphore, #tpu.memory_space<semaphore_mem>>
        %dma_start3A_93 = tpu.memref_slice %arg2[%add3A_69] : memref<322680xi32, #tpu.memory_space<hbm>> -> memref<120xi32, #tpu.memory_space<hbm>>
        %dma_start3A_94 = tpu.memref_slice %arg2[%add3A_69] : memref<322680xi32, #tpu.memory_space<hbm>> -> memref<120xi32, #tpu.memory_space<hbm>>
        tpu.enqueue_dma source(%dma_start3A_94 : memref<120xi32, #tpu.memory_space<hbm>>) target(%arg7 : memref<120xi32, #tpu.memory_space<vmem>>) target_semaphore(%run_scoped3A : memref<!tpu.dma_semaphore, #tpu.memory_space<semaphore_mem>>)
        %dma_wait3A_95 = tpu.memref_slice %arg2[%add3A_69] : memref<322680xi32, #tpu.memory_space<hbm>> -> memref<120xi32, #tpu.memory_space<hbm>>
        %dma_wait3A_96 = tpu.memref_slice %arg2[%add3A_69] : memref<322680xi32, #tpu.memory_space<hbm>> -> memref<120xi32, #tpu.memory_space<hbm>>
        tpu.wait_dma2 semaphore(%run_scoped3A : memref<!tpu.dma_semaphore, #tpu.memory_space<semaphore_mem>>) src(%dma_wait3A_96 : memref<120xi32, #tpu.memory_space<hbm>>) dst(%arg7 : memref<120xi32, #tpu.memory_space<vmem>>)
        tpu.yield
      }) : () -> ()
      "tpu.region"() ({
        %run_scoped3A = tpu.sem_alloc : memref<!tpu.dma_semaphore, #tpu.memory_space<semaphore_mem>>
        %dma_start3A_93 = tpu.memref_slice %arg3[%add3A_69] : memref<322680xi32, #tpu.memory_space<hbm>> -> memref<120xi32, #tpu.memory_space<hbm>>
        %dma_start3A_94 = tpu.memref_slice %arg3[%add3A_69] : memref<322680xi32, #tpu.memory_space<hbm>> -> memref<120xi32, #tpu.memory_space<hbm>>
        tpu.enqueue_dma source(%dma_start3A_94 : memref<120xi32, #tpu.memory_space<hbm>>) target(%arg8 : memref<120xi32, #tpu.memory_space<vmem>>) target_semaphore(%run_scoped3A : memref<!tpu.dma_semaphore, #tpu.memory_space<semaphore_mem>>)
        %dma_wait3A_95 = tpu.memref_slice %arg3[%add3A_69] : memref<322680xi32, #tpu.memory_space<hbm>> -> memref<120xi32, #tpu.memory_space<hbm>>
        %dma_wait3A_96 = tpu.memref_slice %arg3[%add3A_69] : memref<322680xi32, #tpu.memory_space<hbm>> -> memref<120xi32, #tpu.memory_space<hbm>>
        tpu.wait_dma2 semaphore(%run_scoped3A : memref<!tpu.dma_semaphore, #tpu.memory_space<semaphore_mem>>) src(%dma_wait3A_96 : memref<120xi32, #tpu.memory_space<hbm>>) dst(%arg8 : memref<120xi32, #tpu.memory_space<vmem>>)
        tpu.yield
      }) : () -> ()
      %dma_start3A_70 = arith.constant 0 : i32
      %dma_start3A_71 = arith.constant 0 : i32
      %dma_start3A_72 = tpu.memref_slice %arg5[%dma_start3A_70, %dma_start3A_71] : memref<10016x48xf32, #tpu.memory_space<hbm>> -> memref<10016x48xf32, #tpu.memory_space<hbm>>
      tpu.enqueue_indirect_dma source(%dma_start3A_72 : memref<10016x48xf32, #tpu.memory_space<hbm>>) target(%arg10 : memref<120x48xf32, #tpu.memory_space<vmem>>) offsets(%arg7 : memref<120xi32, #tpu.memory_space<vmem>>) semaphore(%arg16 : memref<!tpu.dma_semaphore, #tpu.memory_space<semaphore_mem>>)
      %dma_start3A_73 = arith.constant 0 : i32
      %dma_start3A_74 = arith.constant 0 : i32
      %dma_start3A_75 = tpu.memref_slice %arg4[%dma_start3A_73, %dma_start3A_74] : memref<10016x16xf32, #tpu.memory_space<hbm>> -> memref<10016x16xf32, #tpu.memory_space<hbm>>
      tpu.enqueue_indirect_dma source(%dma_start3A_75 : memref<10016x16xf32, #tpu.memory_space<hbm>>) target(%arg9 : memref<120x16xf32, #tpu.memory_space<vmem>>) offsets(%arg8 : memref<120xi32, #tpu.memory_space<vmem>>) semaphore(%arg16 : memref<!tpu.dma_semaphore, #tpu.memory_space<semaphore_mem>>)
      %dma_wait3A_76 = arith.constant 0 : i32
      %dma_wait3A_77 = arith.constant 0 : i32
      %dma_wait3A_78 = tpu.memref_slice %arg5[%dma_wait3A_76, %dma_wait3A_77] : memref<10016x48xf32, #tpu.memory_space<hbm>> -> memref<10016x48xf32, #tpu.memory_space<hbm>>
      tpu.wait_indirect_dma semaphore(%arg17 : memref<!tpu.dma_semaphore, #tpu.memory_space<semaphore_mem>>) src(%dma_wait3A_78 : memref<10016x48xf32, #tpu.memory_space<hbm>>) dst(%arg14 : memref<120x48xf32, #tpu.memory_space<vmem>>)
      %dma_wait3A_79 = arith.constant 0 : i32
      %dma_wait3A_80 = arith.constant 0 : i32
      %dma_wait3A_81 = tpu.memref_slice %arg4[%dma_wait3A_79, %dma_wait3A_80] : memref<10016x16xf32, #tpu.memory_space<hbm>> -> memref<10016x16xf32, #tpu.memory_space<hbm>>
      tpu.wait_indirect_dma semaphore(%arg17 : memref<!tpu.dma_semaphore, #tpu.memory_space<semaphore_mem>>) src(%dma_wait3A_81 : memref<10016x16xf32, #tpu.memory_space<hbm>>) dst(%arg13 : memref<120x16xf32, #tpu.memory_space<vmem>>)
      %scan3A_82 = arith.constant 0 : i32
      %scan3A_83 = arith.constant 120 : i32
      %scan3A_84 = arith.addi %scan3A_82, %scan3A_83 : i32
      %scan3A_85 = arith.constant 1 : i32
      scf.for %scan3A_93 = %scan3A_82 to %scan3A_84 step %scan3A_85  : i32 {
        %mul3A_94 = arith.constant 1 : i32
        %mul3A_95 = arith.muli %scan3A_93, %mul3A_94 : i32
        %add3A_96 = arith.constant 0 : i32
        %add3A_97 = arith.addi %add3A_96, %mul3A_95 : i32
        %get3A = arith.index_cast %add3A_97 : i32 to index
        %get3A_98 = arith.constant 32 : index
        %get3A_99 = tpu.vector_load %arg14[%get3A, %get3A_98] {strides = array<i32>} : memref<120x48xf32, #tpu.memory_space<vmem>>, vector<1x16xf32>,
        %get3A_100 = vector.shape_cast %get3A_99 : vector<1x16xf32> to vector<16xf32>
        %get3A_101 = arith.index_cast %add3A_97 : i32 to index
        %get3A_102 = arith.constant 0 : index
        %get3A_103 = tpu.vector_load %arg13[%get3A_101, %get3A_102] {strides = array<i32>} : memref<120x16xf32, #tpu.memory_space<vmem>>, vector<1x16xf32>,
        %get3A_104 = vector.shape_cast %get3A_103 : vector<1x16xf32> to vector<16xf32>
        %add3A_105 = arith.addf %get3A_100, %get3A_104 : vector<16xf32>
        %ge3A = arith.constant 0.000000e+00 : f32
        %ge3A_106 = vector.broadcast %ge3A : f32 to vector<16xf32>
        %ge3A_107 = arith.cmpf oge, %add3A_105, %ge3A_106 : vector<16xf32>
        %mul3A_108 = arith.constant 2.000000e-01 : f32
        %mul3A_109 = vector.broadcast %mul3A_108 : f32 to vector<16xf32>
        %mul3A_110 = arith.mulf %mul3A_109, %add3A_105 : vector<16xf32>
        %select_n3A = arith.select %ge3A_107, %add3A_105, %mul3A_110 : vector<16xi1>, vector<16xf32>
        %exp3A = math.exp %select_n3A : vector<16xf32>
        %slice3A = vector.extract_strided_slice %exp3A {offsets = [0], sizes = [1], strides = [1]} : vector<16xf32> to vector<1xf32>
        %squeeze3A = vector.extract %slice3A[0] : f32 from vector<1xf32>
        %get3A_111 = arith.index_cast %add3A_97 : i32 to index
        %get3A_112 = arith.constant 0 : index
        %get3A_113 = tpu.vector_load %arg14[%get3A_111, %get3A_112] {strides = array<i32>} : memref<120x48xf32, #tpu.memory_space<vmem>>, vector<1x16xf32>,
        %get3A_114 = vector.shape_cast %get3A_113 : vector<1x16xf32> to vector<16xf32>
        %mul3A_115 = vector.broadcast %squeeze3A : f32 to vector<16xf32>
        %mul3A_116 = arith.mulf %mul3A_115, %get3A_114 : vector<16xf32>
        %swap3A = arith.index_cast %add3A_97 : i32 to index
        %swap3A_117 = arith.constant 0 : index
        %swap3A_118 = tpu.vector_load %arg14[%swap3A, %swap3A_117] {strides = array<i32>} : memref<120x48xf32, #tpu.memory_space<vmem>>, vector<1x16xf32>,
        %swap3A_119 = vector.shape_cast %swap3A_118 : vector<1x16xf32> to vector<16xf32>
        %swap3A_120 = vector.shape_cast %mul3A_116 : vector<16xf32> to vector<1x16xf32>
        tpu.vector_store %arg14[%swap3A, %swap3A_117], %swap3A_120 {strides = array<i32>} : memref<120x48xf32, #tpu.memory_space<vmem>>, vector<1x16xf32>,
        %slice3A_121 = vector.extract_strided_slice %exp3A {offsets = [0], sizes = [1], strides = [1]} : vector<16xf32> to vector<1xf32>
        %squeeze3A_122 = vector.extract %slice3A_121[0] : f32 from vector<1xf32>
        %get3A_123 = arith.index_cast %add3A_97 : i32 to index
        %get3A_124 = arith.constant 16 : index
        %get3A_125 = tpu.vector_load %arg14[%get3A_123, %get3A_124] {strides = array<i32>} : memref<120x48xf32, #tpu.memory_space<vmem>>, vector<1x16xf32>,
        %get3A_126 = vector.shape_cast %get3A_125 : vector<1x16xf32> to vector<16xf32>
        %mul3A_127 = vector.broadcast %squeeze3A_122 : f32 to vector<16xf32>
        %mul3A_128 = arith.mulf %mul3A_127, %get3A_126 : vector<16xf32>
        %swap3A_129 = arith.index_cast %add3A_97 : i32 to index
        %swap3A_130 = arith.constant 16 : index
        %swap3A_131 = tpu.vector_load %arg14[%swap3A_129, %swap3A_130] {strides = array<i32>} : memref<120x48xf32, #tpu.memory_space<vmem>>, vector<1x16xf32>,
        %swap3A_132 = vector.shape_cast %swap3A_131 : vector<1x16xf32> to vector<16xf32>
        %swap3A_133 = vector.shape_cast %mul3A_128 : vector<16xf32> to vector<1x16xf32>
        tpu.vector_store %arg14[%swap3A_129, %swap3A_130], %swap3A_133 {strides = array<i32>} : memref<120x48xf32, #tpu.memory_space<vmem>>, vector<1x16xf32>,
        %swap3A_134 = arith.index_cast %add3A_97 : i32 to index
        %swap3A_135 = arith.constant 32 : index
        %swap3A_136 = tpu.vector_load %arg14[%swap3A_134, %swap3A_135] {strides = array<i32>} : memref<120x48xf32, #tpu.memory_space<vmem>>, vector<1x16xf32>,
        %swap3A_137 = vector.shape_cast %swap3A_136 : vector<1x16xf32> to vector<16xf32>
        %swap3A_138 = vector.shape_cast %exp3A : vector<16xf32> to vector<1x16xf32>
        tpu.vector_store %arg14[%swap3A_134, %swap3A_135], %swap3A_138 {strides = array<i32>} : memref<120x48xf32, #tpu.memory_space<vmem>>, vector<1x16xf32>,
      }
      %scan3A_86 = arith.constant 120 : i32
      %dma_start3A_87 = arith.constant 0 : i32
      %dma_start3A_88 = arith.constant 0 : i32
      %dma_start3A_89 = tpu.memref_slice %arg15[%dma_start3A_87, %dma_start3A_88] : memref<10016x48xf32, #tpu.memory_space<vmem_shared>> -> memref<10016x48xf32, #tpu.memory_space<vmem_shared>>
      tpu.enqueue_indirect_dma source(%arg14 : memref<120x48xf32, #tpu.memory_space<vmem>>) target(%dma_start3A_89 : memref<10016x48xf32, #tpu.memory_space<vmem_shared>>) offsets(%arg12 : memref<120xi32, #tpu.memory_space<vmem>>) semaphore(%arg18 : memref<!tpu.dma_semaphore, #tpu.memory_space<semaphore_mem>>) {add = true}
      %dma_wait3A_90 = arith.constant 0 : i32
      %dma_wait3A_91 = arith.constant 0 : i32
      %dma_wait3A_92 = tpu.memref_slice %arg15[%dma_wait3A_90, %dma_wait3A_91] : memref<10016x48xf32, #tpu.memory_space<vmem_shared>> -> memref<10016x48xf32, #tpu.memory_space<vmem_shared>>
      tpu.wait_indirect_dma semaphore(%arg18 : memref<!tpu.dma_semaphore, #tpu.memory_space<semaphore_mem>>) src(%arg14 : memref<120x48xf32, #tpu.memory_space<vmem>>) dst(%dma_wait3A_92 : memref<10016x48xf32, #tpu.memory_space<vmem_shared>>)
    }
    %scan3A_28 = arith.constant 42 : i32
    %dma_wait3A = arith.constant 0 : i32
    %dma_wait3A_29 = arith.constant 0 : i32
    %dma_wait3A_30 = tpu.memref_slice %arg5[%dma_wait3A, %dma_wait3A_29] : memref<10016x48xf32, #tpu.memory_space<hbm>> -> memref<10016x48xf32, #tpu.memory_space<hbm>>
    tpu.wait_indirect_dma semaphore(%arg16 : memref<!tpu.dma_semaphore, #tpu.memory_space<semaphore_mem>>) src(%dma_wait3A_30 : memref<10016x48xf32, #tpu.memory_space<hbm>>) dst(%arg10 : memref<120x48xf32, #tpu.memory_space<vmem>>)
    %dma_wait3A_31 = arith.constant 0 : i32
    %dma_wait3A_32 = arith.constant 0 : i32
    %dma_wait3A_33 = tpu.memref_slice %arg4[%dma_wait3A_31, %dma_wait3A_32] : memref<10016x16xf32, #tpu.memory_space<hbm>> -> memref<10016x16xf32, #tpu.memory_space<hbm>>
    tpu.wait_indirect_dma semaphore(%arg16 : memref<!tpu.dma_semaphore, #tpu.memory_space<semaphore_mem>>) src(%dma_wait3A_33 : memref<10016x16xf32, #tpu.memory_space<hbm>>) dst(%arg9 : memref<120x16xf32, #tpu.memory_space<vmem>>)
    %barrier3A_34 = arith.constant 0 : index
    tpu.barrier barrier_id(%barrier3A_34)
    "tpu.region"() ({
      %run_scoped3A = tpu.sem_alloc : memref<!tpu.dma_semaphore, #tpu.memory_space<semaphore_mem>>
      %dma_start3A_35 = arith.constant 0 : i32
      %dma_start3A_36 = tpu.memref_slice %arg6[%arg0, %mul3A_7, %dma_start3A_35] : memref<2x10016x48xf32, #tpu.memory_space<hbm>> -> memref<1x626x48xf32, #tpu.memory_space<hbm>>
      %dma_start3A_37 = tpu.memref_squeeze %dma_start3A_36 : memref<1x626x48xf32, #tpu.memory_space<hbm>> -> memref<626x48xf32, #tpu.memory_space<hbm>>
      %dma_start3A_38 = arith.constant 0 : i32
      %dma_start3A_39 = tpu.memref_slice %arg15[%mul3A_7, %dma_start3A_38] : memref<10016x48xf32, #tpu.memory_space<vmem_shared>> -> memref<626x48xf32, #tpu.memory_space<vmem_shared>>
      tpu.enqueue_dma source(%dma_start3A_39 : memref<626x48xf32, #tpu.memory_space<vmem_shared>>) target(%dma_start3A_37 : memref<626x48xf32, #tpu.memory_space<hbm>>) target_semaphore(%run_scoped3A : memref<!tpu.dma_semaphore, #tpu.memory_space<semaphore_mem>>)
      %dma_wait3A_40 = arith.constant 0 : i32
      %dma_wait3A_41 = tpu.memref_slice %arg6[%arg0, %mul3A_7, %dma_wait3A_40] : memref<2x10016x48xf32, #tpu.memory_space<hbm>> -> memref<1x626x48xf32, #tpu.memory_space<hbm>>
      %dma_wait3A_42 = tpu.memref_squeeze %dma_wait3A_41 : memref<1x626x48xf32, #tpu.memory_space<hbm>> -> memref<626x48xf32, #tpu.memory_space<hbm>>
      %dma_wait3A_43 = arith.constant 0 : i32
      %dma_wait3A_44 = tpu.memref_slice %arg15[%mul3A_7, %dma_wait3A_43] : memref<10016x48xf32, #tpu.memory_space<vmem_shared>> -> memref<626x48xf32, #tpu.memory_space<vmem_shared>>
      tpu.wait_dma2 semaphore(%run_scoped3A : memref<!tpu.dma_semaphore, #tpu.memory_space<semaphore_mem>>) src(%dma_wait3A_44 : memref<626x48xf32, #tpu.memory_space<vmem_shared>>) dst(%dma_wait3A_42 : memref<626x48xf32, #tpu.memory_space<hbm>>)
      tpu.yield
    }) : () -> ()
    return
  }
}

#map = affine_map<(d0, d1) -> (0)>
#map1 = affine_map<(d0, d1) -> (0, 0)>
#map2 = affine_map<(d0, d1) -> (0, 0, 0)>
module attributes {stable_mosaic.version = 14 : i64} {
  func.func @body(%arg0: i32, %arg1: i32, %arg2: memref<322680xi32, #tpu.memory_space<hbm>>, %arg3: memref<322680xi32, #tpu.memory_space<hbm>>, %arg4: memref<10016x16xf32, #tpu.memory_space<hbm>>, %arg5: memref<10016x144xf32, #tpu.memory_space<hbm>>, %arg6: memref<2x10016x144xf32, #tpu.memory_space<hbm>>, %arg7: memref<120xi32, #tpu.memory_space<vmem>>, %arg8: memref<120xi32, #tpu.memory_space<vmem>>, %arg9: memref<120x16xf32, #tpu.memory_space<vmem>>, %arg10: memref<120x144xf32, #tpu.memory_space<vmem>>, %arg11: memref<120xi32, #tpu.memory_space<vmem>>, %arg12: memref<120xi32, #tpu.memory_space<vmem>>, %arg13: memref<120x16xf32, #tpu.memory_space<vmem>>, %arg14: memref<120x144xf32, #tpu.memory_space<vmem>>, %arg15: memref<10016x144xf32, #tpu.memory_space<vmem_shared>>, %arg16: memref<!tpu.dma_semaphore, #tpu.memory_space<semaphore_mem>>, %arg17: memref<!tpu.dma_semaphore, #tpu.memory_space<semaphore_mem>>, %arg18: memref<!tpu.dma_semaphore, #tpu.memory_space<semaphore_mem>>) attributes {dimension_semantics = [#tpu.dimension_semantics<core_parallel>, #tpu.dimension_semantics<subcore_parallel>], iteration_bounds = array<i64: 2, 16>, scalar_prefetch = 0 : i64, scratch_operands = 12 : i64, tpu.core_type = #tpu.core_type<sc_vector_subcore>, window_params = [{transform_indices = #map}, {transform_indices = #map}, {transform_indices = #map1}, {transform_indices = #map1}, {transform_indices = #map2}]} {
    %mul3A = arith.constant 2 : i32
    %mul3A_0 = arith.muli %arg1, %mul3A : i32
    %add3A = arith.addi %mul3A_0, %arg0 : i32
    %broadcast_in_dim3A = arith.constant 0.000000e+00 : f32
    %broadcast_in_dim3A_1 = vector.broadcast %broadcast_in_dim3A : f32 to vector<16xf32>
    %scan3A = arith.constant 0 : i32
    %scan3A_2 = arith.constant 120 : i32
    %scan3A_3 = arith.addi %scan3A, %scan3A_2 : i32
    %scan3A_4 = arith.constant 1 : i32
    scf.for %scan3A_35 = %scan3A to %scan3A_3 step %scan3A_4  : i32 {
      %mul3A_36 = arith.constant 1 : i32
      %mul3A_37 = arith.muli %scan3A_35, %mul3A_36 : i32
      %add3A_38 = arith.constant 0 : i32
      %add3A_39 = arith.addi %add3A_38, %mul3A_37 : i32
      %swap3A = arith.index_cast %add3A_39 : i32 to index
      %swap3A_40 = arith.constant 0 : index
      %swap3A_41 = tpu.vector_load %arg10[%swap3A, %swap3A_40] {strides = array<i32>} : memref<120x144xf32, #tpu.memory_space<vmem>>, vector<1x16xf32>,
      %swap3A_42 = vector.shape_cast %swap3A_41 : vector<1x16xf32> to vector<16xf32>
      %swap3A_43 = vector.shape_cast %broadcast_in_dim3A_1 : vector<16xf32> to vector<1x16xf32>
      tpu.vector_store %arg10[%swap3A, %swap3A_40], %swap3A_43 {strides = array<i32>} : memref<120x144xf32, #tpu.memory_space<vmem>>, vector<1x16xf32>,
      %swap3A_44 = arith.index_cast %add3A_39 : i32 to index
      %swap3A_45 = arith.constant 16 : index
      %swap3A_46 = tpu.vector_load %arg10[%swap3A_44, %swap3A_45] {strides = array<i32>} : memref<120x144xf32, #tpu.memory_space<vmem>>, vector<1x16xf32>,
      %swap3A_47 = vector.shape_cast %swap3A_46 : vector<1x16xf32> to vector<16xf32>
      %swap3A_48 = vector.shape_cast %broadcast_in_dim3A_1 : vector<16xf32> to vector<1x16xf32>
      tpu.vector_store %arg10[%swap3A_44, %swap3A_45], %swap3A_48 {strides = array<i32>} : memref<120x144xf32, #tpu.memory_space<vmem>>, vector<1x16xf32>,
      %swap3A_49 = arith.index_cast %add3A_39 : i32 to index
      %swap3A_50 = arith.constant 32 : index
      %swap3A_51 = tpu.vector_load %arg10[%swap3A_49, %swap3A_50] {strides = array<i32>} : memref<120x144xf32, #tpu.memory_space<vmem>>, vector<1x16xf32>,
      %swap3A_52 = vector.shape_cast %swap3A_51 : vector<1x16xf32> to vector<16xf32>
      %swap3A_53 = vector.shape_cast %broadcast_in_dim3A_1 : vector<16xf32> to vector<1x16xf32>
      tpu.vector_store %arg10[%swap3A_49, %swap3A_50], %swap3A_53 {strides = array<i32>} : memref<120x144xf32, #tpu.memory_space<vmem>>, vector<1x16xf32>,
      %swap3A_54 = arith.index_cast %add3A_39 : i32 to index
      %swap3A_55 = arith.constant 48 : index
      %swap3A_56 = tpu.vector_load %arg10[%swap3A_54, %swap3A_55] {strides = array<i32>} : memref<120x144xf32, #tpu.memory_space<vmem>>, vector<1x16xf32>,
      %swap3A_57 = vector.shape_cast %swap3A_56 : vector<1x16xf32> to vector<16xf32>
      %swap3A_58 = vector.shape_cast %broadcast_in_dim3A_1 : vector<16xf32> to vector<1x16xf32>
      tpu.vector_store %arg10[%swap3A_54, %swap3A_55], %swap3A_58 {strides = array<i32>} : memref<120x144xf32, #tpu.memory_space<vmem>>, vector<1x16xf32>,
      %swap3A_59 = arith.index_cast %add3A_39 : i32 to index
      %swap3A_60 = arith.constant 64 : index
      %swap3A_61 = tpu.vector_load %arg10[%swap3A_59, %swap3A_60] {strides = array<i32>} : memref<120x144xf32, #tpu.memory_space<vmem>>, vector<1x16xf32>,
      %swap3A_62 = vector.shape_cast %swap3A_61 : vector<1x16xf32> to vector<16xf32>
      %swap3A_63 = vector.shape_cast %broadcast_in_dim3A_1 : vector<16xf32> to vector<1x16xf32>
      tpu.vector_store %arg10[%swap3A_59, %swap3A_60], %swap3A_63 {strides = array<i32>} : memref<120x144xf32, #tpu.memory_space<vmem>>, vector<1x16xf32>,
      %swap3A_64 = arith.index_cast %add3A_39 : i32 to index
      %swap3A_65 = arith.constant 80 : index
      %swap3A_66 = tpu.vector_load %arg10[%swap3A_64, %swap3A_65] {strides = array<i32>} : memref<120x144xf32, #tpu.memory_space<vmem>>, vector<1x16xf32>,
      %swap3A_67 = vector.shape_cast %swap3A_66 : vector<1x16xf32> to vector<16xf32>
      %swap3A_68 = vector.shape_cast %broadcast_in_dim3A_1 : vector<16xf32> to vector<1x16xf32>
      tpu.vector_store %arg10[%swap3A_64, %swap3A_65], %swap3A_68 {strides = array<i32>} : memref<120x144xf32, #tpu.memory_space<vmem>>, vector<1x16xf32>,
      %swap3A_69 = arith.index_cast %add3A_39 : i32 to index
      %swap3A_70 = arith.constant 96 : index
      %swap3A_71 = tpu.vector_load %arg10[%swap3A_69, %swap3A_70] {strides = array<i32>} : memref<120x144xf32, #tpu.memory_space<vmem>>, vector<1x16xf32>,
      %swap3A_72 = vector.shape_cast %swap3A_71 : vector<1x16xf32> to vector<16xf32>
      %swap3A_73 = vector.shape_cast %broadcast_in_dim3A_1 : vector<16xf32> to vector<1x16xf32>
      tpu.vector_store %arg10[%swap3A_69, %swap3A_70], %swap3A_73 {strides = array<i32>} : memref<120x144xf32, #tpu.memory_space<vmem>>, vector<1x16xf32>,
      %swap3A_74 = arith.index_cast %add3A_39 : i32 to index
      %swap3A_75 = arith.constant 112 : index
      %swap3A_76 = tpu.vector_load %arg10[%swap3A_74, %swap3A_75] {strides = array<i32>} : memref<120x144xf32, #tpu.memory_space<vmem>>, vector<1x16xf32>,
      %swap3A_77 = vector.shape_cast %swap3A_76 : vector<1x16xf32> to vector<16xf32>
      %swap3A_78 = vector.shape_cast %broadcast_in_dim3A_1 : vector<16xf32> to vector<1x16xf32>
      tpu.vector_store %arg10[%swap3A_74, %swap3A_75], %swap3A_78 {strides = array<i32>} : memref<120x144xf32, #tpu.memory_space<vmem>>, vector<1x16xf32>,
      %swap3A_79 = arith.index_cast %add3A_39 : i32 to index
      %swap3A_80 = arith.constant 128 : index
      %swap3A_81 = tpu.vector_load %arg10[%swap3A_79, %swap3A_80] {strides = array<i32>} : memref<120x144xf32, #tpu.memory_space<vmem>>, vector<1x16xf32>,
      %swap3A_82 = vector.shape_cast %swap3A_81 : vector<1x16xf32> to vector<16xf32>
      %swap3A_83 = vector.shape_cast %broadcast_in_dim3A_1 : vector<16xf32> to vector<1x16xf32>
      tpu.vector_store %arg10[%swap3A_79, %swap3A_80], %swap3A_83 {strides = array<i32>} : memref<120x144xf32, #tpu.memory_space<vmem>>, vector<1x16xf32>,
    }
    %scan3A_5 = arith.constant 120 : i32
    %mul3A_6 = arith.constant 626 : i32
    %mul3A_7 = arith.muli %arg1, %mul3A_6 : i32
    %scan3A_8 = arith.constant 0 : i32
    %scan3A_9 = arith.constant 5 : i32
    %scan3A_10 = arith.addi %scan3A_8, %scan3A_9 : i32
    %scan3A_11 = arith.constant 1 : i32
    scf.for %scan3A_35 = %scan3A_8 to %scan3A_10 step %scan3A_11  : i32 {
      %mul3A_36 = arith.constant 1 : i32
      %mul3A_37 = arith.muli %scan3A_35, %mul3A_36 : i32
      %add3A_38 = arith.constant 0 : i32
      %add3A_39 = arith.addi %add3A_38, %mul3A_37 : i32
      %mul3A_40 = arith.constant 120 : i32
      %mul3A_41 = arith.muli %add3A_39, %mul3A_40 : i32
      %add3A_42 = arith.addi %mul3A_7, %mul3A_41 : i32
      "tpu.region"() ({
        %run_scoped3A = tpu.sem_alloc : memref<!tpu.dma_semaphore, #tpu.memory_space<semaphore_mem>>
        %dma_start3A_43 = arith.constant 0 : i32
        %dma_start3A_44 = tpu.memref_slice %arg15[%add3A_42, %dma_start3A_43] : memref<10016x144xf32, #tpu.memory_space<vmem_shared>> -> memref<120x144xf32, #tpu.memory_space<vmem_shared>>
        %dma_start3A_45 = arith.constant 0 : i32
        %dma_start3A_46 = tpu.memref_slice %arg15[%add3A_42, %dma_start3A_45] : memref<10016x144xf32, #tpu.memory_space<vmem_shared>> -> memref<120x144xf32, #tpu.memory_space<vmem_shared>>
        tpu.enqueue_dma source(%arg10 : memref<120x144xf32, #tpu.memory_space<vmem>>) target(%dma_start3A_46 : memref<120x144xf32, #tpu.memory_space<vmem_shared>>) target_semaphore(%run_scoped3A : memref<!tpu.dma_semaphore, #tpu.memory_space<semaphore_mem>>)
        %dma_wait3A_47 = arith.constant 0 : i32
        %dma_wait3A_48 = tpu.memref_slice %arg15[%add3A_42, %dma_wait3A_47] : memref<10016x144xf32, #tpu.memory_space<vmem_shared>> -> memref<120x144xf32, #tpu.memory_space<vmem_shared>>
        %dma_wait3A_49 = arith.constant 0 : i32
        %dma_wait3A_50 = tpu.memref_slice %arg15[%add3A_42, %dma_wait3A_49] : memref<10016x144xf32, #tpu.memory_space<vmem_shared>> -> memref<120x144xf32, #tpu.memory_space<vmem_shared>>
        tpu.wait_dma2 semaphore(%run_scoped3A : memref<!tpu.dma_semaphore, #tpu.memory_space<semaphore_mem>>) src(%arg10 : memref<120x144xf32, #tpu.memory_space<vmem>>) dst(%dma_wait3A_50 : memref<120x144xf32, #tpu.memory_space<vmem_shared>>)
        tpu.yield
      }) : () -> ()
    }
    %scan3A_12 = arith.constant 5 : i32
    %add3A_13 = arith.constant 600 : i32
    %add3A_14 = arith.addi %mul3A_7, %add3A_13 : i32
    "tpu.region"() ({
      %run_scoped3A = tpu.sem_alloc : memref<!tpu.dma_semaphore, #tpu.memory_space<semaphore_mem>>
      %dma_start3A_35 = arith.constant 0 : i32
      %dma_start3A_36 = arith.constant 0 : i32
      %dma_start3A_37 = tpu.memref_slice %arg10[%dma_start3A_35, %dma_start3A_36] : memref<120x144xf32, #tpu.memory_space<vmem>> -> memref<26x144xf32, #tpu.memory_space<vmem>>
      %dma_start3A_38 = arith.constant 0 : i32
      %dma_start3A_39 = tpu.memref_slice %arg15[%add3A_14, %dma_start3A_38] : memref<10016x144xf32, #tpu.memory_space<vmem_shared>> -> memref<26x144xf32, #tpu.memory_space<vmem_shared>>
      %dma_start3A_40 = arith.constant 0 : i32
      %dma_start3A_41 = tpu.memref_slice %arg15[%add3A_14, %dma_start3A_40] : memref<10016x144xf32, #tpu.memory_space<vmem_shared>> -> memref<26x144xf32, #tpu.memory_space<vmem_shared>>
      %dma_start3A_42 = arith.constant 0 : i32
      %dma_start3A_43 = arith.constant 0 : i32
      %dma_start3A_44 = tpu.memref_slice %arg10[%dma_start3A_42, %dma_start3A_43] : memref<120x144xf32, #tpu.memory_space<vmem>> -> memref<26x144xf32, #tpu.memory_space<vmem>>
      tpu.enqueue_dma source(%dma_start3A_44 : memref<26x144xf32, #tpu.memory_space<vmem>>) target(%dma_start3A_41 : memref<26x144xf32, #tpu.memory_space<vmem_shared>>) target_semaphore(%run_scoped3A : memref<!tpu.dma_semaphore, #tpu.memory_space<semaphore_mem>>)
      %dma_wait3A_45 = arith.constant 0 : i32
      %dma_wait3A_46 = arith.constant 0 : i32
      %dma_wait3A_47 = tpu.memref_slice %arg10[%dma_wait3A_45, %dma_wait3A_46] : memref<120x144xf32, #tpu.memory_space<vmem>> -> memref<26x144xf32, #tpu.memory_space<vmem>>
      %dma_wait3A_48 = arith.constant 0 : i32
      %dma_wait3A_49 = tpu.memref_slice %arg15[%add3A_14, %dma_wait3A_48] : memref<10016x144xf32, #tpu.memory_space<vmem_shared>> -> memref<26x144xf32, #tpu.memory_space<vmem_shared>>
      %dma_wait3A_50 = arith.constant 0 : i32
      %dma_wait3A_51 = tpu.memref_slice %arg15[%add3A_14, %dma_wait3A_50] : memref<10016x144xf32, #tpu.memory_space<vmem_shared>> -> memref<26x144xf32, #tpu.memory_space<vmem_shared>>
      %dma_wait3A_52 = arith.constant 0 : i32
      %dma_wait3A_53 = arith.constant 0 : i32
      %dma_wait3A_54 = tpu.memref_slice %arg10[%dma_wait3A_52, %dma_wait3A_53] : memref<120x144xf32, #tpu.memory_space<vmem>> -> memref<26x144xf32, #tpu.memory_space<vmem>>
      tpu.wait_dma2 semaphore(%run_scoped3A : memref<!tpu.dma_semaphore, #tpu.memory_space<semaphore_mem>>) src(%dma_wait3A_54 : memref<26x144xf32, #tpu.memory_space<vmem>>) dst(%dma_wait3A_51 : memref<26x144xf32, #tpu.memory_space<vmem_shared>>)
      tpu.yield
    }) : () -> ()
    %barrier3A = arith.constant 0 : index
    tpu.barrier barrier_id(%barrier3A)
    %mul3A_15 = arith.constant 84 : i32
    %mul3A_16 = arith.muli %add3A, %mul3A_15 : i32
    %mul3A_17 = arith.constant 120 : i32
    %mul3A_18 = arith.muli %mul3A_16, %mul3A_17 : i32
    "tpu.region"() ({
      %run_scoped3A = tpu.sem_alloc : memref<!tpu.dma_semaphore, #tpu.memory_space<semaphore_mem>>
      %dma_start3A_35 = tpu.memref_slice %arg2[%mul3A_18] : memref<322680xi32, #tpu.memory_space<hbm>> -> memref<120xi32, #tpu.memory_space<hbm>>
      %dma_start3A_36 = tpu.memref_slice %arg2[%mul3A_18] : memref<322680xi32, #tpu.memory_space<hbm>> -> memref<120xi32, #tpu.memory_space<hbm>>
      tpu.enqueue_dma source(%dma_start3A_36 : memref<120xi32, #tpu.memory_space<hbm>>) target(%arg7 : memref<120xi32, #tpu.memory_space<vmem>>) target_semaphore(%run_scoped3A : memref<!tpu.dma_semaphore, #tpu.memory_space<semaphore_mem>>)
      %dma_wait3A_37 = tpu.memref_slice %arg2[%mul3A_18] : memref<322680xi32, #tpu.memory_space<hbm>> -> memref<120xi32, #tpu.memory_space<hbm>>
      %dma_wait3A_38 = tpu.memref_slice %arg2[%mul3A_18] : memref<322680xi32, #tpu.memory_space<hbm>> -> memref<120xi32, #tpu.memory_space<hbm>>
      tpu.wait_dma2 semaphore(%run_scoped3A : memref<!tpu.dma_semaphore, #tpu.memory_space<semaphore_mem>>) src(%dma_wait3A_38 : memref<120xi32, #tpu.memory_space<hbm>>) dst(%arg7 : memref<120xi32, #tpu.memory_space<vmem>>)
      tpu.yield
    }) : () -> ()
    "tpu.region"() ({
      %run_scoped3A = tpu.sem_alloc : memref<!tpu.dma_semaphore, #tpu.memory_space<semaphore_mem>>
      %dma_start3A_35 = tpu.memref_slice %arg3[%mul3A_18] : memref<322680xi32, #tpu.memory_space<hbm>> -> memref<120xi32, #tpu.memory_space<hbm>>
      %dma_start3A_36 = tpu.memref_slice %arg3[%mul3A_18] : memref<322680xi32, #tpu.memory_space<hbm>> -> memref<120xi32, #tpu.memory_space<hbm>>
      tpu.enqueue_dma source(%dma_start3A_36 : memref<120xi32, #tpu.memory_space<hbm>>) target(%arg8 : memref<120xi32, #tpu.memory_space<vmem>>) target_semaphore(%run_scoped3A : memref<!tpu.dma_semaphore, #tpu.memory_space<semaphore_mem>>)
      %dma_wait3A_37 = tpu.memref_slice %arg3[%mul3A_18] : memref<322680xi32, #tpu.memory_space<hbm>> -> memref<120xi32, #tpu.memory_space<hbm>>
      %dma_wait3A_38 = tpu.memref_slice %arg3[%mul3A_18] : memref<322680xi32, #tpu.memory_space<hbm>> -> memref<120xi32, #tpu.memory_space<hbm>>
      tpu.wait_dma2 semaphore(%run_scoped3A : memref<!tpu.dma_semaphore, #tpu.memory_space<semaphore_mem>>) src(%dma_wait3A_38 : memref<120xi32, #tpu.memory_space<hbm>>) dst(%arg8 : memref<120xi32, #tpu.memory_space<vmem>>)
      tpu.yield
    }) : () -> ()
    %dma_start3A = arith.constant 0 : i32
    %dma_start3A_19 = arith.constant 0 : i32
    %dma_start3A_20 = tpu.memref_slice %arg5[%dma_start3A, %dma_start3A_19] : memref<10016x144xf32, #tpu.memory_space<hbm>> -> memref<10016x144xf32, #tpu.memory_space<hbm>>
    tpu.enqueue_indirect_dma source(%dma_start3A_20 : memref<10016x144xf32, #tpu.memory_space<hbm>>) target(%arg10 : memref<120x144xf32, #tpu.memory_space<vmem>>) offsets(%arg7 : memref<120xi32, #tpu.memory_space<vmem>>) semaphore(%arg16 : memref<!tpu.dma_semaphore, #tpu.memory_space<semaphore_mem>>)
    %dma_start3A_21 = arith.constant 0 : i32
    %dma_start3A_22 = arith.constant 0 : i32
    %dma_start3A_23 = tpu.memref_slice %arg4[%dma_start3A_21, %dma_start3A_22] : memref<10016x16xf32, #tpu.memory_space<hbm>> -> memref<10016x16xf32, #tpu.memory_space<hbm>>
    tpu.enqueue_indirect_dma source(%dma_start3A_23 : memref<10016x16xf32, #tpu.memory_space<hbm>>) target(%arg9 : memref<120x16xf32, #tpu.memory_space<vmem>>) offsets(%arg8 : memref<120xi32, #tpu.memory_space<vmem>>) semaphore(%arg16 : memref<!tpu.dma_semaphore, #tpu.memory_space<semaphore_mem>>)
    %scan3A_24 = arith.constant 0 : i32
    %scan3A_25 = arith.constant 42 : i32
    %scan3A_26 = arith.addi %scan3A_24, %scan3A_25 : i32
    %scan3A_27 = arith.constant 1 : i32
    scf.for %scan3A_35 = %scan3A_24 to %scan3A_26 step %scan3A_27  : i32 {
      %mul3A_36 = arith.constant 1 : i32
      %mul3A_37 = arith.muli %scan3A_35, %mul3A_36 : i32
      %add3A_38 = arith.constant 0 : i32
      %add3A_39 = arith.addi %add3A_38, %mul3A_37 : i32
      %mul3A_40 = arith.constant 240 : i32
      %mul3A_41 = arith.muli %add3A_39, %mul3A_40 : i32
      %add3A_42 = arith.addi %mul3A_18, %mul3A_41 : i32
      %add3A_43 = arith.constant 120 : i32
      %add3A_44 = arith.addi %add3A_42, %add3A_43 : i32
      "tpu.region"() ({
        %run_scoped3A = tpu.sem_alloc : memref<!tpu.dma_semaphore, #tpu.memory_space<semaphore_mem>>
        %dma_start3A_93 = tpu.memref_slice %arg2[%add3A_44] : memref<322680xi32, #tpu.memory_space<hbm>> -> memref<120xi32, #tpu.memory_space<hbm>>
        %dma_start3A_94 = tpu.memref_slice %arg2[%add3A_44] : memref<322680xi32, #tpu.memory_space<hbm>> -> memref<120xi32, #tpu.memory_space<hbm>>
        tpu.enqueue_dma source(%dma_start3A_94 : memref<120xi32, #tpu.memory_space<hbm>>) target(%arg11 : memref<120xi32, #tpu.memory_space<vmem>>) target_semaphore(%run_scoped3A : memref<!tpu.dma_semaphore, #tpu.memory_space<semaphore_mem>>)
        %dma_wait3A_95 = tpu.memref_slice %arg2[%add3A_44] : memref<322680xi32, #tpu.memory_space<hbm>> -> memref<120xi32, #tpu.memory_space<hbm>>
        %dma_wait3A_96 = tpu.memref_slice %arg2[%add3A_44] : memref<322680xi32, #tpu.memory_space<hbm>> -> memref<120xi32, #tpu.memory_space<hbm>>
        tpu.wait_dma2 semaphore(%run_scoped3A : memref<!tpu.dma_semaphore, #tpu.memory_space<semaphore_mem>>) src(%dma_wait3A_96 : memref<120xi32, #tpu.memory_space<hbm>>) dst(%arg11 : memref<120xi32, #tpu.memory_space<vmem>>)
        tpu.yield
      }) : () -> ()
      "tpu.region"() ({
        %run_scoped3A = tpu.sem_alloc : memref<!tpu.dma_semaphore, #tpu.memory_space<semaphore_mem>>
        %dma_start3A_93 = tpu.memref_slice %arg3[%add3A_44] : memref<322680xi32, #tpu.memory_space<hbm>> -> memref<120xi32, #tpu.memory_space<hbm>>
        %dma_start3A_94 = tpu.memref_slice %arg3[%add3A_44] : memref<322680xi32, #tpu.memory_space<hbm>> -> memref<120xi32, #tpu.memory_space<hbm>>
        tpu.enqueue_dma source(%dma_start3A_94 : memref<120xi32, #tpu.memory_space<hbm>>) target(%arg12 : memref<120xi32, #tpu.memory_space<vmem>>) target_semaphore(%run_scoped3A : memref<!tpu.dma_semaphore, #tpu.memory_space<semaphore_mem>>)
        %dma_wait3A_95 = tpu.memref_slice %arg3[%add3A_44] : memref<322680xi32, #tpu.memory_space<hbm>> -> memref<120xi32, #tpu.memory_space<hbm>>
        %dma_wait3A_96 = tpu.memref_slice %arg3[%add3A_44] : memref<322680xi32, #tpu.memory_space<hbm>> -> memref<120xi32, #tpu.memory_space<hbm>>
        tpu.wait_dma2 semaphore(%run_scoped3A : memref<!tpu.dma_semaphore, #tpu.memory_space<semaphore_mem>>) src(%dma_wait3A_96 : memref<120xi32, #tpu.memory_space<hbm>>) dst(%arg12 : memref<120xi32, #tpu.memory_space<vmem>>)
        tpu.yield
      }) : () -> ()
      %dma_start3A_45 = arith.constant 0 : i32
      %dma_start3A_46 = arith.constant 0 : i32
      %dma_start3A_47 = tpu.memref_slice %arg5[%dma_start3A_45, %dma_start3A_46] : memref<10016x144xf32, #tpu.memory_space<hbm>> -> memref<10016x144xf32, #tpu.memory_space<hbm>>
      tpu.enqueue_indirect_dma source(%dma_start3A_47 : memref<10016x144xf32, #tpu.memory_space<hbm>>) target(%arg14 : memref<120x144xf32, #tpu.memory_space<vmem>>) offsets(%arg11 : memref<120xi32, #tpu.memory_space<vmem>>) semaphore(%arg17 : memref<!tpu.dma_semaphore, #tpu.memory_space<semaphore_mem>>)
      %dma_start3A_48 = arith.constant 0 : i32
      %dma_start3A_49 = arith.constant 0 : i32
      %dma_start3A_50 = tpu.memref_slice %arg4[%dma_start3A_48, %dma_start3A_49] : memref<10016x16xf32, #tpu.memory_space<hbm>> -> memref<10016x16xf32, #tpu.memory_space<hbm>>
      tpu.enqueue_indirect_dma source(%dma_start3A_50 : memref<10016x16xf32, #tpu.memory_space<hbm>>) target(%arg13 : memref<120x16xf32, #tpu.memory_space<vmem>>) offsets(%arg12 : memref<120xi32, #tpu.memory_space<vmem>>) semaphore(%arg17 : memref<!tpu.dma_semaphore, #tpu.memory_space<semaphore_mem>>)
      %dma_wait3A_51 = arith.constant 0 : i32
      %dma_wait3A_52 = arith.constant 0 : i32
      %dma_wait3A_53 = tpu.memref_slice %arg5[%dma_wait3A_51, %dma_wait3A_52] : memref<10016x144xf32, #tpu.memory_space<hbm>> -> memref<10016x144xf32, #tpu.memory_space<hbm>>
      tpu.wait_indirect_dma semaphore(%arg16 : memref<!tpu.dma_semaphore, #tpu.memory_space<semaphore_mem>>) src(%dma_wait3A_53 : memref<10016x144xf32, #tpu.memory_space<hbm>>) dst(%arg10 : memref<120x144xf32, #tpu.memory_space<vmem>>)
      %dma_wait3A_54 = arith.constant 0 : i32
      %dma_wait3A_55 = arith.constant 0 : i32
      %dma_wait3A_56 = tpu.memref_slice %arg4[%dma_wait3A_54, %dma_wait3A_55] : memref<10016x16xf32, #tpu.memory_space<hbm>> -> memref<10016x16xf32, #tpu.memory_space<hbm>>
      tpu.wait_indirect_dma semaphore(%arg16 : memref<!tpu.dma_semaphore, #tpu.memory_space<semaphore_mem>>) src(%dma_wait3A_56 : memref<10016x16xf32, #tpu.memory_space<hbm>>) dst(%arg9 : memref<120x16xf32, #tpu.memory_space<vmem>>)
      %scan3A_57 = arith.constant 0 : i32
      %scan3A_58 = arith.constant 120 : i32
      %scan3A_59 = arith.addi %scan3A_57, %scan3A_58 : i32
      %scan3A_60 = arith.constant 1 : i32
      scf.for %scan3A_93 = %scan3A_57 to %scan3A_59 step %scan3A_60  : i32 {
        %mul3A_94 = arith.constant 1 : i32
        %mul3A_95 = arith.muli %scan3A_93, %mul3A_94 : i32
        %add3A_96 = arith.constant 0 : i32
        %add3A_97 = arith.addi %add3A_96, %mul3A_95 : i32
        %get3A = arith.index_cast %add3A_97 : i32 to index
        %get3A_98 = arith.constant 128 : index
        %get3A_99 = tpu.vector_load %arg10[%get3A, %get3A_98] {strides = array<i32>} : memref<120x144xf32, #tpu.memory_space<vmem>>, vector<1x16xf32>,
        %get3A_100 = vector.shape_cast %get3A_99 : vector<1x16xf32> to vector<16xf32>
        %get3A_101 = arith.index_cast %add3A_97 : i32 to index
        %get3A_102 = arith.constant 0 : index
        %get3A_103 = tpu.vector_load %arg9[%get3A_101, %get3A_102] {strides = array<i32>} : memref<120x16xf32, #tpu.memory_space<vmem>>, vector<1x16xf32>,
        %get3A_104 = vector.shape_cast %get3A_103 : vector<1x16xf32> to vector<16xf32>
        %add3A_105 = arith.addf %get3A_100, %get3A_104 : vector<16xf32>
        %ge3A = arith.constant 0.000000e+00 : f32
        %ge3A_106 = vector.broadcast %ge3A : f32 to vector<16xf32>
        %ge3A_107 = arith.cmpf oge, %add3A_105, %ge3A_106 : vector<16xf32>
        %mul3A_108 = arith.constant 2.000000e-01 : f32
        %mul3A_109 = vector.broadcast %mul3A_108 : f32 to vector<16xf32>
        %mul3A_110 = arith.mulf %mul3A_109, %add3A_105 : vector<16xf32>
        %select_n3A = arith.select %ge3A_107, %add3A_105, %mul3A_110 : vector<16xi1>, vector<16xf32>
        %exp3A = math.exp %select_n3A : vector<16xf32>
        %slice3A = vector.extract_strided_slice %exp3A {offsets = [0], sizes = [1], strides = [1]} : vector<16xf32> to vector<1xf32>
        %squeeze3A = vector.extract %slice3A[0] : f32 from vector<1xf32>
        %get3A_111 = arith.index_cast %add3A_97 : i32 to index
        %get3A_112 = arith.constant 0 : index
        %get3A_113 = tpu.vector_load %arg10[%get3A_111, %get3A_112] {strides = array<i32>} : memref<120x144xf32, #tpu.memory_space<vmem>>, vector<1x16xf32>,
        %get3A_114 = vector.shape_cast %get3A_113 : vector<1x16xf32> to vector<16xf32>
        %mul3A_115 = vector.broadcast %squeeze3A : f32 to vector<16xf32>
        %mul3A_116 = arith.mulf %mul3A_115, %get3A_114 : vector<16xf32>
        %swap3A = arith.index_cast %add3A_97 : i32 to index
        %swap3A_117 = arith.constant 0 : index
        %swap3A_118 = tpu.vector_load %arg10[%swap3A, %swap3A_117] {strides = array<i32>} : memref<120x144xf32, #tpu.memory_space<vmem>>, vector<1x16xf32>,
        %swap3A_119 = vector.shape_cast %swap3A_118 : vector<1x16xf32> to vector<16xf32>
        %swap3A_120 = vector.shape_cast %mul3A_116 : vector<16xf32> to vector<1x16xf32>
        tpu.vector_store %arg10[%swap3A, %swap3A_117], %swap3A_120 {strides = array<i32>} : memref<120x144xf32, #tpu.memory_space<vmem>>, vector<1x16xf32>,
        %slice3A_121 = vector.extract_strided_slice %exp3A {offsets = [1], sizes = [1], strides = [1]} : vector<16xf32> to vector<1xf32>
        %squeeze3A_122 = vector.extract %slice3A_121[0] : f32 from vector<1xf32>
        %get3A_123 = arith.index_cast %add3A_97 : i32 to index
        %get3A_124 = arith.constant 16 : index
        %get3A_125 = tpu.vector_load %arg10[%get3A_123, %get3A_124] {strides = array<i32>} : memref<120x144xf32, #tpu.memory_space<vmem>>, vector<1x16xf32>,
        %get3A_126 = vector.shape_cast %get3A_125 : vector<1x16xf32> to vector<16xf32>
        %mul3A_127 = vector.broadcast %squeeze3A_122 : f32 to vector<16xf32>
        %mul3A_128 = arith.mulf %mul3A_127, %get3A_126 : vector<16xf32>
        %swap3A_129 = arith.index_cast %add3A_97 : i32 to index
        %swap3A_130 = arith.constant 16 : index
        %swap3A_131 = tpu.vector_load %arg10[%swap3A_129, %swap3A_130] {strides = array<i32>} : memref<120x144xf32, #tpu.memory_space<vmem>>, vector<1x16xf32>,
        %swap3A_132 = vector.shape_cast %swap3A_131 : vector<1x16xf32> to vector<16xf32>
        %swap3A_133 = vector.shape_cast %mul3A_128 : vector<16xf32> to vector<1x16xf32>
        tpu.vector_store %arg10[%swap3A_129, %swap3A_130], %swap3A_133 {strides = array<i32>} : memref<120x144xf32, #tpu.memory_space<vmem>>, vector<1x16xf32>,
        %slice3A_134 = vector.extract_strided_slice %exp3A {offsets = [2], sizes = [1], strides = [1]} : vector<16xf32> to vector<1xf32>
        %squeeze3A_135 = vector.extract %slice3A_134[0] : f32 from vector<1xf32>
        %get3A_136 = arith.index_cast %add3A_97 : i32 to index
        %get3A_137 = arith.constant 32 : index
        %get3A_138 = tpu.vector_load %arg10[%get3A_136, %get3A_137] {strides = array<i32>} : memref<120x144xf32, #tpu.memory_space<vmem>>, vector<1x16xf32>,
        %get3A_139 = vector.shape_cast %get3A_138 : vector<1x16xf32> to vector<16xf32>
        %mul3A_140 = vector.broadcast %squeeze3A_135 : f32 to vector<16xf32>
        %mul3A_141 = arith.mulf %mul3A_140, %get3A_139 : vector<16xf32>
        %swap3A_142 = arith.index_cast %add3A_97 : i32 to index
        %swap3A_143 = arith.constant 32 : index
        %swap3A_144 = tpu.vector_load %arg10[%swap3A_142, %swap3A_143] {strides = array<i32>} : memref<120x144xf32, #tpu.memory_space<vmem>>, vector<1x16xf32>,
        %swap3A_145 = vector.shape_cast %swap3A_144 : vector<1x16xf32> to vector<16xf32>
        %swap3A_146 = vector.shape_cast %mul3A_141 : vector<16xf32> to vector<1x16xf32>
        tpu.vector_store %arg10[%swap3A_142, %swap3A_143], %swap3A_146 {strides = array<i32>} : memref<120x144xf32, #tpu.memory_space<vmem>>, vector<1x16xf32>,
        %slice3A_147 = vector.extract_strided_slice %exp3A {offsets = [3], sizes = [1], strides = [1]} : vector<16xf32> to vector<1xf32>
        %squeeze3A_148 = vector.extract %slice3A_147[0] : f32 from vector<1xf32>
        %get3A_149 = arith.index_cast %add3A_97 : i32 to index
        %get3A_150 = arith.constant 48 : index
        %get3A_151 = tpu.vector_load %arg10[%get3A_149, %get3A_150] {strides = array<i32>} : memref<120x144xf32, #tpu.memory_space<vmem>>, vector<1x16xf32>,
        %get3A_152 = vector.shape_cast %get3A_151 : vector<1x16xf32> to vector<16xf32>
        %mul3A_153 = vector.broadcast %squeeze3A_148 : f32 to vector<16xf32>
        %mul3A_154 = arith.mulf %mul3A_153, %get3A_152 : vector<16xf32>
        %swap3A_155 = arith.index_cast %add3A_97 : i32 to index
        %swap3A_156 = arith.constant 48 : index
        %swap3A_157 = tpu.vector_load %arg10[%swap3A_155, %swap3A_156] {strides = array<i32>} : memref<120x144xf32, #tpu.memory_space<vmem>>, vector<1x16xf32>,
        %swap3A_158 = vector.shape_cast %swap3A_157 : vector<1x16xf32> to vector<16xf32>
        %swap3A_159 = vector.shape_cast %mul3A_154 : vector<16xf32> to vector<1x16xf32>
        tpu.vector_store %arg10[%swap3A_155, %swap3A_156], %swap3A_159 {strides = array<i32>} : memref<120x144xf32, #tpu.memory_space<vmem>>, vector<1x16xf32>,
        %slice3A_160 = vector.extract_strided_slice %exp3A {offsets = [4], sizes = [1], strides = [1]} : vector<16xf32> to vector<1xf32>
        %squeeze3A_161 = vector.extract %slice3A_160[0] : f32 from vector<1xf32>
        %get3A_162 = arith.index_cast %add3A_97 : i32 to index
        %get3A_163 = arith.constant 64 : index
        %get3A_164 = tpu.vector_load %arg10[%get3A_162, %get3A_163] {strides = array<i32>} : memref<120x144xf32, #tpu.memory_space<vmem>>, vector<1x16xf32>,
        %get3A_165 = vector.shape_cast %get3A_164 : vector<1x16xf32> to vector<16xf32>
        %mul3A_166 = vector.broadcast %squeeze3A_161 : f32 to vector<16xf32>
        %mul3A_167 = arith.mulf %mul3A_166, %get3A_165 : vector<16xf32>
        %swap3A_168 = arith.index_cast %add3A_97 : i32 to index
        %swap3A_169 = arith.constant 64 : index
        %swap3A_170 = tpu.vector_load %arg10[%swap3A_168, %swap3A_169] {strides = array<i32>} : memref<120x144xf32, #tpu.memory_space<vmem>>, vector<1x16xf32>,
        %swap3A_171 = vector.shape_cast %swap3A_170 : vector<1x16xf32> to vector<16xf32>
        %swap3A_172 = vector.shape_cast %mul3A_167 : vector<16xf32> to vector<1x16xf32>
        tpu.vector_store %arg10[%swap3A_168, %swap3A_169], %swap3A_172 {strides = array<i32>} : memref<120x144xf32, #tpu.memory_space<vmem>>, vector<1x16xf32>,
        %slice3A_173 = vector.extract_strided_slice %exp3A {offsets = [5], sizes = [1], strides = [1]} : vector<16xf32> to vector<1xf32>
        %squeeze3A_174 = vector.extract %slice3A_173[0] : f32 from vector<1xf32>
        %get3A_175 = arith.index_cast %add3A_97 : i32 to index
        %get3A_176 = arith.constant 80 : index
        %get3A_177 = tpu.vector_load %arg10[%get3A_175, %get3A_176] {strides = array<i32>} : memref<120x144xf32, #tpu.memory_space<vmem>>, vector<1x16xf32>,
        %get3A_178 = vector.shape_cast %get3A_177 : vector<1x16xf32> to vector<16xf32>
        %mul3A_179 = vector.broadcast %squeeze3A_174 : f32 to vector<16xf32>
        %mul3A_180 = arith.mulf %mul3A_179, %get3A_178 : vector<16xf32>
        %swap3A_181 = arith.index_cast %add3A_97 : i32 to index
        %swap3A_182 = arith.constant 80 : index
        %swap3A_183 = tpu.vector_load %arg10[%swap3A_181, %swap3A_182] {strides = array<i32>} : memref<120x144xf32, #tpu.memory_space<vmem>>, vector<1x16xf32>,
        %swap3A_184 = vector.shape_cast %swap3A_183 : vector<1x16xf32> to vector<16xf32>
        %swap3A_185 = vector.shape_cast %mul3A_180 : vector<16xf32> to vector<1x16xf32>
        tpu.vector_store %arg10[%swap3A_181, %swap3A_182], %swap3A_185 {strides = array<i32>} : memref<120x144xf32, #tpu.memory_space<vmem>>, vector<1x16xf32>,
        %slice3A_186 = vector.extract_strided_slice %exp3A {offsets = [6], sizes = [1], strides = [1]} : vector<16xf32> to vector<1xf32>
        %squeeze3A_187 = vector.extract %slice3A_186[0] : f32 from vector<1xf32>
        %get3A_188 = arith.index_cast %add3A_97 : i32 to index
        %get3A_189 = arith.constant 96 : index
        %get3A_190 = tpu.vector_load %arg10[%get3A_188, %get3A_189] {strides = array<i32>} : memref<120x144xf32, #tpu.memory_space<vmem>>, vector<1x16xf32>,
        %get3A_191 = vector.shape_cast %get3A_190 : vector<1x16xf32> to vector<16xf32>
        %mul3A_192 = vector.broadcast %squeeze3A_187 : f32 to vector<16xf32>
        %mul3A_193 = arith.mulf %mul3A_192, %get3A_191 : vector<16xf32>
        %swap3A_194 = arith.index_cast %add3A_97 : i32 to index
        %swap3A_195 = arith.constant 96 : index
        %swap3A_196 = tpu.vector_load %arg10[%swap3A_194, %swap3A_195] {strides = array<i32>} : memref<120x144xf32, #tpu.memory_space<vmem>>, vector<1x16xf32>,
        %swap3A_197 = vector.shape_cast %swap3A_196 : vector<1x16xf32> to vector<16xf32>
        %swap3A_198 = vector.shape_cast %mul3A_193 : vector<16xf32> to vector<1x16xf32>
        tpu.vector_store %arg10[%swap3A_194, %swap3A_195], %swap3A_198 {strides = array<i32>} : memref<120x144xf32, #tpu.memory_space<vmem>>, vector<1x16xf32>,
        %slice3A_199 = vector.extract_strided_slice %exp3A {offsets = [7], sizes = [1], strides = [1]} : vector<16xf32> to vector<1xf32>
        %squeeze3A_200 = vector.extract %slice3A_199[0] : f32 from vector<1xf32>
        %get3A_201 = arith.index_cast %add3A_97 : i32 to index
        %get3A_202 = arith.constant 112 : index
        %get3A_203 = tpu.vector_load %arg10[%get3A_201, %get3A_202] {strides = array<i32>} : memref<120x144xf32, #tpu.memory_space<vmem>>, vector<1x16xf32>,
        %get3A_204 = vector.shape_cast %get3A_203 : vector<1x16xf32> to vector<16xf32>
        %mul3A_205 = vector.broadcast %squeeze3A_200 : f32 to vector<16xf32>
        %mul3A_206 = arith.mulf %mul3A_205, %get3A_204 : vector<16xf32>
        %swap3A_207 = arith.index_cast %add3A_97 : i32 to index
        %swap3A_208 = arith.constant 112 : index
        %swap3A_209 = tpu.vector_load %arg10[%swap3A_207, %swap3A_208] {strides = array<i32>} : memref<120x144xf32, #tpu.memory_space<vmem>>, vector<1x16xf32>,
        %swap3A_210 = vector.shape_cast %swap3A_209 : vector<1x16xf32> to vector<16xf32>
        %swap3A_211 = vector.shape_cast %mul3A_206 : vector<16xf32> to vector<1x16xf32>
        tpu.vector_store %arg10[%swap3A_207, %swap3A_208], %swap3A_211 {strides = array<i32>} : memref<120x144xf32, #tpu.memory_space<vmem>>, vector<1x16xf32>,
        %swap3A_212 = arith.index_cast %add3A_97 : i32 to index
        %swap3A_213 = arith.constant 128 : index
        %swap3A_214 = tpu.vector_load %arg10[%swap3A_212, %swap3A_213] {strides = array<i32>} : memref<120x144xf32, #tpu.memory_space<vmem>>, vector<1x16xf32>,
        %swap3A_215 = vector.shape_cast %swap3A_214 : vector<1x16xf32> to vector<16xf32>
        %swap3A_216 = vector.shape_cast %exp3A : vector<16xf32> to vector<1x16xf32>
        tpu.vector_store %arg10[%swap3A_212, %swap3A_213], %swap3A_216 {strides = array<i32>} : memref<120x144xf32, #tpu.memory_space<vmem>>, vector<1x16xf32>,
      }
      %scan3A_61 = arith.constant 120 : i32
      %dma_start3A_62 = arith.constant 0 : i32
      %dma_start3A_63 = arith.constant 0 : i32
      %dma_start3A_64 = tpu.memref_slice %arg15[%dma_start3A_62, %dma_start3A_63] : memref<10016x144xf32, #tpu.memory_space<vmem_shared>> -> memref<10016x144xf32, #tpu.memory_space<vmem_shared>>
      tpu.enqueue_indirect_dma source(%arg10 : memref<120x144xf32, #tpu.memory_space<vmem>>) target(%dma_start3A_64 : memref<10016x144xf32, #tpu.memory_space<vmem_shared>>) offsets(%arg8 : memref<120xi32, #tpu.memory_space<vmem>>) semaphore(%arg18 : memref<!tpu.dma_semaphore, #tpu.memory_space<semaphore_mem>>) {add = true}
      %dma_wait3A_65 = arith.constant 0 : i32
      %dma_wait3A_66 = arith.constant 0 : i32
      %dma_wait3A_67 = tpu.memref_slice %arg15[%dma_wait3A_65, %dma_wait3A_66] : memref<10016x144xf32, #tpu.memory_space<vmem_shared>> -> memref<10016x144xf32, #tpu.memory_space<vmem_shared>>
      tpu.wait_indirect_dma semaphore(%arg18 : memref<!tpu.dma_semaphore, #tpu.memory_space<semaphore_mem>>) src(%arg10 : memref<120x144xf32, #tpu.memory_space<vmem>>) dst(%dma_wait3A_67 : memref<10016x144xf32, #tpu.memory_space<vmem_shared>>)
      %add3A_68 = arith.constant 240 : i32
      %add3A_69 = arith.addi %add3A_42, %add3A_68 : i32
      "tpu.region"() ({
        %run_scoped3A = tpu.sem_alloc : memref<!tpu.dma_semaphore, #tpu.memory_space<semaphore_mem>>
        %dma_start3A_93 = tpu.memref_slice %arg2[%add3A_69] : memref<322680xi32, #tpu.memory_space<hbm>> -> memref<120xi32, #tpu.memory_space<hbm>>
        %dma_start3A_94 = tpu.memref_slice %arg2[%add3A_69] : memref<322680xi32, #tpu.memory_space<hbm>> -> memref<120xi32, #tpu.memory_space<hbm>>
        tpu.enqueue_dma source(%dma_start3A_94 : memref<120xi32, #tpu.memory_space<hbm>>) target(%arg7 : memref<120xi32, #tpu.memory_space<vmem>>) target_semaphore(%run_scoped3A : memref<!tpu.dma_semaphore, #tpu.memory_space<semaphore_mem>>)
        %dma_wait3A_95 = tpu.memref_slice %arg2[%add3A_69] : memref<322680xi32, #tpu.memory_space<hbm>> -> memref<120xi32, #tpu.memory_space<hbm>>
        %dma_wait3A_96 = tpu.memref_slice %arg2[%add3A_69] : memref<322680xi32, #tpu.memory_space<hbm>> -> memref<120xi32, #tpu.memory_space<hbm>>
        tpu.wait_dma2 semaphore(%run_scoped3A : memref<!tpu.dma_semaphore, #tpu.memory_space<semaphore_mem>>) src(%dma_wait3A_96 : memref<120xi32, #tpu.memory_space<hbm>>) dst(%arg7 : memref<120xi32, #tpu.memory_space<vmem>>)
        tpu.yield
      }) : () -> ()
      "tpu.region"() ({
        %run_scoped3A = tpu.sem_alloc : memref<!tpu.dma_semaphore, #tpu.memory_space<semaphore_mem>>
        %dma_start3A_93 = tpu.memref_slice %arg3[%add3A_69] : memref<322680xi32, #tpu.memory_space<hbm>> -> memref<120xi32, #tpu.memory_space<hbm>>
        %dma_start3A_94 = tpu.memref_slice %arg3[%add3A_69] : memref<322680xi32, #tpu.memory_space<hbm>> -> memref<120xi32, #tpu.memory_space<hbm>>
        tpu.enqueue_dma source(%dma_start3A_94 : memref<120xi32, #tpu.memory_space<hbm>>) target(%arg8 : memref<120xi32, #tpu.memory_space<vmem>>) target_semaphore(%run_scoped3A : memref<!tpu.dma_semaphore, #tpu.memory_space<semaphore_mem>>)
        %dma_wait3A_95 = tpu.memref_slice %arg3[%add3A_69] : memref<322680xi32, #tpu.memory_space<hbm>> -> memref<120xi32, #tpu.memory_space<hbm>>
        %dma_wait3A_96 = tpu.memref_slice %arg3[%add3A_69] : memref<322680xi32, #tpu.memory_space<hbm>> -> memref<120xi32, #tpu.memory_space<hbm>>
        tpu.wait_dma2 semaphore(%run_scoped3A : memref<!tpu.dma_semaphore, #tpu.memory_space<semaphore_mem>>) src(%dma_wait3A_96 : memref<120xi32, #tpu.memory_space<hbm>>) dst(%arg8 : memref<120xi32, #tpu.memory_space<vmem>>)
        tpu.yield
      }) : () -> ()
      %dma_start3A_70 = arith.constant 0 : i32
      %dma_start3A_71 = arith.constant 0 : i32
      %dma_start3A_72 = tpu.memref_slice %arg5[%dma_start3A_70, %dma_start3A_71] : memref<10016x144xf32, #tpu.memory_space<hbm>> -> memref<10016x144xf32, #tpu.memory_space<hbm>>
      tpu.enqueue_indirect_dma source(%dma_start3A_72 : memref<10016x144xf32, #tpu.memory_space<hbm>>) target(%arg10 : memref<120x144xf32, #tpu.memory_space<vmem>>) offsets(%arg7 : memref<120xi32, #tpu.memory_space<vmem>>) semaphore(%arg16 : memref<!tpu.dma_semaphore, #tpu.memory_space<semaphore_mem>>)
      %dma_start3A_73 = arith.constant 0 : i32
      %dma_start3A_74 = arith.constant 0 : i32
      %dma_start3A_75 = tpu.memref_slice %arg4[%dma_start3A_73, %dma_start3A_74] : memref<10016x16xf32, #tpu.memory_space<hbm>> -> memref<10016x16xf32, #tpu.memory_space<hbm>>
      tpu.enqueue_indirect_dma source(%dma_start3A_75 : memref<10016x16xf32, #tpu.memory_space<hbm>>) target(%arg9 : memref<120x16xf32, #tpu.memory_space<vmem>>) offsets(%arg8 : memref<120xi32, #tpu.memory_space<vmem>>) semaphore(%arg16 : memref<!tpu.dma_semaphore, #tpu.memory_space<semaphore_mem>>)
      %dma_wait3A_76 = arith.constant 0 : i32
      %dma_wait3A_77 = arith.constant 0 : i32
      %dma_wait3A_78 = tpu.memref_slice %arg5[%dma_wait3A_76, %dma_wait3A_77] : memref<10016x144xf32, #tpu.memory_space<hbm>> -> memref<10016x144xf32, #tpu.memory_space<hbm>>
      tpu.wait_indirect_dma semaphore(%arg17 : memref<!tpu.dma_semaphore, #tpu.memory_space<semaphore_mem>>) src(%dma_wait3A_78 : memref<10016x144xf32, #tpu.memory_space<hbm>>) dst(%arg14 : memref<120x144xf32, #tpu.memory_space<vmem>>)
      %dma_wait3A_79 = arith.constant 0 : i32
      %dma_wait3A_80 = arith.constant 0 : i32
      %dma_wait3A_81 = tpu.memref_slice %arg4[%dma_wait3A_79, %dma_wait3A_80] : memref<10016x16xf32, #tpu.memory_space<hbm>> -> memref<10016x16xf32, #tpu.memory_space<hbm>>
      tpu.wait_indirect_dma semaphore(%arg17 : memref<!tpu.dma_semaphore, #tpu.memory_space<semaphore_mem>>) src(%dma_wait3A_81 : memref<10016x16xf32, #tpu.memory_space<hbm>>) dst(%arg13 : memref<120x16xf32, #tpu.memory_space<vmem>>)
      %scan3A_82 = arith.constant 0 : i32
      %scan3A_83 = arith.constant 120 : i32
      %scan3A_84 = arith.addi %scan3A_82, %scan3A_83 : i32
      %scan3A_85 = arith.constant 1 : i32
      scf.for %scan3A_93 = %scan3A_82 to %scan3A_84 step %scan3A_85  : i32 {
        %mul3A_94 = arith.constant 1 : i32
        %mul3A_95 = arith.muli %scan3A_93, %mul3A_94 : i32
        %add3A_96 = arith.constant 0 : i32
        %add3A_97 = arith.addi %add3A_96, %mul3A_95 : i32
        %get3A = arith.index_cast %add3A_97 : i32 to index
        %get3A_98 = arith.constant 128 : index
        %get3A_99 = tpu.vector_load %arg14[%get3A, %get3A_98] {strides = array<i32>} : memref<120x144xf32, #tpu.memory_space<vmem>>, vector<1x16xf32>,
        %get3A_100 = vector.shape_cast %get3A_99 : vector<1x16xf32> to vector<16xf32>
        %get3A_101 = arith.index_cast %add3A_97 : i32 to index
        %get3A_102 = arith.constant 0 : index
        %get3A_103 = tpu.vector_load %arg13[%get3A_101, %get3A_102] {strides = array<i32>} : memref<120x16xf32, #tpu.memory_space<vmem>>, vector<1x16xf32>,
        %get3A_104 = vector.shape_cast %get3A_103 : vector<1x16xf32> to vector<16xf32>
        %add3A_105 = arith.addf %get3A_100, %get3A_104 : vector<16xf32>
        %ge3A = arith.constant 0.000000e+00 : f32
        %ge3A_106 = vector.broadcast %ge3A : f32 to vector<16xf32>
        %ge3A_107 = arith.cmpf oge, %add3A_105, %ge3A_106 : vector<16xf32>
        %mul3A_108 = arith.constant 2.000000e-01 : f32
        %mul3A_109 = vector.broadcast %mul3A_108 : f32 to vector<16xf32>
        %mul3A_110 = arith.mulf %mul3A_109, %add3A_105 : vector<16xf32>
        %select_n3A = arith.select %ge3A_107, %add3A_105, %mul3A_110 : vector<16xi1>, vector<16xf32>
        %exp3A = math.exp %select_n3A : vector<16xf32>
        %slice3A = vector.extract_strided_slice %exp3A {offsets = [0], sizes = [1], strides = [1]} : vector<16xf32> to vector<1xf32>
        %squeeze3A = vector.extract %slice3A[0] : f32 from vector<1xf32>
        %get3A_111 = arith.index_cast %add3A_97 : i32 to index
        %get3A_112 = arith.constant 0 : index
        %get3A_113 = tpu.vector_load %arg14[%get3A_111, %get3A_112] {strides = array<i32>} : memref<120x144xf32, #tpu.memory_space<vmem>>, vector<1x16xf32>,
        %get3A_114 = vector.shape_cast %get3A_113 : vector<1x16xf32> to vector<16xf32>
        %mul3A_115 = vector.broadcast %squeeze3A : f32 to vector<16xf32>
        %mul3A_116 = arith.mulf %mul3A_115, %get3A_114 : vector<16xf32>
        %swap3A = arith.index_cast %add3A_97 : i32 to index
        %swap3A_117 = arith.constant 0 : index
        %swap3A_118 = tpu.vector_load %arg14[%swap3A, %swap3A_117] {strides = array<i32>} : memref<120x144xf32, #tpu.memory_space<vmem>>, vector<1x16xf32>,
        %swap3A_119 = vector.shape_cast %swap3A_118 : vector<1x16xf32> to vector<16xf32>
        %swap3A_120 = vector.shape_cast %mul3A_116 : vector<16xf32> to vector<1x16xf32>
        tpu.vector_store %arg14[%swap3A, %swap3A_117], %swap3A_120 {strides = array<i32>} : memref<120x144xf32, #tpu.memory_space<vmem>>, vector<1x16xf32>,
        %slice3A_121 = vector.extract_strided_slice %exp3A {offsets = [1], sizes = [1], strides = [1]} : vector<16xf32> to vector<1xf32>
        %squeeze3A_122 = vector.extract %slice3A_121[0] : f32 from vector<1xf32>
        %get3A_123 = arith.index_cast %add3A_97 : i32 to index
        %get3A_124 = arith.constant 16 : index
        %get3A_125 = tpu.vector_load %arg14[%get3A_123, %get3A_124] {strides = array<i32>} : memref<120x144xf32, #tpu.memory_space<vmem>>, vector<1x16xf32>,
        %get3A_126 = vector.shape_cast %get3A_125 : vector<1x16xf32> to vector<16xf32>
        %mul3A_127 = vector.broadcast %squeeze3A_122 : f32 to vector<16xf32>
        %mul3A_128 = arith.mulf %mul3A_127, %get3A_126 : vector<16xf32>
        %swap3A_129 = arith.index_cast %add3A_97 : i32 to index
        %swap3A_130 = arith.constant 16 : index
        %swap3A_131 = tpu.vector_load %arg14[%swap3A_129, %swap3A_130] {strides = array<i32>} : memref<120x144xf32, #tpu.memory_space<vmem>>, vector<1x16xf32>,
        %swap3A_132 = vector.shape_cast %swap3A_131 : vector<1x16xf32> to vector<16xf32>
        %swap3A_133 = vector.shape_cast %mul3A_128 : vector<16xf32> to vector<1x16xf32>
        tpu.vector_store %arg14[%swap3A_129, %swap3A_130], %swap3A_133 {strides = array<i32>} : memref<120x144xf32, #tpu.memory_space<vmem>>, vector<1x16xf32>,
        %slice3A_134 = vector.extract_strided_slice %exp3A {offsets = [2], sizes = [1], strides = [1]} : vector<16xf32> to vector<1xf32>
        %squeeze3A_135 = vector.extract %slice3A_134[0] : f32 from vector<1xf32>
        %get3A_136 = arith.index_cast %add3A_97 : i32 to index
        %get3A_137 = arith.constant 32 : index
        %get3A_138 = tpu.vector_load %arg14[%get3A_136, %get3A_137] {strides = array<i32>} : memref<120x144xf32, #tpu.memory_space<vmem>>, vector<1x16xf32>,
        %get3A_139 = vector.shape_cast %get3A_138 : vector<1x16xf32> to vector<16xf32>
        %mul3A_140 = vector.broadcast %squeeze3A_135 : f32 to vector<16xf32>
        %mul3A_141 = arith.mulf %mul3A_140, %get3A_139 : vector<16xf32>
        %swap3A_142 = arith.index_cast %add3A_97 : i32 to index
        %swap3A_143 = arith.constant 32 : index
        %swap3A_144 = tpu.vector_load %arg14[%swap3A_142, %swap3A_143] {strides = array<i32>} : memref<120x144xf32, #tpu.memory_space<vmem>>, vector<1x16xf32>,
        %swap3A_145 = vector.shape_cast %swap3A_144 : vector<1x16xf32> to vector<16xf32>
        %swap3A_146 = vector.shape_cast %mul3A_141 : vector<16xf32> to vector<1x16xf32>
        tpu.vector_store %arg14[%swap3A_142, %swap3A_143], %swap3A_146 {strides = array<i32>} : memref<120x144xf32, #tpu.memory_space<vmem>>, vector<1x16xf32>,
        %slice3A_147 = vector.extract_strided_slice %exp3A {offsets = [3], sizes = [1], strides = [1]} : vector<16xf32> to vector<1xf32>
        %squeeze3A_148 = vector.extract %slice3A_147[0] : f32 from vector<1xf32>
        %get3A_149 = arith.index_cast %add3A_97 : i32 to index
        %get3A_150 = arith.constant 48 : index
        %get3A_151 = tpu.vector_load %arg14[%get3A_149, %get3A_150] {strides = array<i32>} : memref<120x144xf32, #tpu.memory_space<vmem>>, vector<1x16xf32>,
        %get3A_152 = vector.shape_cast %get3A_151 : vector<1x16xf32> to vector<16xf32>
        %mul3A_153 = vector.broadcast %squeeze3A_148 : f32 to vector<16xf32>
        %mul3A_154 = arith.mulf %mul3A_153, %get3A_152 : vector<16xf32>
        %swap3A_155 = arith.index_cast %add3A_97 : i32 to index
        %swap3A_156 = arith.constant 48 : index
        %swap3A_157 = tpu.vector_load %arg14[%swap3A_155, %swap3A_156] {strides = array<i32>} : memref<120x144xf32, #tpu.memory_space<vmem>>, vector<1x16xf32>,
        %swap3A_158 = vector.shape_cast %swap3A_157 : vector<1x16xf32> to vector<16xf32>
        %swap3A_159 = vector.shape_cast %mul3A_154 : vector<16xf32> to vector<1x16xf32>
        tpu.vector_store %arg14[%swap3A_155, %swap3A_156], %swap3A_159 {strides = array<i32>} : memref<120x144xf32, #tpu.memory_space<vmem>>, vector<1x16xf32>,
        %slice3A_160 = vector.extract_strided_slice %exp3A {offsets = [4], sizes = [1], strides = [1]} : vector<16xf32> to vector<1xf32>
        %squeeze3A_161 = vector.extract %slice3A_160[0] : f32 from vector<1xf32>
        %get3A_162 = arith.index_cast %add3A_97 : i32 to index
        %get3A_163 = arith.constant 64 : index
        %get3A_164 = tpu.vector_load %arg14[%get3A_162, %get3A_163] {strides = array<i32>} : memref<120x144xf32, #tpu.memory_space<vmem>>, vector<1x16xf32>,
        %get3A_165 = vector.shape_cast %get3A_164 : vector<1x16xf32> to vector<16xf32>
        %mul3A_166 = vector.broadcast %squeeze3A_161 : f32 to vector<16xf32>
        %mul3A_167 = arith.mulf %mul3A_166, %get3A_165 : vector<16xf32>
        %swap3A_168 = arith.index_cast %add3A_97 : i32 to index
        %swap3A_169 = arith.constant 64 : index
        %swap3A_170 = tpu.vector_load %arg14[%swap3A_168, %swap3A_169] {strides = array<i32>} : memref<120x144xf32, #tpu.memory_space<vmem>>, vector<1x16xf32>,
        %swap3A_171 = vector.shape_cast %swap3A_170 : vector<1x16xf32> to vector<16xf32>
        %swap3A_172 = vector.shape_cast %mul3A_167 : vector<16xf32> to vector<1x16xf32>
        tpu.vector_store %arg14[%swap3A_168, %swap3A_169], %swap3A_172 {strides = array<i32>} : memref<120x144xf32, #tpu.memory_space<vmem>>, vector<1x16xf32>,
        %slice3A_173 = vector.extract_strided_slice %exp3A {offsets = [5], sizes = [1], strides = [1]} : vector<16xf32> to vector<1xf32>
        %squeeze3A_174 = vector.extract %slice3A_173[0] : f32 from vector<1xf32>
        %get3A_175 = arith.index_cast %add3A_97 : i32 to index
        %get3A_176 = arith.constant 80 : index
        %get3A_177 = tpu.vector_load %arg14[%get3A_175, %get3A_176] {strides = array<i32>} : memref<120x144xf32, #tpu.memory_space<vmem>>, vector<1x16xf32>,
        %get3A_178 = vector.shape_cast %get3A_177 : vector<1x16xf32> to vector<16xf32>
        %mul3A_179 = vector.broadcast %squeeze3A_174 : f32 to vector<16xf32>
        %mul3A_180 = arith.mulf %mul3A_179, %get3A_178 : vector<16xf32>
        %swap3A_181 = arith.index_cast %add3A_97 : i32 to index
        %swap3A_182 = arith.constant 80 : index
        %swap3A_183 = tpu.vector_load %arg14[%swap3A_181, %swap3A_182] {strides = array<i32>} : memref<120x144xf32, #tpu.memory_space<vmem>>, vector<1x16xf32>,
        %swap3A_184 = vector.shape_cast %swap3A_183 : vector<1x16xf32> to vector<16xf32>
        %swap3A_185 = vector.shape_cast %mul3A_180 : vector<16xf32> to vector<1x16xf32>
        tpu.vector_store %arg14[%swap3A_181, %swap3A_182], %swap3A_185 {strides = array<i32>} : memref<120x144xf32, #tpu.memory_space<vmem>>, vector<1x16xf32>,
        %slice3A_186 = vector.extract_strided_slice %exp3A {offsets = [6], sizes = [1], strides = [1]} : vector<16xf32> to vector<1xf32>
        %squeeze3A_187 = vector.extract %slice3A_186[0] : f32 from vector<1xf32>
        %get3A_188 = arith.index_cast %add3A_97 : i32 to index
        %get3A_189 = arith.constant 96 : index
        %get3A_190 = tpu.vector_load %arg14[%get3A_188, %get3A_189] {strides = array<i32>} : memref<120x144xf32, #tpu.memory_space<vmem>>, vector<1x16xf32>,
        %get3A_191 = vector.shape_cast %get3A_190 : vector<1x16xf32> to vector<16xf32>
        %mul3A_192 = vector.broadcast %squeeze3A_187 : f32 to vector<16xf32>
        %mul3A_193 = arith.mulf %mul3A_192, %get3A_191 : vector<16xf32>
        %swap3A_194 = arith.index_cast %add3A_97 : i32 to index
        %swap3A_195 = arith.constant 96 : index
        %swap3A_196 = tpu.vector_load %arg14[%swap3A_194, %swap3A_195] {strides = array<i32>} : memref<120x144xf32, #tpu.memory_space<vmem>>, vector<1x16xf32>,
        %swap3A_197 = vector.shape_cast %swap3A_196 : vector<1x16xf32> to vector<16xf32>
        %swap3A_198 = vector.shape_cast %mul3A_193 : vector<16xf32> to vector<1x16xf32>
        tpu.vector_store %arg14[%swap3A_194, %swap3A_195], %swap3A_198 {strides = array<i32>} : memref<120x144xf32, #tpu.memory_space<vmem>>, vector<1x16xf32>,
        %slice3A_199 = vector.extract_strided_slice %exp3A {offsets = [7], sizes = [1], strides = [1]} : vector<16xf32> to vector<1xf32>
        %squeeze3A_200 = vector.extract %slice3A_199[0] : f32 from vector<1xf32>
        %get3A_201 = arith.index_cast %add3A_97 : i32 to index
        %get3A_202 = arith.constant 112 : index
        %get3A_203 = tpu.vector_load %arg14[%get3A_201, %get3A_202] {strides = array<i32>} : memref<120x144xf32, #tpu.memory_space<vmem>>, vector<1x16xf32>,
        %get3A_204 = vector.shape_cast %get3A_203 : vector<1x16xf32> to vector<16xf32>
        %mul3A_205 = vector.broadcast %squeeze3A_200 : f32 to vector<16xf32>
        %mul3A_206 = arith.mulf %mul3A_205, %get3A_204 : vector<16xf32>
        %swap3A_207 = arith.index_cast %add3A_97 : i32 to index
        %swap3A_208 = arith.constant 112 : index
        %swap3A_209 = tpu.vector_load %arg14[%swap3A_207, %swap3A_208] {strides = array<i32>} : memref<120x144xf32, #tpu.memory_space<vmem>>, vector<1x16xf32>,
        %swap3A_210 = vector.shape_cast %swap3A_209 : vector<1x16xf32> to vector<16xf32>
        %swap3A_211 = vector.shape_cast %mul3A_206 : vector<16xf32> to vector<1x16xf32>
        tpu.vector_store %arg14[%swap3A_207, %swap3A_208], %swap3A_211 {strides = array<i32>} : memref<120x144xf32, #tpu.memory_space<vmem>>, vector<1x16xf32>,
        %swap3A_212 = arith.index_cast %add3A_97 : i32 to index
        %swap3A_213 = arith.constant 128 : index
        %swap3A_214 = tpu.vector_load %arg14[%swap3A_212, %swap3A_213] {strides = array<i32>} : memref<120x144xf32, #tpu.memory_space<vmem>>, vector<1x16xf32>,
        %swap3A_215 = vector.shape_cast %swap3A_214 : vector<1x16xf32> to vector<16xf32>
        %swap3A_216 = vector.shape_cast %exp3A : vector<16xf32> to vector<1x16xf32>
        tpu.vector_store %arg14[%swap3A_212, %swap3A_213], %swap3A_216 {strides = array<i32>} : memref<120x144xf32, #tpu.memory_space<vmem>>, vector<1x16xf32>,
      }
      %scan3A_86 = arith.constant 120 : i32
      %dma_start3A_87 = arith.constant 0 : i32
      %dma_start3A_88 = arith.constant 0 : i32
      %dma_start3A_89 = tpu.memref_slice %arg15[%dma_start3A_87, %dma_start3A_88] : memref<10016x144xf32, #tpu.memory_space<vmem_shared>> -> memref<10016x144xf32, #tpu.memory_space<vmem_shared>>
      tpu.enqueue_indirect_dma source(%arg14 : memref<120x144xf32, #tpu.memory_space<vmem>>) target(%dma_start3A_89 : memref<10016x144xf32, #tpu.memory_space<vmem_shared>>) offsets(%arg12 : memref<120xi32, #tpu.memory_space<vmem>>) semaphore(%arg18 : memref<!tpu.dma_semaphore, #tpu.memory_space<semaphore_mem>>) {add = true}
      %dma_wait3A_90 = arith.constant 0 : i32
      %dma_wait3A_91 = arith.constant 0 : i32
      %dma_wait3A_92 = tpu.memref_slice %arg15[%dma_wait3A_90, %dma_wait3A_91] : memref<10016x144xf32, #tpu.memory_space<vmem_shared>> -> memref<10016x144xf32, #tpu.memory_space<vmem_shared>>
      tpu.wait_indirect_dma semaphore(%arg18 : memref<!tpu.dma_semaphore, #tpu.memory_space<semaphore_mem>>) src(%arg14 : memref<120x144xf32, #tpu.memory_space<vmem>>) dst(%dma_wait3A_92 : memref<10016x144xf32, #tpu.memory_space<vmem_shared>>)
    }
    %scan3A_28 = arith.constant 42 : i32
    %dma_wait3A = arith.constant 0 : i32
    %dma_wait3A_29 = arith.constant 0 : i32
    %dma_wait3A_30 = tpu.memref_slice %arg5[%dma_wait3A, %dma_wait3A_29] : memref<10016x144xf32, #tpu.memory_space<hbm>> -> memref<10016x144xf32, #tpu.memory_space<hbm>>
    tpu.wait_indirect_dma semaphore(%arg16 : memref<!tpu.dma_semaphore, #tpu.memory_space<semaphore_mem>>) src(%dma_wait3A_30 : memref<10016x144xf32, #tpu.memory_space<hbm>>) dst(%arg10 : memref<120x144xf32, #tpu.memory_space<vmem>>)
    %dma_wait3A_31 = arith.constant 0 : i32
    %dma_wait3A_32 = arith.constant 0 : i32
    %dma_wait3A_33 = tpu.memref_slice %arg4[%dma_wait3A_31, %dma_wait3A_32] : memref<10016x16xf32, #tpu.memory_space<hbm>> -> memref<10016x16xf32, #tpu.memory_space<hbm>>
    tpu.wait_indirect_dma semaphore(%arg16 : memref<!tpu.dma_semaphore, #tpu.memory_space<semaphore_mem>>) src(%dma_wait3A_33 : memref<10016x16xf32, #tpu.memory_space<hbm>>) dst(%arg9 : memref<120x16xf32, #tpu.memory_space<vmem>>)
    %barrier3A_34 = arith.constant 0 : index
    tpu.barrier barrier_id(%barrier3A_34)
    "tpu.region"() ({
      %run_scoped3A = tpu.sem_alloc : memref<!tpu.dma_semaphore, #tpu.memory_space<semaphore_mem>>
      %dma_start3A_35 = arith.constant 0 : i32
      %dma_start3A_36 = tpu.memref_slice %arg6[%arg0, %mul3A_7, %dma_start3A_35] : memref<2x10016x144xf32, #tpu.memory_space<hbm>> -> memref<1x626x144xf32, #tpu.memory_space<hbm>>
      %dma_start3A_37 = tpu.memref_squeeze %dma_start3A_36 : memref<1x626x144xf32, #tpu.memory_space<hbm>> -> memref<626x144xf32, #tpu.memory_space<hbm>>
      %dma_start3A_38 = arith.constant 0 : i32
      %dma_start3A_39 = tpu.memref_slice %arg15[%mul3A_7, %dma_start3A_38] : memref<10016x144xf32, #tpu.memory_space<vmem_shared>> -> memref<626x144xf32, #tpu.memory_space<vmem_shared>>
      tpu.enqueue_dma source(%dma_start3A_39 : memref<626x144xf32, #tpu.memory_space<vmem_shared>>) target(%dma_start3A_37 : memref<626x144xf32, #tpu.memory_space<hbm>>) target_semaphore(%run_scoped3A : memref<!tpu.dma_semaphore, #tpu.memory_space<semaphore_mem>>)
      %dma_wait3A_40 = arith.constant 0 : i32
      %dma_wait3A_41 = tpu.memref_slice %arg6[%arg0, %mul3A_7, %dma_wait3A_40] : memref<2x10016x144xf32, #tpu.memory_space<hbm>> -> memref<1x626x144xf32, #tpu.memory_space<hbm>>
      %dma_wait3A_42 = tpu.memref_squeeze %dma_wait3A_41 : memref<1x626x144xf32, #tpu.memory_space<hbm>> -> memref<626x144xf32, #tpu.memory_space<hbm>>
      %dma_wait3A_43 = arith.constant 0 : i32
      %dma_wait3A_44 = tpu.memref_slice %arg15[%mul3A_7, %dma_wait3A_43] : memref<10016x144xf32, #tpu.memory_space<vmem_shared>> -> memref<626x144xf32, #tpu.memory_space<vmem_shared>>
      tpu.wait_dma2 semaphore(%run_scoped3A : memref<!tpu.dma_semaphore, #tpu.memory_space<semaphore_mem>>) src(%dma_wait3A_44 : memref<626x144xf32, #tpu.memory_space<vmem_shared>>) dst(%dma_wait3A_42 : memref<626x144xf32, #tpu.memory_space<hbm>>)
      tpu.yield
    }) : () -> ()
    return
  }
}

#map = affine_map<(d0, d1) -> (0)>
#map1 = affine_map<(d0, d1) -> (0, 0)>
#map2 = affine_map<(d0, d1) -> (0, 0, 0)>
module attributes {stable_mosaic.version = 14 : i64} {
  func.func @body(%arg0: i32, %arg1: i32, %arg2: memref<322680xi32, #tpu.memory_space<hbm>>, %arg3: memref<322680xi32, #tpu.memory_space<hbm>>, %arg4: memref<10016x16xf32, #tpu.memory_space<hbm>>, %arg5: memref<10016x144xf32, #tpu.memory_space<hbm>>, %arg6: memref<2x10016x144xf32, #tpu.memory_space<hbm>>, %arg7: memref<120xi32, #tpu.memory_space<vmem>>, %arg8: memref<120xi32, #tpu.memory_space<vmem>>, %arg9: memref<120x16xf32, #tpu.memory_space<vmem>>, %arg10: memref<120x144xf32, #tpu.memory_space<vmem>>, %arg11: memref<120xi32, #tpu.memory_space<vmem>>, %arg12: memref<120xi32, #tpu.memory_space<vmem>>, %arg13: memref<120x16xf32, #tpu.memory_space<vmem>>, %arg14: memref<120x144xf32, #tpu.memory_space<vmem>>, %arg15: memref<10016x144xf32, #tpu.memory_space<vmem_shared>>, %arg16: memref<!tpu.dma_semaphore, #tpu.memory_space<semaphore_mem>>, %arg17: memref<!tpu.dma_semaphore, #tpu.memory_space<semaphore_mem>>, %arg18: memref<!tpu.dma_semaphore, #tpu.memory_space<semaphore_mem>>) attributes {dimension_semantics = [#tpu.dimension_semantics<core_parallel>, #tpu.dimension_semantics<subcore_parallel>], iteration_bounds = array<i64: 2, 16>, scalar_prefetch = 0 : i64, scratch_operands = 12 : i64, tpu.core_type = #tpu.core_type<sc_vector_subcore>, window_params = [{transform_indices = #map}, {transform_indices = #map}, {transform_indices = #map1}, {transform_indices = #map1}, {transform_indices = #map2}]} {
    %mul3A = arith.constant 2 : i32
    %mul3A_0 = arith.muli %arg1, %mul3A : i32
    %add3A = arith.addi %mul3A_0, %arg0 : i32
    %broadcast_in_dim3A = arith.constant 0.000000e+00 : f32
    %broadcast_in_dim3A_1 = vector.broadcast %broadcast_in_dim3A : f32 to vector<16xf32>
    %scan3A = arith.constant 0 : i32
    %scan3A_2 = arith.constant 120 : i32
    %scan3A_3 = arith.addi %scan3A, %scan3A_2 : i32
    %scan3A_4 = arith.constant 1 : i32
    scf.for %scan3A_35 = %scan3A to %scan3A_3 step %scan3A_4  : i32 {
      %mul3A_36 = arith.constant 1 : i32
      %mul3A_37 = arith.muli %scan3A_35, %mul3A_36 : i32
      %add3A_38 = arith.constant 0 : i32
      %add3A_39 = arith.addi %add3A_38, %mul3A_37 : i32
      %swap3A = arith.index_cast %add3A_39 : i32 to index
      %swap3A_40 = arith.constant 0 : index
      %swap3A_41 = tpu.vector_load %arg10[%swap3A, %swap3A_40] {strides = array<i32>} : memref<120x144xf32, #tpu.memory_space<vmem>>, vector<1x16xf32>,
      %swap3A_42 = vector.shape_cast %swap3A_41 : vector<1x16xf32> to vector<16xf32>
      %swap3A_43 = vector.shape_cast %broadcast_in_dim3A_1 : vector<16xf32> to vector<1x16xf32>
      tpu.vector_store %arg10[%swap3A, %swap3A_40], %swap3A_43 {strides = array<i32>} : memref<120x144xf32, #tpu.memory_space<vmem>>, vector<1x16xf32>,
      %swap3A_44 = arith.index_cast %add3A_39 : i32 to index
      %swap3A_45 = arith.constant 16 : index
      %swap3A_46 = tpu.vector_load %arg10[%swap3A_44, %swap3A_45] {strides = array<i32>} : memref<120x144xf32, #tpu.memory_space<vmem>>, vector<1x16xf32>,
      %swap3A_47 = vector.shape_cast %swap3A_46 : vector<1x16xf32> to vector<16xf32>
      %swap3A_48 = vector.shape_cast %broadcast_in_dim3A_1 : vector<16xf32> to vector<1x16xf32>
      tpu.vector_store %arg10[%swap3A_44, %swap3A_45], %swap3A_48 {strides = array<i32>} : memref<120x144xf32, #tpu.memory_space<vmem>>, vector<1x16xf32>,
      %swap3A_49 = arith.index_cast %add3A_39 : i32 to index
      %swap3A_50 = arith.constant 32 : index
      %swap3A_51 = tpu.vector_load %arg10[%swap3A_49, %swap3A_50] {strides = array<i32>} : memref<120x144xf32, #tpu.memory_space<vmem>>, vector<1x16xf32>,
      %swap3A_52 = vector.shape_cast %swap3A_51 : vector<1x16xf32> to vector<16xf32>
      %swap3A_53 = vector.shape_cast %broadcast_in_dim3A_1 : vector<16xf32> to vector<1x16xf32>
      tpu.vector_store %arg10[%swap3A_49, %swap3A_50], %swap3A_53 {strides = array<i32>} : memref<120x144xf32, #tpu.memory_space<vmem>>, vector<1x16xf32>,
      %swap3A_54 = arith.index_cast %add3A_39 : i32 to index
      %swap3A_55 = arith.constant 48 : index
      %swap3A_56 = tpu.vector_load %arg10[%swap3A_54, %swap3A_55] {strides = array<i32>} : memref<120x144xf32, #tpu.memory_space<vmem>>, vector<1x16xf32>,
      %swap3A_57 = vector.shape_cast %swap3A_56 : vector<1x16xf32> to vector<16xf32>
      %swap3A_58 = vector.shape_cast %broadcast_in_dim3A_1 : vector<16xf32> to vector<1x16xf32>
      tpu.vector_store %arg10[%swap3A_54, %swap3A_55], %swap3A_58 {strides = array<i32>} : memref<120x144xf32, #tpu.memory_space<vmem>>, vector<1x16xf32>,
      %swap3A_59 = arith.index_cast %add3A_39 : i32 to index
      %swap3A_60 = arith.constant 64 : index
      %swap3A_61 = tpu.vector_load %arg10[%swap3A_59, %swap3A_60] {strides = array<i32>} : memref<120x144xf32, #tpu.memory_space<vmem>>, vector<1x16xf32>,
      %swap3A_62 = vector.shape_cast %swap3A_61 : vector<1x16xf32> to vector<16xf32>
      %swap3A_63 = vector.shape_cast %broadcast_in_dim3A_1 : vector<16xf32> to vector<1x16xf32>
      tpu.vector_store %arg10[%swap3A_59, %swap3A_60], %swap3A_63 {strides = array<i32>} : memref<120x144xf32, #tpu.memory_space<vmem>>, vector<1x16xf32>,
      %swap3A_64 = arith.index_cast %add3A_39 : i32 to index
      %swap3A_65 = arith.constant 80 : index
      %swap3A_66 = tpu.vector_load %arg10[%swap3A_64, %swap3A_65] {strides = array<i32>} : memref<120x144xf32, #tpu.memory_space<vmem>>, vector<1x16xf32>,
      %swap3A_67 = vector.shape_cast %swap3A_66 : vector<1x16xf32> to vector<16xf32>
      %swap3A_68 = vector.shape_cast %broadcast_in_dim3A_1 : vector<16xf32> to vector<1x16xf32>
      tpu.vector_store %arg10[%swap3A_64, %swap3A_65], %swap3A_68 {strides = array<i32>} : memref<120x144xf32, #tpu.memory_space<vmem>>, vector<1x16xf32>,
      %swap3A_69 = arith.index_cast %add3A_39 : i32 to index
      %swap3A_70 = arith.constant 96 : index
      %swap3A_71 = tpu.vector_load %arg10[%swap3A_69, %swap3A_70] {strides = array<i32>} : memref<120x144xf32, #tpu.memory_space<vmem>>, vector<1x16xf32>,
      %swap3A_72 = vector.shape_cast %swap3A_71 : vector<1x16xf32> to vector<16xf32>
      %swap3A_73 = vector.shape_cast %broadcast_in_dim3A_1 : vector<16xf32> to vector<1x16xf32>
      tpu.vector_store %arg10[%swap3A_69, %swap3A_70], %swap3A_73 {strides = array<i32>} : memref<120x144xf32, #tpu.memory_space<vmem>>, vector<1x16xf32>,
      %swap3A_74 = arith.index_cast %add3A_39 : i32 to index
      %swap3A_75 = arith.constant 112 : index
      %swap3A_76 = tpu.vector_load %arg10[%swap3A_74, %swap3A_75] {strides = array<i32>} : memref<120x144xf32, #tpu.memory_space<vmem>>, vector<1x16xf32>,
      %swap3A_77 = vector.shape_cast %swap3A_76 : vector<1x16xf32> to vector<16xf32>
      %swap3A_78 = vector.shape_cast %broadcast_in_dim3A_1 : vector<16xf32> to vector<1x16xf32>
      tpu.vector_store %arg10[%swap3A_74, %swap3A_75], %swap3A_78 {strides = array<i32>} : memref<120x144xf32, #tpu.memory_space<vmem>>, vector<1x16xf32>,
      %swap3A_79 = arith.index_cast %add3A_39 : i32 to index
      %swap3A_80 = arith.constant 128 : index
      %swap3A_81 = tpu.vector_load %arg10[%swap3A_79, %swap3A_80] {strides = array<i32>} : memref<120x144xf32, #tpu.memory_space<vmem>>, vector<1x16xf32>,
      %swap3A_82 = vector.shape_cast %swap3A_81 : vector<1x16xf32> to vector<16xf32>
      %swap3A_83 = vector.shape_cast %broadcast_in_dim3A_1 : vector<16xf32> to vector<1x16xf32>
      tpu.vector_store %arg10[%swap3A_79, %swap3A_80], %swap3A_83 {strides = array<i32>} : memref<120x144xf32, #tpu.memory_space<vmem>>, vector<1x16xf32>,
    }
    %scan3A_5 = arith.constant 120 : i32
    %mul3A_6 = arith.constant 626 : i32
    %mul3A_7 = arith.muli %arg1, %mul3A_6 : i32
    %scan3A_8 = arith.constant 0 : i32
    %scan3A_9 = arith.constant 5 : i32
    %scan3A_10 = arith.addi %scan3A_8, %scan3A_9 : i32
    %scan3A_11 = arith.constant 1 : i32
    scf.for %scan3A_35 = %scan3A_8 to %scan3A_10 step %scan3A_11  : i32 {
      %mul3A_36 = arith.constant 1 : i32
      %mul3A_37 = arith.muli %scan3A_35, %mul3A_36 : i32
      %add3A_38 = arith.constant 0 : i32
      %add3A_39 = arith.addi %add3A_38, %mul3A_37 : i32
      %mul3A_40 = arith.constant 120 : i32
      %mul3A_41 = arith.muli %add3A_39, %mul3A_40 : i32
      %add3A_42 = arith.addi %mul3A_7, %mul3A_41 : i32
      "tpu.region"() ({
        %run_scoped3A = tpu.sem_alloc : memref<!tpu.dma_semaphore, #tpu.memory_space<semaphore_mem>>
        %dma_start3A_43 = arith.constant 0 : i32
        %dma_start3A_44 = tpu.memref_slice %arg15[%add3A_42, %dma_start3A_43] : memref<10016x144xf32, #tpu.memory_space<vmem_shared>> -> memref<120x144xf32, #tpu.memory_space<vmem_shared>>
        %dma_start3A_45 = arith.constant 0 : i32
        %dma_start3A_46 = tpu.memref_slice %arg15[%add3A_42, %dma_start3A_45] : memref<10016x144xf32, #tpu.memory_space<vmem_shared>> -> memref<120x144xf32, #tpu.memory_space<vmem_shared>>
        tpu.enqueue_dma source(%arg10 : memref<120x144xf32, #tpu.memory_space<vmem>>) target(%dma_start3A_46 : memref<120x144xf32, #tpu.memory_space<vmem_shared>>) target_semaphore(%run_scoped3A : memref<!tpu.dma_semaphore, #tpu.memory_space<semaphore_mem>>)
        %dma_wait3A_47 = arith.constant 0 : i32
        %dma_wait3A_48 = tpu.memref_slice %arg15[%add3A_42, %dma_wait3A_47] : memref<10016x144xf32, #tpu.memory_space<vmem_shared>> -> memref<120x144xf32, #tpu.memory_space<vmem_shared>>
        %dma_wait3A_49 = arith.constant 0 : i32
        %dma_wait3A_50 = tpu.memref_slice %arg15[%add3A_42, %dma_wait3A_49] : memref<10016x144xf32, #tpu.memory_space<vmem_shared>> -> memref<120x144xf32, #tpu.memory_space<vmem_shared>>
        tpu.wait_dma2 semaphore(%run_scoped3A : memref<!tpu.dma_semaphore, #tpu.memory_space<semaphore_mem>>) src(%arg10 : memref<120x144xf32, #tpu.memory_space<vmem>>) dst(%dma_wait3A_50 : memref<120x144xf32, #tpu.memory_space<vmem_shared>>)
        tpu.yield
      }) : () -> ()
    }
    %scan3A_12 = arith.constant 5 : i32
    %add3A_13 = arith.constant 600 : i32
    %add3A_14 = arith.addi %mul3A_7, %add3A_13 : i32
    "tpu.region"() ({
      %run_scoped3A = tpu.sem_alloc : memref<!tpu.dma_semaphore, #tpu.memory_space<semaphore_mem>>
      %dma_start3A_35 = arith.constant 0 : i32
      %dma_start3A_36 = arith.constant 0 : i32
      %dma_start3A_37 = tpu.memref_slice %arg10[%dma_start3A_35, %dma_start3A_36] : memref<120x144xf32, #tpu.memory_space<vmem>> -> memref<26x144xf32, #tpu.memory_space<vmem>>
      %dma_start3A_38 = arith.constant 0 : i32
      %dma_start3A_39 = tpu.memref_slice %arg15[%add3A_14, %dma_start3A_38] : memref<10016x144xf32, #tpu.memory_space<vmem_shared>> -> memref<26x144xf32, #tpu.memory_space<vmem_shared>>
      %dma_start3A_40 = arith.constant 0 : i32
      %dma_start3A_41 = tpu.memref_slice %arg15[%add3A_14, %dma_start3A_40] : memref<10016x144xf32, #tpu.memory_space<vmem_shared>> -> memref<26x144xf32, #tpu.memory_space<vmem_shared>>
      %dma_start3A_42 = arith.constant 0 : i32
      %dma_start3A_43 = arith.constant 0 : i32
      %dma_start3A_44 = tpu.memref_slice %arg10[%dma_start3A_42, %dma_start3A_43] : memref<120x144xf32, #tpu.memory_space<vmem>> -> memref<26x144xf32, #tpu.memory_space<vmem>>
      tpu.enqueue_dma source(%dma_start3A_44 : memref<26x144xf32, #tpu.memory_space<vmem>>) target(%dma_start3A_41 : memref<26x144xf32, #tpu.memory_space<vmem_shared>>) target_semaphore(%run_scoped3A : memref<!tpu.dma_semaphore, #tpu.memory_space<semaphore_mem>>)
      %dma_wait3A_45 = arith.constant 0 : i32
      %dma_wait3A_46 = arith.constant 0 : i32
      %dma_wait3A_47 = tpu.memref_slice %arg10[%dma_wait3A_45, %dma_wait3A_46] : memref<120x144xf32, #tpu.memory_space<vmem>> -> memref<26x144xf32, #tpu.memory_space<vmem>>
      %dma_wait3A_48 = arith.constant 0 : i32
      %dma_wait3A_49 = tpu.memref_slice %arg15[%add3A_14, %dma_wait3A_48] : memref<10016x144xf32, #tpu.memory_space<vmem_shared>> -> memref<26x144xf32, #tpu.memory_space<vmem_shared>>
      %dma_wait3A_50 = arith.constant 0 : i32
      %dma_wait3A_51 = tpu.memref_slice %arg15[%add3A_14, %dma_wait3A_50] : memref<10016x144xf32, #tpu.memory_space<vmem_shared>> -> memref<26x144xf32, #tpu.memory_space<vmem_shared>>
      %dma_wait3A_52 = arith.constant 0 : i32
      %dma_wait3A_53 = arith.constant 0 : i32
      %dma_wait3A_54 = tpu.memref_slice %arg10[%dma_wait3A_52, %dma_wait3A_53] : memref<120x144xf32, #tpu.memory_space<vmem>> -> memref<26x144xf32, #tpu.memory_space<vmem>>
      tpu.wait_dma2 semaphore(%run_scoped3A : memref<!tpu.dma_semaphore, #tpu.memory_space<semaphore_mem>>) src(%dma_wait3A_54 : memref<26x144xf32, #tpu.memory_space<vmem>>) dst(%dma_wait3A_51 : memref<26x144xf32, #tpu.memory_space<vmem_shared>>)
      tpu.yield
    }) : () -> ()
    %barrier3A = arith.constant 0 : index
    tpu.barrier barrier_id(%barrier3A)
    %mul3A_15 = arith.constant 84 : i32
    %mul3A_16 = arith.muli %add3A, %mul3A_15 : i32
    %mul3A_17 = arith.constant 120 : i32
    %mul3A_18 = arith.muli %mul3A_16, %mul3A_17 : i32
    "tpu.region"() ({
      %run_scoped3A = tpu.sem_alloc : memref<!tpu.dma_semaphore, #tpu.memory_space<semaphore_mem>>
      %dma_start3A_35 = tpu.memref_slice %arg2[%mul3A_18] : memref<322680xi32, #tpu.memory_space<hbm>> -> memref<120xi32, #tpu.memory_space<hbm>>
      %dma_start3A_36 = tpu.memref_slice %arg2[%mul3A_18] : memref<322680xi32, #tpu.memory_space<hbm>> -> memref<120xi32, #tpu.memory_space<hbm>>
      tpu.enqueue_dma source(%dma_start3A_36 : memref<120xi32, #tpu.memory_space<hbm>>) target(%arg7 : memref<120xi32, #tpu.memory_space<vmem>>) target_semaphore(%run_scoped3A : memref<!tpu.dma_semaphore, #tpu.memory_space<semaphore_mem>>)
      %dma_wait3A_37 = tpu.memref_slice %arg2[%mul3A_18] : memref<322680xi32, #tpu.memory_space<hbm>> -> memref<120xi32, #tpu.memory_space<hbm>>
      %dma_wait3A_38 = tpu.memref_slice %arg2[%mul3A_18] : memref<322680xi32, #tpu.memory_space<hbm>> -> memref<120xi32, #tpu.memory_space<hbm>>
      tpu.wait_dma2 semaphore(%run_scoped3A : memref<!tpu.dma_semaphore, #tpu.memory_space<semaphore_mem>>) src(%dma_wait3A_38 : memref<120xi32, #tpu.memory_space<hbm>>) dst(%arg7 : memref<120xi32, #tpu.memory_space<vmem>>)
      tpu.yield
    }) : () -> ()
    "tpu.region"() ({
      %run_scoped3A = tpu.sem_alloc : memref<!tpu.dma_semaphore, #tpu.memory_space<semaphore_mem>>
      %dma_start3A_35 = tpu.memref_slice %arg3[%mul3A_18] : memref<322680xi32, #tpu.memory_space<hbm>> -> memref<120xi32, #tpu.memory_space<hbm>>
      %dma_start3A_36 = tpu.memref_slice %arg3[%mul3A_18] : memref<322680xi32, #tpu.memory_space<hbm>> -> memref<120xi32, #tpu.memory_space<hbm>>
      tpu.enqueue_dma source(%dma_start3A_36 : memref<120xi32, #tpu.memory_space<hbm>>) target(%arg8 : memref<120xi32, #tpu.memory_space<vmem>>) target_semaphore(%run_scoped3A : memref<!tpu.dma_semaphore, #tpu.memory_space<semaphore_mem>>)
      %dma_wait3A_37 = tpu.memref_slice %arg3[%mul3A_18] : memref<322680xi32, #tpu.memory_space<hbm>> -> memref<120xi32, #tpu.memory_space<hbm>>
      %dma_wait3A_38 = tpu.memref_slice %arg3[%mul3A_18] : memref<322680xi32, #tpu.memory_space<hbm>> -> memref<120xi32, #tpu.memory_space<hbm>>
      tpu.wait_dma2 semaphore(%run_scoped3A : memref<!tpu.dma_semaphore, #tpu.memory_space<semaphore_mem>>) src(%dma_wait3A_38 : memref<120xi32, #tpu.memory_space<hbm>>) dst(%arg8 : memref<120xi32, #tpu.memory_space<vmem>>)
      tpu.yield
    }) : () -> ()
    %dma_start3A = arith.constant 0 : i32
    %dma_start3A_19 = arith.constant 0 : i32
    %dma_start3A_20 = tpu.memref_slice %arg5[%dma_start3A, %dma_start3A_19] : memref<10016x144xf32, #tpu.memory_space<hbm>> -> memref<10016x144xf32, #tpu.memory_space<hbm>>
    tpu.enqueue_indirect_dma source(%dma_start3A_20 : memref<10016x144xf32, #tpu.memory_space<hbm>>) target(%arg10 : memref<120x144xf32, #tpu.memory_space<vmem>>) offsets(%arg7 : memref<120xi32, #tpu.memory_space<vmem>>) semaphore(%arg16 : memref<!tpu.dma_semaphore, #tpu.memory_space<semaphore_mem>>)
    %dma_start3A_21 = arith.constant 0 : i32
    %dma_start3A_22 = arith.constant 0 : i32
    %dma_start3A_23 = tpu.memref_slice %arg4[%dma_start3A_21, %dma_start3A_22] : memref<10016x16xf32, #tpu.memory_space<hbm>> -> memref<10016x16xf32, #tpu.memory_space<hbm>>
    tpu.enqueue_indirect_dma source(%dma_start3A_23 : memref<10016x16xf32, #tpu.memory_space<hbm>>) target(%arg9 : memref<120x16xf32, #tpu.memory_space<vmem>>) offsets(%arg8 : memref<120xi32, #tpu.memory_space<vmem>>) semaphore(%arg16 : memref<!tpu.dma_semaphore, #tpu.memory_space<semaphore_mem>>)
    %scan3A_24 = arith.constant 0 : i32
    %scan3A_25 = arith.constant 42 : i32
    %scan3A_26 = arith.addi %scan3A_24, %scan3A_25 : i32
    %scan3A_27 = arith.constant 1 : i32
    scf.for %scan3A_35 = %scan3A_24 to %scan3A_26 step %scan3A_27  : i32 {
      %mul3A_36 = arith.constant 1 : i32
      %mul3A_37 = arith.muli %scan3A_35, %mul3A_36 : i32
      %add3A_38 = arith.constant 0 : i32
      %add3A_39 = arith.addi %add3A_38, %mul3A_37 : i32
      %mul3A_40 = arith.constant 240 : i32
      %mul3A_41 = arith.muli %add3A_39, %mul3A_40 : i32
      %add3A_42 = arith.addi %mul3A_18, %mul3A_41 : i32
      %add3A_43 = arith.constant 120 : i32
      %add3A_44 = arith.addi %add3A_42, %add3A_43 : i32
      "tpu.region"() ({
        %run_scoped3A = tpu.sem_alloc : memref<!tpu.dma_semaphore, #tpu.memory_space<semaphore_mem>>
        %dma_start3A_93 = tpu.memref_slice %arg2[%add3A_44] : memref<322680xi32, #tpu.memory_space<hbm>> -> memref<120xi32, #tpu.memory_space<hbm>>
        %dma_start3A_94 = tpu.memref_slice %arg2[%add3A_44] : memref<322680xi32, #tpu.memory_space<hbm>> -> memref<120xi32, #tpu.memory_space<hbm>>
        tpu.enqueue_dma source(%dma_start3A_94 : memref<120xi32, #tpu.memory_space<hbm>>) target(%arg11 : memref<120xi32, #tpu.memory_space<vmem>>) target_semaphore(%run_scoped3A : memref<!tpu.dma_semaphore, #tpu.memory_space<semaphore_mem>>)
        %dma_wait3A_95 = tpu.memref_slice %arg2[%add3A_44] : memref<322680xi32, #tpu.memory_space<hbm>> -> memref<120xi32, #tpu.memory_space<hbm>>
        %dma_wait3A_96 = tpu.memref_slice %arg2[%add3A_44] : memref<322680xi32, #tpu.memory_space<hbm>> -> memref<120xi32, #tpu.memory_space<hbm>>
        tpu.wait_dma2 semaphore(%run_scoped3A : memref<!tpu.dma_semaphore, #tpu.memory_space<semaphore_mem>>) src(%dma_wait3A_96 : memref<120xi32, #tpu.memory_space<hbm>>) dst(%arg11 : memref<120xi32, #tpu.memory_space<vmem>>)
        tpu.yield
      }) : () -> ()
      "tpu.region"() ({
        %run_scoped3A = tpu.sem_alloc : memref<!tpu.dma_semaphore, #tpu.memory_space<semaphore_mem>>
        %dma_start3A_93 = tpu.memref_slice %arg3[%add3A_44] : memref<322680xi32, #tpu.memory_space<hbm>> -> memref<120xi32, #tpu.memory_space<hbm>>
        %dma_start3A_94 = tpu.memref_slice %arg3[%add3A_44] : memref<322680xi32, #tpu.memory_space<hbm>> -> memref<120xi32, #tpu.memory_space<hbm>>
        tpu.enqueue_dma source(%dma_start3A_94 : memref<120xi32, #tpu.memory_space<hbm>>) target(%arg12 : memref<120xi32, #tpu.memory_space<vmem>>) target_semaphore(%run_scoped3A : memref<!tpu.dma_semaphore, #tpu.memory_space<semaphore_mem>>)
        %dma_wait3A_95 = tpu.memref_slice %arg3[%add3A_44] : memref<322680xi32, #tpu.memory_space<hbm>> -> memref<120xi32, #tpu.memory_space<hbm>>
        %dma_wait3A_96 = tpu.memref_slice %arg3[%add3A_44] : memref<322680xi32, #tpu.memory_space<hbm>> -> memref<120xi32, #tpu.memory_space<hbm>>
        tpu.wait_dma2 semaphore(%run_scoped3A : memref<!tpu.dma_semaphore, #tpu.memory_space<semaphore_mem>>) src(%dma_wait3A_96 : memref<120xi32, #tpu.memory_space<hbm>>) dst(%arg12 : memref<120xi32, #tpu.memory_space<vmem>>)
        tpu.yield
      }) : () -> ()
      %dma_start3A_45 = arith.constant 0 : i32
      %dma_start3A_46 = arith.constant 0 : i32
      %dma_start3A_47 = tpu.memref_slice %arg5[%dma_start3A_45, %dma_start3A_46] : memref<10016x144xf32, #tpu.memory_space<hbm>> -> memref<10016x144xf32, #tpu.memory_space<hbm>>
      tpu.enqueue_indirect_dma source(%dma_start3A_47 : memref<10016x144xf32, #tpu.memory_space<hbm>>) target(%arg14 : memref<120x144xf32, #tpu.memory_space<vmem>>) offsets(%arg11 : memref<120xi32, #tpu.memory_space<vmem>>) semaphore(%arg17 : memref<!tpu.dma_semaphore, #tpu.memory_space<semaphore_mem>>)
      %dma_start3A_48 = arith.constant 0 : i32
      %dma_start3A_49 = arith.constant 0 : i32
      %dma_start3A_50 = tpu.memref_slice %arg4[%dma_start3A_48, %dma_start3A_49] : memref<10016x16xf32, #tpu.memory_space<hbm>> -> memref<10016x16xf32, #tpu.memory_space<hbm>>
      tpu.enqueue_indirect_dma source(%dma_start3A_50 : memref<10016x16xf32, #tpu.memory_space<hbm>>) target(%arg13 : memref<120x16xf32, #tpu.memory_space<vmem>>) offsets(%arg12 : memref<120xi32, #tpu.memory_space<vmem>>) semaphore(%arg17 : memref<!tpu.dma_semaphore, #tpu.memory_space<semaphore_mem>>)
      %dma_wait3A_51 = arith.constant 0 : i32
      %dma_wait3A_52 = arith.constant 0 : i32
      %dma_wait3A_53 = tpu.memref_slice %arg5[%dma_wait3A_51, %dma_wait3A_52] : memref<10016x144xf32, #tpu.memory_space<hbm>> -> memref<10016x144xf32, #tpu.memory_space<hbm>>
      tpu.wait_indirect_dma semaphore(%arg16 : memref<!tpu.dma_semaphore, #tpu.memory_space<semaphore_mem>>) src(%dma_wait3A_53 : memref<10016x144xf32, #tpu.memory_space<hbm>>) dst(%arg10 : memref<120x144xf32, #tpu.memory_space<vmem>>)
      %dma_wait3A_54 = arith.constant 0 : i32
      %dma_wait3A_55 = arith.constant 0 : i32
      %dma_wait3A_56 = tpu.memref_slice %arg4[%dma_wait3A_54, %dma_wait3A_55] : memref<10016x16xf32, #tpu.memory_space<hbm>> -> memref<10016x16xf32, #tpu.memory_space<hbm>>
      tpu.wait_indirect_dma semaphore(%arg16 : memref<!tpu.dma_semaphore, #tpu.memory_space<semaphore_mem>>) src(%dma_wait3A_56 : memref<10016x16xf32, #tpu.memory_space<hbm>>) dst(%arg9 : memref<120x16xf32, #tpu.memory_space<vmem>>)
      %scan3A_57 = arith.constant 0 : i32
      %scan3A_58 = arith.constant 120 : i32
      %scan3A_59 = arith.addi %scan3A_57, %scan3A_58 : i32
      %scan3A_60 = arith.constant 1 : i32
      scf.for %scan3A_93 = %scan3A_57 to %scan3A_59 step %scan3A_60  : i32 {
        %mul3A_94 = arith.constant 1 : i32
        %mul3A_95 = arith.muli %scan3A_93, %mul3A_94 : i32
        %add3A_96 = arith.constant 0 : i32
        %add3A_97 = arith.addi %add3A_96, %mul3A_95 : i32
        %get3A = arith.index_cast %add3A_97 : i32 to index
        %get3A_98 = arith.constant 128 : index
        %get3A_99 = tpu.vector_load %arg10[%get3A, %get3A_98] {strides = array<i32>} : memref<120x144xf32, #tpu.memory_space<vmem>>, vector<1x16xf32>,
        %get3A_100 = vector.shape_cast %get3A_99 : vector<1x16xf32> to vector<16xf32>
        %get3A_101 = arith.index_cast %add3A_97 : i32 to index
        %get3A_102 = arith.constant 0 : index
        %get3A_103 = tpu.vector_load %arg9[%get3A_101, %get3A_102] {strides = array<i32>} : memref<120x16xf32, #tpu.memory_space<vmem>>, vector<1x16xf32>,
        %get3A_104 = vector.shape_cast %get3A_103 : vector<1x16xf32> to vector<16xf32>
        %add3A_105 = arith.addf %get3A_100, %get3A_104 : vector<16xf32>
        %ge3A = arith.constant 0.000000e+00 : f32
        %ge3A_106 = vector.broadcast %ge3A : f32 to vector<16xf32>
        %ge3A_107 = arith.cmpf oge, %add3A_105, %ge3A_106 : vector<16xf32>
        %mul3A_108 = arith.constant 2.000000e-01 : f32
        %mul3A_109 = vector.broadcast %mul3A_108 : f32 to vector<16xf32>
        %mul3A_110 = arith.mulf %mul3A_109, %add3A_105 : vector<16xf32>
        %select_n3A = arith.select %ge3A_107, %add3A_105, %mul3A_110 : vector<16xi1>, vector<16xf32>
        %exp3A = math.exp %select_n3A : vector<16xf32>
        %slice3A = vector.extract_strided_slice %exp3A {offsets = [0], sizes = [1], strides = [1]} : vector<16xf32> to vector<1xf32>
        %squeeze3A = vector.extract %slice3A[0] : f32 from vector<1xf32>
        %get3A_111 = arith.index_cast %add3A_97 : i32 to index
        %get3A_112 = arith.constant 0 : index
        %get3A_113 = tpu.vector_load %arg10[%get3A_111, %get3A_112] {strides = array<i32>} : memref<120x144xf32, #tpu.memory_space<vmem>>, vector<1x16xf32>,
        %get3A_114 = vector.shape_cast %get3A_113 : vector<1x16xf32> to vector<16xf32>
        %mul3A_115 = vector.broadcast %squeeze3A : f32 to vector<16xf32>
        %mul3A_116 = arith.mulf %mul3A_115, %get3A_114 : vector<16xf32>
        %swap3A = arith.index_cast %add3A_97 : i32 to index
        %swap3A_117 = arith.constant 0 : index
        %swap3A_118 = tpu.vector_load %arg10[%swap3A, %swap3A_117] {strides = array<i32>} : memref<120x144xf32, #tpu.memory_space<vmem>>, vector<1x16xf32>,
        %swap3A_119 = vector.shape_cast %swap3A_118 : vector<1x16xf32> to vector<16xf32>
        %swap3A_120 = vector.shape_cast %mul3A_116 : vector<16xf32> to vector<1x16xf32>
        tpu.vector_store %arg10[%swap3A, %swap3A_117], %swap3A_120 {strides = array<i32>} : memref<120x144xf32, #tpu.memory_space<vmem>>, vector<1x16xf32>,
        %slice3A_121 = vector.extract_strided_slice %exp3A {offsets = [1], sizes = [1], strides = [1]} : vector<16xf32> to vector<1xf32>
        %squeeze3A_122 = vector.extract %slice3A_121[0] : f32 from vector<1xf32>
        %get3A_123 = arith.index_cast %add3A_97 : i32 to index
        %get3A_124 = arith.constant 16 : index
        %get3A_125 = tpu.vector_load %arg10[%get3A_123, %get3A_124] {strides = array<i32>} : memref<120x144xf32, #tpu.memory_space<vmem>>, vector<1x16xf32>,
        %get3A_126 = vector.shape_cast %get3A_125 : vector<1x16xf32> to vector<16xf32>
        %mul3A_127 = vector.broadcast %squeeze3A_122 : f32 to vector<16xf32>
        %mul3A_128 = arith.mulf %mul3A_127, %get3A_126 : vector<16xf32>
        %swap3A_129 = arith.index_cast %add3A_97 : i32 to index
        %swap3A_130 = arith.constant 16 : index
        %swap3A_131 = tpu.vector_load %arg10[%swap3A_129, %swap3A_130] {strides = array<i32>} : memref<120x144xf32, #tpu.memory_space<vmem>>, vector<1x16xf32>,
        %swap3A_132 = vector.shape_cast %swap3A_131 : vector<1x16xf32> to vector<16xf32>
        %swap3A_133 = vector.shape_cast %mul3A_128 : vector<16xf32> to vector<1x16xf32>
        tpu.vector_store %arg10[%swap3A_129, %swap3A_130], %swap3A_133 {strides = array<i32>} : memref<120x144xf32, #tpu.memory_space<vmem>>, vector<1x16xf32>,
        %slice3A_134 = vector.extract_strided_slice %exp3A {offsets = [2], sizes = [1], strides = [1]} : vector<16xf32> to vector<1xf32>
        %squeeze3A_135 = vector.extract %slice3A_134[0] : f32 from vector<1xf32>
        %get3A_136 = arith.index_cast %add3A_97 : i32 to index
        %get3A_137 = arith.constant 32 : index
        %get3A_138 = tpu.vector_load %arg10[%get3A_136, %get3A_137] {strides = array<i32>} : memref<120x144xf32, #tpu.memory_space<vmem>>, vector<1x16xf32>,
        %get3A_139 = vector.shape_cast %get3A_138 : vector<1x16xf32> to vector<16xf32>
        %mul3A_140 = vector.broadcast %squeeze3A_135 : f32 to vector<16xf32>
        %mul3A_141 = arith.mulf %mul3A_140, %get3A_139 : vector<16xf32>
        %swap3A_142 = arith.index_cast %add3A_97 : i32 to index
        %swap3A_143 = arith.constant 32 : index
        %swap3A_144 = tpu.vector_load %arg10[%swap3A_142, %swap3A_143] {strides = array<i32>} : memref<120x144xf32, #tpu.memory_space<vmem>>, vector<1x16xf32>,
        %swap3A_145 = vector.shape_cast %swap3A_144 : vector<1x16xf32> to vector<16xf32>
        %swap3A_146 = vector.shape_cast %mul3A_141 : vector<16xf32> to vector<1x16xf32>
        tpu.vector_store %arg10[%swap3A_142, %swap3A_143], %swap3A_146 {strides = array<i32>} : memref<120x144xf32, #tpu.memory_space<vmem>>, vector<1x16xf32>,
        %slice3A_147 = vector.extract_strided_slice %exp3A {offsets = [3], sizes = [1], strides = [1]} : vector<16xf32> to vector<1xf32>
        %squeeze3A_148 = vector.extract %slice3A_147[0] : f32 from vector<1xf32>
        %get3A_149 = arith.index_cast %add3A_97 : i32 to index
        %get3A_150 = arith.constant 48 : index
        %get3A_151 = tpu.vector_load %arg10[%get3A_149, %get3A_150] {strides = array<i32>} : memref<120x144xf32, #tpu.memory_space<vmem>>, vector<1x16xf32>,
        %get3A_152 = vector.shape_cast %get3A_151 : vector<1x16xf32> to vector<16xf32>
        %mul3A_153 = vector.broadcast %squeeze3A_148 : f32 to vector<16xf32>
        %mul3A_154 = arith.mulf %mul3A_153, %get3A_152 : vector<16xf32>
        %swap3A_155 = arith.index_cast %add3A_97 : i32 to index
        %swap3A_156 = arith.constant 48 : index
        %swap3A_157 = tpu.vector_load %arg10[%swap3A_155, %swap3A_156] {strides = array<i32>} : memref<120x144xf32, #tpu.memory_space<vmem>>, vector<1x16xf32>,
        %swap3A_158 = vector.shape_cast %swap3A_157 : vector<1x16xf32> to vector<16xf32>
        %swap3A_159 = vector.shape_cast %mul3A_154 : vector<16xf32> to vector<1x16xf32>
        tpu.vector_store %arg10[%swap3A_155, %swap3A_156], %swap3A_159 {strides = array<i32>} : memref<120x144xf32, #tpu.memory_space<vmem>>, vector<1x16xf32>,
        %slice3A_160 = vector.extract_strided_slice %exp3A {offsets = [4], sizes = [1], strides = [1]} : vector<16xf32> to vector<1xf32>
        %squeeze3A_161 = vector.extract %slice3A_160[0] : f32 from vector<1xf32>
        %get3A_162 = arith.index_cast %add3A_97 : i32 to index
        %get3A_163 = arith.constant 64 : index
        %get3A_164 = tpu.vector_load %arg10[%get3A_162, %get3A_163] {strides = array<i32>} : memref<120x144xf32, #tpu.memory_space<vmem>>, vector<1x16xf32>,
        %get3A_165 = vector.shape_cast %get3A_164 : vector<1x16xf32> to vector<16xf32>
        %mul3A_166 = vector.broadcast %squeeze3A_161 : f32 to vector<16xf32>
        %mul3A_167 = arith.mulf %mul3A_166, %get3A_165 : vector<16xf32>
        %swap3A_168 = arith.index_cast %add3A_97 : i32 to index
        %swap3A_169 = arith.constant 64 : index
        %swap3A_170 = tpu.vector_load %arg10[%swap3A_168, %swap3A_169] {strides = array<i32>} : memref<120x144xf32, #tpu.memory_space<vmem>>, vector<1x16xf32>,
        %swap3A_171 = vector.shape_cast %swap3A_170 : vector<1x16xf32> to vector<16xf32>
        %swap3A_172 = vector.shape_cast %mul3A_167 : vector<16xf32> to vector<1x16xf32>
        tpu.vector_store %arg10[%swap3A_168, %swap3A_169], %swap3A_172 {strides = array<i32>} : memref<120x144xf32, #tpu.memory_space<vmem>>, vector<1x16xf32>,
        %slice3A_173 = vector.extract_strided_slice %exp3A {offsets = [5], sizes = [1], strides = [1]} : vector<16xf32> to vector<1xf32>
        %squeeze3A_174 = vector.extract %slice3A_173[0] : f32 from vector<1xf32>
        %get3A_175 = arith.index_cast %add3A_97 : i32 to index
        %get3A_176 = arith.constant 80 : index
        %get3A_177 = tpu.vector_load %arg10[%get3A_175, %get3A_176] {strides = array<i32>} : memref<120x144xf32, #tpu.memory_space<vmem>>, vector<1x16xf32>,
        %get3A_178 = vector.shape_cast %get3A_177 : vector<1x16xf32> to vector<16xf32>
        %mul3A_179 = vector.broadcast %squeeze3A_174 : f32 to vector<16xf32>
        %mul3A_180 = arith.mulf %mul3A_179, %get3A_178 : vector<16xf32>
        %swap3A_181 = arith.index_cast %add3A_97 : i32 to index
        %swap3A_182 = arith.constant 80 : index
        %swap3A_183 = tpu.vector_load %arg10[%swap3A_181, %swap3A_182] {strides = array<i32>} : memref<120x144xf32, #tpu.memory_space<vmem>>, vector<1x16xf32>,
        %swap3A_184 = vector.shape_cast %swap3A_183 : vector<1x16xf32> to vector<16xf32>
        %swap3A_185 = vector.shape_cast %mul3A_180 : vector<16xf32> to vector<1x16xf32>
        tpu.vector_store %arg10[%swap3A_181, %swap3A_182], %swap3A_185 {strides = array<i32>} : memref<120x144xf32, #tpu.memory_space<vmem>>, vector<1x16xf32>,
        %slice3A_186 = vector.extract_strided_slice %exp3A {offsets = [6], sizes = [1], strides = [1]} : vector<16xf32> to vector<1xf32>
        %squeeze3A_187 = vector.extract %slice3A_186[0] : f32 from vector<1xf32>
        %get3A_188 = arith.index_cast %add3A_97 : i32 to index
        %get3A_189 = arith.constant 96 : index
        %get3A_190 = tpu.vector_load %arg10[%get3A_188, %get3A_189] {strides = array<i32>} : memref<120x144xf32, #tpu.memory_space<vmem>>, vector<1x16xf32>,
        %get3A_191 = vector.shape_cast %get3A_190 : vector<1x16xf32> to vector<16xf32>
        %mul3A_192 = vector.broadcast %squeeze3A_187 : f32 to vector<16xf32>
        %mul3A_193 = arith.mulf %mul3A_192, %get3A_191 : vector<16xf32>
        %swap3A_194 = arith.index_cast %add3A_97 : i32 to index
        %swap3A_195 = arith.constant 96 : index
        %swap3A_196 = tpu.vector_load %arg10[%swap3A_194, %swap3A_195] {strides = array<i32>} : memref<120x144xf32, #tpu.memory_space<vmem>>, vector<1x16xf32>,
        %swap3A_197 = vector.shape_cast %swap3A_196 : vector<1x16xf32> to vector<16xf32>
        %swap3A_198 = vector.shape_cast %mul3A_193 : vector<16xf32> to vector<1x16xf32>
        tpu.vector_store %arg10[%swap3A_194, %swap3A_195], %swap3A_198 {strides = array<i32>} : memref<120x144xf32, #tpu.memory_space<vmem>>, vector<1x16xf32>,
        %slice3A_199 = vector.extract_strided_slice %exp3A {offsets = [7], sizes = [1], strides = [1]} : vector<16xf32> to vector<1xf32>
        %squeeze3A_200 = vector.extract %slice3A_199[0] : f32 from vector<1xf32>
        %get3A_201 = arith.index_cast %add3A_97 : i32 to index
        %get3A_202 = arith.constant 112 : index
        %get3A_203 = tpu.vector_load %arg10[%get3A_201, %get3A_202] {strides = array<i32>} : memref<120x144xf32, #tpu.memory_space<vmem>>, vector<1x16xf32>,
        %get3A_204 = vector.shape_cast %get3A_203 : vector<1x16xf32> to vector<16xf32>
        %mul3A_205 = vector.broadcast %squeeze3A_200 : f32 to vector<16xf32>
        %mul3A_206 = arith.mulf %mul3A_205, %get3A_204 : vector<16xf32>
        %swap3A_207 = arith.index_cast %add3A_97 : i32 to index
        %swap3A_208 = arith.constant 112 : index
        %swap3A_209 = tpu.vector_load %arg10[%swap3A_207, %swap3A_208] {strides = array<i32>} : memref<120x144xf32, #tpu.memory_space<vmem>>, vector<1x16xf32>,
        %swap3A_210 = vector.shape_cast %swap3A_209 : vector<1x16xf32> to vector<16xf32>
        %swap3A_211 = vector.shape_cast %mul3A_206 : vector<16xf32> to vector<1x16xf32>
        tpu.vector_store %arg10[%swap3A_207, %swap3A_208], %swap3A_211 {strides = array<i32>} : memref<120x144xf32, #tpu.memory_space<vmem>>, vector<1x16xf32>,
        %swap3A_212 = arith.index_cast %add3A_97 : i32 to index
        %swap3A_213 = arith.constant 128 : index
        %swap3A_214 = tpu.vector_load %arg10[%swap3A_212, %swap3A_213] {strides = array<i32>} : memref<120x144xf32, #tpu.memory_space<vmem>>, vector<1x16xf32>,
        %swap3A_215 = vector.shape_cast %swap3A_214 : vector<1x16xf32> to vector<16xf32>
        %swap3A_216 = vector.shape_cast %exp3A : vector<16xf32> to vector<1x16xf32>
        tpu.vector_store %arg10[%swap3A_212, %swap3A_213], %swap3A_216 {strides = array<i32>} : memref<120x144xf32, #tpu.memory_space<vmem>>, vector<1x16xf32>,
      }
      %scan3A_61 = arith.constant 120 : i32
      %dma_start3A_62 = arith.constant 0 : i32
      %dma_start3A_63 = arith.constant 0 : i32
      %dma_start3A_64 = tpu.memref_slice %arg15[%dma_start3A_62, %dma_start3A_63] : memref<10016x144xf32, #tpu.memory_space<vmem_shared>> -> memref<10016x144xf32, #tpu.memory_space<vmem_shared>>
      tpu.enqueue_indirect_dma source(%arg10 : memref<120x144xf32, #tpu.memory_space<vmem>>) target(%dma_start3A_64 : memref<10016x144xf32, #tpu.memory_space<vmem_shared>>) offsets(%arg8 : memref<120xi32, #tpu.memory_space<vmem>>) semaphore(%arg18 : memref<!tpu.dma_semaphore, #tpu.memory_space<semaphore_mem>>) {add = true}
      %dma_wait3A_65 = arith.constant 0 : i32
      %dma_wait3A_66 = arith.constant 0 : i32
      %dma_wait3A_67 = tpu.memref_slice %arg15[%dma_wait3A_65, %dma_wait3A_66] : memref<10016x144xf32, #tpu.memory_space<vmem_shared>> -> memref<10016x144xf32, #tpu.memory_space<vmem_shared>>
      tpu.wait_indirect_dma semaphore(%arg18 : memref<!tpu.dma_semaphore, #tpu.memory_space<semaphore_mem>>) src(%arg10 : memref<120x144xf32, #tpu.memory_space<vmem>>) dst(%dma_wait3A_67 : memref<10016x144xf32, #tpu.memory_space<vmem_shared>>)
      %add3A_68 = arith.constant 240 : i32
      %add3A_69 = arith.addi %add3A_42, %add3A_68 : i32
      "tpu.region"() ({
        %run_scoped3A = tpu.sem_alloc : memref<!tpu.dma_semaphore, #tpu.memory_space<semaphore_mem>>
        %dma_start3A_93 = tpu.memref_slice %arg2[%add3A_69] : memref<322680xi32, #tpu.memory_space<hbm>> -> memref<120xi32, #tpu.memory_space<hbm>>
        %dma_start3A_94 = tpu.memref_slice %arg2[%add3A_69] : memref<322680xi32, #tpu.memory_space<hbm>> -> memref<120xi32, #tpu.memory_space<hbm>>
        tpu.enqueue_dma source(%dma_start3A_94 : memref<120xi32, #tpu.memory_space<hbm>>) target(%arg7 : memref<120xi32, #tpu.memory_space<vmem>>) target_semaphore(%run_scoped3A : memref<!tpu.dma_semaphore, #tpu.memory_space<semaphore_mem>>)
        %dma_wait3A_95 = tpu.memref_slice %arg2[%add3A_69] : memref<322680xi32, #tpu.memory_space<hbm>> -> memref<120xi32, #tpu.memory_space<hbm>>
        %dma_wait3A_96 = tpu.memref_slice %arg2[%add3A_69] : memref<322680xi32, #tpu.memory_space<hbm>> -> memref<120xi32, #tpu.memory_space<hbm>>
        tpu.wait_dma2 semaphore(%run_scoped3A : memref<!tpu.dma_semaphore, #tpu.memory_space<semaphore_mem>>) src(%dma_wait3A_96 : memref<120xi32, #tpu.memory_space<hbm>>) dst(%arg7 : memref<120xi32, #tpu.memory_space<vmem>>)
        tpu.yield
      }) : () -> ()
      "tpu.region"() ({
        %run_scoped3A = tpu.sem_alloc : memref<!tpu.dma_semaphore, #tpu.memory_space<semaphore_mem>>
        %dma_start3A_93 = tpu.memref_slice %arg3[%add3A_69] : memref<322680xi32, #tpu.memory_space<hbm>> -> memref<120xi32, #tpu.memory_space<hbm>>
        %dma_start3A_94 = tpu.memref_slice %arg3[%add3A_69] : memref<322680xi32, #tpu.memory_space<hbm>> -> memref<120xi32, #tpu.memory_space<hbm>>
        tpu.enqueue_dma source(%dma_start3A_94 : memref<120xi32, #tpu.memory_space<hbm>>) target(%arg8 : memref<120xi32, #tpu.memory_space<vmem>>) target_semaphore(%run_scoped3A : memref<!tpu.dma_semaphore, #tpu.memory_space<semaphore_mem>>)
        %dma_wait3A_95 = tpu.memref_slice %arg3[%add3A_69] : memref<322680xi32, #tpu.memory_space<hbm>> -> memref<120xi32, #tpu.memory_space<hbm>>
        %dma_wait3A_96 = tpu.memref_slice %arg3[%add3A_69] : memref<322680xi32, #tpu.memory_space<hbm>> -> memref<120xi32, #tpu.memory_space<hbm>>
        tpu.wait_dma2 semaphore(%run_scoped3A : memref<!tpu.dma_semaphore, #tpu.memory_space<semaphore_mem>>) src(%dma_wait3A_96 : memref<120xi32, #tpu.memory_space<hbm>>) dst(%arg8 : memref<120xi32, #tpu.memory_space<vmem>>)
        tpu.yield
      }) : () -> ()
      %dma_start3A_70 = arith.constant 0 : i32
      %dma_start3A_71 = arith.constant 0 : i32
      %dma_start3A_72 = tpu.memref_slice %arg5[%dma_start3A_70, %dma_start3A_71] : memref<10016x144xf32, #tpu.memory_space<hbm>> -> memref<10016x144xf32, #tpu.memory_space<hbm>>
      tpu.enqueue_indirect_dma source(%dma_start3A_72 : memref<10016x144xf32, #tpu.memory_space<hbm>>) target(%arg10 : memref<120x144xf32, #tpu.memory_space<vmem>>) offsets(%arg7 : memref<120xi32, #tpu.memory_space<vmem>>) semaphore(%arg16 : memref<!tpu.dma_semaphore, #tpu.memory_space<semaphore_mem>>)
      %dma_start3A_73 = arith.constant 0 : i32
      %dma_start3A_74 = arith.constant 0 : i32
      %dma_start3A_75 = tpu.memref_slice %arg4[%dma_start3A_73, %dma_start3A_74] : memref<10016x16xf32, #tpu.memory_space<hbm>> -> memref<10016x16xf32, #tpu.memory_space<hbm>>
      tpu.enqueue_indirect_dma source(%dma_start3A_75 : memref<10016x16xf32, #tpu.memory_space<hbm>>) target(%arg9 : memref<120x16xf32, #tpu.memory_space<vmem>>) offsets(%arg8 : memref<120xi32, #tpu.memory_space<vmem>>) semaphore(%arg16 : memref<!tpu.dma_semaphore, #tpu.memory_space<semaphore_mem>>)
      %dma_wait3A_76 = arith.constant 0 : i32
      %dma_wait3A_77 = arith.constant 0 : i32
      %dma_wait3A_78 = tpu.memref_slice %arg5[%dma_wait3A_76, %dma_wait3A_77] : memref<10016x144xf32, #tpu.memory_space<hbm>> -> memref<10016x144xf32, #tpu.memory_space<hbm>>
      tpu.wait_indirect_dma semaphore(%arg17 : memref<!tpu.dma_semaphore, #tpu.memory_space<semaphore_mem>>) src(%dma_wait3A_78 : memref<10016x144xf32, #tpu.memory_space<hbm>>) dst(%arg14 : memref<120x144xf32, #tpu.memory_space<vmem>>)
      %dma_wait3A_79 = arith.constant 0 : i32
      %dma_wait3A_80 = arith.constant 0 : i32
      %dma_wait3A_81 = tpu.memref_slice %arg4[%dma_wait3A_79, %dma_wait3A_80] : memref<10016x16xf32, #tpu.memory_space<hbm>> -> memref<10016x16xf32, #tpu.memory_space<hbm>>
      tpu.wait_indirect_dma semaphore(%arg17 : memref<!tpu.dma_semaphore, #tpu.memory_space<semaphore_mem>>) src(%dma_wait3A_81 : memref<10016x16xf32, #tpu.memory_space<hbm>>) dst(%arg13 : memref<120x16xf32, #tpu.memory_space<vmem>>)
      %scan3A_82 = arith.constant 0 : i32
      %scan3A_83 = arith.constant 120 : i32
      %scan3A_84 = arith.addi %scan3A_82, %scan3A_83 : i32
      %scan3A_85 = arith.constant 1 : i32
      scf.for %scan3A_93 = %scan3A_82 to %scan3A_84 step %scan3A_85  : i32 {
        %mul3A_94 = arith.constant 1 : i32
        %mul3A_95 = arith.muli %scan3A_93, %mul3A_94 : i32
        %add3A_96 = arith.constant 0 : i32
        %add3A_97 = arith.addi %add3A_96, %mul3A_95 : i32
        %get3A = arith.index_cast %add3A_97 : i32 to index
        %get3A_98 = arith.constant 128 : index
        %get3A_99 = tpu.vector_load %arg14[%get3A, %get3A_98] {strides = array<i32>} : memref<120x144xf32, #tpu.memory_space<vmem>>, vector<1x16xf32>,
        %get3A_100 = vector.shape_cast %get3A_99 : vector<1x16xf32> to vector<16xf32>
        %get3A_101 = arith.index_cast %add3A_97 : i32 to index
        %get3A_102 = arith.constant 0 : index
        %get3A_103 = tpu.vector_load %arg13[%get3A_101, %get3A_102] {strides = array<i32>} : memref<120x16xf32, #tpu.memory_space<vmem>>, vector<1x16xf32>,
        %get3A_104 = vector.shape_cast %get3A_103 : vector<1x16xf32> to vector<16xf32>
        %add3A_105 = arith.addf %get3A_100, %get3A_104 : vector<16xf32>
        %ge3A = arith.constant 0.000000e+00 : f32
        %ge3A_106 = vector.broadcast %ge3A : f32 to vector<16xf32>
        %ge3A_107 = arith.cmpf oge, %add3A_105, %ge3A_106 : vector<16xf32>
        %mul3A_108 = arith.constant 2.000000e-01 : f32
        %mul3A_109 = vector.broadcast %mul3A_108 : f32 to vector<16xf32>
        %mul3A_110 = arith.mulf %mul3A_109, %add3A_105 : vector<16xf32>
        %select_n3A = arith.select %ge3A_107, %add3A_105, %mul3A_110 : vector<16xi1>, vector<16xf32>
        %exp3A = math.exp %select_n3A : vector<16xf32>
        %slice3A = vector.extract_strided_slice %exp3A {offsets = [0], sizes = [1], strides = [1]} : vector<16xf32> to vector<1xf32>
        %squeeze3A = vector.extract %slice3A[0] : f32 from vector<1xf32>
        %get3A_111 = arith.index_cast %add3A_97 : i32 to index
        %get3A_112 = arith.constant 0 : index
        %get3A_113 = tpu.vector_load %arg14[%get3A_111, %get3A_112] {strides = array<i32>} : memref<120x144xf32, #tpu.memory_space<vmem>>, vector<1x16xf32>,
        %get3A_114 = vector.shape_cast %get3A_113 : vector<1x16xf32> to vector<16xf32>
        %mul3A_115 = vector.broadcast %squeeze3A : f32 to vector<16xf32>
        %mul3A_116 = arith.mulf %mul3A_115, %get3A_114 : vector<16xf32>
        %swap3A = arith.index_cast %add3A_97 : i32 to index
        %swap3A_117 = arith.constant 0 : index
        %swap3A_118 = tpu.vector_load %arg14[%swap3A, %swap3A_117] {strides = array<i32>} : memref<120x144xf32, #tpu.memory_space<vmem>>, vector<1x16xf32>,
        %swap3A_119 = vector.shape_cast %swap3A_118 : vector<1x16xf32> to vector<16xf32>
        %swap3A_120 = vector.shape_cast %mul3A_116 : vector<16xf32> to vector<1x16xf32>
        tpu.vector_store %arg14[%swap3A, %swap3A_117], %swap3A_120 {strides = array<i32>} : memref<120x144xf32, #tpu.memory_space<vmem>>, vector<1x16xf32>,
        %slice3A_121 = vector.extract_strided_slice %exp3A {offsets = [1], sizes = [1], strides = [1]} : vector<16xf32> to vector<1xf32>
        %squeeze3A_122 = vector.extract %slice3A_121[0] : f32 from vector<1xf32>
        %get3A_123 = arith.index_cast %add3A_97 : i32 to index
        %get3A_124 = arith.constant 16 : index
        %get3A_125 = tpu.vector_load %arg14[%get3A_123, %get3A_124] {strides = array<i32>} : memref<120x144xf32, #tpu.memory_space<vmem>>, vector<1x16xf32>,
        %get3A_126 = vector.shape_cast %get3A_125 : vector<1x16xf32> to vector<16xf32>
        %mul3A_127 = vector.broadcast %squeeze3A_122 : f32 to vector<16xf32>
        %mul3A_128 = arith.mulf %mul3A_127, %get3A_126 : vector<16xf32>
        %swap3A_129 = arith.index_cast %add3A_97 : i32 to index
        %swap3A_130 = arith.constant 16 : index
        %swap3A_131 = tpu.vector_load %arg14[%swap3A_129, %swap3A_130] {strides = array<i32>} : memref<120x144xf32, #tpu.memory_space<vmem>>, vector<1x16xf32>,
        %swap3A_132 = vector.shape_cast %swap3A_131 : vector<1x16xf32> to vector<16xf32>
        %swap3A_133 = vector.shape_cast %mul3A_128 : vector<16xf32> to vector<1x16xf32>
        tpu.vector_store %arg14[%swap3A_129, %swap3A_130], %swap3A_133 {strides = array<i32>} : memref<120x144xf32, #tpu.memory_space<vmem>>, vector<1x16xf32>,
        %slice3A_134 = vector.extract_strided_slice %exp3A {offsets = [2], sizes = [1], strides = [1]} : vector<16xf32> to vector<1xf32>
        %squeeze3A_135 = vector.extract %slice3A_134[0] : f32 from vector<1xf32>
        %get3A_136 = arith.index_cast %add3A_97 : i32 to index
        %get3A_137 = arith.constant 32 : index
        %get3A_138 = tpu.vector_load %arg14[%get3A_136, %get3A_137] {strides = array<i32>} : memref<120x144xf32, #tpu.memory_space<vmem>>, vector<1x16xf32>,
        %get3A_139 = vector.shape_cast %get3A_138 : vector<1x16xf32> to vector<16xf32>
        %mul3A_140 = vector.broadcast %squeeze3A_135 : f32 to vector<16xf32>
        %mul3A_141 = arith.mulf %mul3A_140, %get3A_139 : vector<16xf32>
        %swap3A_142 = arith.index_cast %add3A_97 : i32 to index
        %swap3A_143 = arith.constant 32 : index
        %swap3A_144 = tpu.vector_load %arg14[%swap3A_142, %swap3A_143] {strides = array<i32>} : memref<120x144xf32, #tpu.memory_space<vmem>>, vector<1x16xf32>,
        %swap3A_145 = vector.shape_cast %swap3A_144 : vector<1x16xf32> to vector<16xf32>
        %swap3A_146 = vector.shape_cast %mul3A_141 : vector<16xf32> to vector<1x16xf32>
        tpu.vector_store %arg14[%swap3A_142, %swap3A_143], %swap3A_146 {strides = array<i32>} : memref<120x144xf32, #tpu.memory_space<vmem>>, vector<1x16xf32>,
        %slice3A_147 = vector.extract_strided_slice %exp3A {offsets = [3], sizes = [1], strides = [1]} : vector<16xf32> to vector<1xf32>
        %squeeze3A_148 = vector.extract %slice3A_147[0] : f32 from vector<1xf32>
        %get3A_149 = arith.index_cast %add3A_97 : i32 to index
        %get3A_150 = arith.constant 48 : index
        %get3A_151 = tpu.vector_load %arg14[%get3A_149, %get3A_150] {strides = array<i32>} : memref<120x144xf32, #tpu.memory_space<vmem>>, vector<1x16xf32>,
        %get3A_152 = vector.shape_cast %get3A_151 : vector<1x16xf32> to vector<16xf32>
        %mul3A_153 = vector.broadcast %squeeze3A_148 : f32 to vector<16xf32>
        %mul3A_154 = arith.mulf %mul3A_153, %get3A_152 : vector<16xf32>
        %swap3A_155 = arith.index_cast %add3A_97 : i32 to index
        %swap3A_156 = arith.constant 48 : index
        %swap3A_157 = tpu.vector_load %arg14[%swap3A_155, %swap3A_156] {strides = array<i32>} : memref<120x144xf32, #tpu.memory_space<vmem>>, vector<1x16xf32>,
        %swap3A_158 = vector.shape_cast %swap3A_157 : vector<1x16xf32> to vector<16xf32>
        %swap3A_159 = vector.shape_cast %mul3A_154 : vector<16xf32> to vector<1x16xf32>
        tpu.vector_store %arg14[%swap3A_155, %swap3A_156], %swap3A_159 {strides = array<i32>} : memref<120x144xf32, #tpu.memory_space<vmem>>, vector<1x16xf32>,
        %slice3A_160 = vector.extract_strided_slice %exp3A {offsets = [4], sizes = [1], strides = [1]} : vector<16xf32> to vector<1xf32>
        %squeeze3A_161 = vector.extract %slice3A_160[0] : f32 from vector<1xf32>
        %get3A_162 = arith.index_cast %add3A_97 : i32 to index
        %get3A_163 = arith.constant 64 : index
        %get3A_164 = tpu.vector_load %arg14[%get3A_162, %get3A_163] {strides = array<i32>} : memref<120x144xf32, #tpu.memory_space<vmem>>, vector<1x16xf32>,
        %get3A_165 = vector.shape_cast %get3A_164 : vector<1x16xf32> to vector<16xf32>
        %mul3A_166 = vector.broadcast %squeeze3A_161 : f32 to vector<16xf32>
        %mul3A_167 = arith.mulf %mul3A_166, %get3A_165 : vector<16xf32>
        %swap3A_168 = arith.index_cast %add3A_97 : i32 to index
        %swap3A_169 = arith.constant 64 : index
        %swap3A_170 = tpu.vector_load %arg14[%swap3A_168, %swap3A_169] {strides = array<i32>} : memref<120x144xf32, #tpu.memory_space<vmem>>, vector<1x16xf32>,
        %swap3A_171 = vector.shape_cast %swap3A_170 : vector<1x16xf32> to vector<16xf32>
        %swap3A_172 = vector.shape_cast %mul3A_167 : vector<16xf32> to vector<1x16xf32>
        tpu.vector_store %arg14[%swap3A_168, %swap3A_169], %swap3A_172 {strides = array<i32>} : memref<120x144xf32, #tpu.memory_space<vmem>>, vector<1x16xf32>,
        %slice3A_173 = vector.extract_strided_slice %exp3A {offsets = [5], sizes = [1], strides = [1]} : vector<16xf32> to vector<1xf32>
        %squeeze3A_174 = vector.extract %slice3A_173[0] : f32 from vector<1xf32>
        %get3A_175 = arith.index_cast %add3A_97 : i32 to index
        %get3A_176 = arith.constant 80 : index
        %get3A_177 = tpu.vector_load %arg14[%get3A_175, %get3A_176] {strides = array<i32>} : memref<120x144xf32, #tpu.memory_space<vmem>>, vector<1x16xf32>,
        %get3A_178 = vector.shape_cast %get3A_177 : vector<1x16xf32> to vector<16xf32>
        %mul3A_179 = vector.broadcast %squeeze3A_174 : f32 to vector<16xf32>
        %mul3A_180 = arith.mulf %mul3A_179, %get3A_178 : vector<16xf32>
        %swap3A_181 = arith.index_cast %add3A_97 : i32 to index
        %swap3A_182 = arith.constant 80 : index
        %swap3A_183 = tpu.vector_load %arg14[%swap3A_181, %swap3A_182] {strides = array<i32>} : memref<120x144xf32, #tpu.memory_space<vmem>>, vector<1x16xf32>,
        %swap3A_184 = vector.shape_cast %swap3A_183 : vector<1x16xf32> to vector<16xf32>
        %swap3A_185 = vector.shape_cast %mul3A_180 : vector<16xf32> to vector<1x16xf32>
        tpu.vector_store %arg14[%swap3A_181, %swap3A_182], %swap3A_185 {strides = array<i32>} : memref<120x144xf32, #tpu.memory_space<vmem>>, vector<1x16xf32>,
        %slice3A_186 = vector.extract_strided_slice %exp3A {offsets = [6], sizes = [1], strides = [1]} : vector<16xf32> to vector<1xf32>
        %squeeze3A_187 = vector.extract %slice3A_186[0] : f32 from vector<1xf32>
        %get3A_188 = arith.index_cast %add3A_97 : i32 to index
        %get3A_189 = arith.constant 96 : index
        %get3A_190 = tpu.vector_load %arg14[%get3A_188, %get3A_189] {strides = array<i32>} : memref<120x144xf32, #tpu.memory_space<vmem>>, vector<1x16xf32>,
        %get3A_191 = vector.shape_cast %get3A_190 : vector<1x16xf32> to vector<16xf32>
        %mul3A_192 = vector.broadcast %squeeze3A_187 : f32 to vector<16xf32>
        %mul3A_193 = arith.mulf %mul3A_192, %get3A_191 : vector<16xf32>
        %swap3A_194 = arith.index_cast %add3A_97 : i32 to index
        %swap3A_195 = arith.constant 96 : index
        %swap3A_196 = tpu.vector_load %arg14[%swap3A_194, %swap3A_195] {strides = array<i32>} : memref<120x144xf32, #tpu.memory_space<vmem>>, vector<1x16xf32>,
        %swap3A_197 = vector.shape_cast %swap3A_196 : vector<1x16xf32> to vector<16xf32>
        %swap3A_198 = vector.shape_cast %mul3A_193 : vector<16xf32> to vector<1x16xf32>
        tpu.vector_store %arg14[%swap3A_194, %swap3A_195], %swap3A_198 {strides = array<i32>} : memref<120x144xf32, #tpu.memory_space<vmem>>, vector<1x16xf32>,
        %slice3A_199 = vector.extract_strided_slice %exp3A {offsets = [7], sizes = [1], strides = [1]} : vector<16xf32> to vector<1xf32>
        %squeeze3A_200 = vector.extract %slice3A_199[0] : f32 from vector<1xf32>
        %get3A_201 = arith.index_cast %add3A_97 : i32 to index
        %get3A_202 = arith.constant 112 : index
        %get3A_203 = tpu.vector_load %arg14[%get3A_201, %get3A_202] {strides = array<i32>} : memref<120x144xf32, #tpu.memory_space<vmem>>, vector<1x16xf32>,
        %get3A_204 = vector.shape_cast %get3A_203 : vector<1x16xf32> to vector<16xf32>
        %mul3A_205 = vector.broadcast %squeeze3A_200 : f32 to vector<16xf32>
        %mul3A_206 = arith.mulf %mul3A_205, %get3A_204 : vector<16xf32>
        %swap3A_207 = arith.index_cast %add3A_97 : i32 to index
        %swap3A_208 = arith.constant 112 : index
        %swap3A_209 = tpu.vector_load %arg14[%swap3A_207, %swap3A_208] {strides = array<i32>} : memref<120x144xf32, #tpu.memory_space<vmem>>, vector<1x16xf32>,
        %swap3A_210 = vector.shape_cast %swap3A_209 : vector<1x16xf32> to vector<16xf32>
        %swap3A_211 = vector.shape_cast %mul3A_206 : vector<16xf32> to vector<1x16xf32>
        tpu.vector_store %arg14[%swap3A_207, %swap3A_208], %swap3A_211 {strides = array<i32>} : memref<120x144xf32, #tpu.memory_space<vmem>>, vector<1x16xf32>,
        %swap3A_212 = arith.index_cast %add3A_97 : i32 to index
        %swap3A_213 = arith.constant 128 : index
        %swap3A_214 = tpu.vector_load %arg14[%swap3A_212, %swap3A_213] {strides = array<i32>} : memref<120x144xf32, #tpu.memory_space<vmem>>, vector<1x16xf32>,
        %swap3A_215 = vector.shape_cast %swap3A_214 : vector<1x16xf32> to vector<16xf32>
        %swap3A_216 = vector.shape_cast %exp3A : vector<16xf32> to vector<1x16xf32>
        tpu.vector_store %arg14[%swap3A_212, %swap3A_213], %swap3A_216 {strides = array<i32>} : memref<120x144xf32, #tpu.memory_space<vmem>>, vector<1x16xf32>,
      }
      %scan3A_86 = arith.constant 120 : i32
      %dma_start3A_87 = arith.constant 0 : i32
      %dma_start3A_88 = arith.constant 0 : i32
      %dma_start3A_89 = tpu.memref_slice %arg15[%dma_start3A_87, %dma_start3A_88] : memref<10016x144xf32, #tpu.memory_space<vmem_shared>> -> memref<10016x144xf32, #tpu.memory_space<vmem_shared>>
      tpu.enqueue_indirect_dma source(%arg14 : memref<120x144xf32, #tpu.memory_space<vmem>>) target(%dma_start3A_89 : memref<10016x144xf32, #tpu.memory_space<vmem_shared>>) offsets(%arg12 : memref<120xi32, #tpu.memory_space<vmem>>) semaphore(%arg18 : memref<!tpu.dma_semaphore, #tpu.memory_space<semaphore_mem>>) {add = true}
      %dma_wait3A_90 = arith.constant 0 : i32
      %dma_wait3A_91 = arith.constant 0 : i32
      %dma_wait3A_92 = tpu.memref_slice %arg15[%dma_wait3A_90, %dma_wait3A_91] : memref<10016x144xf32, #tpu.memory_space<vmem_shared>> -> memref<10016x144xf32, #tpu.memory_space<vmem_shared>>
      tpu.wait_indirect_dma semaphore(%arg18 : memref<!tpu.dma_semaphore, #tpu.memory_space<semaphore_mem>>) src(%arg14 : memref<120x144xf32, #tpu.memory_space<vmem>>) dst(%dma_wait3A_92 : memref<10016x144xf32, #tpu.memory_space<vmem_shared>>)
    }
    %scan3A_28 = arith.constant 42 : i32
    %dma_wait3A = arith.constant 0 : i32
    %dma_wait3A_29 = arith.constant 0 : i32
    %dma_wait3A_30 = tpu.memref_slice %arg5[%dma_wait3A, %dma_wait3A_29] : memref<10016x144xf32, #tpu.memory_space<hbm>> -> memref<10016x144xf32, #tpu.memory_space<hbm>>
    tpu.wait_indirect_dma semaphore(%arg16 : memref<!tpu.dma_semaphore, #tpu.memory_space<semaphore_mem>>) src(%dma_wait3A_30 : memref<10016x144xf32, #tpu.memory_space<hbm>>) dst(%arg10 : memref<120x144xf32, #tpu.memory_space<vmem>>)
    %dma_wait3A_31 = arith.constant 0 : i32
    %dma_wait3A_32 = arith.constant 0 : i32
    %dma_wait3A_33 = tpu.memref_slice %arg4[%dma_wait3A_31, %dma_wait3A_32] : memref<10016x16xf32, #tpu.memory_space<hbm>> -> memref<10016x16xf32, #tpu.memory_space<hbm>>
    tpu.wait_indirect_dma semaphore(%arg16 : memref<!tpu.dma_semaphore, #tpu.memory_space<semaphore_mem>>) src(%dma_wait3A_33 : memref<10016x16xf32, #tpu.memory_space<hbm>>) dst(%arg9 : memref<120x16xf32, #tpu.memory_space<vmem>>)
    %barrier3A_34 = arith.constant 0 : index
    tpu.barrier barrier_id(%barrier3A_34)
    "tpu.region"() ({
      %run_scoped3A = tpu.sem_alloc : memref<!tpu.dma_semaphore, #tpu.memory_space<semaphore_mem>>
      %dma_start3A_35 = arith.constant 0 : i32
      %dma_start3A_36 = tpu.memref_slice %arg6[%arg0, %mul3A_7, %dma_start3A_35] : memref<2x10016x144xf32, #tpu.memory_space<hbm>> -> memref<1x626x144xf32, #tpu.memory_space<hbm>>
      %dma_start3A_37 = tpu.memref_squeeze %dma_start3A_36 : memref<1x626x144xf32, #tpu.memory_space<hbm>> -> memref<626x144xf32, #tpu.memory_space<hbm>>
      %dma_start3A_38 = arith.constant 0 : i32
      %dma_start3A_39 = tpu.memref_slice %arg15[%mul3A_7, %dma_start3A_38] : memref<10016x144xf32, #tpu.memory_space<vmem_shared>> -> memref<626x144xf32, #tpu.memory_space<vmem_shared>>
      tpu.enqueue_dma source(%dma_start3A_39 : memref<626x144xf32, #tpu.memory_space<vmem_shared>>) target(%dma_start3A_37 : memref<626x144xf32, #tpu.memory_space<hbm>>) target_semaphore(%run_scoped3A : memref<!tpu.dma_semaphore, #tpu.memory_space<semaphore_mem>>)
      %dma_wait3A_40 = arith.constant 0 : i32
      %dma_wait3A_41 = tpu.memref_slice %arg6[%arg0, %mul3A_7, %dma_wait3A_40] : memref<2x10016x144xf32, #tpu.memory_space<hbm>> -> memref<1x626x144xf32, #tpu.memory_space<hbm>>
      %dma_wait3A_42 = tpu.memref_squeeze %dma_wait3A_41 : memref<1x626x144xf32, #tpu.memory_space<hbm>> -> memref<626x144xf32, #tpu.memory_space<hbm>>
      %dma_wait3A_43 = arith.constant 0 : i32
      %dma_wait3A_44 = tpu.memref_slice %arg15[%mul3A_7, %dma_wait3A_43] : memref<10016x144xf32, #tpu.memory_space<vmem_shared>> -> memref<626x144xf32, #tpu.memory_space<vmem_shared>>
      tpu.wait_dma2 semaphore(%run_scoped3A : memref<!tpu.dma_semaphore, #tpu.memory_space<semaphore_mem>>) src(%dma_wait3A_44 : memref<626x144xf32, #tpu.memory_space<vmem_shared>>) dst(%dma_wait3A_42 : memref<626x144xf32, #tpu.memory_space<hbm>>)
      tpu.yield
    }) : () -> ()
    return
  }
}

#map = affine_map<(d0, d1) -> (0)>
#map1 = affine_map<(d0, d1) -> (0, 0)>
#map2 = affine_map<(d0, d1) -> (0, 0, 0)>
module attributes {stable_mosaic.version = 14 : i64} {
  func.func @body(%arg0: i32, %arg1: i32, %arg2: memref<322680xi32, #tpu.memory_space<hbm>>, %arg3: memref<322680xi32, #tpu.memory_space<hbm>>, %arg4: memref<10016x16xf32, #tpu.memory_space<hbm>>, %arg5: memref<10016x144xf32, #tpu.memory_space<hbm>>, %arg6: memref<2x10016x144xf32, #tpu.memory_space<hbm>>, %arg7: memref<120xi32, #tpu.memory_space<vmem>>, %arg8: memref<120xi32, #tpu.memory_space<vmem>>, %arg9: memref<120x16xf32, #tpu.memory_space<vmem>>, %arg10: memref<120x144xf32, #tpu.memory_space<vmem>>, %arg11: memref<120xi32, #tpu.memory_space<vmem>>, %arg12: memref<120xi32, #tpu.memory_space<vmem>>, %arg13: memref<120x16xf32, #tpu.memory_space<vmem>>, %arg14: memref<120x144xf32, #tpu.memory_space<vmem>>, %arg15: memref<10016x144xf32, #tpu.memory_space<vmem_shared>>, %arg16: memref<!tpu.dma_semaphore, #tpu.memory_space<semaphore_mem>>, %arg17: memref<!tpu.dma_semaphore, #tpu.memory_space<semaphore_mem>>, %arg18: memref<!tpu.dma_semaphore, #tpu.memory_space<semaphore_mem>>) attributes {dimension_semantics = [#tpu.dimension_semantics<core_parallel>, #tpu.dimension_semantics<subcore_parallel>], iteration_bounds = array<i64: 2, 16>, scalar_prefetch = 0 : i64, scratch_operands = 12 : i64, tpu.core_type = #tpu.core_type<sc_vector_subcore>, window_params = [{transform_indices = #map}, {transform_indices = #map}, {transform_indices = #map1}, {transform_indices = #map1}, {transform_indices = #map2}]} {
    %mul3A = arith.constant 2 : i32
    %mul3A_0 = arith.muli %arg1, %mul3A : i32
    %add3A = arith.addi %mul3A_0, %arg0 : i32
    %broadcast_in_dim3A = arith.constant 0.000000e+00 : f32
    %broadcast_in_dim3A_1 = vector.broadcast %broadcast_in_dim3A : f32 to vector<16xf32>
    %scan3A = arith.constant 0 : i32
    %scan3A_2 = arith.constant 120 : i32
    %scan3A_3 = arith.addi %scan3A, %scan3A_2 : i32
    %scan3A_4 = arith.constant 1 : i32
    scf.for %scan3A_35 = %scan3A to %scan3A_3 step %scan3A_4  : i32 {
      %mul3A_36 = arith.constant 1 : i32
      %mul3A_37 = arith.muli %scan3A_35, %mul3A_36 : i32
      %add3A_38 = arith.constant 0 : i32
      %add3A_39 = arith.addi %add3A_38, %mul3A_37 : i32
      %swap3A = arith.index_cast %add3A_39 : i32 to index
      %swap3A_40 = arith.constant 0 : index
      %swap3A_41 = tpu.vector_load %arg10[%swap3A, %swap3A_40] {strides = array<i32>} : memref<120x144xf32, #tpu.memory_space<vmem>>, vector<1x16xf32>,
      %swap3A_42 = vector.shape_cast %swap3A_41 : vector<1x16xf32> to vector<16xf32>
      %swap3A_43 = vector.shape_cast %broadcast_in_dim3A_1 : vector<16xf32> to vector<1x16xf32>
      tpu.vector_store %arg10[%swap3A, %swap3A_40], %swap3A_43 {strides = array<i32>} : memref<120x144xf32, #tpu.memory_space<vmem>>, vector<1x16xf32>,
      %swap3A_44 = arith.index_cast %add3A_39 : i32 to index
      %swap3A_45 = arith.constant 16 : index
      %swap3A_46 = tpu.vector_load %arg10[%swap3A_44, %swap3A_45] {strides = array<i32>} : memref<120x144xf32, #tpu.memory_space<vmem>>, vector<1x16xf32>,
      %swap3A_47 = vector.shape_cast %swap3A_46 : vector<1x16xf32> to vector<16xf32>
      %swap3A_48 = vector.shape_cast %broadcast_in_dim3A_1 : vector<16xf32> to vector<1x16xf32>
      tpu.vector_store %arg10[%swap3A_44, %swap3A_45], %swap3A_48 {strides = array<i32>} : memref<120x144xf32, #tpu.memory_space<vmem>>, vector<1x16xf32>,
      %swap3A_49 = arith.index_cast %add3A_39 : i32 to index
      %swap3A_50 = arith.constant 32 : index
      %swap3A_51 = tpu.vector_load %arg10[%swap3A_49, %swap3A_50] {strides = array<i32>} : memref<120x144xf32, #tpu.memory_space<vmem>>, vector<1x16xf32>,
      %swap3A_52 = vector.shape_cast %swap3A_51 : vector<1x16xf32> to vector<16xf32>
      %swap3A_53 = vector.shape_cast %broadcast_in_dim3A_1 : vector<16xf32> to vector<1x16xf32>
      tpu.vector_store %arg10[%swap3A_49, %swap3A_50], %swap3A_53 {strides = array<i32>} : memref<120x144xf32, #tpu.memory_space<vmem>>, vector<1x16xf32>,
      %swap3A_54 = arith.index_cast %add3A_39 : i32 to index
      %swap3A_55 = arith.constant 48 : index
      %swap3A_56 = tpu.vector_load %arg10[%swap3A_54, %swap3A_55] {strides = array<i32>} : memref<120x144xf32, #tpu.memory_space<vmem>>, vector<1x16xf32>,
      %swap3A_57 = vector.shape_cast %swap3A_56 : vector<1x16xf32> to vector<16xf32>
      %swap3A_58 = vector.shape_cast %broadcast_in_dim3A_1 : vector<16xf32> to vector<1x16xf32>
      tpu.vector_store %arg10[%swap3A_54, %swap3A_55], %swap3A_58 {strides = array<i32>} : memref<120x144xf32, #tpu.memory_space<vmem>>, vector<1x16xf32>,
      %swap3A_59 = arith.index_cast %add3A_39 : i32 to index
      %swap3A_60 = arith.constant 64 : index
      %swap3A_61 = tpu.vector_load %arg10[%swap3A_59, %swap3A_60] {strides = array<i32>} : memref<120x144xf32, #tpu.memory_space<vmem>>, vector<1x16xf32>,
      %swap3A_62 = vector.shape_cast %swap3A_61 : vector<1x16xf32> to vector<16xf32>
      %swap3A_63 = vector.shape_cast %broadcast_in_dim3A_1 : vector<16xf32> to vector<1x16xf32>
      tpu.vector_store %arg10[%swap3A_59, %swap3A_60], %swap3A_63 {strides = array<i32>} : memref<120x144xf32, #tpu.memory_space<vmem>>, vector<1x16xf32>,
      %swap3A_64 = arith.index_cast %add3A_39 : i32 to index
      %swap3A_65 = arith.constant 80 : index
      %swap3A_66 = tpu.vector_load %arg10[%swap3A_64, %swap3A_65] {strides = array<i32>} : memref<120x144xf32, #tpu.memory_space<vmem>>, vector<1x16xf32>,
      %swap3A_67 = vector.shape_cast %swap3A_66 : vector<1x16xf32> to vector<16xf32>
      %swap3A_68 = vector.shape_cast %broadcast_in_dim3A_1 : vector<16xf32> to vector<1x16xf32>
      tpu.vector_store %arg10[%swap3A_64, %swap3A_65], %swap3A_68 {strides = array<i32>} : memref<120x144xf32, #tpu.memory_space<vmem>>, vector<1x16xf32>,
      %swap3A_69 = arith.index_cast %add3A_39 : i32 to index
      %swap3A_70 = arith.constant 96 : index
      %swap3A_71 = tpu.vector_load %arg10[%swap3A_69, %swap3A_70] {strides = array<i32>} : memref<120x144xf32, #tpu.memory_space<vmem>>, vector<1x16xf32>,
      %swap3A_72 = vector.shape_cast %swap3A_71 : vector<1x16xf32> to vector<16xf32>
      %swap3A_73 = vector.shape_cast %broadcast_in_dim3A_1 : vector<16xf32> to vector<1x16xf32>
      tpu.vector_store %arg10[%swap3A_69, %swap3A_70], %swap3A_73 {strides = array<i32>} : memref<120x144xf32, #tpu.memory_space<vmem>>, vector<1x16xf32>,
      %swap3A_74 = arith.index_cast %add3A_39 : i32 to index
      %swap3A_75 = arith.constant 112 : index
      %swap3A_76 = tpu.vector_load %arg10[%swap3A_74, %swap3A_75] {strides = array<i32>} : memref<120x144xf32, #tpu.memory_space<vmem>>, vector<1x16xf32>,
      %swap3A_77 = vector.shape_cast %swap3A_76 : vector<1x16xf32> to vector<16xf32>
      %swap3A_78 = vector.shape_cast %broadcast_in_dim3A_1 : vector<16xf32> to vector<1x16xf32>
      tpu.vector_store %arg10[%swap3A_74, %swap3A_75], %swap3A_78 {strides = array<i32>} : memref<120x144xf32, #tpu.memory_space<vmem>>, vector<1x16xf32>,
      %swap3A_79 = arith.index_cast %add3A_39 : i32 to index
      %swap3A_80 = arith.constant 128 : index
      %swap3A_81 = tpu.vector_load %arg10[%swap3A_79, %swap3A_80] {strides = array<i32>} : memref<120x144xf32, #tpu.memory_space<vmem>>, vector<1x16xf32>,
      %swap3A_82 = vector.shape_cast %swap3A_81 : vector<1x16xf32> to vector<16xf32>
      %swap3A_83 = vector.shape_cast %broadcast_in_dim3A_1 : vector<16xf32> to vector<1x16xf32>
      tpu.vector_store %arg10[%swap3A_79, %swap3A_80], %swap3A_83 {strides = array<i32>} : memref<120x144xf32, #tpu.memory_space<vmem>>, vector<1x16xf32>,
    }
    %scan3A_5 = arith.constant 120 : i32
    %mul3A_6 = arith.constant 626 : i32
    %mul3A_7 = arith.muli %arg1, %mul3A_6 : i32
    %scan3A_8 = arith.constant 0 : i32
    %scan3A_9 = arith.constant 5 : i32
    %scan3A_10 = arith.addi %scan3A_8, %scan3A_9 : i32
    %scan3A_11 = arith.constant 1 : i32
    scf.for %scan3A_35 = %scan3A_8 to %scan3A_10 step %scan3A_11  : i32 {
      %mul3A_36 = arith.constant 1 : i32
      %mul3A_37 = arith.muli %scan3A_35, %mul3A_36 : i32
      %add3A_38 = arith.constant 0 : i32
      %add3A_39 = arith.addi %add3A_38, %mul3A_37 : i32
      %mul3A_40 = arith.constant 120 : i32
      %mul3A_41 = arith.muli %add3A_39, %mul3A_40 : i32
      %add3A_42 = arith.addi %mul3A_7, %mul3A_41 : i32
      "tpu.region"() ({
        %run_scoped3A = tpu.sem_alloc : memref<!tpu.dma_semaphore, #tpu.memory_space<semaphore_mem>>
        %dma_start3A_43 = arith.constant 0 : i32
        %dma_start3A_44 = tpu.memref_slice %arg15[%add3A_42, %dma_start3A_43] : memref<10016x144xf32, #tpu.memory_space<vmem_shared>> -> memref<120x144xf32, #tpu.memory_space<vmem_shared>>
        %dma_start3A_45 = arith.constant 0 : i32
        %dma_start3A_46 = tpu.memref_slice %arg15[%add3A_42, %dma_start3A_45] : memref<10016x144xf32, #tpu.memory_space<vmem_shared>> -> memref<120x144xf32, #tpu.memory_space<vmem_shared>>
        tpu.enqueue_dma source(%arg10 : memref<120x144xf32, #tpu.memory_space<vmem>>) target(%dma_start3A_46 : memref<120x144xf32, #tpu.memory_space<vmem_shared>>) target_semaphore(%run_scoped3A : memref<!tpu.dma_semaphore, #tpu.memory_space<semaphore_mem>>)
        %dma_wait3A_47 = arith.constant 0 : i32
        %dma_wait3A_48 = tpu.memref_slice %arg15[%add3A_42, %dma_wait3A_47] : memref<10016x144xf32, #tpu.memory_space<vmem_shared>> -> memref<120x144xf32, #tpu.memory_space<vmem_shared>>
        %dma_wait3A_49 = arith.constant 0 : i32
        %dma_wait3A_50 = tpu.memref_slice %arg15[%add3A_42, %dma_wait3A_49] : memref<10016x144xf32, #tpu.memory_space<vmem_shared>> -> memref<120x144xf32, #tpu.memory_space<vmem_shared>>
        tpu.wait_dma2 semaphore(%run_scoped3A : memref<!tpu.dma_semaphore, #tpu.memory_space<semaphore_mem>>) src(%arg10 : memref<120x144xf32, #tpu.memory_space<vmem>>) dst(%dma_wait3A_50 : memref<120x144xf32, #tpu.memory_space<vmem_shared>>)
        tpu.yield
      }) : () -> ()
    }
    %scan3A_12 = arith.constant 5 : i32
    %add3A_13 = arith.constant 600 : i32
    %add3A_14 = arith.addi %mul3A_7, %add3A_13 : i32
    "tpu.region"() ({
      %run_scoped3A = tpu.sem_alloc : memref<!tpu.dma_semaphore, #tpu.memory_space<semaphore_mem>>
      %dma_start3A_35 = arith.constant 0 : i32
      %dma_start3A_36 = arith.constant 0 : i32
      %dma_start3A_37 = tpu.memref_slice %arg10[%dma_start3A_35, %dma_start3A_36] : memref<120x144xf32, #tpu.memory_space<vmem>> -> memref<26x144xf32, #tpu.memory_space<vmem>>
      %dma_start3A_38 = arith.constant 0 : i32
      %dma_start3A_39 = tpu.memref_slice %arg15[%add3A_14, %dma_start3A_38] : memref<10016x144xf32, #tpu.memory_space<vmem_shared>> -> memref<26x144xf32, #tpu.memory_space<vmem_shared>>
      %dma_start3A_40 = arith.constant 0 : i32
      %dma_start3A_41 = tpu.memref_slice %arg15[%add3A_14, %dma_start3A_40] : memref<10016x144xf32, #tpu.memory_space<vmem_shared>> -> memref<26x144xf32, #tpu.memory_space<vmem_shared>>
      %dma_start3A_42 = arith.constant 0 : i32
      %dma_start3A_43 = arith.constant 0 : i32
      %dma_start3A_44 = tpu.memref_slice %arg10[%dma_start3A_42, %dma_start3A_43] : memref<120x144xf32, #tpu.memory_space<vmem>> -> memref<26x144xf32, #tpu.memory_space<vmem>>
      tpu.enqueue_dma source(%dma_start3A_44 : memref<26x144xf32, #tpu.memory_space<vmem>>) target(%dma_start3A_41 : memref<26x144xf32, #tpu.memory_space<vmem_shared>>) target_semaphore(%run_scoped3A : memref<!tpu.dma_semaphore, #tpu.memory_space<semaphore_mem>>)
      %dma_wait3A_45 = arith.constant 0 : i32
      %dma_wait3A_46 = arith.constant 0 : i32
      %dma_wait3A_47 = tpu.memref_slice %arg10[%dma_wait3A_45, %dma_wait3A_46] : memref<120x144xf32, #tpu.memory_space<vmem>> -> memref<26x144xf32, #tpu.memory_space<vmem>>
      %dma_wait3A_48 = arith.constant 0 : i32
      %dma_wait3A_49 = tpu.memref_slice %arg15[%add3A_14, %dma_wait3A_48] : memref<10016x144xf32, #tpu.memory_space<vmem_shared>> -> memref<26x144xf32, #tpu.memory_space<vmem_shared>>
      %dma_wait3A_50 = arith.constant 0 : i32
      %dma_wait3A_51 = tpu.memref_slice %arg15[%add3A_14, %dma_wait3A_50] : memref<10016x144xf32, #tpu.memory_space<vmem_shared>> -> memref<26x144xf32, #tpu.memory_space<vmem_shared>>
      %dma_wait3A_52 = arith.constant 0 : i32
      %dma_wait3A_53 = arith.constant 0 : i32
      %dma_wait3A_54 = tpu.memref_slice %arg10[%dma_wait3A_52, %dma_wait3A_53] : memref<120x144xf32, #tpu.memory_space<vmem>> -> memref<26x144xf32, #tpu.memory_space<vmem>>
      tpu.wait_dma2 semaphore(%run_scoped3A : memref<!tpu.dma_semaphore, #tpu.memory_space<semaphore_mem>>) src(%dma_wait3A_54 : memref<26x144xf32, #tpu.memory_space<vmem>>) dst(%dma_wait3A_51 : memref<26x144xf32, #tpu.memory_space<vmem_shared>>)
      tpu.yield
    }) : () -> ()
    %barrier3A = arith.constant 0 : index
    tpu.barrier barrier_id(%barrier3A)
    %mul3A_15 = arith.constant 84 : i32
    %mul3A_16 = arith.muli %add3A, %mul3A_15 : i32
    %mul3A_17 = arith.constant 120 : i32
    %mul3A_18 = arith.muli %mul3A_16, %mul3A_17 : i32
    "tpu.region"() ({
      %run_scoped3A = tpu.sem_alloc : memref<!tpu.dma_semaphore, #tpu.memory_space<semaphore_mem>>
      %dma_start3A_35 = tpu.memref_slice %arg2[%mul3A_18] : memref<322680xi32, #tpu.memory_space<hbm>> -> memref<120xi32, #tpu.memory_space<hbm>>
      %dma_start3A_36 = tpu.memref_slice %arg2[%mul3A_18] : memref<322680xi32, #tpu.memory_space<hbm>> -> memref<120xi32, #tpu.memory_space<hbm>>
      tpu.enqueue_dma source(%dma_start3A_36 : memref<120xi32, #tpu.memory_space<hbm>>) target(%arg7 : memref<120xi32, #tpu.memory_space<vmem>>) target_semaphore(%run_scoped3A : memref<!tpu.dma_semaphore, #tpu.memory_space<semaphore_mem>>)
      %dma_wait3A_37 = tpu.memref_slice %arg2[%mul3A_18] : memref<322680xi32, #tpu.memory_space<hbm>> -> memref<120xi32, #tpu.memory_space<hbm>>
      %dma_wait3A_38 = tpu.memref_slice %arg2[%mul3A_18] : memref<322680xi32, #tpu.memory_space<hbm>> -> memref<120xi32, #tpu.memory_space<hbm>>
      tpu.wait_dma2 semaphore(%run_scoped3A : memref<!tpu.dma_semaphore, #tpu.memory_space<semaphore_mem>>) src(%dma_wait3A_38 : memref<120xi32, #tpu.memory_space<hbm>>) dst(%arg7 : memref<120xi32, #tpu.memory_space<vmem>>)
      tpu.yield
    }) : () -> ()
    "tpu.region"() ({
      %run_scoped3A = tpu.sem_alloc : memref<!tpu.dma_semaphore, #tpu.memory_space<semaphore_mem>>
      %dma_start3A_35 = tpu.memref_slice %arg3[%mul3A_18] : memref<322680xi32, #tpu.memory_space<hbm>> -> memref<120xi32, #tpu.memory_space<hbm>>
      %dma_start3A_36 = tpu.memref_slice %arg3[%mul3A_18] : memref<322680xi32, #tpu.memory_space<hbm>> -> memref<120xi32, #tpu.memory_space<hbm>>
      tpu.enqueue_dma source(%dma_start3A_36 : memref<120xi32, #tpu.memory_space<hbm>>) target(%arg8 : memref<120xi32, #tpu.memory_space<vmem>>) target_semaphore(%run_scoped3A : memref<!tpu.dma_semaphore, #tpu.memory_space<semaphore_mem>>)
      %dma_wait3A_37 = tpu.memref_slice %arg3[%mul3A_18] : memref<322680xi32, #tpu.memory_space<hbm>> -> memref<120xi32, #tpu.memory_space<hbm>>
      %dma_wait3A_38 = tpu.memref_slice %arg3[%mul3A_18] : memref<322680xi32, #tpu.memory_space<hbm>> -> memref<120xi32, #tpu.memory_space<hbm>>
      tpu.wait_dma2 semaphore(%run_scoped3A : memref<!tpu.dma_semaphore, #tpu.memory_space<semaphore_mem>>) src(%dma_wait3A_38 : memref<120xi32, #tpu.memory_space<hbm>>) dst(%arg8 : memref<120xi32, #tpu.memory_space<vmem>>)
      tpu.yield
    }) : () -> ()
    %dma_start3A = arith.constant 0 : i32
    %dma_start3A_19 = arith.constant 0 : i32
    %dma_start3A_20 = tpu.memref_slice %arg5[%dma_start3A, %dma_start3A_19] : memref<10016x144xf32, #tpu.memory_space<hbm>> -> memref<10016x144xf32, #tpu.memory_space<hbm>>
    tpu.enqueue_indirect_dma source(%dma_start3A_20 : memref<10016x144xf32, #tpu.memory_space<hbm>>) target(%arg10 : memref<120x144xf32, #tpu.memory_space<vmem>>) offsets(%arg7 : memref<120xi32, #tpu.memory_space<vmem>>) semaphore(%arg16 : memref<!tpu.dma_semaphore, #tpu.memory_space<semaphore_mem>>)
    %dma_start3A_21 = arith.constant 0 : i32
    %dma_start3A_22 = arith.constant 0 : i32
    %dma_start3A_23 = tpu.memref_slice %arg4[%dma_start3A_21, %dma_start3A_22] : memref<10016x16xf32, #tpu.memory_space<hbm>> -> memref<10016x16xf32, #tpu.memory_space<hbm>>
    tpu.enqueue_indirect_dma source(%dma_start3A_23 : memref<10016x16xf32, #tpu.memory_space<hbm>>) target(%arg9 : memref<120x16xf32, #tpu.memory_space<vmem>>) offsets(%arg8 : memref<120xi32, #tpu.memory_space<vmem>>) semaphore(%arg16 : memref<!tpu.dma_semaphore, #tpu.memory_space<semaphore_mem>>)
    %scan3A_24 = arith.constant 0 : i32
    %scan3A_25 = arith.constant 42 : i32
    %scan3A_26 = arith.addi %scan3A_24, %scan3A_25 : i32
    %scan3A_27 = arith.constant 1 : i32
    scf.for %scan3A_35 = %scan3A_24 to %scan3A_26 step %scan3A_27  : i32 {
      %mul3A_36 = arith.constant 1 : i32
      %mul3A_37 = arith.muli %scan3A_35, %mul3A_36 : i32
      %add3A_38 = arith.constant 0 : i32
      %add3A_39 = arith.addi %add3A_38, %mul3A_37 : i32
      %mul3A_40 = arith.constant 240 : i32
      %mul3A_41 = arith.muli %add3A_39, %mul3A_40 : i32
      %add3A_42 = arith.addi %mul3A_18, %mul3A_41 : i32
      %add3A_43 = arith.constant 120 : i32
      %add3A_44 = arith.addi %add3A_42, %add3A_43 : i32
      "tpu.region"() ({
        %run_scoped3A = tpu.sem_alloc : memref<!tpu.dma_semaphore, #tpu.memory_space<semaphore_mem>>
        %dma_start3A_93 = tpu.memref_slice %arg2[%add3A_44] : memref<322680xi32, #tpu.memory_space<hbm>> -> memref<120xi32, #tpu.memory_space<hbm>>
        %dma_start3A_94 = tpu.memref_slice %arg2[%add3A_44] : memref<322680xi32, #tpu.memory_space<hbm>> -> memref<120xi32, #tpu.memory_space<hbm>>
        tpu.enqueue_dma source(%dma_start3A_94 : memref<120xi32, #tpu.memory_space<hbm>>) target(%arg11 : memref<120xi32, #tpu.memory_space<vmem>>) target_semaphore(%run_scoped3A : memref<!tpu.dma_semaphore, #tpu.memory_space<semaphore_mem>>)
        %dma_wait3A_95 = tpu.memref_slice %arg2[%add3A_44] : memref<322680xi32, #tpu.memory_space<hbm>> -> memref<120xi32, #tpu.memory_space<hbm>>
        %dma_wait3A_96 = tpu.memref_slice %arg2[%add3A_44] : memref<322680xi32, #tpu.memory_space<hbm>> -> memref<120xi32, #tpu.memory_space<hbm>>
        tpu.wait_dma2 semaphore(%run_scoped3A : memref<!tpu.dma_semaphore, #tpu.memory_space<semaphore_mem>>) src(%dma_wait3A_96 : memref<120xi32, #tpu.memory_space<hbm>>) dst(%arg11 : memref<120xi32, #tpu.memory_space<vmem>>)
        tpu.yield
      }) : () -> ()
      "tpu.region"() ({
        %run_scoped3A = tpu.sem_alloc : memref<!tpu.dma_semaphore, #tpu.memory_space<semaphore_mem>>
        %dma_start3A_93 = tpu.memref_slice %arg3[%add3A_44] : memref<322680xi32, #tpu.memory_space<hbm>> -> memref<120xi32, #tpu.memory_space<hbm>>
        %dma_start3A_94 = tpu.memref_slice %arg3[%add3A_44] : memref<322680xi32, #tpu.memory_space<hbm>> -> memref<120xi32, #tpu.memory_space<hbm>>
        tpu.enqueue_dma source(%dma_start3A_94 : memref<120xi32, #tpu.memory_space<hbm>>) target(%arg12 : memref<120xi32, #tpu.memory_space<vmem>>) target_semaphore(%run_scoped3A : memref<!tpu.dma_semaphore, #tpu.memory_space<semaphore_mem>>)
        %dma_wait3A_95 = tpu.memref_slice %arg3[%add3A_44] : memref<322680xi32, #tpu.memory_space<hbm>> -> memref<120xi32, #tpu.memory_space<hbm>>
        %dma_wait3A_96 = tpu.memref_slice %arg3[%add3A_44] : memref<322680xi32, #tpu.memory_space<hbm>> -> memref<120xi32, #tpu.memory_space<hbm>>
        tpu.wait_dma2 semaphore(%run_scoped3A : memref<!tpu.dma_semaphore, #tpu.memory_space<semaphore_mem>>) src(%dma_wait3A_96 : memref<120xi32, #tpu.memory_space<hbm>>) dst(%arg12 : memref<120xi32, #tpu.memory_space<vmem>>)
        tpu.yield
      }) : () -> ()
      %dma_start3A_45 = arith.constant 0 : i32
      %dma_start3A_46 = arith.constant 0 : i32
      %dma_start3A_47 = tpu.memref_slice %arg5[%dma_start3A_45, %dma_start3A_46] : memref<10016x144xf32, #tpu.memory_space<hbm>> -> memref<10016x144xf32, #tpu.memory_space<hbm>>
      tpu.enqueue_indirect_dma source(%dma_start3A_47 : memref<10016x144xf32, #tpu.memory_space<hbm>>) target(%arg14 : memref<120x144xf32, #tpu.memory_space<vmem>>) offsets(%arg11 : memref<120xi32, #tpu.memory_space<vmem>>) semaphore(%arg17 : memref<!tpu.dma_semaphore, #tpu.memory_space<semaphore_mem>>)
      %dma_start3A_48 = arith.constant 0 : i32
      %dma_start3A_49 = arith.constant 0 : i32
      %dma_start3A_50 = tpu.memref_slice %arg4[%dma_start3A_48, %dma_start3A_49] : memref<10016x16xf32, #tpu.memory_space<hbm>> -> memref<10016x16xf32, #tpu.memory_space<hbm>>
      tpu.enqueue_indirect_dma source(%dma_start3A_50 : memref<10016x16xf32, #tpu.memory_space<hbm>>) target(%arg13 : memref<120x16xf32, #tpu.memory_space<vmem>>) offsets(%arg12 : memref<120xi32, #tpu.memory_space<vmem>>) semaphore(%arg17 : memref<!tpu.dma_semaphore, #tpu.memory_space<semaphore_mem>>)
      %dma_wait3A_51 = arith.constant 0 : i32
      %dma_wait3A_52 = arith.constant 0 : i32
      %dma_wait3A_53 = tpu.memref_slice %arg5[%dma_wait3A_51, %dma_wait3A_52] : memref<10016x144xf32, #tpu.memory_space<hbm>> -> memref<10016x144xf32, #tpu.memory_space<hbm>>
      tpu.wait_indirect_dma semaphore(%arg16 : memref<!tpu.dma_semaphore, #tpu.memory_space<semaphore_mem>>) src(%dma_wait3A_53 : memref<10016x144xf32, #tpu.memory_space<hbm>>) dst(%arg10 : memref<120x144xf32, #tpu.memory_space<vmem>>)
      %dma_wait3A_54 = arith.constant 0 : i32
      %dma_wait3A_55 = arith.constant 0 : i32
      %dma_wait3A_56 = tpu.memref_slice %arg4[%dma_wait3A_54, %dma_wait3A_55] : memref<10016x16xf32, #tpu.memory_space<hbm>> -> memref<10016x16xf32, #tpu.memory_space<hbm>>
      tpu.wait_indirect_dma semaphore(%arg16 : memref<!tpu.dma_semaphore, #tpu.memory_space<semaphore_mem>>) src(%dma_wait3A_56 : memref<10016x16xf32, #tpu.memory_space<hbm>>) dst(%arg9 : memref<120x16xf32, #tpu.memory_space<vmem>>)
      %scan3A_57 = arith.constant 0 : i32
      %scan3A_58 = arith.constant 120 : i32
      %scan3A_59 = arith.addi %scan3A_57, %scan3A_58 : i32
      %scan3A_60 = arith.constant 1 : i32
      scf.for %scan3A_93 = %scan3A_57 to %scan3A_59 step %scan3A_60  : i32 {
        %mul3A_94 = arith.constant 1 : i32
        %mul3A_95 = arith.muli %scan3A_93, %mul3A_94 : i32
        %add3A_96 = arith.constant 0 : i32
        %add3A_97 = arith.addi %add3A_96, %mul3A_95 : i32
        %get3A = arith.index_cast %add3A_97 : i32 to index
        %get3A_98 = arith.constant 128 : index
        %get3A_99 = tpu.vector_load %arg10[%get3A, %get3A_98] {strides = array<i32>} : memref<120x144xf32, #tpu.memory_space<vmem>>, vector<1x16xf32>,
        %get3A_100 = vector.shape_cast %get3A_99 : vector<1x16xf32> to vector<16xf32>
        %get3A_101 = arith.index_cast %add3A_97 : i32 to index
        %get3A_102 = arith.constant 0 : index
        %get3A_103 = tpu.vector_load %arg9[%get3A_101, %get3A_102] {strides = array<i32>} : memref<120x16xf32, #tpu.memory_space<vmem>>, vector<1x16xf32>,
        %get3A_104 = vector.shape_cast %get3A_103 : vector<1x16xf32> to vector<16xf32>
        %add3A_105 = arith.addf %get3A_100, %get3A_104 : vector<16xf32>
        %ge3A = arith.constant 0.000000e+00 : f32
        %ge3A_106 = vector.broadcast %ge3A : f32 to vector<16xf32>
        %ge3A_107 = arith.cmpf oge, %add3A_105, %ge3A_106 : vector<16xf32>
        %mul3A_108 = arith.constant 2.000000e-01 : f32
        %mul3A_109 = vector.broadcast %mul3A_108 : f32 to vector<16xf32>
        %mul3A_110 = arith.mulf %mul3A_109, %add3A_105 : vector<16xf32>
        %select_n3A = arith.select %ge3A_107, %add3A_105, %mul3A_110 : vector<16xi1>, vector<16xf32>
        %exp3A = math.exp %select_n3A : vector<16xf32>
        %slice3A = vector.extract_strided_slice %exp3A {offsets = [0], sizes = [1], strides = [1]} : vector<16xf32> to vector<1xf32>
        %squeeze3A = vector.extract %slice3A[0] : f32 from vector<1xf32>
        %get3A_111 = arith.index_cast %add3A_97 : i32 to index
        %get3A_112 = arith.constant 0 : index
        %get3A_113 = tpu.vector_load %arg10[%get3A_111, %get3A_112] {strides = array<i32>} : memref<120x144xf32, #tpu.memory_space<vmem>>, vector<1x16xf32>,
        %get3A_114 = vector.shape_cast %get3A_113 : vector<1x16xf32> to vector<16xf32>
        %mul3A_115 = vector.broadcast %squeeze3A : f32 to vector<16xf32>
        %mul3A_116 = arith.mulf %mul3A_115, %get3A_114 : vector<16xf32>
        %swap3A = arith.index_cast %add3A_97 : i32 to index
        %swap3A_117 = arith.constant 0 : index
        %swap3A_118 = tpu.vector_load %arg10[%swap3A, %swap3A_117] {strides = array<i32>} : memref<120x144xf32, #tpu.memory_space<vmem>>, vector<1x16xf32>,
        %swap3A_119 = vector.shape_cast %swap3A_118 : vector<1x16xf32> to vector<16xf32>
        %swap3A_120 = vector.shape_cast %mul3A_116 : vector<16xf32> to vector<1x16xf32>
        tpu.vector_store %arg10[%swap3A, %swap3A_117], %swap3A_120 {strides = array<i32>} : memref<120x144xf32, #tpu.memory_space<vmem>>, vector<1x16xf32>,
        %slice3A_121 = vector.extract_strided_slice %exp3A {offsets = [1], sizes = [1], strides = [1]} : vector<16xf32> to vector<1xf32>
        %squeeze3A_122 = vector.extract %slice3A_121[0] : f32 from vector<1xf32>
        %get3A_123 = arith.index_cast %add3A_97 : i32 to index
        %get3A_124 = arith.constant 16 : index
        %get3A_125 = tpu.vector_load %arg10[%get3A_123, %get3A_124] {strides = array<i32>} : memref<120x144xf32, #tpu.memory_space<vmem>>, vector<1x16xf32>,
        %get3A_126 = vector.shape_cast %get3A_125 : vector<1x16xf32> to vector<16xf32>
        %mul3A_127 = vector.broadcast %squeeze3A_122 : f32 to vector<16xf32>
        %mul3A_128 = arith.mulf %mul3A_127, %get3A_126 : vector<16xf32>
        %swap3A_129 = arith.index_cast %add3A_97 : i32 to index
        %swap3A_130 = arith.constant 16 : index
        %swap3A_131 = tpu.vector_load %arg10[%swap3A_129, %swap3A_130] {strides = array<i32>} : memref<120x144xf32, #tpu.memory_space<vmem>>, vector<1x16xf32>,
        %swap3A_132 = vector.shape_cast %swap3A_131 : vector<1x16xf32> to vector<16xf32>
        %swap3A_133 = vector.shape_cast %mul3A_128 : vector<16xf32> to vector<1x16xf32>
        tpu.vector_store %arg10[%swap3A_129, %swap3A_130], %swap3A_133 {strides = array<i32>} : memref<120x144xf32, #tpu.memory_space<vmem>>, vector<1x16xf32>,
        %slice3A_134 = vector.extract_strided_slice %exp3A {offsets = [2], sizes = [1], strides = [1]} : vector<16xf32> to vector<1xf32>
        %squeeze3A_135 = vector.extract %slice3A_134[0] : f32 from vector<1xf32>
        %get3A_136 = arith.index_cast %add3A_97 : i32 to index
        %get3A_137 = arith.constant 32 : index
        %get3A_138 = tpu.vector_load %arg10[%get3A_136, %get3A_137] {strides = array<i32>} : memref<120x144xf32, #tpu.memory_space<vmem>>, vector<1x16xf32>,
        %get3A_139 = vector.shape_cast %get3A_138 : vector<1x16xf32> to vector<16xf32>
        %mul3A_140 = vector.broadcast %squeeze3A_135 : f32 to vector<16xf32>
        %mul3A_141 = arith.mulf %mul3A_140, %get3A_139 : vector<16xf32>
        %swap3A_142 = arith.index_cast %add3A_97 : i32 to index
        %swap3A_143 = arith.constant 32 : index
        %swap3A_144 = tpu.vector_load %arg10[%swap3A_142, %swap3A_143] {strides = array<i32>} : memref<120x144xf32, #tpu.memory_space<vmem>>, vector<1x16xf32>,
        %swap3A_145 = vector.shape_cast %swap3A_144 : vector<1x16xf32> to vector<16xf32>
        %swap3A_146 = vector.shape_cast %mul3A_141 : vector<16xf32> to vector<1x16xf32>
        tpu.vector_store %arg10[%swap3A_142, %swap3A_143], %swap3A_146 {strides = array<i32>} : memref<120x144xf32, #tpu.memory_space<vmem>>, vector<1x16xf32>,
        %slice3A_147 = vector.extract_strided_slice %exp3A {offsets = [3], sizes = [1], strides = [1]} : vector<16xf32> to vector<1xf32>
        %squeeze3A_148 = vector.extract %slice3A_147[0] : f32 from vector<1xf32>
        %get3A_149 = arith.index_cast %add3A_97 : i32 to index
        %get3A_150 = arith.constant 48 : index
        %get3A_151 = tpu.vector_load %arg10[%get3A_149, %get3A_150] {strides = array<i32>} : memref<120x144xf32, #tpu.memory_space<vmem>>, vector<1x16xf32>,
        %get3A_152 = vector.shape_cast %get3A_151 : vector<1x16xf32> to vector<16xf32>
        %mul3A_153 = vector.broadcast %squeeze3A_148 : f32 to vector<16xf32>
        %mul3A_154 = arith.mulf %mul3A_153, %get3A_152 : vector<16xf32>
        %swap3A_155 = arith.index_cast %add3A_97 : i32 to index
        %swap3A_156 = arith.constant 48 : index
        %swap3A_157 = tpu.vector_load %arg10[%swap3A_155, %swap3A_156] {strides = array<i32>} : memref<120x144xf32, #tpu.memory_space<vmem>>, vector<1x16xf32>,
        %swap3A_158 = vector.shape_cast %swap3A_157 : vector<1x16xf32> to vector<16xf32>
        %swap3A_159 = vector.shape_cast %mul3A_154 : vector<16xf32> to vector<1x16xf32>
        tpu.vector_store %arg10[%swap3A_155, %swap3A_156], %swap3A_159 {strides = array<i32>} : memref<120x144xf32, #tpu.memory_space<vmem>>, vector<1x16xf32>,
        %slice3A_160 = vector.extract_strided_slice %exp3A {offsets = [4], sizes = [1], strides = [1]} : vector<16xf32> to vector<1xf32>
        %squeeze3A_161 = vector.extract %slice3A_160[0] : f32 from vector<1xf32>
        %get3A_162 = arith.index_cast %add3A_97 : i32 to index
        %get3A_163 = arith.constant 64 : index
        %get3A_164 = tpu.vector_load %arg10[%get3A_162, %get3A_163] {strides = array<i32>} : memref<120x144xf32, #tpu.memory_space<vmem>>, vector<1x16xf32>,
        %get3A_165 = vector.shape_cast %get3A_164 : vector<1x16xf32> to vector<16xf32>
        %mul3A_166 = vector.broadcast %squeeze3A_161 : f32 to vector<16xf32>
        %mul3A_167 = arith.mulf %mul3A_166, %get3A_165 : vector<16xf32>
        %swap3A_168 = arith.index_cast %add3A_97 : i32 to index
        %swap3A_169 = arith.constant 64 : index
        %swap3A_170 = tpu.vector_load %arg10[%swap3A_168, %swap3A_169] {strides = array<i32>} : memref<120x144xf32, #tpu.memory_space<vmem>>, vector<1x16xf32>,
        %swap3A_171 = vector.shape_cast %swap3A_170 : vector<1x16xf32> to vector<16xf32>
        %swap3A_172 = vector.shape_cast %mul3A_167 : vector<16xf32> to vector<1x16xf32>
        tpu.vector_store %arg10[%swap3A_168, %swap3A_169], %swap3A_172 {strides = array<i32>} : memref<120x144xf32, #tpu.memory_space<vmem>>, vector<1x16xf32>,
        %slice3A_173 = vector.extract_strided_slice %exp3A {offsets = [5], sizes = [1], strides = [1]} : vector<16xf32> to vector<1xf32>
        %squeeze3A_174 = vector.extract %slice3A_173[0] : f32 from vector<1xf32>
        %get3A_175 = arith.index_cast %add3A_97 : i32 to index
        %get3A_176 = arith.constant 80 : index
        %get3A_177 = tpu.vector_load %arg10[%get3A_175, %get3A_176] {strides = array<i32>} : memref<120x144xf32, #tpu.memory_space<vmem>>, vector<1x16xf32>,
        %get3A_178 = vector.shape_cast %get3A_177 : vector<1x16xf32> to vector<16xf32>
        %mul3A_179 = vector.broadcast %squeeze3A_174 : f32 to vector<16xf32>
        %mul3A_180 = arith.mulf %mul3A_179, %get3A_178 : vector<16xf32>
        %swap3A_181 = arith.index_cast %add3A_97 : i32 to index
        %swap3A_182 = arith.constant 80 : index
        %swap3A_183 = tpu.vector_load %arg10[%swap3A_181, %swap3A_182] {strides = array<i32>} : memref<120x144xf32, #tpu.memory_space<vmem>>, vector<1x16xf32>,
        %swap3A_184 = vector.shape_cast %swap3A_183 : vector<1x16xf32> to vector<16xf32>
        %swap3A_185 = vector.shape_cast %mul3A_180 : vector<16xf32> to vector<1x16xf32>
        tpu.vector_store %arg10[%swap3A_181, %swap3A_182], %swap3A_185 {strides = array<i32>} : memref<120x144xf32, #tpu.memory_space<vmem>>, vector<1x16xf32>,
        %slice3A_186 = vector.extract_strided_slice %exp3A {offsets = [6], sizes = [1], strides = [1]} : vector<16xf32> to vector<1xf32>
        %squeeze3A_187 = vector.extract %slice3A_186[0] : f32 from vector<1xf32>
        %get3A_188 = arith.index_cast %add3A_97 : i32 to index
        %get3A_189 = arith.constant 96 : index
        %get3A_190 = tpu.vector_load %arg10[%get3A_188, %get3A_189] {strides = array<i32>} : memref<120x144xf32, #tpu.memory_space<vmem>>, vector<1x16xf32>,
        %get3A_191 = vector.shape_cast %get3A_190 : vector<1x16xf32> to vector<16xf32>
        %mul3A_192 = vector.broadcast %squeeze3A_187 : f32 to vector<16xf32>
        %mul3A_193 = arith.mulf %mul3A_192, %get3A_191 : vector<16xf32>
        %swap3A_194 = arith.index_cast %add3A_97 : i32 to index
        %swap3A_195 = arith.constant 96 : index
        %swap3A_196 = tpu.vector_load %arg10[%swap3A_194, %swap3A_195] {strides = array<i32>} : memref<120x144xf32, #tpu.memory_space<vmem>>, vector<1x16xf32>,
        %swap3A_197 = vector.shape_cast %swap3A_196 : vector<1x16xf32> to vector<16xf32>
        %swap3A_198 = vector.shape_cast %mul3A_193 : vector<16xf32> to vector<1x16xf32>
        tpu.vector_store %arg10[%swap3A_194, %swap3A_195], %swap3A_198 {strides = array<i32>} : memref<120x144xf32, #tpu.memory_space<vmem>>, vector<1x16xf32>,
        %slice3A_199 = vector.extract_strided_slice %exp3A {offsets = [7], sizes = [1], strides = [1]} : vector<16xf32> to vector<1xf32>
        %squeeze3A_200 = vector.extract %slice3A_199[0] : f32 from vector<1xf32>
        %get3A_201 = arith.index_cast %add3A_97 : i32 to index
        %get3A_202 = arith.constant 112 : index
        %get3A_203 = tpu.vector_load %arg10[%get3A_201, %get3A_202] {strides = array<i32>} : memref<120x144xf32, #tpu.memory_space<vmem>>, vector<1x16xf32>,
        %get3A_204 = vector.shape_cast %get3A_203 : vector<1x16xf32> to vector<16xf32>
        %mul3A_205 = vector.broadcast %squeeze3A_200 : f32 to vector<16xf32>
        %mul3A_206 = arith.mulf %mul3A_205, %get3A_204 : vector<16xf32>
        %swap3A_207 = arith.index_cast %add3A_97 : i32 to index
        %swap3A_208 = arith.constant 112 : index
        %swap3A_209 = tpu.vector_load %arg10[%swap3A_207, %swap3A_208] {strides = array<i32>} : memref<120x144xf32, #tpu.memory_space<vmem>>, vector<1x16xf32>,
        %swap3A_210 = vector.shape_cast %swap3A_209 : vector<1x16xf32> to vector<16xf32>
        %swap3A_211 = vector.shape_cast %mul3A_206 : vector<16xf32> to vector<1x16xf32>
        tpu.vector_store %arg10[%swap3A_207, %swap3A_208], %swap3A_211 {strides = array<i32>} : memref<120x144xf32, #tpu.memory_space<vmem>>, vector<1x16xf32>,
        %swap3A_212 = arith.index_cast %add3A_97 : i32 to index
        %swap3A_213 = arith.constant 128 : index
        %swap3A_214 = tpu.vector_load %arg10[%swap3A_212, %swap3A_213] {strides = array<i32>} : memref<120x144xf32, #tpu.memory_space<vmem>>, vector<1x16xf32>,
        %swap3A_215 = vector.shape_cast %swap3A_214 : vector<1x16xf32> to vector<16xf32>
        %swap3A_216 = vector.shape_cast %exp3A : vector<16xf32> to vector<1x16xf32>
        tpu.vector_store %arg10[%swap3A_212, %swap3A_213], %swap3A_216 {strides = array<i32>} : memref<120x144xf32, #tpu.memory_space<vmem>>, vector<1x16xf32>,
      }
      %scan3A_61 = arith.constant 120 : i32
      %dma_start3A_62 = arith.constant 0 : i32
      %dma_start3A_63 = arith.constant 0 : i32
      %dma_start3A_64 = tpu.memref_slice %arg15[%dma_start3A_62, %dma_start3A_63] : memref<10016x144xf32, #tpu.memory_space<vmem_shared>> -> memref<10016x144xf32, #tpu.memory_space<vmem_shared>>
      tpu.enqueue_indirect_dma source(%arg10 : memref<120x144xf32, #tpu.memory_space<vmem>>) target(%dma_start3A_64 : memref<10016x144xf32, #tpu.memory_space<vmem_shared>>) offsets(%arg8 : memref<120xi32, #tpu.memory_space<vmem>>) semaphore(%arg18 : memref<!tpu.dma_semaphore, #tpu.memory_space<semaphore_mem>>) {add = true}
      %dma_wait3A_65 = arith.constant 0 : i32
      %dma_wait3A_66 = arith.constant 0 : i32
      %dma_wait3A_67 = tpu.memref_slice %arg15[%dma_wait3A_65, %dma_wait3A_66] : memref<10016x144xf32, #tpu.memory_space<vmem_shared>> -> memref<10016x144xf32, #tpu.memory_space<vmem_shared>>
      tpu.wait_indirect_dma semaphore(%arg18 : memref<!tpu.dma_semaphore, #tpu.memory_space<semaphore_mem>>) src(%arg10 : memref<120x144xf32, #tpu.memory_space<vmem>>) dst(%dma_wait3A_67 : memref<10016x144xf32, #tpu.memory_space<vmem_shared>>)
      %add3A_68 = arith.constant 240 : i32
      %add3A_69 = arith.addi %add3A_42, %add3A_68 : i32
      "tpu.region"() ({
        %run_scoped3A = tpu.sem_alloc : memref<!tpu.dma_semaphore, #tpu.memory_space<semaphore_mem>>
        %dma_start3A_93 = tpu.memref_slice %arg2[%add3A_69] : memref<322680xi32, #tpu.memory_space<hbm>> -> memref<120xi32, #tpu.memory_space<hbm>>
        %dma_start3A_94 = tpu.memref_slice %arg2[%add3A_69] : memref<322680xi32, #tpu.memory_space<hbm>> -> memref<120xi32, #tpu.memory_space<hbm>>
        tpu.enqueue_dma source(%dma_start3A_94 : memref<120xi32, #tpu.memory_space<hbm>>) target(%arg7 : memref<120xi32, #tpu.memory_space<vmem>>) target_semaphore(%run_scoped3A : memref<!tpu.dma_semaphore, #tpu.memory_space<semaphore_mem>>)
        %dma_wait3A_95 = tpu.memref_slice %arg2[%add3A_69] : memref<322680xi32, #tpu.memory_space<hbm>> -> memref<120xi32, #tpu.memory_space<hbm>>
        %dma_wait3A_96 = tpu.memref_slice %arg2[%add3A_69] : memref<322680xi32, #tpu.memory_space<hbm>> -> memref<120xi32, #tpu.memory_space<hbm>>
        tpu.wait_dma2 semaphore(%run_scoped3A : memref<!tpu.dma_semaphore, #tpu.memory_space<semaphore_mem>>) src(%dma_wait3A_96 : memref<120xi32, #tpu.memory_space<hbm>>) dst(%arg7 : memref<120xi32, #tpu.memory_space<vmem>>)
        tpu.yield
      }) : () -> ()
      "tpu.region"() ({
        %run_scoped3A = tpu.sem_alloc : memref<!tpu.dma_semaphore, #tpu.memory_space<semaphore_mem>>
        %dma_start3A_93 = tpu.memref_slice %arg3[%add3A_69] : memref<322680xi32, #tpu.memory_space<hbm>> -> memref<120xi32, #tpu.memory_space<hbm>>
        %dma_start3A_94 = tpu.memref_slice %arg3[%add3A_69] : memref<322680xi32, #tpu.memory_space<hbm>> -> memref<120xi32, #tpu.memory_space<hbm>>
        tpu.enqueue_dma source(%dma_start3A_94 : memref<120xi32, #tpu.memory_space<hbm>>) target(%arg8 : memref<120xi32, #tpu.memory_space<vmem>>) target_semaphore(%run_scoped3A : memref<!tpu.dma_semaphore, #tpu.memory_space<semaphore_mem>>)
        %dma_wait3A_95 = tpu.memref_slice %arg3[%add3A_69] : memref<322680xi32, #tpu.memory_space<hbm>> -> memref<120xi32, #tpu.memory_space<hbm>>
        %dma_wait3A_96 = tpu.memref_slice %arg3[%add3A_69] : memref<322680xi32, #tpu.memory_space<hbm>> -> memref<120xi32, #tpu.memory_space<hbm>>
        tpu.wait_dma2 semaphore(%run_scoped3A : memref<!tpu.dma_semaphore, #tpu.memory_space<semaphore_mem>>) src(%dma_wait3A_96 : memref<120xi32, #tpu.memory_space<hbm>>) dst(%arg8 : memref<120xi32, #tpu.memory_space<vmem>>)
        tpu.yield
      }) : () -> ()
      %dma_start3A_70 = arith.constant 0 : i32
      %dma_start3A_71 = arith.constant 0 : i32
      %dma_start3A_72 = tpu.memref_slice %arg5[%dma_start3A_70, %dma_start3A_71] : memref<10016x144xf32, #tpu.memory_space<hbm>> -> memref<10016x144xf32, #tpu.memory_space<hbm>>
      tpu.enqueue_indirect_dma source(%dma_start3A_72 : memref<10016x144xf32, #tpu.memory_space<hbm>>) target(%arg10 : memref<120x144xf32, #tpu.memory_space<vmem>>) offsets(%arg7 : memref<120xi32, #tpu.memory_space<vmem>>) semaphore(%arg16 : memref<!tpu.dma_semaphore, #tpu.memory_space<semaphore_mem>>)
      %dma_start3A_73 = arith.constant 0 : i32
      %dma_start3A_74 = arith.constant 0 : i32
      %dma_start3A_75 = tpu.memref_slice %arg4[%dma_start3A_73, %dma_start3A_74] : memref<10016x16xf32, #tpu.memory_space<hbm>> -> memref<10016x16xf32, #tpu.memory_space<hbm>>
      tpu.enqueue_indirect_dma source(%dma_start3A_75 : memref<10016x16xf32, #tpu.memory_space<hbm>>) target(%arg9 : memref<120x16xf32, #tpu.memory_space<vmem>>) offsets(%arg8 : memref<120xi32, #tpu.memory_space<vmem>>) semaphore(%arg16 : memref<!tpu.dma_semaphore, #tpu.memory_space<semaphore_mem>>)
      %dma_wait3A_76 = arith.constant 0 : i32
      %dma_wait3A_77 = arith.constant 0 : i32
      %dma_wait3A_78 = tpu.memref_slice %arg5[%dma_wait3A_76, %dma_wait3A_77] : memref<10016x144xf32, #tpu.memory_space<hbm>> -> memref<10016x144xf32, #tpu.memory_space<hbm>>
      tpu.wait_indirect_dma semaphore(%arg17 : memref<!tpu.dma_semaphore, #tpu.memory_space<semaphore_mem>>) src(%dma_wait3A_78 : memref<10016x144xf32, #tpu.memory_space<hbm>>) dst(%arg14 : memref<120x144xf32, #tpu.memory_space<vmem>>)
      %dma_wait3A_79 = arith.constant 0 : i32
      %dma_wait3A_80 = arith.constant 0 : i32
      %dma_wait3A_81 = tpu.memref_slice %arg4[%dma_wait3A_79, %dma_wait3A_80] : memref<10016x16xf32, #tpu.memory_space<hbm>> -> memref<10016x16xf32, #tpu.memory_space<hbm>>
      tpu.wait_indirect_dma semaphore(%arg17 : memref<!tpu.dma_semaphore, #tpu.memory_space<semaphore_mem>>) src(%dma_wait3A_81 : memref<10016x16xf32, #tpu.memory_space<hbm>>) dst(%arg13 : memref<120x16xf32, #tpu.memory_space<vmem>>)
      %scan3A_82 = arith.constant 0 : i32
      %scan3A_83 = arith.constant 120 : i32
      %scan3A_84 = arith.addi %scan3A_82, %scan3A_83 : i32
      %scan3A_85 = arith.constant 1 : i32
      scf.for %scan3A_93 = %scan3A_82 to %scan3A_84 step %scan3A_85  : i32 {
        %mul3A_94 = arith.constant 1 : i32
        %mul3A_95 = arith.muli %scan3A_93, %mul3A_94 : i32
        %add3A_96 = arith.constant 0 : i32
        %add3A_97 = arith.addi %add3A_96, %mul3A_95 : i32
        %get3A = arith.index_cast %add3A_97 : i32 to index
        %get3A_98 = arith.constant 128 : index
        %get3A_99 = tpu.vector_load %arg14[%get3A, %get3A_98] {strides = array<i32>} : memref<120x144xf32, #tpu.memory_space<vmem>>, vector<1x16xf32>,
        %get3A_100 = vector.shape_cast %get3A_99 : vector<1x16xf32> to vector<16xf32>
        %get3A_101 = arith.index_cast %add3A_97 : i32 to index
        %get3A_102 = arith.constant 0 : index
        %get3A_103 = tpu.vector_load %arg13[%get3A_101, %get3A_102] {strides = array<i32>} : memref<120x16xf32, #tpu.memory_space<vmem>>, vector<1x16xf32>,
        %get3A_104 = vector.shape_cast %get3A_103 : vector<1x16xf32> to vector<16xf32>
        %add3A_105 = arith.addf %get3A_100, %get3A_104 : vector<16xf32>
        %ge3A = arith.constant 0.000000e+00 : f32
        %ge3A_106 = vector.broadcast %ge3A : f32 to vector<16xf32>
        %ge3A_107 = arith.cmpf oge, %add3A_105, %ge3A_106 : vector<16xf32>
        %mul3A_108 = arith.constant 2.000000e-01 : f32
        %mul3A_109 = vector.broadcast %mul3A_108 : f32 to vector<16xf32>
        %mul3A_110 = arith.mulf %mul3A_109, %add3A_105 : vector<16xf32>
        %select_n3A = arith.select %ge3A_107, %add3A_105, %mul3A_110 : vector<16xi1>, vector<16xf32>
        %exp3A = math.exp %select_n3A : vector<16xf32>
        %slice3A = vector.extract_strided_slice %exp3A {offsets = [0], sizes = [1], strides = [1]} : vector<16xf32> to vector<1xf32>
        %squeeze3A = vector.extract %slice3A[0] : f32 from vector<1xf32>
        %get3A_111 = arith.index_cast %add3A_97 : i32 to index
        %get3A_112 = arith.constant 0 : index
        %get3A_113 = tpu.vector_load %arg14[%get3A_111, %get3A_112] {strides = array<i32>} : memref<120x144xf32, #tpu.memory_space<vmem>>, vector<1x16xf32>,
        %get3A_114 = vector.shape_cast %get3A_113 : vector<1x16xf32> to vector<16xf32>
        %mul3A_115 = vector.broadcast %squeeze3A : f32 to vector<16xf32>
        %mul3A_116 = arith.mulf %mul3A_115, %get3A_114 : vector<16xf32>
        %swap3A = arith.index_cast %add3A_97 : i32 to index
        %swap3A_117 = arith.constant 0 : index
        %swap3A_118 = tpu.vector_load %arg14[%swap3A, %swap3A_117] {strides = array<i32>} : memref<120x144xf32, #tpu.memory_space<vmem>>, vector<1x16xf32>,
        %swap3A_119 = vector.shape_cast %swap3A_118 : vector<1x16xf32> to vector<16xf32>
        %swap3A_120 = vector.shape_cast %mul3A_116 : vector<16xf32> to vector<1x16xf32>
        tpu.vector_store %arg14[%swap3A, %swap3A_117], %swap3A_120 {strides = array<i32>} : memref<120x144xf32, #tpu.memory_space<vmem>>, vector<1x16xf32>,
        %slice3A_121 = vector.extract_strided_slice %exp3A {offsets = [1], sizes = [1], strides = [1]} : vector<16xf32> to vector<1xf32>
        %squeeze3A_122 = vector.extract %slice3A_121[0] : f32 from vector<1xf32>
        %get3A_123 = arith.index_cast %add3A_97 : i32 to index
        %get3A_124 = arith.constant 16 : index
        %get3A_125 = tpu.vector_load %arg14[%get3A_123, %get3A_124] {strides = array<i32>} : memref<120x144xf32, #tpu.memory_space<vmem>>, vector<1x16xf32>,
        %get3A_126 = vector.shape_cast %get3A_125 : vector<1x16xf32> to vector<16xf32>
        %mul3A_127 = vector.broadcast %squeeze3A_122 : f32 to vector<16xf32>
        %mul3A_128 = arith.mulf %mul3A_127, %get3A_126 : vector<16xf32>
        %swap3A_129 = arith.index_cast %add3A_97 : i32 to index
        %swap3A_130 = arith.constant 16 : index
        %swap3A_131 = tpu.vector_load %arg14[%swap3A_129, %swap3A_130] {strides = array<i32>} : memref<120x144xf32, #tpu.memory_space<vmem>>, vector<1x16xf32>,
        %swap3A_132 = vector.shape_cast %swap3A_131 : vector<1x16xf32> to vector<16xf32>
        %swap3A_133 = vector.shape_cast %mul3A_128 : vector<16xf32> to vector<1x16xf32>
        tpu.vector_store %arg14[%swap3A_129, %swap3A_130], %swap3A_133 {strides = array<i32>} : memref<120x144xf32, #tpu.memory_space<vmem>>, vector<1x16xf32>,
        %slice3A_134 = vector.extract_strided_slice %exp3A {offsets = [2], sizes = [1], strides = [1]} : vector<16xf32> to vector<1xf32>
        %squeeze3A_135 = vector.extract %slice3A_134[0] : f32 from vector<1xf32>
        %get3A_136 = arith.index_cast %add3A_97 : i32 to index
        %get3A_137 = arith.constant 32 : index
        %get3A_138 = tpu.vector_load %arg14[%get3A_136, %get3A_137] {strides = array<i32>} : memref<120x144xf32, #tpu.memory_space<vmem>>, vector<1x16xf32>,
        %get3A_139 = vector.shape_cast %get3A_138 : vector<1x16xf32> to vector<16xf32>
        %mul3A_140 = vector.broadcast %squeeze3A_135 : f32 to vector<16xf32>
        %mul3A_141 = arith.mulf %mul3A_140, %get3A_139 : vector<16xf32>
        %swap3A_142 = arith.index_cast %add3A_97 : i32 to index
        %swap3A_143 = arith.constant 32 : index
        %swap3A_144 = tpu.vector_load %arg14[%swap3A_142, %swap3A_143] {strides = array<i32>} : memref<120x144xf32, #tpu.memory_space<vmem>>, vector<1x16xf32>,
        %swap3A_145 = vector.shape_cast %swap3A_144 : vector<1x16xf32> to vector<16xf32>
        %swap3A_146 = vector.shape_cast %mul3A_141 : vector<16xf32> to vector<1x16xf32>
        tpu.vector_store %arg14[%swap3A_142, %swap3A_143], %swap3A_146 {strides = array<i32>} : memref<120x144xf32, #tpu.memory_space<vmem>>, vector<1x16xf32>,
        %slice3A_147 = vector.extract_strided_slice %exp3A {offsets = [3], sizes = [1], strides = [1]} : vector<16xf32> to vector<1xf32>
        %squeeze3A_148 = vector.extract %slice3A_147[0] : f32 from vector<1xf32>
        %get3A_149 = arith.index_cast %add3A_97 : i32 to index
        %get3A_150 = arith.constant 48 : index
        %get3A_151 = tpu.vector_load %arg14[%get3A_149, %get3A_150] {strides = array<i32>} : memref<120x144xf32, #tpu.memory_space<vmem>>, vector<1x16xf32>,
        %get3A_152 = vector.shape_cast %get3A_151 : vector<1x16xf32> to vector<16xf32>
        %mul3A_153 = vector.broadcast %squeeze3A_148 : f32 to vector<16xf32>
        %mul3A_154 = arith.mulf %mul3A_153, %get3A_152 : vector<16xf32>
        %swap3A_155 = arith.index_cast %add3A_97 : i32 to index
        %swap3A_156 = arith.constant 48 : index
        %swap3A_157 = tpu.vector_load %arg14[%swap3A_155, %swap3A_156] {strides = array<i32>} : memref<120x144xf32, #tpu.memory_space<vmem>>, vector<1x16xf32>,
        %swap3A_158 = vector.shape_cast %swap3A_157 : vector<1x16xf32> to vector<16xf32>
        %swap3A_159 = vector.shape_cast %mul3A_154 : vector<16xf32> to vector<1x16xf32>
        tpu.vector_store %arg14[%swap3A_155, %swap3A_156], %swap3A_159 {strides = array<i32>} : memref<120x144xf32, #tpu.memory_space<vmem>>, vector<1x16xf32>,
        %slice3A_160 = vector.extract_strided_slice %exp3A {offsets = [4], sizes = [1], strides = [1]} : vector<16xf32> to vector<1xf32>
        %squeeze3A_161 = vector.extract %slice3A_160[0] : f32 from vector<1xf32>
        %get3A_162 = arith.index_cast %add3A_97 : i32 to index
        %get3A_163 = arith.constant 64 : index
        %get3A_164 = tpu.vector_load %arg14[%get3A_162, %get3A_163] {strides = array<i32>} : memref<120x144xf32, #tpu.memory_space<vmem>>, vector<1x16xf32>,
        %get3A_165 = vector.shape_cast %get3A_164 : vector<1x16xf32> to vector<16xf32>
        %mul3A_166 = vector.broadcast %squeeze3A_161 : f32 to vector<16xf32>
        %mul3A_167 = arith.mulf %mul3A_166, %get3A_165 : vector<16xf32>
        %swap3A_168 = arith.index_cast %add3A_97 : i32 to index
        %swap3A_169 = arith.constant 64 : index
        %swap3A_170 = tpu.vector_load %arg14[%swap3A_168, %swap3A_169] {strides = array<i32>} : memref<120x144xf32, #tpu.memory_space<vmem>>, vector<1x16xf32>,
        %swap3A_171 = vector.shape_cast %swap3A_170 : vector<1x16xf32> to vector<16xf32>
        %swap3A_172 = vector.shape_cast %mul3A_167 : vector<16xf32> to vector<1x16xf32>
        tpu.vector_store %arg14[%swap3A_168, %swap3A_169], %swap3A_172 {strides = array<i32>} : memref<120x144xf32, #tpu.memory_space<vmem>>, vector<1x16xf32>,
        %slice3A_173 = vector.extract_strided_slice %exp3A {offsets = [5], sizes = [1], strides = [1]} : vector<16xf32> to vector<1xf32>
        %squeeze3A_174 = vector.extract %slice3A_173[0] : f32 from vector<1xf32>
        %get3A_175 = arith.index_cast %add3A_97 : i32 to index
        %get3A_176 = arith.constant 80 : index
        %get3A_177 = tpu.vector_load %arg14[%get3A_175, %get3A_176] {strides = array<i32>} : memref<120x144xf32, #tpu.memory_space<vmem>>, vector<1x16xf32>,
        %get3A_178 = vector.shape_cast %get3A_177 : vector<1x16xf32> to vector<16xf32>
        %mul3A_179 = vector.broadcast %squeeze3A_174 : f32 to vector<16xf32>
        %mul3A_180 = arith.mulf %mul3A_179, %get3A_178 : vector<16xf32>
        %swap3A_181 = arith.index_cast %add3A_97 : i32 to index
        %swap3A_182 = arith.constant 80 : index
        %swap3A_183 = tpu.vector_load %arg14[%swap3A_181, %swap3A_182] {strides = array<i32>} : memref<120x144xf32, #tpu.memory_space<vmem>>, vector<1x16xf32>,
        %swap3A_184 = vector.shape_cast %swap3A_183 : vector<1x16xf32> to vector<16xf32>
        %swap3A_185 = vector.shape_cast %mul3A_180 : vector<16xf32> to vector<1x16xf32>
        tpu.vector_store %arg14[%swap3A_181, %swap3A_182], %swap3A_185 {strides = array<i32>} : memref<120x144xf32, #tpu.memory_space<vmem>>, vector<1x16xf32>,
        %slice3A_186 = vector.extract_strided_slice %exp3A {offsets = [6], sizes = [1], strides = [1]} : vector<16xf32> to vector<1xf32>
        %squeeze3A_187 = vector.extract %slice3A_186[0] : f32 from vector<1xf32>
        %get3A_188 = arith.index_cast %add3A_97 : i32 to index
        %get3A_189 = arith.constant 96 : index
        %get3A_190 = tpu.vector_load %arg14[%get3A_188, %get3A_189] {strides = array<i32>} : memref<120x144xf32, #tpu.memory_space<vmem>>, vector<1x16xf32>,
        %get3A_191 = vector.shape_cast %get3A_190 : vector<1x16xf32> to vector<16xf32>
        %mul3A_192 = vector.broadcast %squeeze3A_187 : f32 to vector<16xf32>
        %mul3A_193 = arith.mulf %mul3A_192, %get3A_191 : vector<16xf32>
        %swap3A_194 = arith.index_cast %add3A_97 : i32 to index
        %swap3A_195 = arith.constant 96 : index
        %swap3A_196 = tpu.vector_load %arg14[%swap3A_194, %swap3A_195] {strides = array<i32>} : memref<120x144xf32, #tpu.memory_space<vmem>>, vector<1x16xf32>,
        %swap3A_197 = vector.shape_cast %swap3A_196 : vector<1x16xf32> to vector<16xf32>
        %swap3A_198 = vector.shape_cast %mul3A_193 : vector<16xf32> to vector<1x16xf32>
        tpu.vector_store %arg14[%swap3A_194, %swap3A_195], %swap3A_198 {strides = array<i32>} : memref<120x144xf32, #tpu.memory_space<vmem>>, vector<1x16xf32>,
        %slice3A_199 = vector.extract_strided_slice %exp3A {offsets = [7], sizes = [1], strides = [1]} : vector<16xf32> to vector<1xf32>
        %squeeze3A_200 = vector.extract %slice3A_199[0] : f32 from vector<1xf32>
        %get3A_201 = arith.index_cast %add3A_97 : i32 to index
        %get3A_202 = arith.constant 112 : index
        %get3A_203 = tpu.vector_load %arg14[%get3A_201, %get3A_202] {strides = array<i32>} : memref<120x144xf32, #tpu.memory_space<vmem>>, vector<1x16xf32>,
        %get3A_204 = vector.shape_cast %get3A_203 : vector<1x16xf32> to vector<16xf32>
        %mul3A_205 = vector.broadcast %squeeze3A_200 : f32 to vector<16xf32>
        %mul3A_206 = arith.mulf %mul3A_205, %get3A_204 : vector<16xf32>
        %swap3A_207 = arith.index_cast %add3A_97 : i32 to index
        %swap3A_208 = arith.constant 112 : index
        %swap3A_209 = tpu.vector_load %arg14[%swap3A_207, %swap3A_208] {strides = array<i32>} : memref<120x144xf32, #tpu.memory_space<vmem>>, vector<1x16xf32>,
        %swap3A_210 = vector.shape_cast %swap3A_209 : vector<1x16xf32> to vector<16xf32>
        %swap3A_211 = vector.shape_cast %mul3A_206 : vector<16xf32> to vector<1x16xf32>
        tpu.vector_store %arg14[%swap3A_207, %swap3A_208], %swap3A_211 {strides = array<i32>} : memref<120x144xf32, #tpu.memory_space<vmem>>, vector<1x16xf32>,
        %swap3A_212 = arith.index_cast %add3A_97 : i32 to index
        %swap3A_213 = arith.constant 128 : index
        %swap3A_214 = tpu.vector_load %arg14[%swap3A_212, %swap3A_213] {strides = array<i32>} : memref<120x144xf32, #tpu.memory_space<vmem>>, vector<1x16xf32>,
        %swap3A_215 = vector.shape_cast %swap3A_214 : vector<1x16xf32> to vector<16xf32>
        %swap3A_216 = vector.shape_cast %exp3A : vector<16xf32> to vector<1x16xf32>
        tpu.vector_store %arg14[%swap3A_212, %swap3A_213], %swap3A_216 {strides = array<i32>} : memref<120x144xf32, #tpu.memory_space<vmem>>, vector<1x16xf32>,
      }
      %scan3A_86 = arith.constant 120 : i32
      %dma_start3A_87 = arith.constant 0 : i32
      %dma_start3A_88 = arith.constant 0 : i32
      %dma_start3A_89 = tpu.memref_slice %arg15[%dma_start3A_87, %dma_start3A_88] : memref<10016x144xf32, #tpu.memory_space<vmem_shared>> -> memref<10016x144xf32, #tpu.memory_space<vmem_shared>>
      tpu.enqueue_indirect_dma source(%arg14 : memref<120x144xf32, #tpu.memory_space<vmem>>) target(%dma_start3A_89 : memref<10016x144xf32, #tpu.memory_space<vmem_shared>>) offsets(%arg12 : memref<120xi32, #tpu.memory_space<vmem>>) semaphore(%arg18 : memref<!tpu.dma_semaphore, #tpu.memory_space<semaphore_mem>>) {add = true}
      %dma_wait3A_90 = arith.constant 0 : i32
      %dma_wait3A_91 = arith.constant 0 : i32
      %dma_wait3A_92 = tpu.memref_slice %arg15[%dma_wait3A_90, %dma_wait3A_91] : memref<10016x144xf32, #tpu.memory_space<vmem_shared>> -> memref<10016x144xf32, #tpu.memory_space<vmem_shared>>
      tpu.wait_indirect_dma semaphore(%arg18 : memref<!tpu.dma_semaphore, #tpu.memory_space<semaphore_mem>>) src(%arg14 : memref<120x144xf32, #tpu.memory_space<vmem>>) dst(%dma_wait3A_92 : memref<10016x144xf32, #tpu.memory_space<vmem_shared>>)
    }
    %scan3A_28 = arith.constant 42 : i32
    %dma_wait3A = arith.constant 0 : i32
    %dma_wait3A_29 = arith.constant 0 : i32
    %dma_wait3A_30 = tpu.memref_slice %arg5[%dma_wait3A, %dma_wait3A_29] : memref<10016x144xf32, #tpu.memory_space<hbm>> -> memref<10016x144xf32, #tpu.memory_space<hbm>>
    tpu.wait_indirect_dma semaphore(%arg16 : memref<!tpu.dma_semaphore, #tpu.memory_space<semaphore_mem>>) src(%dma_wait3A_30 : memref<10016x144xf32, #tpu.memory_space<hbm>>) dst(%arg10 : memref<120x144xf32, #tpu.memory_space<vmem>>)
    %dma_wait3A_31 = arith.constant 0 : i32
    %dma_wait3A_32 = arith.constant 0 : i32
    %dma_wait3A_33 = tpu.memref_slice %arg4[%dma_wait3A_31, %dma_wait3A_32] : memref<10016x16xf32, #tpu.memory_space<hbm>> -> memref<10016x16xf32, #tpu.memory_space<hbm>>
    tpu.wait_indirect_dma semaphore(%arg16 : memref<!tpu.dma_semaphore, #tpu.memory_space<semaphore_mem>>) src(%dma_wait3A_33 : memref<10016x16xf32, #tpu.memory_space<hbm>>) dst(%arg9 : memref<120x16xf32, #tpu.memory_space<vmem>>)
    %barrier3A_34 = arith.constant 0 : index
    tpu.barrier barrier_id(%barrier3A_34)
    "tpu.region"() ({
      %run_scoped3A = tpu.sem_alloc : memref<!tpu.dma_semaphore, #tpu.memory_space<semaphore_mem>>
      %dma_start3A_35 = arith.constant 0 : i32
      %dma_start3A_36 = tpu.memref_slice %arg6[%arg0, %mul3A_7, %dma_start3A_35] : memref<2x10016x144xf32, #tpu.memory_space<hbm>> -> memref<1x626x144xf32, #tpu.memory_space<hbm>>
      %dma_start3A_37 = tpu.memref_squeeze %dma_start3A_36 : memref<1x626x144xf32, #tpu.memory_space<hbm>> -> memref<626x144xf32, #tpu.memory_space<hbm>>
      %dma_start3A_38 = arith.constant 0 : i32
      %dma_start3A_39 = tpu.memref_slice %arg15[%mul3A_7, %dma_start3A_38] : memref<10016x144xf32, #tpu.memory_space<vmem_shared>> -> memref<626x144xf32, #tpu.memory_space<vmem_shared>>
      tpu.enqueue_dma source(%dma_start3A_39 : memref<626x144xf32, #tpu.memory_space<vmem_shared>>) target(%dma_start3A_37 : memref<626x144xf32, #tpu.memory_space<hbm>>) target_semaphore(%run_scoped3A : memref<!tpu.dma_semaphore, #tpu.memory_space<semaphore_mem>>)
      %dma_wait3A_40 = arith.constant 0 : i32
      %dma_wait3A_41 = tpu.memref_slice %arg6[%arg0, %mul3A_7, %dma_wait3A_40] : memref<2x10016x144xf32, #tpu.memory_space<hbm>> -> memref<1x626x144xf32, #tpu.memory_space<hbm>>
      %dma_wait3A_42 = tpu.memref_squeeze %dma_wait3A_41 : memref<1x626x144xf32, #tpu.memory_space<hbm>> -> memref<626x144xf32, #tpu.memory_space<hbm>>
      %dma_wait3A_43 = arith.constant 0 : i32
      %dma_wait3A_44 = tpu.memref_slice %arg15[%mul3A_7, %dma_wait3A_43] : memref<10016x144xf32, #tpu.memory_space<vmem_shared>> -> memref<626x144xf32, #tpu.memory_space<vmem_shared>>
      tpu.wait_dma2 semaphore(%run_scoped3A : memref<!tpu.dma_semaphore, #tpu.memory_space<semaphore_mem>>) src(%dma_wait3A_44 : memref<626x144xf32, #tpu.memory_space<vmem_shared>>) dst(%dma_wait3A_42 : memref<626x144xf32, #tpu.memory_space<hbm>>)
      tpu.yield
    }) : () -> ()
    return
  }
}

#map = affine_map<(d0, d1) -> (0)>
#map1 = affine_map<(d0, d1) -> (0, 0)>
#map2 = affine_map<(d0, d1) -> (0, 0, 0)>
module attributes {stable_mosaic.version = 14 : i64} {
  func.func @body(%arg0: i32, %arg1: i32, %arg2: memref<322680xi32, #tpu.memory_space<hbm>>, %arg3: memref<322680xi32, #tpu.memory_space<hbm>>, %arg4: memref<10016x16xf32, #tpu.memory_space<hbm>>, %arg5: memref<10016x48xf32, #tpu.memory_space<hbm>>, %arg6: memref<2x10016x48xf32, #tpu.memory_space<hbm>>, %arg7: memref<120xi32, #tpu.memory_space<vmem>>, %arg8: memref<120xi32, #tpu.memory_space<vmem>>, %arg9: memref<120x16xf32, #tpu.memory_space<vmem>>, %arg10: memref<120x48xf32, #tpu.memory_space<vmem>>, %arg11: memref<120xi32, #tpu.memory_space<vmem>>, %arg12: memref<120xi32, #tpu.memory_space<vmem>>, %arg13: memref<120x16xf32, #tpu.memory_space<vmem>>, %arg14: memref<120x48xf32, #tpu.memory_space<vmem>>, %arg15: memref<10016x48xf32, #tpu.memory_space<vmem_shared>>, %arg16: memref<!tpu.dma_semaphore, #tpu.memory_space<semaphore_mem>>, %arg17: memref<!tpu.dma_semaphore, #tpu.memory_space<semaphore_mem>>, %arg18: memref<!tpu.dma_semaphore, #tpu.memory_space<semaphore_mem>>) attributes {dimension_semantics = [#tpu.dimension_semantics<core_parallel>, #tpu.dimension_semantics<subcore_parallel>], iteration_bounds = array<i64: 2, 16>, scalar_prefetch = 0 : i64, scratch_operands = 12 : i64, tpu.core_type = #tpu.core_type<sc_vector_subcore>, window_params = [{transform_indices = #map}, {transform_indices = #map}, {transform_indices = #map1}, {transform_indices = #map1}, {transform_indices = #map2}]} {
    %mul3A = arith.constant 2 : i32
    %mul3A_0 = arith.muli %arg1, %mul3A : i32
    %add3A = arith.addi %mul3A_0, %arg0 : i32
    %broadcast_in_dim3A = arith.constant 0.000000e+00 : f32
    %broadcast_in_dim3A_1 = vector.broadcast %broadcast_in_dim3A : f32 to vector<16xf32>
    %scan3A = arith.constant 0 : i32
    %scan3A_2 = arith.constant 120 : i32
    %scan3A_3 = arith.addi %scan3A, %scan3A_2 : i32
    %scan3A_4 = arith.constant 1 : i32
    scf.for %scan3A_35 = %scan3A to %scan3A_3 step %scan3A_4  : i32 {
      %mul3A_36 = arith.constant 1 : i32
      %mul3A_37 = arith.muli %scan3A_35, %mul3A_36 : i32
      %add3A_38 = arith.constant 0 : i32
      %add3A_39 = arith.addi %add3A_38, %mul3A_37 : i32
      %swap3A = arith.index_cast %add3A_39 : i32 to index
      %swap3A_40 = arith.constant 0 : index
      %swap3A_41 = tpu.vector_load %arg10[%swap3A, %swap3A_40] {strides = array<i32>} : memref<120x48xf32, #tpu.memory_space<vmem>>, vector<1x16xf32>,
      %swap3A_42 = vector.shape_cast %swap3A_41 : vector<1x16xf32> to vector<16xf32>
      %swap3A_43 = vector.shape_cast %broadcast_in_dim3A_1 : vector<16xf32> to vector<1x16xf32>
      tpu.vector_store %arg10[%swap3A, %swap3A_40], %swap3A_43 {strides = array<i32>} : memref<120x48xf32, #tpu.memory_space<vmem>>, vector<1x16xf32>,
      %swap3A_44 = arith.index_cast %add3A_39 : i32 to index
      %swap3A_45 = arith.constant 16 : index
      %swap3A_46 = tpu.vector_load %arg10[%swap3A_44, %swap3A_45] {strides = array<i32>} : memref<120x48xf32, #tpu.memory_space<vmem>>, vector<1x16xf32>,
      %swap3A_47 = vector.shape_cast %swap3A_46 : vector<1x16xf32> to vector<16xf32>
      %swap3A_48 = vector.shape_cast %broadcast_in_dim3A_1 : vector<16xf32> to vector<1x16xf32>
      tpu.vector_store %arg10[%swap3A_44, %swap3A_45], %swap3A_48 {strides = array<i32>} : memref<120x48xf32, #tpu.memory_space<vmem>>, vector<1x16xf32>,
      %swap3A_49 = arith.index_cast %add3A_39 : i32 to index
      %swap3A_50 = arith.constant 32 : index
      %swap3A_51 = tpu.vector_load %arg10[%swap3A_49, %swap3A_50] {strides = array<i32>} : memref<120x48xf32, #tpu.memory_space<vmem>>, vector<1x16xf32>,
      %swap3A_52 = vector.shape_cast %swap3A_51 : vector<1x16xf32> to vector<16xf32>
      %swap3A_53 = vector.shape_cast %broadcast_in_dim3A_1 : vector<16xf32> to vector<1x16xf32>
      tpu.vector_store %arg10[%swap3A_49, %swap3A_50], %swap3A_53 {strides = array<i32>} : memref<120x48xf32, #tpu.memory_space<vmem>>, vector<1x16xf32>,
    }
    %scan3A_5 = arith.constant 120 : i32
    %mul3A_6 = arith.constant 626 : i32
    %mul3A_7 = arith.muli %arg1, %mul3A_6 : i32
    %scan3A_8 = arith.constant 0 : i32
    %scan3A_9 = arith.constant 5 : i32
    %scan3A_10 = arith.addi %scan3A_8, %scan3A_9 : i32
    %scan3A_11 = arith.constant 1 : i32
    scf.for %scan3A_35 = %scan3A_8 to %scan3A_10 step %scan3A_11  : i32 {
      %mul3A_36 = arith.constant 1 : i32
      %mul3A_37 = arith.muli %scan3A_35, %mul3A_36 : i32
      %add3A_38 = arith.constant 0 : i32
      %add3A_39 = arith.addi %add3A_38, %mul3A_37 : i32
      %mul3A_40 = arith.constant 120 : i32
      %mul3A_41 = arith.muli %add3A_39, %mul3A_40 : i32
      %add3A_42 = arith.addi %mul3A_7, %mul3A_41 : i32
      "tpu.region"() ({
        %run_scoped3A = tpu.sem_alloc : memref<!tpu.dma_semaphore, #tpu.memory_space<semaphore_mem>>
        %dma_start3A_43 = arith.constant 0 : i32
        %dma_start3A_44 = tpu.memref_slice %arg15[%add3A_42, %dma_start3A_43] : memref<10016x48xf32, #tpu.memory_space<vmem_shared>> -> memref<120x48xf32, #tpu.memory_space<vmem_shared>>
        %dma_start3A_45 = arith.constant 0 : i32
        %dma_start3A_46 = tpu.memref_slice %arg15[%add3A_42, %dma_start3A_45] : memref<10016x48xf32, #tpu.memory_space<vmem_shared>> -> memref<120x48xf32, #tpu.memory_space<vmem_shared>>
        tpu.enqueue_dma source(%arg10 : memref<120x48xf32, #tpu.memory_space<vmem>>) target(%dma_start3A_46 : memref<120x48xf32, #tpu.memory_space<vmem_shared>>) target_semaphore(%run_scoped3A : memref<!tpu.dma_semaphore, #tpu.memory_space<semaphore_mem>>)
        %dma_wait3A_47 = arith.constant 0 : i32
        %dma_wait3A_48 = tpu.memref_slice %arg15[%add3A_42, %dma_wait3A_47] : memref<10016x48xf32, #tpu.memory_space<vmem_shared>> -> memref<120x48xf32, #tpu.memory_space<vmem_shared>>
        %dma_wait3A_49 = arith.constant 0 : i32
        %dma_wait3A_50 = tpu.memref_slice %arg15[%add3A_42, %dma_wait3A_49] : memref<10016x48xf32, #tpu.memory_space<vmem_shared>> -> memref<120x48xf32, #tpu.memory_space<vmem_shared>>
        tpu.wait_dma2 semaphore(%run_scoped3A : memref<!tpu.dma_semaphore, #tpu.memory_space<semaphore_mem>>) src(%arg10 : memref<120x48xf32, #tpu.memory_space<vmem>>) dst(%dma_wait3A_50 : memref<120x48xf32, #tpu.memory_space<vmem_shared>>)
        tpu.yield
      }) : () -> ()
    }
    %scan3A_12 = arith.constant 5 : i32
    %add3A_13 = arith.constant 600 : i32
    %add3A_14 = arith.addi %mul3A_7, %add3A_13 : i32
    "tpu.region"() ({
      %run_scoped3A = tpu.sem_alloc : memref<!tpu.dma_semaphore, #tpu.memory_space<semaphore_mem>>
      %dma_start3A_35 = arith.constant 0 : i32
      %dma_start3A_36 = arith.constant 0 : i32
      %dma_start3A_37 = tpu.memref_slice %arg10[%dma_start3A_35, %dma_start3A_36] : memref<120x48xf32, #tpu.memory_space<vmem>> -> memref<26x48xf32, #tpu.memory_space<vmem>>
      %dma_start3A_38 = arith.constant 0 : i32
      %dma_start3A_39 = tpu.memref_slice %arg15[%add3A_14, %dma_start3A_38] : memref<10016x48xf32, #tpu.memory_space<vmem_shared>> -> memref<26x48xf32, #tpu.memory_space<vmem_shared>>
      %dma_start3A_40 = arith.constant 0 : i32
      %dma_start3A_41 = tpu.memref_slice %arg15[%add3A_14, %dma_start3A_40] : memref<10016x48xf32, #tpu.memory_space<vmem_shared>> -> memref<26x48xf32, #tpu.memory_space<vmem_shared>>
      %dma_start3A_42 = arith.constant 0 : i32
      %dma_start3A_43 = arith.constant 0 : i32
      %dma_start3A_44 = tpu.memref_slice %arg10[%dma_start3A_42, %dma_start3A_43] : memref<120x48xf32, #tpu.memory_space<vmem>> -> memref<26x48xf32, #tpu.memory_space<vmem>>
      tpu.enqueue_dma source(%dma_start3A_44 : memref<26x48xf32, #tpu.memory_space<vmem>>) target(%dma_start3A_41 : memref<26x48xf32, #tpu.memory_space<vmem_shared>>) target_semaphore(%run_scoped3A : memref<!tpu.dma_semaphore, #tpu.memory_space<semaphore_mem>>)
      %dma_wait3A_45 = arith.constant 0 : i32
      %dma_wait3A_46 = arith.constant 0 : i32
      %dma_wait3A_47 = tpu.memref_slice %arg10[%dma_wait3A_45, %dma_wait3A_46] : memref<120x48xf32, #tpu.memory_space<vmem>> -> memref<26x48xf32, #tpu.memory_space<vmem>>
      %dma_wait3A_48 = arith.constant 0 : i32
      %dma_wait3A_49 = tpu.memref_slice %arg15[%add3A_14, %dma_wait3A_48] : memref<10016x48xf32, #tpu.memory_space<vmem_shared>> -> memref<26x48xf32, #tpu.memory_space<vmem_shared>>
      %dma_wait3A_50 = arith.constant 0 : i32
      %dma_wait3A_51 = tpu.memref_slice %arg15[%add3A_14, %dma_wait3A_50] : memref<10016x48xf32, #tpu.memory_space<vmem_shared>> -> memref<26x48xf32, #tpu.memory_space<vmem_shared>>
      %dma_wait3A_52 = arith.constant 0 : i32
      %dma_wait3A_53 = arith.constant 0 : i32
      %dma_wait3A_54 = tpu.memref_slice %arg10[%dma_wait3A_52, %dma_wait3A_53] : memref<120x48xf32, #tpu.memory_space<vmem>> -> memref<26x48xf32, #tpu.memory_space<vmem>>
      tpu.wait_dma2 semaphore(%run_scoped3A : memref<!tpu.dma_semaphore, #tpu.memory_space<semaphore_mem>>) src(%dma_wait3A_54 : memref<26x48xf32, #tpu.memory_space<vmem>>) dst(%dma_wait3A_51 : memref<26x48xf32, #tpu.memory_space<vmem_shared>>)
      tpu.yield
    }) : () -> ()
    %barrier3A = arith.constant 0 : index
    tpu.barrier barrier_id(%barrier3A)
    %mul3A_15 = arith.constant 84 : i32
    %mul3A_16 = arith.muli %add3A, %mul3A_15 : i32
    %mul3A_17 = arith.constant 120 : i32
    %mul3A_18 = arith.muli %mul3A_16, %mul3A_17 : i32
    "tpu.region"() ({
      %run_scoped3A = tpu.sem_alloc : memref<!tpu.dma_semaphore, #tpu.memory_space<semaphore_mem>>
      %dma_start3A_35 = tpu.memref_slice %arg2[%mul3A_18] : memref<322680xi32, #tpu.memory_space<hbm>> -> memref<120xi32, #tpu.memory_space<hbm>>
      %dma_start3A_36 = tpu.memref_slice %arg2[%mul3A_18] : memref<322680xi32, #tpu.memory_space<hbm>> -> memref<120xi32, #tpu.memory_space<hbm>>
      tpu.enqueue_dma source(%dma_start3A_36 : memref<120xi32, #tpu.memory_space<hbm>>) target(%arg7 : memref<120xi32, #tpu.memory_space<vmem>>) target_semaphore(%run_scoped3A : memref<!tpu.dma_semaphore, #tpu.memory_space<semaphore_mem>>)
      %dma_wait3A_37 = tpu.memref_slice %arg2[%mul3A_18] : memref<322680xi32, #tpu.memory_space<hbm>> -> memref<120xi32, #tpu.memory_space<hbm>>
      %dma_wait3A_38 = tpu.memref_slice %arg2[%mul3A_18] : memref<322680xi32, #tpu.memory_space<hbm>> -> memref<120xi32, #tpu.memory_space<hbm>>
      tpu.wait_dma2 semaphore(%run_scoped3A : memref<!tpu.dma_semaphore, #tpu.memory_space<semaphore_mem>>) src(%dma_wait3A_38 : memref<120xi32, #tpu.memory_space<hbm>>) dst(%arg7 : memref<120xi32, #tpu.memory_space<vmem>>)
      tpu.yield
    }) : () -> ()
    "tpu.region"() ({
      %run_scoped3A = tpu.sem_alloc : memref<!tpu.dma_semaphore, #tpu.memory_space<semaphore_mem>>
      %dma_start3A_35 = tpu.memref_slice %arg3[%mul3A_18] : memref<322680xi32, #tpu.memory_space<hbm>> -> memref<120xi32, #tpu.memory_space<hbm>>
      %dma_start3A_36 = tpu.memref_slice %arg3[%mul3A_18] : memref<322680xi32, #tpu.memory_space<hbm>> -> memref<120xi32, #tpu.memory_space<hbm>>
      tpu.enqueue_dma source(%dma_start3A_36 : memref<120xi32, #tpu.memory_space<hbm>>) target(%arg8 : memref<120xi32, #tpu.memory_space<vmem>>) target_semaphore(%run_scoped3A : memref<!tpu.dma_semaphore, #tpu.memory_space<semaphore_mem>>)
      %dma_wait3A_37 = tpu.memref_slice %arg3[%mul3A_18] : memref<322680xi32, #tpu.memory_space<hbm>> -> memref<120xi32, #tpu.memory_space<hbm>>
      %dma_wait3A_38 = tpu.memref_slice %arg3[%mul3A_18] : memref<322680xi32, #tpu.memory_space<hbm>> -> memref<120xi32, #tpu.memory_space<hbm>>
      tpu.wait_dma2 semaphore(%run_scoped3A : memref<!tpu.dma_semaphore, #tpu.memory_space<semaphore_mem>>) src(%dma_wait3A_38 : memref<120xi32, #tpu.memory_space<hbm>>) dst(%arg8 : memref<120xi32, #tpu.memory_space<vmem>>)
      tpu.yield
    }) : () -> ()
    %dma_start3A = arith.constant 0 : i32
    %dma_start3A_19 = arith.constant 0 : i32
    %dma_start3A_20 = tpu.memref_slice %arg5[%dma_start3A, %dma_start3A_19] : memref<10016x48xf32, #tpu.memory_space<hbm>> -> memref<10016x48xf32, #tpu.memory_space<hbm>>
    tpu.enqueue_indirect_dma source(%dma_start3A_20 : memref<10016x48xf32, #tpu.memory_space<hbm>>) target(%arg10 : memref<120x48xf32, #tpu.memory_space<vmem>>) offsets(%arg7 : memref<120xi32, #tpu.memory_space<vmem>>) semaphore(%arg16 : memref<!tpu.dma_semaphore, #tpu.memory_space<semaphore_mem>>)
    %dma_start3A_21 = arith.constant 0 : i32
    %dma_start3A_22 = arith.constant 0 : i32
    %dma_start3A_23 = tpu.memref_slice %arg4[%dma_start3A_21, %dma_start3A_22] : memref<10016x16xf32, #tpu.memory_space<hbm>> -> memref<10016x16xf32, #tpu.memory_space<hbm>>
    tpu.enqueue_indirect_dma source(%dma_start3A_23 : memref<10016x16xf32, #tpu.memory_space<hbm>>) target(%arg9 : memref<120x16xf32, #tpu.memory_space<vmem>>) offsets(%arg8 : memref<120xi32, #tpu.memory_space<vmem>>) semaphore(%arg16 : memref<!tpu.dma_semaphore, #tpu.memory_space<semaphore_mem>>)
    %scan3A_24 = arith.constant 0 : i32
    %scan3A_25 = arith.constant 42 : i32
    %scan3A_26 = arith.addi %scan3A_24, %scan3A_25 : i32
    %scan3A_27 = arith.constant 1 : i32
    scf.for %scan3A_35 = %scan3A_24 to %scan3A_26 step %scan3A_27  : i32 {
      %mul3A_36 = arith.constant 1 : i32
      %mul3A_37 = arith.muli %scan3A_35, %mul3A_36 : i32
      %add3A_38 = arith.constant 0 : i32
      %add3A_39 = arith.addi %add3A_38, %mul3A_37 : i32
      %mul3A_40 = arith.constant 240 : i32
      %mul3A_41 = arith.muli %add3A_39, %mul3A_40 : i32
      %add3A_42 = arith.addi %mul3A_18, %mul3A_41 : i32
      %add3A_43 = arith.constant 120 : i32
      %add3A_44 = arith.addi %add3A_42, %add3A_43 : i32
      "tpu.region"() ({
        %run_scoped3A = tpu.sem_alloc : memref<!tpu.dma_semaphore, #tpu.memory_space<semaphore_mem>>
        %dma_start3A_93 = tpu.memref_slice %arg2[%add3A_44] : memref<322680xi32, #tpu.memory_space<hbm>> -> memref<120xi32, #tpu.memory_space<hbm>>
        %dma_start3A_94 = tpu.memref_slice %arg2[%add3A_44] : memref<322680xi32, #tpu.memory_space<hbm>> -> memref<120xi32, #tpu.memory_space<hbm>>
        tpu.enqueue_dma source(%dma_start3A_94 : memref<120xi32, #tpu.memory_space<hbm>>) target(%arg11 : memref<120xi32, #tpu.memory_space<vmem>>) target_semaphore(%run_scoped3A : memref<!tpu.dma_semaphore, #tpu.memory_space<semaphore_mem>>)
        %dma_wait3A_95 = tpu.memref_slice %arg2[%add3A_44] : memref<322680xi32, #tpu.memory_space<hbm>> -> memref<120xi32, #tpu.memory_space<hbm>>
        %dma_wait3A_96 = tpu.memref_slice %arg2[%add3A_44] : memref<322680xi32, #tpu.memory_space<hbm>> -> memref<120xi32, #tpu.memory_space<hbm>>
        tpu.wait_dma2 semaphore(%run_scoped3A : memref<!tpu.dma_semaphore, #tpu.memory_space<semaphore_mem>>) src(%dma_wait3A_96 : memref<120xi32, #tpu.memory_space<hbm>>) dst(%arg11 : memref<120xi32, #tpu.memory_space<vmem>>)
        tpu.yield
      }) : () -> ()
      "tpu.region"() ({
        %run_scoped3A = tpu.sem_alloc : memref<!tpu.dma_semaphore, #tpu.memory_space<semaphore_mem>>
        %dma_start3A_93 = tpu.memref_slice %arg3[%add3A_44] : memref<322680xi32, #tpu.memory_space<hbm>> -> memref<120xi32, #tpu.memory_space<hbm>>
        %dma_start3A_94 = tpu.memref_slice %arg3[%add3A_44] : memref<322680xi32, #tpu.memory_space<hbm>> -> memref<120xi32, #tpu.memory_space<hbm>>
        tpu.enqueue_dma source(%dma_start3A_94 : memref<120xi32, #tpu.memory_space<hbm>>) target(%arg12 : memref<120xi32, #tpu.memory_space<vmem>>) target_semaphore(%run_scoped3A : memref<!tpu.dma_semaphore, #tpu.memory_space<semaphore_mem>>)
        %dma_wait3A_95 = tpu.memref_slice %arg3[%add3A_44] : memref<322680xi32, #tpu.memory_space<hbm>> -> memref<120xi32, #tpu.memory_space<hbm>>
        %dma_wait3A_96 = tpu.memref_slice %arg3[%add3A_44] : memref<322680xi32, #tpu.memory_space<hbm>> -> memref<120xi32, #tpu.memory_space<hbm>>
        tpu.wait_dma2 semaphore(%run_scoped3A : memref<!tpu.dma_semaphore, #tpu.memory_space<semaphore_mem>>) src(%dma_wait3A_96 : memref<120xi32, #tpu.memory_space<hbm>>) dst(%arg12 : memref<120xi32, #tpu.memory_space<vmem>>)
        tpu.yield
      }) : () -> ()
      %dma_start3A_45 = arith.constant 0 : i32
      %dma_start3A_46 = arith.constant 0 : i32
      %dma_start3A_47 = tpu.memref_slice %arg5[%dma_start3A_45, %dma_start3A_46] : memref<10016x48xf32, #tpu.memory_space<hbm>> -> memref<10016x48xf32, #tpu.memory_space<hbm>>
      tpu.enqueue_indirect_dma source(%dma_start3A_47 : memref<10016x48xf32, #tpu.memory_space<hbm>>) target(%arg14 : memref<120x48xf32, #tpu.memory_space<vmem>>) offsets(%arg11 : memref<120xi32, #tpu.memory_space<vmem>>) semaphore(%arg17 : memref<!tpu.dma_semaphore, #tpu.memory_space<semaphore_mem>>)
      %dma_start3A_48 = arith.constant 0 : i32
      %dma_start3A_49 = arith.constant 0 : i32
      %dma_start3A_50 = tpu.memref_slice %arg4[%dma_start3A_48, %dma_start3A_49] : memref<10016x16xf32, #tpu.memory_space<hbm>> -> memref<10016x16xf32, #tpu.memory_space<hbm>>
      tpu.enqueue_indirect_dma source(%dma_start3A_50 : memref<10016x16xf32, #tpu.memory_space<hbm>>) target(%arg13 : memref<120x16xf32, #tpu.memory_space<vmem>>) offsets(%arg12 : memref<120xi32, #tpu.memory_space<vmem>>) semaphore(%arg17 : memref<!tpu.dma_semaphore, #tpu.memory_space<semaphore_mem>>)
      %dma_wait3A_51 = arith.constant 0 : i32
      %dma_wait3A_52 = arith.constant 0 : i32
      %dma_wait3A_53 = tpu.memref_slice %arg5[%dma_wait3A_51, %dma_wait3A_52] : memref<10016x48xf32, #tpu.memory_space<hbm>> -> memref<10016x48xf32, #tpu.memory_space<hbm>>
      tpu.wait_indirect_dma semaphore(%arg16 : memref<!tpu.dma_semaphore, #tpu.memory_space<semaphore_mem>>) src(%dma_wait3A_53 : memref<10016x48xf32, #tpu.memory_space<hbm>>) dst(%arg10 : memref<120x48xf32, #tpu.memory_space<vmem>>)
      %dma_wait3A_54 = arith.constant 0 : i32
      %dma_wait3A_55 = arith.constant 0 : i32
      %dma_wait3A_56 = tpu.memref_slice %arg4[%dma_wait3A_54, %dma_wait3A_55] : memref<10016x16xf32, #tpu.memory_space<hbm>> -> memref<10016x16xf32, #tpu.memory_space<hbm>>
      tpu.wait_indirect_dma semaphore(%arg16 : memref<!tpu.dma_semaphore, #tpu.memory_space<semaphore_mem>>) src(%dma_wait3A_56 : memref<10016x16xf32, #tpu.memory_space<hbm>>) dst(%arg9 : memref<120x16xf32, #tpu.memory_space<vmem>>)
      %scan3A_57 = arith.constant 0 : i32
      %scan3A_58 = arith.constant 120 : i32
      %scan3A_59 = arith.addi %scan3A_57, %scan3A_58 : i32
      %scan3A_60 = arith.constant 1 : i32
      scf.for %scan3A_93 = %scan3A_57 to %scan3A_59 step %scan3A_60  : i32 {
        %mul3A_94 = arith.constant 1 : i32
        %mul3A_95 = arith.muli %scan3A_93, %mul3A_94 : i32
        %add3A_96 = arith.constant 0 : i32
        %add3A_97 = arith.addi %add3A_96, %mul3A_95 : i32
        %get3A = arith.index_cast %add3A_97 : i32 to index
        %get3A_98 = arith.constant 32 : index
        %get3A_99 = tpu.vector_load %arg10[%get3A, %get3A_98] {strides = array<i32>} : memref<120x48xf32, #tpu.memory_space<vmem>>, vector<1x16xf32>,
        %get3A_100 = vector.shape_cast %get3A_99 : vector<1x16xf32> to vector<16xf32>
        %get3A_101 = arith.index_cast %add3A_97 : i32 to index
        %get3A_102 = arith.constant 0 : index
        %get3A_103 = tpu.vector_load %arg9[%get3A_101, %get3A_102] {strides = array<i32>} : memref<120x16xf32, #tpu.memory_space<vmem>>, vector<1x16xf32>,
        %get3A_104 = vector.shape_cast %get3A_103 : vector<1x16xf32> to vector<16xf32>
        %add3A_105 = arith.addf %get3A_100, %get3A_104 : vector<16xf32>
        %ge3A = arith.constant 0.000000e+00 : f32
        %ge3A_106 = vector.broadcast %ge3A : f32 to vector<16xf32>
        %ge3A_107 = arith.cmpf oge, %add3A_105, %ge3A_106 : vector<16xf32>
        %mul3A_108 = arith.constant 2.000000e-01 : f32
        %mul3A_109 = vector.broadcast %mul3A_108 : f32 to vector<16xf32>
        %mul3A_110 = arith.mulf %mul3A_109, %add3A_105 : vector<16xf32>
        %select_n3A = arith.select %ge3A_107, %add3A_105, %mul3A_110 : vector<16xi1>, vector<16xf32>
        %exp3A = math.exp %select_n3A : vector<16xf32>
        %slice3A = vector.extract_strided_slice %exp3A {offsets = [0], sizes = [1], strides = [1]} : vector<16xf32> to vector<1xf32>
        %squeeze3A = vector.extract %slice3A[0] : f32 from vector<1xf32>
        %get3A_111 = arith.index_cast %add3A_97 : i32 to index
        %get3A_112 = arith.constant 0 : index
        %get3A_113 = tpu.vector_load %arg10[%get3A_111, %get3A_112] {strides = array<i32>} : memref<120x48xf32, #tpu.memory_space<vmem>>, vector<1x16xf32>,
        %get3A_114 = vector.shape_cast %get3A_113 : vector<1x16xf32> to vector<16xf32>
        %mul3A_115 = vector.broadcast %squeeze3A : f32 to vector<16xf32>
        %mul3A_116 = arith.mulf %mul3A_115, %get3A_114 : vector<16xf32>
        %swap3A = arith.index_cast %add3A_97 : i32 to index
        %swap3A_117 = arith.constant 0 : index
        %swap3A_118 = tpu.vector_load %arg10[%swap3A, %swap3A_117] {strides = array<i32>} : memref<120x48xf32, #tpu.memory_space<vmem>>, vector<1x16xf32>,
        %swap3A_119 = vector.shape_cast %swap3A_118 : vector<1x16xf32> to vector<16xf32>
        %swap3A_120 = vector.shape_cast %mul3A_116 : vector<16xf32> to vector<1x16xf32>
        tpu.vector_store %arg10[%swap3A, %swap3A_117], %swap3A_120 {strides = array<i32>} : memref<120x48xf32, #tpu.memory_space<vmem>>, vector<1x16xf32>,
        %slice3A_121 = vector.extract_strided_slice %exp3A {offsets = [0], sizes = [1], strides = [1]} : vector<16xf32> to vector<1xf32>
        %squeeze3A_122 = vector.extract %slice3A_121[0] : f32 from vector<1xf32>
        %get3A_123 = arith.index_cast %add3A_97 : i32 to index
        %get3A_124 = arith.constant 16 : index
        %get3A_125 = tpu.vector_load %arg10[%get3A_123, %get3A_124] {strides = array<i32>} : memref<120x48xf32, #tpu.memory_space<vmem>>, vector<1x16xf32>,
        %get3A_126 = vector.shape_cast %get3A_125 : vector<1x16xf32> to vector<16xf32>
        %mul3A_127 = vector.broadcast %squeeze3A_122 : f32 to vector<16xf32>
        %mul3A_128 = arith.mulf %mul3A_127, %get3A_126 : vector<16xf32>
        %swap3A_129 = arith.index_cast %add3A_97 : i32 to index
        %swap3A_130 = arith.constant 16 : index
        %swap3A_131 = tpu.vector_load %arg10[%swap3A_129, %swap3A_130] {strides = array<i32>} : memref<120x48xf32, #tpu.memory_space<vmem>>, vector<1x16xf32>,
        %swap3A_132 = vector.shape_cast %swap3A_131 : vector<1x16xf32> to vector<16xf32>
        %swap3A_133 = vector.shape_cast %mul3A_128 : vector<16xf32> to vector<1x16xf32>
        tpu.vector_store %arg10[%swap3A_129, %swap3A_130], %swap3A_133 {strides = array<i32>} : memref<120x48xf32, #tpu.memory_space<vmem>>, vector<1x16xf32>,
        %swap3A_134 = arith.index_cast %add3A_97 : i32 to index
        %swap3A_135 = arith.constant 32 : index
        %swap3A_136 = tpu.vector_load %arg10[%swap3A_134, %swap3A_135] {strides = array<i32>} : memref<120x48xf32, #tpu.memory_space<vmem>>, vector<1x16xf32>,
        %swap3A_137 = vector.shape_cast %swap3A_136 : vector<1x16xf32> to vector<16xf32>
        %swap3A_138 = vector.shape_cast %exp3A : vector<16xf32> to vector<1x16xf32>
        tpu.vector_store %arg10[%swap3A_134, %swap3A_135], %swap3A_138 {strides = array<i32>} : memref<120x48xf32, #tpu.memory_space<vmem>>, vector<1x16xf32>,
      }
      %scan3A_61 = arith.constant 120 : i32
      %dma_start3A_62 = arith.constant 0 : i32
      %dma_start3A_63 = arith.constant 0 : i32
      %dma_start3A_64 = tpu.memref_slice %arg15[%dma_start3A_62, %dma_start3A_63] : memref<10016x48xf32, #tpu.memory_space<vmem_shared>> -> memref<10016x48xf32, #tpu.memory_space<vmem_shared>>
      tpu.enqueue_indirect_dma source(%arg10 : memref<120x48xf32, #tpu.memory_space<vmem>>) target(%dma_start3A_64 : memref<10016x48xf32, #tpu.memory_space<vmem_shared>>) offsets(%arg8 : memref<120xi32, #tpu.memory_space<vmem>>) semaphore(%arg18 : memref<!tpu.dma_semaphore, #tpu.memory_space<semaphore_mem>>) {add = true}
      %dma_wait3A_65 = arith.constant 0 : i32
      %dma_wait3A_66 = arith.constant 0 : i32
      %dma_wait3A_67 = tpu.memref_slice %arg15[%dma_wait3A_65, %dma_wait3A_66] : memref<10016x48xf32, #tpu.memory_space<vmem_shared>> -> memref<10016x48xf32, #tpu.memory_space<vmem_shared>>
      tpu.wait_indirect_dma semaphore(%arg18 : memref<!tpu.dma_semaphore, #tpu.memory_space<semaphore_mem>>) src(%arg10 : memref<120x48xf32, #tpu.memory_space<vmem>>) dst(%dma_wait3A_67 : memref<10016x48xf32, #tpu.memory_space<vmem_shared>>)
      %add3A_68 = arith.constant 240 : i32
      %add3A_69 = arith.addi %add3A_42, %add3A_68 : i32
      "tpu.region"() ({
        %run_scoped3A = tpu.sem_alloc : memref<!tpu.dma_semaphore, #tpu.memory_space<semaphore_mem>>
        %dma_start3A_93 = tpu.memref_slice %arg2[%add3A_69] : memref<322680xi32, #tpu.memory_space<hbm>> -> memref<120xi32, #tpu.memory_space<hbm>>
        %dma_start3A_94 = tpu.memref_slice %arg2[%add3A_69] : memref<322680xi32, #tpu.memory_space<hbm>> -> memref<120xi32, #tpu.memory_space<hbm>>
        tpu.enqueue_dma source(%dma_start3A_94 : memref<120xi32, #tpu.memory_space<hbm>>) target(%arg7 : memref<120xi32, #tpu.memory_space<vmem>>) target_semaphore(%run_scoped3A : memref<!tpu.dma_semaphore, #tpu.memory_space<semaphore_mem>>)
        %dma_wait3A_95 = tpu.memref_slice %arg2[%add3A_69] : memref<322680xi32, #tpu.memory_space<hbm>> -> memref<120xi32, #tpu.memory_space<hbm>>
        %dma_wait3A_96 = tpu.memref_slice %arg2[%add3A_69] : memref<322680xi32, #tpu.memory_space<hbm>> -> memref<120xi32, #tpu.memory_space<hbm>>
        tpu.wait_dma2 semaphore(%run_scoped3A : memref<!tpu.dma_semaphore, #tpu.memory_space<semaphore_mem>>) src(%dma_wait3A_96 : memref<120xi32, #tpu.memory_space<hbm>>) dst(%arg7 : memref<120xi32, #tpu.memory_space<vmem>>)
        tpu.yield
      }) : () -> ()
      "tpu.region"() ({
        %run_scoped3A = tpu.sem_alloc : memref<!tpu.dma_semaphore, #tpu.memory_space<semaphore_mem>>
        %dma_start3A_93 = tpu.memref_slice %arg3[%add3A_69] : memref<322680xi32, #tpu.memory_space<hbm>> -> memref<120xi32, #tpu.memory_space<hbm>>
        %dma_start3A_94 = tpu.memref_slice %arg3[%add3A_69] : memref<322680xi32, #tpu.memory_space<hbm>> -> memref<120xi32, #tpu.memory_space<hbm>>
        tpu.enqueue_dma source(%dma_start3A_94 : memref<120xi32, #tpu.memory_space<hbm>>) target(%arg8 : memref<120xi32, #tpu.memory_space<vmem>>) target_semaphore(%run_scoped3A : memref<!tpu.dma_semaphore, #tpu.memory_space<semaphore_mem>>)
        %dma_wait3A_95 = tpu.memref_slice %arg3[%add3A_69] : memref<322680xi32, #tpu.memory_space<hbm>> -> memref<120xi32, #tpu.memory_space<hbm>>
        %dma_wait3A_96 = tpu.memref_slice %arg3[%add3A_69] : memref<322680xi32, #tpu.memory_space<hbm>> -> memref<120xi32, #tpu.memory_space<hbm>>
        tpu.wait_dma2 semaphore(%run_scoped3A : memref<!tpu.dma_semaphore, #tpu.memory_space<semaphore_mem>>) src(%dma_wait3A_96 : memref<120xi32, #tpu.memory_space<hbm>>) dst(%arg8 : memref<120xi32, #tpu.memory_space<vmem>>)
        tpu.yield
      }) : () -> ()
      %dma_start3A_70 = arith.constant 0 : i32
      %dma_start3A_71 = arith.constant 0 : i32
      %dma_start3A_72 = tpu.memref_slice %arg5[%dma_start3A_70, %dma_start3A_71] : memref<10016x48xf32, #tpu.memory_space<hbm>> -> memref<10016x48xf32, #tpu.memory_space<hbm>>
      tpu.enqueue_indirect_dma source(%dma_start3A_72 : memref<10016x48xf32, #tpu.memory_space<hbm>>) target(%arg10 : memref<120x48xf32, #tpu.memory_space<vmem>>) offsets(%arg7 : memref<120xi32, #tpu.memory_space<vmem>>) semaphore(%arg16 : memref<!tpu.dma_semaphore, #tpu.memory_space<semaphore_mem>>)
      %dma_start3A_73 = arith.constant 0 : i32
      %dma_start3A_74 = arith.constant 0 : i32
      %dma_start3A_75 = tpu.memref_slice %arg4[%dma_start3A_73, %dma_start3A_74] : memref<10016x16xf32, #tpu.memory_space<hbm>> -> memref<10016x16xf32, #tpu.memory_space<hbm>>
      tpu.enqueue_indirect_dma source(%dma_start3A_75 : memref<10016x16xf32, #tpu.memory_space<hbm>>) target(%arg9 : memref<120x16xf32, #tpu.memory_space<vmem>>) offsets(%arg8 : memref<120xi32, #tpu.memory_space<vmem>>) semaphore(%arg16 : memref<!tpu.dma_semaphore, #tpu.memory_space<semaphore_mem>>)
      %dma_wait3A_76 = arith.constant 0 : i32
      %dma_wait3A_77 = arith.constant 0 : i32
      %dma_wait3A_78 = tpu.memref_slice %arg5[%dma_wait3A_76, %dma_wait3A_77] : memref<10016x48xf32, #tpu.memory_space<hbm>> -> memref<10016x48xf32, #tpu.memory_space<hbm>>
      tpu.wait_indirect_dma semaphore(%arg17 : memref<!tpu.dma_semaphore, #tpu.memory_space<semaphore_mem>>) src(%dma_wait3A_78 : memref<10016x48xf32, #tpu.memory_space<hbm>>) dst(%arg14 : memref<120x48xf32, #tpu.memory_space<vmem>>)
      %dma_wait3A_79 = arith.constant 0 : i32
      %dma_wait3A_80 = arith.constant 0 : i32
      %dma_wait3A_81 = tpu.memref_slice %arg4[%dma_wait3A_79, %dma_wait3A_80] : memref<10016x16xf32, #tpu.memory_space<hbm>> -> memref<10016x16xf32, #tpu.memory_space<hbm>>
      tpu.wait_indirect_dma semaphore(%arg17 : memref<!tpu.dma_semaphore, #tpu.memory_space<semaphore_mem>>) src(%dma_wait3A_81 : memref<10016x16xf32, #tpu.memory_space<hbm>>) dst(%arg13 : memref<120x16xf32, #tpu.memory_space<vmem>>)
      %scan3A_82 = arith.constant 0 : i32
      %scan3A_83 = arith.constant 120 : i32
      %scan3A_84 = arith.addi %scan3A_82, %scan3A_83 : i32
      %scan3A_85 = arith.constant 1 : i32
      scf.for %scan3A_93 = %scan3A_82 to %scan3A_84 step %scan3A_85  : i32 {
        %mul3A_94 = arith.constant 1 : i32
        %mul3A_95 = arith.muli %scan3A_93, %mul3A_94 : i32
        %add3A_96 = arith.constant 0 : i32
        %add3A_97 = arith.addi %add3A_96, %mul3A_95 : i32
        %get3A = arith.index_cast %add3A_97 : i32 to index
        %get3A_98 = arith.constant 32 : index
        %get3A_99 = tpu.vector_load %arg14[%get3A, %get3A_98] {strides = array<i32>} : memref<120x48xf32, #tpu.memory_space<vmem>>, vector<1x16xf32>,
        %get3A_100 = vector.shape_cast %get3A_99 : vector<1x16xf32> to vector<16xf32>
        %get3A_101 = arith.index_cast %add3A_97 : i32 to index
        %get3A_102 = arith.constant 0 : index
        %get3A_103 = tpu.vector_load %arg13[%get3A_101, %get3A_102] {strides = array<i32>} : memref<120x16xf32, #tpu.memory_space<vmem>>, vector<1x16xf32>,
        %get3A_104 = vector.shape_cast %get3A_103 : vector<1x16xf32> to vector<16xf32>
        %add3A_105 = arith.addf %get3A_100, %get3A_104 : vector<16xf32>
        %ge3A = arith.constant 0.000000e+00 : f32
        %ge3A_106 = vector.broadcast %ge3A : f32 to vector<16xf32>
        %ge3A_107 = arith.cmpf oge, %add3A_105, %ge3A_106 : vector<16xf32>
        %mul3A_108 = arith.constant 2.000000e-01 : f32
        %mul3A_109 = vector.broadcast %mul3A_108 : f32 to vector<16xf32>
        %mul3A_110 = arith.mulf %mul3A_109, %add3A_105 : vector<16xf32>
        %select_n3A = arith.select %ge3A_107, %add3A_105, %mul3A_110 : vector<16xi1>, vector<16xf32>
        %exp3A = math.exp %select_n3A : vector<16xf32>
        %slice3A = vector.extract_strided_slice %exp3A {offsets = [0], sizes = [1], strides = [1]} : vector<16xf32> to vector<1xf32>
        %squeeze3A = vector.extract %slice3A[0] : f32 from vector<1xf32>
        %get3A_111 = arith.index_cast %add3A_97 : i32 to index
        %get3A_112 = arith.constant 0 : index
        %get3A_113 = tpu.vector_load %arg14[%get3A_111, %get3A_112] {strides = array<i32>} : memref<120x48xf32, #tpu.memory_space<vmem>>, vector<1x16xf32>,
        %get3A_114 = vector.shape_cast %get3A_113 : vector<1x16xf32> to vector<16xf32>
        %mul3A_115 = vector.broadcast %squeeze3A : f32 to vector<16xf32>
        %mul3A_116 = arith.mulf %mul3A_115, %get3A_114 : vector<16xf32>
        %swap3A = arith.index_cast %add3A_97 : i32 to index
        %swap3A_117 = arith.constant 0 : index
        %swap3A_118 = tpu.vector_load %arg14[%swap3A, %swap3A_117] {strides = array<i32>} : memref<120x48xf32, #tpu.memory_space<vmem>>, vector<1x16xf32>,
        %swap3A_119 = vector.shape_cast %swap3A_118 : vector<1x16xf32> to vector<16xf32>
        %swap3A_120 = vector.shape_cast %mul3A_116 : vector<16xf32> to vector<1x16xf32>
        tpu.vector_store %arg14[%swap3A, %swap3A_117], %swap3A_120 {strides = array<i32>} : memref<120x48xf32, #tpu.memory_space<vmem>>, vector<1x16xf32>,
        %slice3A_121 = vector.extract_strided_slice %exp3A {offsets = [0], sizes = [1], strides = [1]} : vector<16xf32> to vector<1xf32>
        %squeeze3A_122 = vector.extract %slice3A_121[0] : f32 from vector<1xf32>
        %get3A_123 = arith.index_cast %add3A_97 : i32 to index
        %get3A_124 = arith.constant 16 : index
        %get3A_125 = tpu.vector_load %arg14[%get3A_123, %get3A_124] {strides = array<i32>} : memref<120x48xf32, #tpu.memory_space<vmem>>, vector<1x16xf32>,
        %get3A_126 = vector.shape_cast %get3A_125 : vector<1x16xf32> to vector<16xf32>
        %mul3A_127 = vector.broadcast %squeeze3A_122 : f32 to vector<16xf32>
        %mul3A_128 = arith.mulf %mul3A_127, %get3A_126 : vector<16xf32>
        %swap3A_129 = arith.index_cast %add3A_97 : i32 to index
        %swap3A_130 = arith.constant 16 : index
        %swap3A_131 = tpu.vector_load %arg14[%swap3A_129, %swap3A_130] {strides = array<i32>} : memref<120x48xf32, #tpu.memory_space<vmem>>, vector<1x16xf32>,
        %swap3A_132 = vector.shape_cast %swap3A_131 : vector<1x16xf32> to vector<16xf32>
        %swap3A_133 = vector.shape_cast %mul3A_128 : vector<16xf32> to vector<1x16xf32>
        tpu.vector_store %arg14[%swap3A_129, %swap3A_130], %swap3A_133 {strides = array<i32>} : memref<120x48xf32, #tpu.memory_space<vmem>>, vector<1x16xf32>,
        %swap3A_134 = arith.index_cast %add3A_97 : i32 to index
        %swap3A_135 = arith.constant 32 : index
        %swap3A_136 = tpu.vector_load %arg14[%swap3A_134, %swap3A_135] {strides = array<i32>} : memref<120x48xf32, #tpu.memory_space<vmem>>, vector<1x16xf32>,
        %swap3A_137 = vector.shape_cast %swap3A_136 : vector<1x16xf32> to vector<16xf32>
        %swap3A_138 = vector.shape_cast %exp3A : vector<16xf32> to vector<1x16xf32>
        tpu.vector_store %arg14[%swap3A_134, %swap3A_135], %swap3A_138 {strides = array<i32>} : memref<120x48xf32, #tpu.memory_space<vmem>>, vector<1x16xf32>,
      }
      %scan3A_86 = arith.constant 120 : i32
      %dma_start3A_87 = arith.constant 0 : i32
      %dma_start3A_88 = arith.constant 0 : i32
      %dma_start3A_89 = tpu.memref_slice %arg15[%dma_start3A_87, %dma_start3A_88] : memref<10016x48xf32, #tpu.memory_space<vmem_shared>> -> memref<10016x48xf32, #tpu.memory_space<vmem_shared>>
      tpu.enqueue_indirect_dma source(%arg14 : memref<120x48xf32, #tpu.memory_space<vmem>>) target(%dma_start3A_89 : memref<10016x48xf32, #tpu.memory_space<vmem_shared>>) offsets(%arg12 : memref<120xi32, #tpu.memory_space<vmem>>) semaphore(%arg18 : memref<!tpu.dma_semaphore, #tpu.memory_space<semaphore_mem>>) {add = true}
      %dma_wait3A_90 = arith.constant 0 : i32
      %dma_wait3A_91 = arith.constant 0 : i32
      %dma_wait3A_92 = tpu.memref_slice %arg15[%dma_wait3A_90, %dma_wait3A_91] : memref<10016x48xf32, #tpu.memory_space<vmem_shared>> -> memref<10016x48xf32, #tpu.memory_space<vmem_shared>>
      tpu.wait_indirect_dma semaphore(%arg18 : memref<!tpu.dma_semaphore, #tpu.memory_space<semaphore_mem>>) src(%arg14 : memref<120x48xf32, #tpu.memory_space<vmem>>) dst(%dma_wait3A_92 : memref<10016x48xf32, #tpu.memory_space<vmem_shared>>)
    }
    %scan3A_28 = arith.constant 42 : i32
    %dma_wait3A = arith.constant 0 : i32
    %dma_wait3A_29 = arith.constant 0 : i32
    %dma_wait3A_30 = tpu.memref_slice %arg5[%dma_wait3A, %dma_wait3A_29] : memref<10016x48xf32, #tpu.memory_space<hbm>> -> memref<10016x48xf32, #tpu.memory_space<hbm>>
    tpu.wait_indirect_dma semaphore(%arg16 : memref<!tpu.dma_semaphore, #tpu.memory_space<semaphore_mem>>) src(%dma_wait3A_30 : memref<10016x48xf32, #tpu.memory_space<hbm>>) dst(%arg10 : memref<120x48xf32, #tpu.memory_space<vmem>>)
    %dma_wait3A_31 = arith.constant 0 : i32
    %dma_wait3A_32 = arith.constant 0 : i32
    %dma_wait3A_33 = tpu.memref_slice %arg4[%dma_wait3A_31, %dma_wait3A_32] : memref<10016x16xf32, #tpu.memory_space<hbm>> -> memref<10016x16xf32, #tpu.memory_space<hbm>>
    tpu.wait_indirect_dma semaphore(%arg16 : memref<!tpu.dma_semaphore, #tpu.memory_space<semaphore_mem>>) src(%dma_wait3A_33 : memref<10016x16xf32, #tpu.memory_space<hbm>>) dst(%arg9 : memref<120x16xf32, #tpu.memory_space<vmem>>)
    %barrier3A_34 = arith.constant 0 : index
    tpu.barrier barrier_id(%barrier3A_34)
    "tpu.region"() ({
      %run_scoped3A = tpu.sem_alloc : memref<!tpu.dma_semaphore, #tpu.memory_space<semaphore_mem>>
      %dma_start3A_35 = arith.constant 0 : i32
      %dma_start3A_36 = tpu.memref_slice %arg6[%arg0, %mul3A_7, %dma_start3A_35] : memref<2x10016x48xf32, #tpu.memory_space<hbm>> -> memref<1x626x48xf32, #tpu.memory_space<hbm>>
      %dma_start3A_37 = tpu.memref_squeeze %dma_start3A_36 : memref<1x626x48xf32, #tpu.memory_space<hbm>> -> memref<626x48xf32, #tpu.memory_space<hbm>>
      %dma_start3A_38 = arith.constant 0 : i32
      %dma_start3A_39 = tpu.memref_slice %arg15[%mul3A_7, %dma_start3A_38] : memref<10016x48xf32, #tpu.memory_space<vmem_shared>> -> memref<626x48xf32, #tpu.memory_space<vmem_shared>>
      tpu.enqueue_dma source(%dma_start3A_39 : memref<626x48xf32, #tpu.memory_space<vmem_shared>>) target(%dma_start3A_37 : memref<626x48xf32, #tpu.memory_space<hbm>>) target_semaphore(%run_scoped3A : memref<!tpu.dma_semaphore, #tpu.memory_space<semaphore_mem>>)
      %dma_wait3A_40 = arith.constant 0 : i32
      %dma_wait3A_41 = tpu.memref_slice %arg6[%arg0, %mul3A_7, %dma_wait3A_40] : memref<2x10016x48xf32, #tpu.memory_space<hbm>> -> memref<1x626x48xf32, #tpu.memory_space<hbm>>
      %dma_wait3A_42 = tpu.memref_squeeze %dma_wait3A_41 : memref<1x626x48xf32, #tpu.memory_space<hbm>> -> memref<626x48xf32, #tpu.memory_space<hbm>>
      %dma_wait3A_43 = arith.constant 0 : i32
      %dma_wait3A_44 = tpu.memref_slice %arg15[%mul3A_7, %dma_wait3A_43] : memref<10016x48xf32, #tpu.memory_space<vmem_shared>> -> memref<626x48xf32, #tpu.memory_space<vmem_shared>>
      tpu.wait_dma2 semaphore(%run_scoped3A : memref<!tpu.dma_semaphore, #tpu.memory_space<semaphore_mem>>) src(%dma_wait3A_44 : memref<626x48xf32, #tpu.memory_space<vmem_shared>>) dst(%dma_wait3A_42 : memref<626x48xf32, #tpu.memory_space<hbm>>)
      tpu.yield
    }) : () -> ()
    return
  }
}

#map = affine_map<(d0, d1) -> (0)>
#map1 = affine_map<(d0, d1) -> (0, 0)>
#map2 = affine_map<(d0, d1) -> (0, 0, 0)>
module attributes {stable_mosaic.version = 14 : i64} {
  func.func @body(%arg0: i32, %arg1: i32, %arg2: memref<322680xi32, #tpu.memory_space<hbm>>, %arg3: memref<322680xi32, #tpu.memory_space<hbm>>, %arg4: memref<10016x16xf32, #tpu.memory_space<hbm>>, %arg5: memref<10016x48xf32, #tpu.memory_space<hbm>>, %arg6: memref<2x10016x48xf32, #tpu.memory_space<hbm>>, %arg7: memref<120xi32, #tpu.memory_space<vmem>>, %arg8: memref<120xi32, #tpu.memory_space<vmem>>, %arg9: memref<120x16xf32, #tpu.memory_space<vmem>>, %arg10: memref<120x48xf32, #tpu.memory_space<vmem>>, %arg11: memref<120xi32, #tpu.memory_space<vmem>>, %arg12: memref<120xi32, #tpu.memory_space<vmem>>, %arg13: memref<120x16xf32, #tpu.memory_space<vmem>>, %arg14: memref<120x48xf32, #tpu.memory_space<vmem>>, %arg15: memref<10016x48xf32, #tpu.memory_space<vmem_shared>>, %arg16: memref<!tpu.dma_semaphore, #tpu.memory_space<semaphore_mem>>, %arg17: memref<!tpu.dma_semaphore, #tpu.memory_space<semaphore_mem>>, %arg18: memref<!tpu.dma_semaphore, #tpu.memory_space<semaphore_mem>>) attributes {dimension_semantics = [#tpu.dimension_semantics<core_parallel>, #tpu.dimension_semantics<subcore_parallel>], iteration_bounds = array<i64: 2, 16>, scalar_prefetch = 0 : i64, scratch_operands = 12 : i64, tpu.core_type = #tpu.core_type<sc_vector_subcore>, window_params = [{transform_indices = #map}, {transform_indices = #map}, {transform_indices = #map1}, {transform_indices = #map1}, {transform_indices = #map2}]} {
    %mul3A = arith.constant 2 : i32
    %mul3A_0 = arith.muli %arg1, %mul3A : i32
    %add3A = arith.addi %mul3A_0, %arg0 : i32
    %broadcast_in_dim3A = arith.constant 0.000000e+00 : f32
    %broadcast_in_dim3A_1 = vector.broadcast %broadcast_in_dim3A : f32 to vector<16xf32>
    %scan3A = arith.constant 0 : i32
    %scan3A_2 = arith.constant 120 : i32
    %scan3A_3 = arith.addi %scan3A, %scan3A_2 : i32
    %scan3A_4 = arith.constant 1 : i32
    scf.for %scan3A_35 = %scan3A to %scan3A_3 step %scan3A_4  : i32 {
      %mul3A_36 = arith.constant 1 : i32
      %mul3A_37 = arith.muli %scan3A_35, %mul3A_36 : i32
      %add3A_38 = arith.constant 0 : i32
      %add3A_39 = arith.addi %add3A_38, %mul3A_37 : i32
      %swap3A = arith.index_cast %add3A_39 : i32 to index
      %swap3A_40 = arith.constant 0 : index
      %swap3A_41 = tpu.vector_load %arg10[%swap3A, %swap3A_40] {strides = array<i32>} : memref<120x48xf32, #tpu.memory_space<vmem>>, vector<1x16xf32>,
      %swap3A_42 = vector.shape_cast %swap3A_41 : vector<1x16xf32> to vector<16xf32>
      %swap3A_43 = vector.shape_cast %broadcast_in_dim3A_1 : vector<16xf32> to vector<1x16xf32>
      tpu.vector_store %arg10[%swap3A, %swap3A_40], %swap3A_43 {strides = array<i32>} : memref<120x48xf32, #tpu.memory_space<vmem>>, vector<1x16xf32>,
      %swap3A_44 = arith.index_cast %add3A_39 : i32 to index
      %swap3A_45 = arith.constant 16 : index
      %swap3A_46 = tpu.vector_load %arg10[%swap3A_44, %swap3A_45] {strides = array<i32>} : memref<120x48xf32, #tpu.memory_space<vmem>>, vector<1x16xf32>,
      %swap3A_47 = vector.shape_cast %swap3A_46 : vector<1x16xf32> to vector<16xf32>
      %swap3A_48 = vector.shape_cast %broadcast_in_dim3A_1 : vector<16xf32> to vector<1x16xf32>
      tpu.vector_store %arg10[%swap3A_44, %swap3A_45], %swap3A_48 {strides = array<i32>} : memref<120x48xf32, #tpu.memory_space<vmem>>, vector<1x16xf32>,
      %swap3A_49 = arith.index_cast %add3A_39 : i32 to index
      %swap3A_50 = arith.constant 32 : index
      %swap3A_51 = tpu.vector_load %arg10[%swap3A_49, %swap3A_50] {strides = array<i32>} : memref<120x48xf32, #tpu.memory_space<vmem>>, vector<1x16xf32>,
      %swap3A_52 = vector.shape_cast %swap3A_51 : vector<1x16xf32> to vector<16xf32>
      %swap3A_53 = vector.shape_cast %broadcast_in_dim3A_1 : vector<16xf32> to vector<1x16xf32>
      tpu.vector_store %arg10[%swap3A_49, %swap3A_50], %swap3A_53 {strides = array<i32>} : memref<120x48xf32, #tpu.memory_space<vmem>>, vector<1x16xf32>,
    }
    %scan3A_5 = arith.constant 120 : i32
    %mul3A_6 = arith.constant 626 : i32
    %mul3A_7 = arith.muli %arg1, %mul3A_6 : i32
    %scan3A_8 = arith.constant 0 : i32
    %scan3A_9 = arith.constant 5 : i32
    %scan3A_10 = arith.addi %scan3A_8, %scan3A_9 : i32
    %scan3A_11 = arith.constant 1 : i32
    scf.for %scan3A_35 = %scan3A_8 to %scan3A_10 step %scan3A_11  : i32 {
      %mul3A_36 = arith.constant 1 : i32
      %mul3A_37 = arith.muli %scan3A_35, %mul3A_36 : i32
      %add3A_38 = arith.constant 0 : i32
      %add3A_39 = arith.addi %add3A_38, %mul3A_37 : i32
      %mul3A_40 = arith.constant 120 : i32
      %mul3A_41 = arith.muli %add3A_39, %mul3A_40 : i32
      %add3A_42 = arith.addi %mul3A_7, %mul3A_41 : i32
      "tpu.region"() ({
        %run_scoped3A = tpu.sem_alloc : memref<!tpu.dma_semaphore, #tpu.memory_space<semaphore_mem>>
        %dma_start3A_43 = arith.constant 0 : i32
        %dma_start3A_44 = tpu.memref_slice %arg15[%add3A_42, %dma_start3A_43] : memref<10016x48xf32, #tpu.memory_space<vmem_shared>> -> memref<120x48xf32, #tpu.memory_space<vmem_shared>>
        %dma_start3A_45 = arith.constant 0 : i32
        %dma_start3A_46 = tpu.memref_slice %arg15[%add3A_42, %dma_start3A_45] : memref<10016x48xf32, #tpu.memory_space<vmem_shared>> -> memref<120x48xf32, #tpu.memory_space<vmem_shared>>
        tpu.enqueue_dma source(%arg10 : memref<120x48xf32, #tpu.memory_space<vmem>>) target(%dma_start3A_46 : memref<120x48xf32, #tpu.memory_space<vmem_shared>>) target_semaphore(%run_scoped3A : memref<!tpu.dma_semaphore, #tpu.memory_space<semaphore_mem>>)
        %dma_wait3A_47 = arith.constant 0 : i32
        %dma_wait3A_48 = tpu.memref_slice %arg15[%add3A_42, %dma_wait3A_47] : memref<10016x48xf32, #tpu.memory_space<vmem_shared>> -> memref<120x48xf32, #tpu.memory_space<vmem_shared>>
        %dma_wait3A_49 = arith.constant 0 : i32
        %dma_wait3A_50 = tpu.memref_slice %arg15[%add3A_42, %dma_wait3A_49] : memref<10016x48xf32, #tpu.memory_space<vmem_shared>> -> memref<120x48xf32, #tpu.memory_space<vmem_shared>>
        tpu.wait_dma2 semaphore(%run_scoped3A : memref<!tpu.dma_semaphore, #tpu.memory_space<semaphore_mem>>) src(%arg10 : memref<120x48xf32, #tpu.memory_space<vmem>>) dst(%dma_wait3A_50 : memref<120x48xf32, #tpu.memory_space<vmem_shared>>)
        tpu.yield
      }) : () -> ()
    }
    %scan3A_12 = arith.constant 5 : i32
    %add3A_13 = arith.constant 600 : i32
    %add3A_14 = arith.addi %mul3A_7, %add3A_13 : i32
    "tpu.region"() ({
      %run_scoped3A = tpu.sem_alloc : memref<!tpu.dma_semaphore, #tpu.memory_space<semaphore_mem>>
      %dma_start3A_35 = arith.constant 0 : i32
      %dma_start3A_36 = arith.constant 0 : i32
      %dma_start3A_37 = tpu.memref_slice %arg10[%dma_start3A_35, %dma_start3A_36] : memref<120x48xf32, #tpu.memory_space<vmem>> -> memref<26x48xf32, #tpu.memory_space<vmem>>
      %dma_start3A_38 = arith.constant 0 : i32
      %dma_start3A_39 = tpu.memref_slice %arg15[%add3A_14, %dma_start3A_38] : memref<10016x48xf32, #tpu.memory_space<vmem_shared>> -> memref<26x48xf32, #tpu.memory_space<vmem_shared>>
      %dma_start3A_40 = arith.constant 0 : i32
      %dma_start3A_41 = tpu.memref_slice %arg15[%add3A_14, %dma_start3A_40] : memref<10016x48xf32, #tpu.memory_space<vmem_shared>> -> memref<26x48xf32, #tpu.memory_space<vmem_shared>>
      %dma_start3A_42 = arith.constant 0 : i32
      %dma_start3A_43 = arith.constant 0 : i32
      %dma_start3A_44 = tpu.memref_slice %arg10[%dma_start3A_42, %dma_start3A_43] : memref<120x48xf32, #tpu.memory_space<vmem>> -> memref<26x48xf32, #tpu.memory_space<vmem>>
      tpu.enqueue_dma source(%dma_start3A_44 : memref<26x48xf32, #tpu.memory_space<vmem>>) target(%dma_start3A_41 : memref<26x48xf32, #tpu.memory_space<vmem_shared>>) target_semaphore(%run_scoped3A : memref<!tpu.dma_semaphore, #tpu.memory_space<semaphore_mem>>)
      %dma_wait3A_45 = arith.constant 0 : i32
      %dma_wait3A_46 = arith.constant 0 : i32
      %dma_wait3A_47 = tpu.memref_slice %arg10[%dma_wait3A_45, %dma_wait3A_46] : memref<120x48xf32, #tpu.memory_space<vmem>> -> memref<26x48xf32, #tpu.memory_space<vmem>>
      %dma_wait3A_48 = arith.constant 0 : i32
      %dma_wait3A_49 = tpu.memref_slice %arg15[%add3A_14, %dma_wait3A_48] : memref<10016x48xf32, #tpu.memory_space<vmem_shared>> -> memref<26x48xf32, #tpu.memory_space<vmem_shared>>
      %dma_wait3A_50 = arith.constant 0 : i32
      %dma_wait3A_51 = tpu.memref_slice %arg15[%add3A_14, %dma_wait3A_50] : memref<10016x48xf32, #tpu.memory_space<vmem_shared>> -> memref<26x48xf32, #tpu.memory_space<vmem_shared>>
      %dma_wait3A_52 = arith.constant 0 : i32
      %dma_wait3A_53 = arith.constant 0 : i32
      %dma_wait3A_54 = tpu.memref_slice %arg10[%dma_wait3A_52, %dma_wait3A_53] : memref<120x48xf32, #tpu.memory_space<vmem>> -> memref<26x48xf32, #tpu.memory_space<vmem>>
      tpu.wait_dma2 semaphore(%run_scoped3A : memref<!tpu.dma_semaphore, #tpu.memory_space<semaphore_mem>>) src(%dma_wait3A_54 : memref<26x48xf32, #tpu.memory_space<vmem>>) dst(%dma_wait3A_51 : memref<26x48xf32, #tpu.memory_space<vmem_shared>>)
      tpu.yield
    }) : () -> ()
    %barrier3A = arith.constant 0 : index
    tpu.barrier barrier_id(%barrier3A)
    %mul3A_15 = arith.constant 84 : i32
    %mul3A_16 = arith.muli %add3A, %mul3A_15 : i32
    %mul3A_17 = arith.constant 120 : i32
    %mul3A_18 = arith.muli %mul3A_16, %mul3A_17 : i32
    "tpu.region"() ({
      %run_scoped3A = tpu.sem_alloc : memref<!tpu.dma_semaphore, #tpu.memory_space<semaphore_mem>>
      %dma_start3A_35 = tpu.memref_slice %arg2[%mul3A_18] : memref<322680xi32, #tpu.memory_space<hbm>> -> memref<120xi32, #tpu.memory_space<hbm>>
      %dma_start3A_36 = tpu.memref_slice %arg2[%mul3A_18] : memref<322680xi32, #tpu.memory_space<hbm>> -> memref<120xi32, #tpu.memory_space<hbm>>
      tpu.enqueue_dma source(%dma_start3A_36 : memref<120xi32, #tpu.memory_space<hbm>>) target(%arg7 : memref<120xi32, #tpu.memory_space<vmem>>) target_semaphore(%run_scoped3A : memref<!tpu.dma_semaphore, #tpu.memory_space<semaphore_mem>>)
      %dma_wait3A_37 = tpu.memref_slice %arg2[%mul3A_18] : memref<322680xi32, #tpu.memory_space<hbm>> -> memref<120xi32, #tpu.memory_space<hbm>>
      %dma_wait3A_38 = tpu.memref_slice %arg2[%mul3A_18] : memref<322680xi32, #tpu.memory_space<hbm>> -> memref<120xi32, #tpu.memory_space<hbm>>
      tpu.wait_dma2 semaphore(%run_scoped3A : memref<!tpu.dma_semaphore, #tpu.memory_space<semaphore_mem>>) src(%dma_wait3A_38 : memref<120xi32, #tpu.memory_space<hbm>>) dst(%arg7 : memref<120xi32, #tpu.memory_space<vmem>>)
      tpu.yield
    }) : () -> ()
    "tpu.region"() ({
      %run_scoped3A = tpu.sem_alloc : memref<!tpu.dma_semaphore, #tpu.memory_space<semaphore_mem>>
      %dma_start3A_35 = tpu.memref_slice %arg3[%mul3A_18] : memref<322680xi32, #tpu.memory_space<hbm>> -> memref<120xi32, #tpu.memory_space<hbm>>
      %dma_start3A_36 = tpu.memref_slice %arg3[%mul3A_18] : memref<322680xi32, #tpu.memory_space<hbm>> -> memref<120xi32, #tpu.memory_space<hbm>>
      tpu.enqueue_dma source(%dma_start3A_36 : memref<120xi32, #tpu.memory_space<hbm>>) target(%arg8 : memref<120xi32, #tpu.memory_space<vmem>>) target_semaphore(%run_scoped3A : memref<!tpu.dma_semaphore, #tpu.memory_space<semaphore_mem>>)
      %dma_wait3A_37 = tpu.memref_slice %arg3[%mul3A_18] : memref<322680xi32, #tpu.memory_space<hbm>> -> memref<120xi32, #tpu.memory_space<hbm>>
      %dma_wait3A_38 = tpu.memref_slice %arg3[%mul3A_18] : memref<322680xi32, #tpu.memory_space<hbm>> -> memref<120xi32, #tpu.memory_space<hbm>>
      tpu.wait_dma2 semaphore(%run_scoped3A : memref<!tpu.dma_semaphore, #tpu.memory_space<semaphore_mem>>) src(%dma_wait3A_38 : memref<120xi32, #tpu.memory_space<hbm>>) dst(%arg8 : memref<120xi32, #tpu.memory_space<vmem>>)
      tpu.yield
    }) : () -> ()
    %dma_start3A = arith.constant 0 : i32
    %dma_start3A_19 = arith.constant 0 : i32
    %dma_start3A_20 = tpu.memref_slice %arg5[%dma_start3A, %dma_start3A_19] : memref<10016x48xf32, #tpu.memory_space<hbm>> -> memref<10016x48xf32, #tpu.memory_space<hbm>>
    tpu.enqueue_indirect_dma source(%dma_start3A_20 : memref<10016x48xf32, #tpu.memory_space<hbm>>) target(%arg10 : memref<120x48xf32, #tpu.memory_space<vmem>>) offsets(%arg7 : memref<120xi32, #tpu.memory_space<vmem>>) semaphore(%arg16 : memref<!tpu.dma_semaphore, #tpu.memory_space<semaphore_mem>>)
    %dma_start3A_21 = arith.constant 0 : i32
    %dma_start3A_22 = arith.constant 0 : i32
    %dma_start3A_23 = tpu.memref_slice %arg4[%dma_start3A_21, %dma_start3A_22] : memref<10016x16xf32, #tpu.memory_space<hbm>> -> memref<10016x16xf32, #tpu.memory_space<hbm>>
    tpu.enqueue_indirect_dma source(%dma_start3A_23 : memref<10016x16xf32, #tpu.memory_space<hbm>>) target(%arg9 : memref<120x16xf32, #tpu.memory_space<vmem>>) offsets(%arg8 : memref<120xi32, #tpu.memory_space<vmem>>) semaphore(%arg16 : memref<!tpu.dma_semaphore, #tpu.memory_space<semaphore_mem>>)
    %scan3A_24 = arith.constant 0 : i32
    %scan3A_25 = arith.constant 42 : i32
    %scan3A_26 = arith.addi %scan3A_24, %scan3A_25 : i32
    %scan3A_27 = arith.constant 1 : i32
    scf.for %scan3A_35 = %scan3A_24 to %scan3A_26 step %scan3A_27  : i32 {
      %mul3A_36 = arith.constant 1 : i32
      %mul3A_37 = arith.muli %scan3A_35, %mul3A_36 : i32
      %add3A_38 = arith.constant 0 : i32
      %add3A_39 = arith.addi %add3A_38, %mul3A_37 : i32
      %mul3A_40 = arith.constant 240 : i32
      %mul3A_41 = arith.muli %add3A_39, %mul3A_40 : i32
      %add3A_42 = arith.addi %mul3A_18, %mul3A_41 : i32
      %add3A_43 = arith.constant 120 : i32
      %add3A_44 = arith.addi %add3A_42, %add3A_43 : i32
      "tpu.region"() ({
        %run_scoped3A = tpu.sem_alloc : memref<!tpu.dma_semaphore, #tpu.memory_space<semaphore_mem>>
        %dma_start3A_93 = tpu.memref_slice %arg2[%add3A_44] : memref<322680xi32, #tpu.memory_space<hbm>> -> memref<120xi32, #tpu.memory_space<hbm>>
        %dma_start3A_94 = tpu.memref_slice %arg2[%add3A_44] : memref<322680xi32, #tpu.memory_space<hbm>> -> memref<120xi32, #tpu.memory_space<hbm>>
        tpu.enqueue_dma source(%dma_start3A_94 : memref<120xi32, #tpu.memory_space<hbm>>) target(%arg11 : memref<120xi32, #tpu.memory_space<vmem>>) target_semaphore(%run_scoped3A : memref<!tpu.dma_semaphore, #tpu.memory_space<semaphore_mem>>)
        %dma_wait3A_95 = tpu.memref_slice %arg2[%add3A_44] : memref<322680xi32, #tpu.memory_space<hbm>> -> memref<120xi32, #tpu.memory_space<hbm>>
        %dma_wait3A_96 = tpu.memref_slice %arg2[%add3A_44] : memref<322680xi32, #tpu.memory_space<hbm>> -> memref<120xi32, #tpu.memory_space<hbm>>
        tpu.wait_dma2 semaphore(%run_scoped3A : memref<!tpu.dma_semaphore, #tpu.memory_space<semaphore_mem>>) src(%dma_wait3A_96 : memref<120xi32, #tpu.memory_space<hbm>>) dst(%arg11 : memref<120xi32, #tpu.memory_space<vmem>>)
        tpu.yield
      }) : () -> ()
      "tpu.region"() ({
        %run_scoped3A = tpu.sem_alloc : memref<!tpu.dma_semaphore, #tpu.memory_space<semaphore_mem>>
        %dma_start3A_93 = tpu.memref_slice %arg3[%add3A_44] : memref<322680xi32, #tpu.memory_space<hbm>> -> memref<120xi32, #tpu.memory_space<hbm>>
        %dma_start3A_94 = tpu.memref_slice %arg3[%add3A_44] : memref<322680xi32, #tpu.memory_space<hbm>> -> memref<120xi32, #tpu.memory_space<hbm>>
        tpu.enqueue_dma source(%dma_start3A_94 : memref<120xi32, #tpu.memory_space<hbm>>) target(%arg12 : memref<120xi32, #tpu.memory_space<vmem>>) target_semaphore(%run_scoped3A : memref<!tpu.dma_semaphore, #tpu.memory_space<semaphore_mem>>)
        %dma_wait3A_95 = tpu.memref_slice %arg3[%add3A_44] : memref<322680xi32, #tpu.memory_space<hbm>> -> memref<120xi32, #tpu.memory_space<hbm>>
        %dma_wait3A_96 = tpu.memref_slice %arg3[%add3A_44] : memref<322680xi32, #tpu.memory_space<hbm>> -> memref<120xi32, #tpu.memory_space<hbm>>
        tpu.wait_dma2 semaphore(%run_scoped3A : memref<!tpu.dma_semaphore, #tpu.memory_space<semaphore_mem>>) src(%dma_wait3A_96 : memref<120xi32, #tpu.memory_space<hbm>>) dst(%arg12 : memref<120xi32, #tpu.memory_space<vmem>>)
        tpu.yield
      }) : () -> ()
      %dma_start3A_45 = arith.constant 0 : i32
      %dma_start3A_46 = arith.constant 0 : i32
      %dma_start3A_47 = tpu.memref_slice %arg5[%dma_start3A_45, %dma_start3A_46] : memref<10016x48xf32, #tpu.memory_space<hbm>> -> memref<10016x48xf32, #tpu.memory_space<hbm>>
      tpu.enqueue_indirect_dma source(%dma_start3A_47 : memref<10016x48xf32, #tpu.memory_space<hbm>>) target(%arg14 : memref<120x48xf32, #tpu.memory_space<vmem>>) offsets(%arg11 : memref<120xi32, #tpu.memory_space<vmem>>) semaphore(%arg17 : memref<!tpu.dma_semaphore, #tpu.memory_space<semaphore_mem>>)
      %dma_start3A_48 = arith.constant 0 : i32
      %dma_start3A_49 = arith.constant 0 : i32
      %dma_start3A_50 = tpu.memref_slice %arg4[%dma_start3A_48, %dma_start3A_49] : memref<10016x16xf32, #tpu.memory_space<hbm>> -> memref<10016x16xf32, #tpu.memory_space<hbm>>
      tpu.enqueue_indirect_dma source(%dma_start3A_50 : memref<10016x16xf32, #tpu.memory_space<hbm>>) target(%arg13 : memref<120x16xf32, #tpu.memory_space<vmem>>) offsets(%arg12 : memref<120xi32, #tpu.memory_space<vmem>>) semaphore(%arg17 : memref<!tpu.dma_semaphore, #tpu.memory_space<semaphore_mem>>)
      %dma_wait3A_51 = arith.constant 0 : i32
      %dma_wait3A_52 = arith.constant 0 : i32
      %dma_wait3A_53 = tpu.memref_slice %arg5[%dma_wait3A_51, %dma_wait3A_52] : memref<10016x48xf32, #tpu.memory_space<hbm>> -> memref<10016x48xf32, #tpu.memory_space<hbm>>
      tpu.wait_indirect_dma semaphore(%arg16 : memref<!tpu.dma_semaphore, #tpu.memory_space<semaphore_mem>>) src(%dma_wait3A_53 : memref<10016x48xf32, #tpu.memory_space<hbm>>) dst(%arg10 : memref<120x48xf32, #tpu.memory_space<vmem>>)
      %dma_wait3A_54 = arith.constant 0 : i32
      %dma_wait3A_55 = arith.constant 0 : i32
      %dma_wait3A_56 = tpu.memref_slice %arg4[%dma_wait3A_54, %dma_wait3A_55] : memref<10016x16xf32, #tpu.memory_space<hbm>> -> memref<10016x16xf32, #tpu.memory_space<hbm>>
      tpu.wait_indirect_dma semaphore(%arg16 : memref<!tpu.dma_semaphore, #tpu.memory_space<semaphore_mem>>) src(%dma_wait3A_56 : memref<10016x16xf32, #tpu.memory_space<hbm>>) dst(%arg9 : memref<120x16xf32, #tpu.memory_space<vmem>>)
      %scan3A_57 = arith.constant 0 : i32
      %scan3A_58 = arith.constant 120 : i32
      %scan3A_59 = arith.addi %scan3A_57, %scan3A_58 : i32
      %scan3A_60 = arith.constant 1 : i32
      scf.for %scan3A_93 = %scan3A_57 to %scan3A_59 step %scan3A_60  : i32 {
        %mul3A_94 = arith.constant 1 : i32
        %mul3A_95 = arith.muli %scan3A_93, %mul3A_94 : i32
        %add3A_96 = arith.constant 0 : i32
        %add3A_97 = arith.addi %add3A_96, %mul3A_95 : i32
        %get3A = arith.index_cast %add3A_97 : i32 to index
        %get3A_98 = arith.constant 32 : index
        %get3A_99 = tpu.vector_load %arg10[%get3A, %get3A_98] {strides = array<i32>} : memref<120x48xf32, #tpu.memory_space<vmem>>, vector<1x16xf32>,
        %get3A_100 = vector.shape_cast %get3A_99 : vector<1x16xf32> to vector<16xf32>
        %get3A_101 = arith.index_cast %add3A_97 : i32 to index
        %get3A_102 = arith.constant 0 : index
        %get3A_103 = tpu.vector_load %arg9[%get3A_101, %get3A_102] {strides = array<i32>} : memref<120x16xf32, #tpu.memory_space<vmem>>, vector<1x16xf32>,
        %get3A_104 = vector.shape_cast %get3A_103 : vector<1x16xf32> to vector<16xf32>
        %add3A_105 = arith.addf %get3A_100, %get3A_104 : vector<16xf32>
        %ge3A = arith.constant 0.000000e+00 : f32
        %ge3A_106 = vector.broadcast %ge3A : f32 to vector<16xf32>
        %ge3A_107 = arith.cmpf oge, %add3A_105, %ge3A_106 : vector<16xf32>
        %mul3A_108 = arith.constant 2.000000e-01 : f32
        %mul3A_109 = vector.broadcast %mul3A_108 : f32 to vector<16xf32>
        %mul3A_110 = arith.mulf %mul3A_109, %add3A_105 : vector<16xf32>
        %select_n3A = arith.select %ge3A_107, %add3A_105, %mul3A_110 : vector<16xi1>, vector<16xf32>
        %exp3A = math.exp %select_n3A : vector<16xf32>
        %slice3A = vector.extract_strided_slice %exp3A {offsets = [0], sizes = [1], strides = [1]} : vector<16xf32> to vector<1xf32>
        %squeeze3A = vector.extract %slice3A[0] : f32 from vector<1xf32>
        %get3A_111 = arith.index_cast %add3A_97 : i32 to index
        %get3A_112 = arith.constant 0 : index
        %get3A_113 = tpu.vector_load %arg10[%get3A_111, %get3A_112] {strides = array<i32>} : memref<120x48xf32, #tpu.memory_space<vmem>>, vector<1x16xf32>,
        %get3A_114 = vector.shape_cast %get3A_113 : vector<1x16xf32> to vector<16xf32>
        %mul3A_115 = vector.broadcast %squeeze3A : f32 to vector<16xf32>
        %mul3A_116 = arith.mulf %mul3A_115, %get3A_114 : vector<16xf32>
        %swap3A = arith.index_cast %add3A_97 : i32 to index
        %swap3A_117 = arith.constant 0 : index
        %swap3A_118 = tpu.vector_load %arg10[%swap3A, %swap3A_117] {strides = array<i32>} : memref<120x48xf32, #tpu.memory_space<vmem>>, vector<1x16xf32>,
        %swap3A_119 = vector.shape_cast %swap3A_118 : vector<1x16xf32> to vector<16xf32>
        %swap3A_120 = vector.shape_cast %mul3A_116 : vector<16xf32> to vector<1x16xf32>
        tpu.vector_store %arg10[%swap3A, %swap3A_117], %swap3A_120 {strides = array<i32>} : memref<120x48xf32, #tpu.memory_space<vmem>>, vector<1x16xf32>,
        %slice3A_121 = vector.extract_strided_slice %exp3A {offsets = [0], sizes = [1], strides = [1]} : vector<16xf32> to vector<1xf32>
        %squeeze3A_122 = vector.extract %slice3A_121[0] : f32 from vector<1xf32>
        %get3A_123 = arith.index_cast %add3A_97 : i32 to index
        %get3A_124 = arith.constant 16 : index
        %get3A_125 = tpu.vector_load %arg10[%get3A_123, %get3A_124] {strides = array<i32>} : memref<120x48xf32, #tpu.memory_space<vmem>>, vector<1x16xf32>,
        %get3A_126 = vector.shape_cast %get3A_125 : vector<1x16xf32> to vector<16xf32>
        %mul3A_127 = vector.broadcast %squeeze3A_122 : f32 to vector<16xf32>
        %mul3A_128 = arith.mulf %mul3A_127, %get3A_126 : vector<16xf32>
        %swap3A_129 = arith.index_cast %add3A_97 : i32 to index
        %swap3A_130 = arith.constant 16 : index
        %swap3A_131 = tpu.vector_load %arg10[%swap3A_129, %swap3A_130] {strides = array<i32>} : memref<120x48xf32, #tpu.memory_space<vmem>>, vector<1x16xf32>,
        %swap3A_132 = vector.shape_cast %swap3A_131 : vector<1x16xf32> to vector<16xf32>
        %swap3A_133 = vector.shape_cast %mul3A_128 : vector<16xf32> to vector<1x16xf32>
        tpu.vector_store %arg10[%swap3A_129, %swap3A_130], %swap3A_133 {strides = array<i32>} : memref<120x48xf32, #tpu.memory_space<vmem>>, vector<1x16xf32>,
        %swap3A_134 = arith.index_cast %add3A_97 : i32 to index
        %swap3A_135 = arith.constant 32 : index
        %swap3A_136 = tpu.vector_load %arg10[%swap3A_134, %swap3A_135] {strides = array<i32>} : memref<120x48xf32, #tpu.memory_space<vmem>>, vector<1x16xf32>,
        %swap3A_137 = vector.shape_cast %swap3A_136 : vector<1x16xf32> to vector<16xf32>
        %swap3A_138 = vector.shape_cast %exp3A : vector<16xf32> to vector<1x16xf32>
        tpu.vector_store %arg10[%swap3A_134, %swap3A_135], %swap3A_138 {strides = array<i32>} : memref<120x48xf32, #tpu.memory_space<vmem>>, vector<1x16xf32>,
      }
      %scan3A_61 = arith.constant 120 : i32
      %dma_start3A_62 = arith.constant 0 : i32
      %dma_start3A_63 = arith.constant 0 : i32
      %dma_start3A_64 = tpu.memref_slice %arg15[%dma_start3A_62, %dma_start3A_63] : memref<10016x48xf32, #tpu.memory_space<vmem_shared>> -> memref<10016x48xf32, #tpu.memory_space<vmem_shared>>
      tpu.enqueue_indirect_dma source(%arg10 : memref<120x48xf32, #tpu.memory_space<vmem>>) target(%dma_start3A_64 : memref<10016x48xf32, #tpu.memory_space<vmem_shared>>) offsets(%arg8 : memref<120xi32, #tpu.memory_space<vmem>>) semaphore(%arg18 : memref<!tpu.dma_semaphore, #tpu.memory_space<semaphore_mem>>) {add = true}
      %dma_wait3A_65 = arith.constant 0 : i32
      %dma_wait3A_66 = arith.constant 0 : i32
      %dma_wait3A_67 = tpu.memref_slice %arg15[%dma_wait3A_65, %dma_wait3A_66] : memref<10016x48xf32, #tpu.memory_space<vmem_shared>> -> memref<10016x48xf32, #tpu.memory_space<vmem_shared>>
      tpu.wait_indirect_dma semaphore(%arg18 : memref<!tpu.dma_semaphore, #tpu.memory_space<semaphore_mem>>) src(%arg10 : memref<120x48xf32, #tpu.memory_space<vmem>>) dst(%dma_wait3A_67 : memref<10016x48xf32, #tpu.memory_space<vmem_shared>>)
      %add3A_68 = arith.constant 240 : i32
      %add3A_69 = arith.addi %add3A_42, %add3A_68 : i32
      "tpu.region"() ({
        %run_scoped3A = tpu.sem_alloc : memref<!tpu.dma_semaphore, #tpu.memory_space<semaphore_mem>>
        %dma_start3A_93 = tpu.memref_slice %arg2[%add3A_69] : memref<322680xi32, #tpu.memory_space<hbm>> -> memref<120xi32, #tpu.memory_space<hbm>>
        %dma_start3A_94 = tpu.memref_slice %arg2[%add3A_69] : memref<322680xi32, #tpu.memory_space<hbm>> -> memref<120xi32, #tpu.memory_space<hbm>>
        tpu.enqueue_dma source(%dma_start3A_94 : memref<120xi32, #tpu.memory_space<hbm>>) target(%arg7 : memref<120xi32, #tpu.memory_space<vmem>>) target_semaphore(%run_scoped3A : memref<!tpu.dma_semaphore, #tpu.memory_space<semaphore_mem>>)
        %dma_wait3A_95 = tpu.memref_slice %arg2[%add3A_69] : memref<322680xi32, #tpu.memory_space<hbm>> -> memref<120xi32, #tpu.memory_space<hbm>>
        %dma_wait3A_96 = tpu.memref_slice %arg2[%add3A_69] : memref<322680xi32, #tpu.memory_space<hbm>> -> memref<120xi32, #tpu.memory_space<hbm>>
        tpu.wait_dma2 semaphore(%run_scoped3A : memref<!tpu.dma_semaphore, #tpu.memory_space<semaphore_mem>>) src(%dma_wait3A_96 : memref<120xi32, #tpu.memory_space<hbm>>) dst(%arg7 : memref<120xi32, #tpu.memory_space<vmem>>)
        tpu.yield
      }) : () -> ()
      "tpu.region"() ({
        %run_scoped3A = tpu.sem_alloc : memref<!tpu.dma_semaphore, #tpu.memory_space<semaphore_mem>>
        %dma_start3A_93 = tpu.memref_slice %arg3[%add3A_69] : memref<322680xi32, #tpu.memory_space<hbm>> -> memref<120xi32, #tpu.memory_space<hbm>>
        %dma_start3A_94 = tpu.memref_slice %arg3[%add3A_69] : memref<322680xi32, #tpu.memory_space<hbm>> -> memref<120xi32, #tpu.memory_space<hbm>>
        tpu.enqueue_dma source(%dma_start3A_94 : memref<120xi32, #tpu.memory_space<hbm>>) target(%arg8 : memref<120xi32, #tpu.memory_space<vmem>>) target_semaphore(%run_scoped3A : memref<!tpu.dma_semaphore, #tpu.memory_space<semaphore_mem>>)
        %dma_wait3A_95 = tpu.memref_slice %arg3[%add3A_69] : memref<322680xi32, #tpu.memory_space<hbm>> -> memref<120xi32, #tpu.memory_space<hbm>>
        %dma_wait3A_96 = tpu.memref_slice %arg3[%add3A_69] : memref<322680xi32, #tpu.memory_space<hbm>> -> memref<120xi32, #tpu.memory_space<hbm>>
        tpu.wait_dma2 semaphore(%run_scoped3A : memref<!tpu.dma_semaphore, #tpu.memory_space<semaphore_mem>>) src(%dma_wait3A_96 : memref<120xi32, #tpu.memory_space<hbm>>) dst(%arg8 : memref<120xi32, #tpu.memory_space<vmem>>)
        tpu.yield
      }) : () -> ()
      %dma_start3A_70 = arith.constant 0 : i32
      %dma_start3A_71 = arith.constant 0 : i32
      %dma_start3A_72 = tpu.memref_slice %arg5[%dma_start3A_70, %dma_start3A_71] : memref<10016x48xf32, #tpu.memory_space<hbm>> -> memref<10016x48xf32, #tpu.memory_space<hbm>>
      tpu.enqueue_indirect_dma source(%dma_start3A_72 : memref<10016x48xf32, #tpu.memory_space<hbm>>) target(%arg10 : memref<120x48xf32, #tpu.memory_space<vmem>>) offsets(%arg7 : memref<120xi32, #tpu.memory_space<vmem>>) semaphore(%arg16 : memref<!tpu.dma_semaphore, #tpu.memory_space<semaphore_mem>>)
      %dma_start3A_73 = arith.constant 0 : i32
      %dma_start3A_74 = arith.constant 0 : i32
      %dma_start3A_75 = tpu.memref_slice %arg4[%dma_start3A_73, %dma_start3A_74] : memref<10016x16xf32, #tpu.memory_space<hbm>> -> memref<10016x16xf32, #tpu.memory_space<hbm>>
      tpu.enqueue_indirect_dma source(%dma_start3A_75 : memref<10016x16xf32, #tpu.memory_space<hbm>>) target(%arg9 : memref<120x16xf32, #tpu.memory_space<vmem>>) offsets(%arg8 : memref<120xi32, #tpu.memory_space<vmem>>) semaphore(%arg16 : memref<!tpu.dma_semaphore, #tpu.memory_space<semaphore_mem>>)
      %dma_wait3A_76 = arith.constant 0 : i32
      %dma_wait3A_77 = arith.constant 0 : i32
      %dma_wait3A_78 = tpu.memref_slice %arg5[%dma_wait3A_76, %dma_wait3A_77] : memref<10016x48xf32, #tpu.memory_space<hbm>> -> memref<10016x48xf32, #tpu.memory_space<hbm>>
      tpu.wait_indirect_dma semaphore(%arg17 : memref<!tpu.dma_semaphore, #tpu.memory_space<semaphore_mem>>) src(%dma_wait3A_78 : memref<10016x48xf32, #tpu.memory_space<hbm>>) dst(%arg14 : memref<120x48xf32, #tpu.memory_space<vmem>>)
      %dma_wait3A_79 = arith.constant 0 : i32
      %dma_wait3A_80 = arith.constant 0 : i32
      %dma_wait3A_81 = tpu.memref_slice %arg4[%dma_wait3A_79, %dma_wait3A_80] : memref<10016x16xf32, #tpu.memory_space<hbm>> -> memref<10016x16xf32, #tpu.memory_space<hbm>>
      tpu.wait_indirect_dma semaphore(%arg17 : memref<!tpu.dma_semaphore, #tpu.memory_space<semaphore_mem>>) src(%dma_wait3A_81 : memref<10016x16xf32, #tpu.memory_space<hbm>>) dst(%arg13 : memref<120x16xf32, #tpu.memory_space<vmem>>)
      %scan3A_82 = arith.constant 0 : i32
      %scan3A_83 = arith.constant 120 : i32
      %scan3A_84 = arith.addi %scan3A_82, %scan3A_83 : i32
      %scan3A_85 = arith.constant 1 : i32
      scf.for %scan3A_93 = %scan3A_82 to %scan3A_84 step %scan3A_85  : i32 {
        %mul3A_94 = arith.constant 1 : i32
        %mul3A_95 = arith.muli %scan3A_93, %mul3A_94 : i32
        %add3A_96 = arith.constant 0 : i32
        %add3A_97 = arith.addi %add3A_96, %mul3A_95 : i32
        %get3A = arith.index_cast %add3A_97 : i32 to index
        %get3A_98 = arith.constant 32 : index
        %get3A_99 = tpu.vector_load %arg14[%get3A, %get3A_98] {strides = array<i32>} : memref<120x48xf32, #tpu.memory_space<vmem>>, vector<1x16xf32>,
        %get3A_100 = vector.shape_cast %get3A_99 : vector<1x16xf32> to vector<16xf32>
        %get3A_101 = arith.index_cast %add3A_97 : i32 to index
        %get3A_102 = arith.constant 0 : index
        %get3A_103 = tpu.vector_load %arg13[%get3A_101, %get3A_102] {strides = array<i32>} : memref<120x16xf32, #tpu.memory_space<vmem>>, vector<1x16xf32>,
        %get3A_104 = vector.shape_cast %get3A_103 : vector<1x16xf32> to vector<16xf32>
        %add3A_105 = arith.addf %get3A_100, %get3A_104 : vector<16xf32>
        %ge3A = arith.constant 0.000000e+00 : f32
        %ge3A_106 = vector.broadcast %ge3A : f32 to vector<16xf32>
        %ge3A_107 = arith.cmpf oge, %add3A_105, %ge3A_106 : vector<16xf32>
        %mul3A_108 = arith.constant 2.000000e-01 : f32
        %mul3A_109 = vector.broadcast %mul3A_108 : f32 to vector<16xf32>
        %mul3A_110 = arith.mulf %mul3A_109, %add3A_105 : vector<16xf32>
        %select_n3A = arith.select %ge3A_107, %add3A_105, %mul3A_110 : vector<16xi1>, vector<16xf32>
        %exp3A = math.exp %select_n3A : vector<16xf32>
        %slice3A = vector.extract_strided_slice %exp3A {offsets = [0], sizes = [1], strides = [1]} : vector<16xf32> to vector<1xf32>
        %squeeze3A = vector.extract %slice3A[0] : f32 from vector<1xf32>
        %get3A_111 = arith.index_cast %add3A_97 : i32 to index
        %get3A_112 = arith.constant 0 : index
        %get3A_113 = tpu.vector_load %arg14[%get3A_111, %get3A_112] {strides = array<i32>} : memref<120x48xf32, #tpu.memory_space<vmem>>, vector<1x16xf32>,
        %get3A_114 = vector.shape_cast %get3A_113 : vector<1x16xf32> to vector<16xf32>
        %mul3A_115 = vector.broadcast %squeeze3A : f32 to vector<16xf32>
        %mul3A_116 = arith.mulf %mul3A_115, %get3A_114 : vector<16xf32>
        %swap3A = arith.index_cast %add3A_97 : i32 to index
        %swap3A_117 = arith.constant 0 : index
        %swap3A_118 = tpu.vector_load %arg14[%swap3A, %swap3A_117] {strides = array<i32>} : memref<120x48xf32, #tpu.memory_space<vmem>>, vector<1x16xf32>,
        %swap3A_119 = vector.shape_cast %swap3A_118 : vector<1x16xf32> to vector<16xf32>
        %swap3A_120 = vector.shape_cast %mul3A_116 : vector<16xf32> to vector<1x16xf32>
        tpu.vector_store %arg14[%swap3A, %swap3A_117], %swap3A_120 {strides = array<i32>} : memref<120x48xf32, #tpu.memory_space<vmem>>, vector<1x16xf32>,
        %slice3A_121 = vector.extract_strided_slice %exp3A {offsets = [0], sizes = [1], strides = [1]} : vector<16xf32> to vector<1xf32>
        %squeeze3A_122 = vector.extract %slice3A_121[0] : f32 from vector<1xf32>
        %get3A_123 = arith.index_cast %add3A_97 : i32 to index
        %get3A_124 = arith.constant 16 : index
        %get3A_125 = tpu.vector_load %arg14[%get3A_123, %get3A_124] {strides = array<i32>} : memref<120x48xf32, #tpu.memory_space<vmem>>, vector<1x16xf32>,
        %get3A_126 = vector.shape_cast %get3A_125 : vector<1x16xf32> to vector<16xf32>
        %mul3A_127 = vector.broadcast %squeeze3A_122 : f32 to vector<16xf32>
        %mul3A_128 = arith.mulf %mul3A_127, %get3A_126 : vector<16xf32>
        %swap3A_129 = arith.index_cast %add3A_97 : i32 to index
        %swap3A_130 = arith.constant 16 : index
        %swap3A_131 = tpu.vector_load %arg14[%swap3A_129, %swap3A_130] {strides = array<i32>} : memref<120x48xf32, #tpu.memory_space<vmem>>, vector<1x16xf32>,
        %swap3A_132 = vector.shape_cast %swap3A_131 : vector<1x16xf32> to vector<16xf32>
        %swap3A_133 = vector.shape_cast %mul3A_128 : vector<16xf32> to vector<1x16xf32>
        tpu.vector_store %arg14[%swap3A_129, %swap3A_130], %swap3A_133 {strides = array<i32>} : memref<120x48xf32, #tpu.memory_space<vmem>>, vector<1x16xf32>,
        %swap3A_134 = arith.index_cast %add3A_97 : i32 to index
        %swap3A_135 = arith.constant 32 : index
        %swap3A_136 = tpu.vector_load %arg14[%swap3A_134, %swap3A_135] {strides = array<i32>} : memref<120x48xf32, #tpu.memory_space<vmem>>, vector<1x16xf32>,
        %swap3A_137 = vector.shape_cast %swap3A_136 : vector<1x16xf32> to vector<16xf32>
        %swap3A_138 = vector.shape_cast %exp3A : vector<16xf32> to vector<1x16xf32>
        tpu.vector_store %arg14[%swap3A_134, %swap3A_135], %swap3A_138 {strides = array<i32>} : memref<120x48xf32, #tpu.memory_space<vmem>>, vector<1x16xf32>,
      }
      %scan3A_86 = arith.constant 120 : i32
      %dma_start3A_87 = arith.constant 0 : i32
      %dma_start3A_88 = arith.constant 0 : i32
      %dma_start3A_89 = tpu.memref_slice %arg15[%dma_start3A_87, %dma_start3A_88] : memref<10016x48xf32, #tpu.memory_space<vmem_shared>> -> memref<10016x48xf32, #tpu.memory_space<vmem_shared>>
      tpu.enqueue_indirect_dma source(%arg14 : memref<120x48xf32, #tpu.memory_space<vmem>>) target(%dma_start3A_89 : memref<10016x48xf32, #tpu.memory_space<vmem_shared>>) offsets(%arg12 : memref<120xi32, #tpu.memory_space<vmem>>) semaphore(%arg18 : memref<!tpu.dma_semaphore, #tpu.memory_space<semaphore_mem>>) {add = true}
      %dma_wait3A_90 = arith.constant 0 : i32
      %dma_wait3A_91 = arith.constant 0 : i32
      %dma_wait3A_92 = tpu.memref_slice %arg15[%dma_wait3A_90, %dma_wait3A_91] : memref<10016x48xf32, #tpu.memory_space<vmem_shared>> -> memref<10016x48xf32, #tpu.memory_space<vmem_shared>>
      tpu.wait_indirect_dma semaphore(%arg18 : memref<!tpu.dma_semaphore, #tpu.memory_space<semaphore_mem>>) src(%arg14 : memref<120x48xf32, #tpu.memory_space<vmem>>) dst(%dma_wait3A_92 : memref<10016x48xf32, #tpu.memory_space<vmem_shared>>)
    }
    %scan3A_28 = arith.constant 42 : i32
    %dma_wait3A = arith.constant 0 : i32
    %dma_wait3A_29 = arith.constant 0 : i32
    %dma_wait3A_30 = tpu.memref_slice %arg5[%dma_wait3A, %dma_wait3A_29] : memref<10016x48xf32, #tpu.memory_space<hbm>> -> memref<10016x48xf32, #tpu.memory_space<hbm>>
    tpu.wait_indirect_dma semaphore(%arg16 : memref<!tpu.dma_semaphore, #tpu.memory_space<semaphore_mem>>) src(%dma_wait3A_30 : memref<10016x48xf32, #tpu.memory_space<hbm>>) dst(%arg10 : memref<120x48xf32, #tpu.memory_space<vmem>>)
    %dma_wait3A_31 = arith.constant 0 : i32
    %dma_wait3A_32 = arith.constant 0 : i32
    %dma_wait3A_33 = tpu.memref_slice %arg4[%dma_wait3A_31, %dma_wait3A_32] : memref<10016x16xf32, #tpu.memory_space<hbm>> -> memref<10016x16xf32, #tpu.memory_space<hbm>>
    tpu.wait_indirect_dma semaphore(%arg16 : memref<!tpu.dma_semaphore, #tpu.memory_space<semaphore_mem>>) src(%dma_wait3A_33 : memref<10016x16xf32, #tpu.memory_space<hbm>>) dst(%arg9 : memref<120x16xf32, #tpu.memory_space<vmem>>)
    %barrier3A_34 = arith.constant 0 : index
    tpu.barrier barrier_id(%barrier3A_34)
    "tpu.region"() ({
      %run_scoped3A = tpu.sem_alloc : memref<!tpu.dma_semaphore, #tpu.memory_space<semaphore_mem>>
      %dma_start3A_35 = arith.constant 0 : i32
      %dma_start3A_36 = tpu.memref_slice %arg6[%arg0, %mul3A_7, %dma_start3A_35] : memref<2x10016x48xf32, #tpu.memory_space<hbm>> -> memref<1x626x48xf32, #tpu.memory_space<hbm>>
      %dma_start3A_37 = tpu.memref_squeeze %dma_start3A_36 : memref<1x626x48xf32, #tpu.memory_space<hbm>> -> memref<626x48xf32, #tpu.memory_space<hbm>>
      %dma_start3A_38 = arith.constant 0 : i32
      %dma_start3A_39 = tpu.memref_slice %arg15[%mul3A_7, %dma_start3A_38] : memref<10016x48xf32, #tpu.memory_space<vmem_shared>> -> memref<626x48xf32, #tpu.memory_space<vmem_shared>>
      tpu.enqueue_dma source(%dma_start3A_39 : memref<626x48xf32, #tpu.memory_space<vmem_shared>>) target(%dma_start3A_37 : memref<626x48xf32, #tpu.memory_space<hbm>>) target_semaphore(%run_scoped3A : memref<!tpu.dma_semaphore, #tpu.memory_space<semaphore_mem>>)
      %dma_wait3A_40 = arith.constant 0 : i32
      %dma_wait3A_41 = tpu.memref_slice %arg6[%arg0, %mul3A_7, %dma_wait3A_40] : memref<2x10016x48xf32, #tpu.memory_space<hbm>> -> memref<1x626x48xf32, #tpu.memory_space<hbm>>
      %dma_wait3A_42 = tpu.memref_squeeze %dma_wait3A_41 : memref<1x626x48xf32, #tpu.memory_space<hbm>> -> memref<626x48xf32, #tpu.memory_space<hbm>>
      %dma_wait3A_43 = arith.constant 0 : i32
      %dma_wait3A_44 = tpu.memref_slice %arg15[%mul3A_7, %dma_wait3A_43] : memref<10016x48xf32, #tpu.memory_space<vmem_shared>> -> memref<626x48xf32, #tpu.memory_space<vmem_shared>>
      tpu.wait_dma2 semaphore(%run_scoped3A : memref<!tpu.dma_semaphore, #tpu.memory_space<semaphore_mem>>) src(%dma_wait3A_44 : memref<626x48xf32, #tpu.memory_space<vmem_shared>>) dst(%dma_wait3A_42 : memref<626x48xf32, #tpu.memory_space<hbm>>)
      tpu.yield
    }) : () -> ()
    return
  }
}

module attributes {stable_mosaic.version = 14 : i64} {
  func.func @body(%arg0: i32, %arg1: memref<1024x128xf32, #tpu.memory_space<vmem>>, %arg2: memref<128x128xf32, #tpu.memory_space<vmem>>, %arg3: memref<128x16xf32, #tpu.memory_space<vmem>>, %arg4: memref<128x16xf32, #tpu.memory_space<vmem>>, %arg5: memref<1024x144xf32, #tpu.memory_space<vmem>>, %arg6: memref<1024x16xf32, #tpu.memory_space<vmem>>) attributes {dimension_semantics = [#tpu.dimension_semantics<arbitrary>], iteration_bounds = array<i64: 10>, scalar_prefetch = 0 : i64, scratch_operands = 0 : i64, tpu.core_type = #tpu.core_type<tc>, window_params = [{transform_indices = @transform_0, window_bounds = array<i64: 1024, 128>}, {pipeline_mode = #tpu.pipeline_mode<synchronous>, transform_indices = @transform_1, window_bounds = array<i64: 128, 128>}, {pipeline_mode = #tpu.pipeline_mode<synchronous>, transform_indices = @transform_2, window_bounds = array<i64: 128, 16>}, {pipeline_mode = #tpu.pipeline_mode<synchronous>, transform_indices = @transform_3, window_bounds = array<i64: 128, 16>}, {transform_indices = @transform_4, window_bounds = array<i64: 1024, 144>}, {transform_indices = @transform_5, window_bounds = array<i64: 1024, 16>}]} {
    %get3A = arith.constant 0 : index
    %get3A_0 = arith.constant 0 : index
    %get3A_1 = vector.load %arg1[%get3A, %get3A_0] : memref<1024x128xf32, #tpu.memory_space<vmem>>, vector<1024x128xf32>
    %get3A_2 = arith.constant 0 : index
    %get3A_3 = arith.constant 0 : index
    %get3A_4 = vector.load %arg2[%get3A_2, %get3A_3] : memref<128x128xf32, #tpu.memory_space<vmem>>, vector<128x128xf32>
    %dot_general3A = arith.constant dense<0.000000e+00> : vector<1024x128xf32>
    %dot_general3A_5 = tpu.matmul %get3A_1, %get3A_4, %dot_general3A {dimension_numbers = #tpu.dot_dimension_numbers<[1], [0], [0], [1], [0, 0, 1, 1], [], []>, transpose_lhs_hint = false} : vector<1024x128xf32>, vector<128x128xf32>, vector<1024x128xf32> -> vector<1024x128xf32>
    %get3A_6 = arith.constant 0 : index
    %get3A_7 = arith.constant 0 : index
    %get3A_8 = vector.load %arg3[%get3A_6, %get3A_7] : memref<128x16xf32, #tpu.memory_space<vmem>>, vector<128x16xf32>
    %dot_general3A_9 = arith.constant dense<0.000000e+00> : vector<1024x16xf32>
    %dot_general3A_10 = tpu.matmul %dot_general3A_5, %get3A_8, %dot_general3A_9 {dimension_numbers = #tpu.dot_dimension_numbers<[1], [0], [0], [1], [0, 0, 1, 1], [], []>, transpose_lhs_hint = false} : vector<1024x128xf32>, vector<128x16xf32>, vector<1024x16xf32> -> vector<1024x16xf32>
    %concatenate3A = tpu.concatenate %dot_general3A_5, %dot_general3A_10 in 1 : vector<1024x128xf32>, vector<1024x16xf32> -> vector<1024x144xf32>
    %swap3A = arith.constant 0 : index
    %swap3A_11 = arith.constant 0 : index
    %swap3A_12 = vector.load %arg5[%swap3A, %swap3A_11] : memref<1024x144xf32, #tpu.memory_space<vmem>>, vector<1024x144xf32>
    tpu.vector_store %arg5[%swap3A, %swap3A_11], %concatenate3A {strides = array<i32>} : memref<1024x144xf32, #tpu.memory_space<vmem>>, vector<1024x144xf32>,
    %get3A_13 = arith.constant 0 : index
    %get3A_14 = arith.constant 0 : index
    %get3A_15 = vector.load %arg4[%get3A_13, %get3A_14] : memref<128x16xf32, #tpu.memory_space<vmem>>, vector<128x16xf32>
    %dot_general3A_16 = arith.constant dense<0.000000e+00> : vector<1024x16xf32>
    %dot_general3A_17 = tpu.matmul %dot_general3A_5, %get3A_15, %dot_general3A_16 {dimension_numbers = #tpu.dot_dimension_numbers<[1], [0], [0], [1], [0, 0, 1, 1], [], []>, transpose_lhs_hint = false} : vector<1024x128xf32>, vector<128x16xf32>, vector<1024x16xf32> -> vector<1024x16xf32>
    %swap3A_18 = arith.constant 0 : index
    %swap3A_19 = arith.constant 0 : index
    %swap3A_20 = vector.load %arg6[%swap3A_18, %swap3A_19] : memref<1024x16xf32, #tpu.memory_space<vmem>>, vector<1024x16xf32>
    tpu.vector_store %arg6[%swap3A_18, %swap3A_19], %dot_general3A_17 {strides = array<i32>} : memref<1024x16xf32, #tpu.memory_space<vmem>>, vector<1024x16xf32>,
    return
  }
  func.func @transform_0(%arg0: i32) -> (i32, i32) {
    %c0_i32 = arith.constant 0 : i32
    %c0_i32_0 = arith.constant 0 : i32
    return %arg0, %c0_i32 : i32, i32
  }
  func.func @transform_1(%arg0: i32) -> (i32, i32) {
    %c0_i32 = arith.constant 0 : i32
    %c0_i32_0 = arith.constant 0 : i32
    %c0_i32_1 = arith.constant 0 : i32
    return %c0_i32, %c0_i32_0 : i32, i32
  }
  func.func @transform_2(%arg0: i32) -> (i32, i32) {
    %c0_i32 = arith.constant 0 : i32
    %c0_i32_0 = arith.constant 0 : i32
    %c0_i32_1 = arith.constant 0 : i32
    return %c0_i32, %c0_i32_0 : i32, i32
  }
  func.func @transform_3(%arg0: i32) -> (i32, i32) {
    %c0_i32 = arith.constant 0 : i32
    %c0_i32_0 = arith.constant 0 : i32
    %c0_i32_1 = arith.constant 0 : i32
    return %c0_i32, %c0_i32_0 : i32, i32
  }
  func.func @transform_4(%arg0: i32) -> (i32, i32) {
    %c0_i32 = arith.constant 0 : i32
    %c0_i32_0 = arith.constant 0 : i32
    return %arg0, %c0_i32 : i32, i32
  }
  func.func @transform_5(%arg0: i32) -> (i32, i32) {
    %c0_i32 = arith.constant 0 : i32
    %c0_i32_0 = arith.constant 0 : i32
    return %arg0, %c0_i32 : i32, i32
  }
}

module attributes {stable_mosaic.version = 14 : i64} {
  func.func @body(%arg0: i32, %arg1: memref<2x512x144xf32, #tpu.memory_space<vmem>>, %arg2: memref<512x144xf32, #tpu.memory_space<vmem>>, %arg3: memref<16x128xf32, #tpu.memory_space<vmem>>, %arg4: memref<512x144xf32, #tpu.memory_space<vmem>>) attributes {dimension_semantics = [#tpu.dimension_semantics<arbitrary>], iteration_bounds = array<i64: 20>, scalar_prefetch = 0 : i64, scratch_operands = 0 : i64, tpu.core_type = #tpu.core_type<tc>, window_params = [{transform_indices = @transform_0, window_bounds = array<i64: 2, 512, 144>}, {transform_indices = @transform_1, window_bounds = array<i64: 512, 144>}, {pipeline_mode = #tpu.pipeline_mode<synchronous>, transform_indices = @transform_2, window_bounds = array<i64: 16, 128>}, {transform_indices = @transform_3, window_bounds = array<i64: 512, 144>}]} {
    %get3A = arith.constant 0 : index
    %get3A_0 = arith.constant 0 : index
    %get3A_1 = arith.constant 128 : index
    %get3A_2 = vector.load %arg1[%get3A, %get3A_0, %get3A_1] : memref<2x512x144xf32, #tpu.memory_space<vmem>>, vector<1x512x16xf32>
    %get3A_3 = vector.shape_cast %get3A_2 : vector<1x512x16xf32> to vector<512x16xf32>
    %get3A_4 = arith.constant 1 : index
    %get3A_5 = arith.constant 0 : index
    %get3A_6 = arith.constant 128 : index
    %get3A_7 = vector.load %arg1[%get3A_4, %get3A_5, %get3A_6] : memref<2x512x144xf32, #tpu.memory_space<vmem>>, vector<1x512x16xf32>
    %get3A_8 = vector.shape_cast %get3A_7 : vector<1x512x16xf32> to vector<512x16xf32>
    %add3A = arith.addf %get3A_3, %get3A_8 : vector<512x16xf32>
    %add3A_9 = arith.constant 1.000000e-16 : f32
    %add3A_10 = vector.broadcast %add3A_9 : f32 to vector<512x16xf32>
    %add3A_11 = arith.addf %add3A, %add3A_10 : vector<512x16xf32>
    %div3A = arith.constant 1.000000e+00 : f32
    %div3A_12 = vector.broadcast %div3A : f32 to vector<512x16xf32>
    %div3A_13 = arith.divf %div3A_12, %add3A_11 : vector<512x16xf32>
    %get3A_14 = arith.constant 0 : index
    %get3A_15 = arith.constant 0 : index
    %get3A_16 = vector.load %arg3[%get3A_14, %get3A_15] : memref<16x128xf32, #tpu.memory_space<vmem>>, vector<16x128xf32>
    %dot_general3A = arith.constant dense<0.000000e+00> : vector<512x128xf32>
    %dot_general3A_17 = tpu.matmul %div3A_13, %get3A_16, %dot_general3A {dimension_numbers = #tpu.dot_dimension_numbers<[1], [0], [0], [1], [0, 0, 1, 1], [], []>, transpose_lhs_hint = false} : vector<512x16xf32>, vector<16x128xf32>, vector<512x128xf32> -> vector<512x128xf32>
    %get3A_18 = arith.constant 0 : index
    %get3A_19 = arith.constant 0 : index
    %get3A_20 = arith.constant 0 : index
    %get3A_21 = vector.load %arg1[%get3A_18, %get3A_19, %get3A_20] : memref<2x512x144xf32, #tpu.memory_space<vmem>>, vector<1x512x128xf32>
    %get3A_22 = vector.shape_cast %get3A_21 : vector<1x512x128xf32> to vector<512x128xf32>
    %get3A_23 = arith.constant 1 : index
    %get3A_24 = arith.constant 0 : index
    %get3A_25 = arith.constant 0 : index
    %get3A_26 = vector.load %arg1[%get3A_23, %get3A_24, %get3A_25] : memref<2x512x144xf32, #tpu.memory_space<vmem>>, vector<1x512x128xf32>
    %get3A_27 = vector.shape_cast %get3A_26 : vector<1x512x128xf32> to vector<512x128xf32>
    %add3A_28 = arith.addf %get3A_22, %get3A_27 : vector<512x128xf32>
    %mul3A = arith.constant 0.899999976 : f32
    %mul3A_29 = vector.broadcast %mul3A : f32 to vector<512x128xf32>
    %mul3A_30 = arith.mulf %mul3A_29, %add3A_28 : vector<512x128xf32>
    %mul3A_31 = arith.mulf %mul3A_30, %dot_general3A_17 : vector<512x128xf32>
    %get3A_32 = arith.constant 0 : index
    %get3A_33 = arith.constant 0 : index
    %get3A_34 = vector.load %arg2[%get3A_32, %get3A_33] : memref<512x144xf32, #tpu.memory_space<vmem>>, vector<512x128xf32>
    %mul3A_35 = arith.constant 1.000000e-01 : f32
    %mul3A_36 = vector.broadcast %mul3A_35 : f32 to vector<512x128xf32>
    %mul3A_37 = arith.mulf %mul3A_36, %get3A_34 : vector<512x128xf32>
    %add3A_38 = arith.addf %mul3A_31, %mul3A_37 : vector<512x128xf32>
    %get3A_39 = arith.constant 0 : index
    %get3A_40 = arith.constant 128 : index
    %get3A_41 = vector.load %arg2[%get3A_39, %get3A_40] : memref<512x144xf32, #tpu.memory_space<vmem>>, vector<512x16xf32>
    %concatenate3A = tpu.concatenate %add3A_38, %get3A_41 in 1 : vector<512x128xf32>, vector<512x16xf32> -> vector<512x144xf32>
    %swap3A = arith.constant 0 : index
    %swap3A_42 = arith.constant 0 : index
    %swap3A_43 = vector.load %arg4[%swap3A, %swap3A_42] : memref<512x144xf32, #tpu.memory_space<vmem>>, vector<512x144xf32>
    tpu.vector_store %arg4[%swap3A, %swap3A_42], %concatenate3A {strides = array<i32>} : memref<512x144xf32, #tpu.memory_space<vmem>>, vector<512x144xf32>,
    return
  }
  func.func @transform_0(%arg0: i32) -> (i32, i32, i32) {
    %c0_i32 = arith.constant 0 : i32
    %c0_i32_0 = arith.constant 0 : i32
    %c0_i32_1 = arith.constant 0 : i32
    return %c0_i32, %arg0, %c0_i32_0 : i32, i32, i32
  }
  func.func @transform_1(%arg0: i32) -> (i32, i32) {
    %c0_i32 = arith.constant 0 : i32
    %c0_i32_0 = arith.constant 0 : i32
    return %arg0, %c0_i32 : i32, i32
  }
  func.func @transform_2(%arg0: i32) -> (i32, i32) {
    %c0_i32 = arith.constant 0 : i32
    %c0_i32_0 = arith.constant 0 : i32
    %c0_i32_1 = arith.constant 0 : i32
    return %c0_i32, %c0_i32_0 : i32, i32
  }
  func.func @transform_3(%arg0: i32) -> (i32, i32) {
    %c0_i32 = arith.constant 0 : i32
    %c0_i32_0 = arith.constant 0 : i32
    return %arg0, %c0_i32 : i32, i32
  }
}

module attributes {stable_mosaic.version = 14 : i64} {
  func.func @body(%arg0: i32, %arg1: memref<2x512x144xf32, #tpu.memory_space<vmem>>, %arg2: memref<512x144xf32, #tpu.memory_space<vmem>>, %arg3: memref<16x128xf32, #tpu.memory_space<vmem>>, %arg4: memref<512x144xf32, #tpu.memory_space<vmem>>) attributes {dimension_semantics = [#tpu.dimension_semantics<arbitrary>], iteration_bounds = array<i64: 20>, scalar_prefetch = 0 : i64, scratch_operands = 0 : i64, tpu.core_type = #tpu.core_type<tc>, window_params = [{transform_indices = @transform_0, window_bounds = array<i64: 2, 512, 144>}, {transform_indices = @transform_1, window_bounds = array<i64: 512, 144>}, {pipeline_mode = #tpu.pipeline_mode<synchronous>, transform_indices = @transform_2, window_bounds = array<i64: 16, 128>}, {transform_indices = @transform_3, window_bounds = array<i64: 512, 144>}]} {
    %get3A = arith.constant 0 : index
    %get3A_0 = arith.constant 0 : index
    %get3A_1 = arith.constant 128 : index
    %get3A_2 = vector.load %arg1[%get3A, %get3A_0, %get3A_1] : memref<2x512x144xf32, #tpu.memory_space<vmem>>, vector<1x512x16xf32>
    %get3A_3 = vector.shape_cast %get3A_2 : vector<1x512x16xf32> to vector<512x16xf32>
    %get3A_4 = arith.constant 1 : index
    %get3A_5 = arith.constant 0 : index
    %get3A_6 = arith.constant 128 : index
    %get3A_7 = vector.load %arg1[%get3A_4, %get3A_5, %get3A_6] : memref<2x512x144xf32, #tpu.memory_space<vmem>>, vector<1x512x16xf32>
    %get3A_8 = vector.shape_cast %get3A_7 : vector<1x512x16xf32> to vector<512x16xf32>
    %add3A = arith.addf %get3A_3, %get3A_8 : vector<512x16xf32>
    %add3A_9 = arith.constant 1.000000e-16 : f32
    %add3A_10 = vector.broadcast %add3A_9 : f32 to vector<512x16xf32>
    %add3A_11 = arith.addf %add3A, %add3A_10 : vector<512x16xf32>
    %div3A = arith.constant 1.000000e+00 : f32
    %div3A_12 = vector.broadcast %div3A : f32 to vector<512x16xf32>
    %div3A_13 = arith.divf %div3A_12, %add3A_11 : vector<512x16xf32>
    %get3A_14 = arith.constant 0 : index
    %get3A_15 = arith.constant 0 : index
    %get3A_16 = vector.load %arg3[%get3A_14, %get3A_15] : memref<16x128xf32, #tpu.memory_space<vmem>>, vector<16x128xf32>
    %dot_general3A = arith.constant dense<0.000000e+00> : vector<512x128xf32>
    %dot_general3A_17 = tpu.matmul %div3A_13, %get3A_16, %dot_general3A {dimension_numbers = #tpu.dot_dimension_numbers<[1], [0], [0], [1], [0, 0, 1, 1], [], []>, transpose_lhs_hint = false} : vector<512x16xf32>, vector<16x128xf32>, vector<512x128xf32> -> vector<512x128xf32>
    %get3A_18 = arith.constant 0 : index
    %get3A_19 = arith.constant 0 : index
    %get3A_20 = arith.constant 0 : index
    %get3A_21 = vector.load %arg1[%get3A_18, %get3A_19, %get3A_20] : memref<2x512x144xf32, #tpu.memory_space<vmem>>, vector<1x512x128xf32>
    %get3A_22 = vector.shape_cast %get3A_21 : vector<1x512x128xf32> to vector<512x128xf32>
    %get3A_23 = arith.constant 1 : index
    %get3A_24 = arith.constant 0 : index
    %get3A_25 = arith.constant 0 : index
    %get3A_26 = vector.load %arg1[%get3A_23, %get3A_24, %get3A_25] : memref<2x512x144xf32, #tpu.memory_space<vmem>>, vector<1x512x128xf32>
    %get3A_27 = vector.shape_cast %get3A_26 : vector<1x512x128xf32> to vector<512x128xf32>
    %add3A_28 = arith.addf %get3A_22, %get3A_27 : vector<512x128xf32>
    %mul3A = arith.constant 0.899999976 : f32
    %mul3A_29 = vector.broadcast %mul3A : f32 to vector<512x128xf32>
    %mul3A_30 = arith.mulf %mul3A_29, %add3A_28 : vector<512x128xf32>
    %mul3A_31 = arith.mulf %mul3A_30, %dot_general3A_17 : vector<512x128xf32>
    %get3A_32 = arith.constant 0 : index
    %get3A_33 = arith.constant 0 : index
    %get3A_34 = vector.load %arg2[%get3A_32, %get3A_33] : memref<512x144xf32, #tpu.memory_space<vmem>>, vector<512x128xf32>
    %mul3A_35 = arith.constant 1.000000e-01 : f32
    %mul3A_36 = vector.broadcast %mul3A_35 : f32 to vector<512x128xf32>
    %mul3A_37 = arith.mulf %mul3A_36, %get3A_34 : vector<512x128xf32>
    %add3A_38 = arith.addf %mul3A_31, %mul3A_37 : vector<512x128xf32>
    %gt3A = arith.constant 0.000000e+00 : f32
    %gt3A_39 = vector.broadcast %gt3A : f32 to vector<512x128xf32>
    %gt3A_40 = arith.cmpf ogt, %add3A_38, %gt3A_39 : vector<512x128xf32>
    %exp3A = math.exp %add3A_38 : vector<512x128xf32>
    %sub3A = arith.constant 1.000000e+00 : f32
    %sub3A_41 = vector.broadcast %sub3A : f32 to vector<512x128xf32>
    %sub3A_42 = arith.subf %exp3A, %sub3A_41 : vector<512x128xf32>
    %select_n3A = arith.select %gt3A_40, %add3A_38, %sub3A_42 : vector<512x128xi1>, vector<512x128xf32>
    %get3A_43 = arith.constant 0 : index
    %get3A_44 = arith.constant 128 : index
    %get3A_45 = vector.load %arg2[%get3A_43, %get3A_44] : memref<512x144xf32, #tpu.memory_space<vmem>>, vector<512x16xf32>
    %concatenate3A = tpu.concatenate %select_n3A, %get3A_45 in 1 : vector<512x128xf32>, vector<512x16xf32> -> vector<512x144xf32>
    %swap3A = arith.constant 0 : index
    %swap3A_46 = arith.constant 0 : index
    %swap3A_47 = vector.load %arg4[%swap3A, %swap3A_46] : memref<512x144xf32, #tpu.memory_space<vmem>>, vector<512x144xf32>
    tpu.vector_store %arg4[%swap3A, %swap3A_46], %concatenate3A {strides = array<i32>} : memref<512x144xf32, #tpu.memory_space<vmem>>, vector<512x144xf32>,
    return
  }
  func.func @transform_0(%arg0: i32) -> (i32, i32, i32) {
    %c0_i32 = arith.constant 0 : i32
    %c0_i32_0 = arith.constant 0 : i32
    %c0_i32_1 = arith.constant 0 : i32
    return %c0_i32, %arg0, %c0_i32_0 : i32, i32, i32
  }
  func.func @transform_1(%arg0: i32) -> (i32, i32) {
    %c0_i32 = arith.constant 0 : i32
    %c0_i32_0 = arith.constant 0 : i32
    return %arg0, %c0_i32 : i32, i32
  }
  func.func @transform_2(%arg0: i32) -> (i32, i32) {
    %c0_i32 = arith.constant 0 : i32
    %c0_i32_0 = arith.constant 0 : i32
    %c0_i32_1 = arith.constant 0 : i32
    return %c0_i32, %c0_i32_0 : i32, i32
  }
  func.func @transform_3(%arg0: i32) -> (i32, i32) {
    %c0_i32 = arith.constant 0 : i32
    %c0_i32_0 = arith.constant 0 : i32
    return %arg0, %c0_i32 : i32, i32
  }
}

module attributes {stable_mosaic.version = 14 : i64} {
  func.func @body(%arg0: i32, %arg1: memref<1024x128xf32, #tpu.memory_space<vmem>>, %arg2: memref<128x32xf32, #tpu.memory_space<vmem>>, %arg3: memref<32x16xf32, #tpu.memory_space<vmem>>, %arg4: memref<32x16xf32, #tpu.memory_space<vmem>>, %arg5: memref<1024x48xf32, #tpu.memory_space<vmem>>, %arg6: memref<1024x16xf32, #tpu.memory_space<vmem>>) attributes {dimension_semantics = [#tpu.dimension_semantics<arbitrary>], iteration_bounds = array<i64: 10>, scalar_prefetch = 0 : i64, scratch_operands = 0 : i64, tpu.core_type = #tpu.core_type<tc>, window_params = [{transform_indices = @transform_0, window_bounds = array<i64: 1024, 128>}, {pipeline_mode = #tpu.pipeline_mode<synchronous>, transform_indices = @transform_1, window_bounds = array<i64: 128, 32>}, {pipeline_mode = #tpu.pipeline_mode<synchronous>, transform_indices = @transform_2, window_bounds = array<i64: 32, 16>}, {pipeline_mode = #tpu.pipeline_mode<synchronous>, transform_indices = @transform_3, window_bounds = array<i64: 32, 16>}, {transform_indices = @transform_4, window_bounds = array<i64: 1024, 48>}, {transform_indices = @transform_5, window_bounds = array<i64: 1024, 16>}]} {
    %get3A = arith.constant 0 : index
    %get3A_0 = arith.constant 0 : index
    %get3A_1 = vector.load %arg1[%get3A, %get3A_0] : memref<1024x128xf32, #tpu.memory_space<vmem>>, vector<1024x128xf32>
    %get3A_2 = arith.constant 0 : index
    %get3A_3 = arith.constant 0 : index
    %get3A_4 = vector.load %arg2[%get3A_2, %get3A_3] : memref<128x32xf32, #tpu.memory_space<vmem>>, vector<128x32xf32>
    %dot_general3A = arith.constant dense<0.000000e+00> : vector<1024x32xf32>
    %dot_general3A_5 = tpu.matmul %get3A_1, %get3A_4, %dot_general3A {dimension_numbers = #tpu.dot_dimension_numbers<[1], [0], [0], [1], [0, 0, 1, 1], [], []>, transpose_lhs_hint = false} : vector<1024x128xf32>, vector<128x32xf32>, vector<1024x32xf32> -> vector<1024x32xf32>
    %get3A_6 = arith.constant 0 : index
    %get3A_7 = arith.constant 0 : index
    %get3A_8 = vector.load %arg3[%get3A_6, %get3A_7] : memref<32x16xf32, #tpu.memory_space<vmem>>, vector<32x16xf32>
    %dot_general3A_9 = arith.constant dense<0.000000e+00> : vector<1024x16xf32>
    %dot_general3A_10 = tpu.matmul %dot_general3A_5, %get3A_8, %dot_general3A_9 {dimension_numbers = #tpu.dot_dimension_numbers<[1], [0], [0], [1], [0, 0, 1, 1], [], []>, transpose_lhs_hint = false} : vector<1024x32xf32>, vector<32x16xf32>, vector<1024x16xf32> -> vector<1024x16xf32>
    %concatenate3A = tpu.concatenate %dot_general3A_5, %dot_general3A_10 in 1 : vector<1024x32xf32>, vector<1024x16xf32> -> vector<1024x48xf32>
    %swap3A = arith.constant 0 : index
    %swap3A_11 = arith.constant 0 : index
    %swap3A_12 = vector.load %arg5[%swap3A, %swap3A_11] : memref<1024x48xf32, #tpu.memory_space<vmem>>, vector<1024x48xf32>
    tpu.vector_store %arg5[%swap3A, %swap3A_11], %concatenate3A {strides = array<i32>} : memref<1024x48xf32, #tpu.memory_space<vmem>>, vector<1024x48xf32>,
    %get3A_13 = arith.constant 0 : index
    %get3A_14 = arith.constant 0 : index
    %get3A_15 = vector.load %arg4[%get3A_13, %get3A_14] : memref<32x16xf32, #tpu.memory_space<vmem>>, vector<32x16xf32>
    %dot_general3A_16 = arith.constant dense<0.000000e+00> : vector<1024x16xf32>
    %dot_general3A_17 = tpu.matmul %dot_general3A_5, %get3A_15, %dot_general3A_16 {dimension_numbers = #tpu.dot_dimension_numbers<[1], [0], [0], [1], [0, 0, 1, 1], [], []>, transpose_lhs_hint = false} : vector<1024x32xf32>, vector<32x16xf32>, vector<1024x16xf32> -> vector<1024x16xf32>
    %swap3A_18 = arith.constant 0 : index
    %swap3A_19 = arith.constant 0 : index
    %swap3A_20 = vector.load %arg6[%swap3A_18, %swap3A_19] : memref<1024x16xf32, #tpu.memory_space<vmem>>, vector<1024x16xf32>
    tpu.vector_store %arg6[%swap3A_18, %swap3A_19], %dot_general3A_17 {strides = array<i32>} : memref<1024x16xf32, #tpu.memory_space<vmem>>, vector<1024x16xf32>,
    return
  }
  func.func @transform_0(%arg0: i32) -> (i32, i32) {
    %c0_i32 = arith.constant 0 : i32
    %c0_i32_0 = arith.constant 0 : i32
    return %arg0, %c0_i32 : i32, i32
  }
  func.func @transform_1(%arg0: i32) -> (i32, i32) {
    %c0_i32 = arith.constant 0 : i32
    %c0_i32_0 = arith.constant 0 : i32
    %c0_i32_1 = arith.constant 0 : i32
    return %c0_i32, %c0_i32_0 : i32, i32
  }
  func.func @transform_2(%arg0: i32) -> (i32, i32) {
    %c0_i32 = arith.constant 0 : i32
    %c0_i32_0 = arith.constant 0 : i32
    %c0_i32_1 = arith.constant 0 : i32
    return %c0_i32, %c0_i32_0 : i32, i32
  }
  func.func @transform_3(%arg0: i32) -> (i32, i32) {
    %c0_i32 = arith.constant 0 : i32
    %c0_i32_0 = arith.constant 0 : i32
    %c0_i32_1 = arith.constant 0 : i32
    return %c0_i32, %c0_i32_0 : i32, i32
  }
  func.func @transform_4(%arg0: i32) -> (i32, i32) {
    %c0_i32 = arith.constant 0 : i32
    %c0_i32_0 = arith.constant 0 : i32
    return %arg0, %c0_i32 : i32, i32
  }
  func.func @transform_5(%arg0: i32) -> (i32, i32) {
    %c0_i32 = arith.constant 0 : i32
    %c0_i32_0 = arith.constant 0 : i32
    return %arg0, %c0_i32 : i32, i32
  }
}

module attributes {stable_mosaic.version = 14 : i64} {
  func.func @body(%arg0: i32, %arg1: memref<2x512x48xf32, #tpu.memory_space<vmem>>, %arg2: memref<512x48xf32, #tpu.memory_space<vmem>>, %arg3: memref<16x32xf32, #tpu.memory_space<vmem>>, %arg4: memref<512x48xf32, #tpu.memory_space<vmem>>) attributes {dimension_semantics = [#tpu.dimension_semantics<arbitrary>], iteration_bounds = array<i64: 20>, scalar_prefetch = 0 : i64, scratch_operands = 0 : i64, tpu.core_type = #tpu.core_type<tc>, window_params = [{transform_indices = @transform_0, window_bounds = array<i64: 2, 512, 48>}, {transform_indices = @transform_1, window_bounds = array<i64: 512, 48>}, {pipeline_mode = #tpu.pipeline_mode<synchronous>, transform_indices = @transform_2, window_bounds = array<i64: 16, 32>}, {transform_indices = @transform_3, window_bounds = array<i64: 512, 48>}]} {
    %get3A = arith.constant 0 : index
    %get3A_0 = arith.constant 0 : index
    %get3A_1 = arith.constant 32 : index
    %get3A_2 = vector.load %arg1[%get3A, %get3A_0, %get3A_1] : memref<2x512x48xf32, #tpu.memory_space<vmem>>, vector<1x512x16xf32>
    %get3A_3 = vector.shape_cast %get3A_2 : vector<1x512x16xf32> to vector<512x16xf32>
    %get3A_4 = arith.constant 1 : index
    %get3A_5 = arith.constant 0 : index
    %get3A_6 = arith.constant 32 : index
    %get3A_7 = vector.load %arg1[%get3A_4, %get3A_5, %get3A_6] : memref<2x512x48xf32, #tpu.memory_space<vmem>>, vector<1x512x16xf32>
    %get3A_8 = vector.shape_cast %get3A_7 : vector<1x512x16xf32> to vector<512x16xf32>
    %add3A = arith.addf %get3A_3, %get3A_8 : vector<512x16xf32>
    %add3A_9 = arith.constant 1.000000e-16 : f32
    %add3A_10 = vector.broadcast %add3A_9 : f32 to vector<512x16xf32>
    %add3A_11 = arith.addf %add3A, %add3A_10 : vector<512x16xf32>
    %div3A = arith.constant 1.000000e+00 : f32
    %div3A_12 = vector.broadcast %div3A : f32 to vector<512x16xf32>
    %div3A_13 = arith.divf %div3A_12, %add3A_11 : vector<512x16xf32>
    %get3A_14 = arith.constant 0 : index
    %get3A_15 = arith.constant 0 : index
    %get3A_16 = vector.load %arg3[%get3A_14, %get3A_15] : memref<16x32xf32, #tpu.memory_space<vmem>>, vector<16x32xf32>
    %dot_general3A = arith.constant dense<0.000000e+00> : vector<512x32xf32>
    %dot_general3A_17 = tpu.matmul %div3A_13, %get3A_16, %dot_general3A {dimension_numbers = #tpu.dot_dimension_numbers<[1], [0], [0], [1], [0, 0, 1, 1], [], []>, transpose_lhs_hint = false} : vector<512x16xf32>, vector<16x32xf32>, vector<512x32xf32> -> vector<512x32xf32>
    %get3A_18 = arith.constant 0 : index
    %get3A_19 = arith.constant 0 : index
    %get3A_20 = arith.constant 0 : index
    %get3A_21 = vector.load %arg1[%get3A_18, %get3A_19, %get3A_20] : memref<2x512x48xf32, #tpu.memory_space<vmem>>, vector<1x512x32xf32>
    %get3A_22 = vector.shape_cast %get3A_21 : vector<1x512x32xf32> to vector<512x32xf32>
    %get3A_23 = arith.constant 1 : index
    %get3A_24 = arith.constant 0 : index
    %get3A_25 = arith.constant 0 : index
    %get3A_26 = vector.load %arg1[%get3A_23, %get3A_24, %get3A_25] : memref<2x512x48xf32, #tpu.memory_space<vmem>>, vector<1x512x32xf32>
    %get3A_27 = vector.shape_cast %get3A_26 : vector<1x512x32xf32> to vector<512x32xf32>
    %add3A_28 = arith.addf %get3A_22, %get3A_27 : vector<512x32xf32>
    %mul3A = arith.constant 0.899999976 : f32
    %mul3A_29 = vector.broadcast %mul3A : f32 to vector<512x32xf32>
    %mul3A_30 = arith.mulf %mul3A_29, %add3A_28 : vector<512x32xf32>
    %mul3A_31 = arith.mulf %mul3A_30, %dot_general3A_17 : vector<512x32xf32>
    %get3A_32 = arith.constant 0 : index
    %get3A_33 = arith.constant 0 : index
    %get3A_34 = vector.load %arg2[%get3A_32, %get3A_33] : memref<512x48xf32, #tpu.memory_space<vmem>>, vector<512x32xf32>
    %mul3A_35 = arith.constant 1.000000e-01 : f32
    %mul3A_36 = vector.broadcast %mul3A_35 : f32 to vector<512x32xf32>
    %mul3A_37 = arith.mulf %mul3A_36, %get3A_34 : vector<512x32xf32>
    %add3A_38 = arith.addf %mul3A_31, %mul3A_37 : vector<512x32xf32>
    %get3A_39 = arith.constant 0 : index
    %get3A_40 = arith.constant 32 : index
    %get3A_41 = vector.load %arg2[%get3A_39, %get3A_40] : memref<512x48xf32, #tpu.memory_space<vmem>>, vector<512x16xf32>
    %concatenate3A = tpu.concatenate %add3A_38, %get3A_41 in 1 : vector<512x32xf32>, vector<512x16xf32> -> vector<512x48xf32>
    %swap3A = arith.constant 0 : index
    %swap3A_42 = arith.constant 0 : index
    %swap3A_43 = vector.load %arg4[%swap3A, %swap3A_42] : memref<512x48xf32, #tpu.memory_space<vmem>>, vector<512x48xf32>
    tpu.vector_store %arg4[%swap3A, %swap3A_42], %concatenate3A {strides = array<i32>} : memref<512x48xf32, #tpu.memory_space<vmem>>, vector<512x48xf32>,
    return
  }
  func.func @transform_0(%arg0: i32) -> (i32, i32, i32) {
    %c0_i32 = arith.constant 0 : i32
    %c0_i32_0 = arith.constant 0 : i32
    %c0_i32_1 = arith.constant 0 : i32
    return %c0_i32, %arg0, %c0_i32_0 : i32, i32, i32
  }
  func.func @transform_1(%arg0: i32) -> (i32, i32) {
    %c0_i32 = arith.constant 0 : i32
    %c0_i32_0 = arith.constant 0 : i32
    return %arg0, %c0_i32 : i32, i32
  }
  func.func @transform_2(%arg0: i32) -> (i32, i32) {
    %c0_i32 = arith.constant 0 : i32
    %c0_i32_0 = arith.constant 0 : i32
    %c0_i32_1 = arith.constant 0 : i32
    return %c0_i32, %c0_i32_0 : i32, i32
  }
  func.func @transform_3(%arg0: i32) -> (i32, i32) {
    %c0_i32 = arith.constant 0 : i32
    %c0_i32_0 = arith.constant 0 : i32
    return %arg0, %c0_i32 : i32, i32
  }
}

module attributes {stable_mosaic.version = 14 : i64} {
  func.func @body(%arg0: i32, %arg1: memref<2x512x48xf32, #tpu.memory_space<vmem>>, %arg2: memref<512x48xf32, #tpu.memory_space<vmem>>, %arg3: memref<16x32xf32, #tpu.memory_space<vmem>>, %arg4: memref<512x48xf32, #tpu.memory_space<vmem>>) attributes {dimension_semantics = [#tpu.dimension_semantics<arbitrary>], iteration_bounds = array<i64: 20>, scalar_prefetch = 0 : i64, scratch_operands = 0 : i64, tpu.core_type = #tpu.core_type<tc>, window_params = [{transform_indices = @transform_0, window_bounds = array<i64: 2, 512, 48>}, {transform_indices = @transform_1, window_bounds = array<i64: 512, 48>}, {pipeline_mode = #tpu.pipeline_mode<synchronous>, transform_indices = @transform_2, window_bounds = array<i64: 16, 32>}, {transform_indices = @transform_3, window_bounds = array<i64: 512, 48>}]} {
    %get3A = arith.constant 0 : index
    %get3A_0 = arith.constant 0 : index
    %get3A_1 = arith.constant 32 : index
    %get3A_2 = vector.load %arg1[%get3A, %get3A_0, %get3A_1] : memref<2x512x48xf32, #tpu.memory_space<vmem>>, vector<1x512x16xf32>
    %get3A_3 = vector.shape_cast %get3A_2 : vector<1x512x16xf32> to vector<512x16xf32>
    %get3A_4 = arith.constant 1 : index
    %get3A_5 = arith.constant 0 : index
    %get3A_6 = arith.constant 32 : index
    %get3A_7 = vector.load %arg1[%get3A_4, %get3A_5, %get3A_6] : memref<2x512x48xf32, #tpu.memory_space<vmem>>, vector<1x512x16xf32>
    %get3A_8 = vector.shape_cast %get3A_7 : vector<1x512x16xf32> to vector<512x16xf32>
    %add3A = arith.addf %get3A_3, %get3A_8 : vector<512x16xf32>
    %add3A_9 = arith.constant 1.000000e-16 : f32
    %add3A_10 = vector.broadcast %add3A_9 : f32 to vector<512x16xf32>
    %add3A_11 = arith.addf %add3A, %add3A_10 : vector<512x16xf32>
    %div3A = arith.constant 1.000000e+00 : f32
    %div3A_12 = vector.broadcast %div3A : f32 to vector<512x16xf32>
    %div3A_13 = arith.divf %div3A_12, %add3A_11 : vector<512x16xf32>
    %get3A_14 = arith.constant 0 : index
    %get3A_15 = arith.constant 0 : index
    %get3A_16 = vector.load %arg3[%get3A_14, %get3A_15] : memref<16x32xf32, #tpu.memory_space<vmem>>, vector<16x32xf32>
    %dot_general3A = arith.constant dense<0.000000e+00> : vector<512x32xf32>
    %dot_general3A_17 = tpu.matmul %div3A_13, %get3A_16, %dot_general3A {dimension_numbers = #tpu.dot_dimension_numbers<[1], [0], [0], [1], [0, 0, 1, 1], [], []>, transpose_lhs_hint = false} : vector<512x16xf32>, vector<16x32xf32>, vector<512x32xf32> -> vector<512x32xf32>
    %get3A_18 = arith.constant 0 : index
    %get3A_19 = arith.constant 0 : index
    %get3A_20 = arith.constant 0 : index
    %get3A_21 = vector.load %arg1[%get3A_18, %get3A_19, %get3A_20] : memref<2x512x48xf32, #tpu.memory_space<vmem>>, vector<1x512x32xf32>
    %get3A_22 = vector.shape_cast %get3A_21 : vector<1x512x32xf32> to vector<512x32xf32>
    %get3A_23 = arith.constant 1 : index
    %get3A_24 = arith.constant 0 : index
    %get3A_25 = arith.constant 0 : index
    %get3A_26 = vector.load %arg1[%get3A_23, %get3A_24, %get3A_25] : memref<2x512x48xf32, #tpu.memory_space<vmem>>, vector<1x512x32xf32>
    %get3A_27 = vector.shape_cast %get3A_26 : vector<1x512x32xf32> to vector<512x32xf32>
    %add3A_28 = arith.addf %get3A_22, %get3A_27 : vector<512x32xf32>
    %mul3A = arith.constant 0.899999976 : f32
    %mul3A_29 = vector.broadcast %mul3A : f32 to vector<512x32xf32>
    %mul3A_30 = arith.mulf %mul3A_29, %add3A_28 : vector<512x32xf32>
    %mul3A_31 = arith.mulf %mul3A_30, %dot_general3A_17 : vector<512x32xf32>
    %get3A_32 = arith.constant 0 : index
    %get3A_33 = arith.constant 0 : index
    %get3A_34 = vector.load %arg2[%get3A_32, %get3A_33] : memref<512x48xf32, #tpu.memory_space<vmem>>, vector<512x32xf32>
    %mul3A_35 = arith.constant 1.000000e-01 : f32
    %mul3A_36 = vector.broadcast %mul3A_35 : f32 to vector<512x32xf32>
    %mul3A_37 = arith.mulf %mul3A_36, %get3A_34 : vector<512x32xf32>
    %add3A_38 = arith.addf %mul3A_31, %mul3A_37 : vector<512x32xf32>
    %gt3A = arith.constant 0.000000e+00 : f32
    %gt3A_39 = vector.broadcast %gt3A : f32 to vector<512x32xf32>
    %gt3A_40 = arith.cmpf ogt, %add3A_38, %gt3A_39 : vector<512x32xf32>
    %exp3A = math.exp %add3A_38 : vector<512x32xf32>
    %sub3A = arith.constant 1.000000e+00 : f32
    %sub3A_41 = vector.broadcast %sub3A : f32 to vector<512x32xf32>
    %sub3A_42 = arith.subf %exp3A, %sub3A_41 : vector<512x32xf32>
    %select_n3A = arith.select %gt3A_40, %add3A_38, %sub3A_42 : vector<512x32xi1>, vector<512x32xf32>
    %get3A_43 = arith.constant 0 : index
    %get3A_44 = arith.constant 32 : index
    %get3A_45 = vector.load %arg2[%get3A_43, %get3A_44] : memref<512x48xf32, #tpu.memory_space<vmem>>, vector<512x16xf32>
    %concatenate3A = tpu.concatenate %select_n3A, %get3A_45 in 1 : vector<512x32xf32>, vector<512x16xf32> -> vector<512x48xf32>
    %swap3A = arith.constant 0 : index
    %swap3A_46 = arith.constant 0 : index
    %swap3A_47 = vector.load %arg4[%swap3A, %swap3A_46] : memref<512x48xf32, #tpu.memory_space<vmem>>, vector<512x48xf32>
    tpu.vector_store %arg4[%swap3A, %swap3A_46], %concatenate3A {strides = array<i32>} : memref<512x48xf32, #tpu.memory_space<vmem>>, vector<512x48xf32>,
    return
  }
  func.func @transform_0(%arg0: i32) -> (i32, i32, i32) {
    %c0_i32 = arith.constant 0 : i32
    %c0_i32_0 = arith.constant 0 : i32
    %c0_i32_1 = arith.constant 0 : i32
    return %c0_i32, %arg0, %c0_i32_0 : i32, i32, i32
  }
  func.func @transform_1(%arg0: i32) -> (i32, i32) {
    %c0_i32 = arith.constant 0 : i32
    %c0_i32_0 = arith.constant 0 : i32
    return %arg0, %c0_i32 : i32, i32
  }
  func.func @transform_2(%arg0: i32) -> (i32, i32) {
    %c0_i32 = arith.constant 0 : i32
    %c0_i32_0 = arith.constant 0 : i32
    %c0_i32_1 = arith.constant 0 : i32
    return %c0_i32, %c0_i32_0 : i32, i32
  }
  func.func @transform_3(%arg0: i32) -> (i32, i32) {
    %c0_i32 = arith.constant 0 : i32
    %c0_i32_0 = arith.constant 0 : i32
    return %arg0, %c0_i32 : i32, i32
  }
}

module attributes {stable_mosaic.version = 14 : i64} {
  func.func @body(%arg0: i32, %arg1: memref<2048x32xf32, #tpu.memory_space<vmem>>, %arg2: memref<2048x32xf32, #tpu.memory_space<vmem>>) attributes {dimension_semantics = [#tpu.dimension_semantics<arbitrary>], iteration_bounds = array<i64: 5>, scalar_prefetch = 0 : i64, scratch_operands = 0 : i64, tpu.core_type = #tpu.core_type<tc>, window_params = [{transform_indices = @transform_0, window_bounds = array<i64: 2048, 32>}, {transform_indices = @transform_1, window_bounds = array<i64: 2048, 32>}]} {
    %get3A = arith.constant 0 : index
    %get3A_0 = arith.constant 0 : index
    %get3A_1 = vector.load %arg1[%get3A, %get3A_0] : memref<2048x32xf32, #tpu.memory_space<vmem>>, vector<2048x32xf32>
    %reduce_max3A = arith.constant dense<0xFF800000> : vector<2048xf32>
    %reduce_max3A_2 = vector.multi_reduction <maximumf>, %get3A_1, %reduce_max3A [1] : vector<2048x32xf32> to vector<2048xf32>
    %broadcast_in_dim3A = vector.shape_cast %reduce_max3A_2 : vector<2048xf32> to vector<2048x1xf32>
    %sub3A = vector.broadcast %broadcast_in_dim3A : vector<2048x1xf32> to vector<2048x32xf32>
    %sub3A_3 = arith.subf %get3A_1, %sub3A : vector<2048x32xf32>
    %exp3A = math.exp %sub3A_3 : vector<2048x32xf32>
    %reduce_sum3A = arith.constant dense<0.000000e+00> : vector<2048xf32>
    %reduce_sum3A_4 = vector.multi_reduction <add>, %exp3A, %reduce_sum3A [1] : vector<2048x32xf32> to vector<2048xf32>
    %broadcast_in_dim3A_5 = vector.shape_cast %reduce_sum3A_4 : vector<2048xf32> to vector<2048x1xf32>
    %sub3A_6 = vector.broadcast %broadcast_in_dim3A : vector<2048x1xf32> to vector<2048x32xf32>
    %sub3A_7 = arith.subf %get3A_1, %sub3A_6 : vector<2048x32xf32>
    %log3A = math.log %broadcast_in_dim3A_5 : vector<2048x1xf32>
    %sub3A_8 = vector.broadcast %log3A : vector<2048x1xf32> to vector<2048x32xf32>
    %sub3A_9 = arith.subf %sub3A_7, %sub3A_8 : vector<2048x32xf32>
    %swap3A = arith.constant 0 : index
    %swap3A_10 = arith.constant 0 : index
    %swap3A_11 = vector.load %arg2[%swap3A, %swap3A_10] : memref<2048x32xf32, #tpu.memory_space<vmem>>, vector<2048x32xf32>
    tpu.vector_store %arg2[%swap3A, %swap3A_10], %sub3A_9 {strides = array<i32>} : memref<2048x32xf32, #tpu.memory_space<vmem>>, vector<2048x32xf32>,
    return
  }
  func.func @transform_0(%arg0: i32) -> (i32, i32) {
    %c0_i32 = arith.constant 0 : i32
    %c0_i32_0 = arith.constant 0 : i32
    return %arg0, %c0_i32 : i32, i32
  }
  func.func @transform_1(%arg0: i32) -> (i32, i32) {
    %c0_i32 = arith.constant 0 : i32
    %c0_i32_0 = arith.constant 0 : i32
    return %arg0, %c0_i32 : i32, i32
  }
}

</mosaic_0001>

<sc_bundles>
// kernel: kernel.17.cloned.1.call-start
scs
__scs_entry_jumppad:
0x0: {  	(pc) =	sbr.rel $0x88, $3  }
0x1: {  	(tag) =	ssettag $0x0;
	lr =	simm.s32 $0x1  }
0x2: {  	[smem:$0x3F9B] =	sst lr;
	_ =	strace $0xD0000000  }
0x3: {  	_ = 	snop  }
0x4: {  	_ = 	snop  }
0x5: {  	_ = 	snop  }
0x6: {  	_ = 	snop  }
0x7: {  	_ = 	snop  }
__scs_overlays_trampoline_lowered:
0x8: {  	[smem:$0x3FAA] =	sst s0  }
0x9: {  	[smem:$0x3FAB] =	sst s1  }
0xa: {  	[smem:$0x3FAC] =	sst s2  }
0xb: {  	[smem:$0x3FAD] =	sst s3  }
0xc: {  	[smem:$0x3FAE] =	sst s4  }
0xd: {  	[smem:$0x3FAF] =	sst s5  }
0xe: {  	[smem:$0x3FB0] =	sst s6  }
0xf: {  	[smem:$0x3FB1] =	sst s7  }
0x10: {  	[smem:$0x3FB2] =	sst s8  }
0x11: {  	[smem:$0x3FB3] =	sst s9;
	s0 =	simm.s32 @!p0 $0x0  }
0x12: {  	s1 =	sld [smem:$0x3F99];
	s0 =	simm.s32 @p0 $0x1  }
0x13: {  	[smem:$0x3FB4] =	sst s0;
	s0 =	simm.s32 @!p1 $0x0  }
0x14: {  	s2 =	sld [smem:$0x3F98];
	s0 =	simm.s32 @p1 $0x1  }
0x15: {  	[smem:$0x3FB5] =	sst s0;
	s0 =	simm.s32 @!p2 $0x0  }
0x16: {  	s3 =	sld [smem:$0x3FDB];
	s0 =	simm.s32 @p2 $0x1  }
0x17: {  	s4 =	simm.s32 $0x1BF5;
	[smem:$0x3FB7] =	sst s0  }
0x18: {  	s0 =	sld [smem:$0x3F9A];
	_ =	swait.ge [sflag:s4], $0x0  }
0x19: {  	s7 =	sld [smem:$0x3F9B]  }
0x1a: {  	s8 =	sadd.s32 $0xFFFFE003, lr  }
0x1b: {  	s9 =	sadd.s32 $0xFFFFFEF7, lr;
	s5 =	simm.s32 $0xFFFFFFFF;
	p2 =	slt.u32 s8, $0xFFFFF086  }
0x1c: {  	p1 =	slt.u32 s9, $0xF7A;
	s5 =	simm.s32 @!p2 $0x0  }
0x1d: {  	s5 =	simm.s32 @p1 $0x1;
	p0 =	seq.s32 s7, s2  }
0x1e: {  	s7 =	smul.u32 @!p0 $0xF7A, s2;
	p2 =	seq.s32 @!p0 s5, $0x0  }
0x1f: {  	s9 =	smul.u32 $0xF7A, s1;
	s8 =	simm.s32 @!p0 $0x1BF5;
	p2 =	por !p2, p0  }
0x20: {  	[sflag:s8] =	ssyncset.s32 @!p0 $0xFFFFF086;
	s6 =	sadd.s32 @!p0 s3, s7;
	s7 =	simm.s32 @!p0 $0x108  }
0x21: {  	s3 =	sadd.s32 s3, s9;
	s6 =	sadd.s32 @!p0 $0x88, s6;
	s7 =	simm.s32 @p2 $0x1082  }
0x22: {  	[simem:s7], [sflag:s8] =	dma.local @!p0 [hbm:s6], $0xF7A  }
0x23: {  	s9 =	sor.u32 $0xD0000000, s2;
	s6 =	simm.s32 $0x108;
	_ =	swait.ge @!p0 [sflag:s8], $0x0  }
0x24: {  	s3 =	sadd.s32 $0x88, s3;
	s6 =	simm.s32 @!p1 $0x1082;
	[sflag:s4] =	ssyncset.s32 $0xFFFFF086  }
0x25: {  	[simem:s6], [sflag:s4] =	dma.local [hbm:s3], $0xF7A  }
0x26: {  	[smem:$0x3F9B] =	sst s1;
	(tag) =	ssettag s2;
	_ =	strace s9  }
0x27: {  	s1 =	sld [smem:$0x3FAB]  }
0x28: {  	s2 =	sld [smem:$0x3FAC]  }
0x29: {  	s4 =	sld [smem:$0x3FAE]  }
0x2a: {  	p0 =	seq.s32 s5, $0x0;
	s5 =	sld [smem:$0x3FAF]  }
0x2b: {  	s6 =	sld [smem:$0x3FB0]  }
0x2c: {  	s7 =	sld [smem:$0x3FB1]  }
0x2d: {  	s3 =	simm.s32 $0x108;
	s8 =	sld [smem:$0x3FB2]  }
0x2e: {  	s3 =	simm.s32 @!p0 $0x1082;
	s9 =	sld [smem:$0x3FB3]  }
0x2f: {  	lr =	sadd.s32 s0, s3;
	s0 =	sld [smem:$0x3FAA]  }
0x30: {  	s3 =	sld [smem:$0x3FAD]  }
0x31: {  	[smem:$0x3FB6] =	sst s10  }
0x32: {  	s10 =	sld [smem:$0x3FB4];
	_ =	sdelay $0x3  }
0x33: {  	p0 =	seq.s32 s10, $0x1;
	s10 =	sld [smem:$0x3FB6];
	_ =	sdelay $0x3  }
0x34: {  	[smem:$0x3FB6] =	sst s10  }
0x35: {  	s10 =	sld [smem:$0x3FB5];
	_ =	sdelay $0x3  }
0x36: {  	p1 =	seq.s32 s10, $0x1;
	s10 =	sld [smem:$0x3FB6];
	_ =	sdelay $0x3  }
0x37: {  	[smem:$0x3FB6] =	sst s10  }
0x38: {  	s10 =	sld [smem:$0x3FB7]  }
0x39: {  	_ = 	snop;
	(pc) =	sbr.ind lr, $3  }
0x3a: {  	_ = 	snop  }
0x3b: {  	_ = 	snop  }
0x3c: {  	p2 =	seq.s32 s10, $0x1;
	s10 =	sld [smem:$0x3FB6]  }
0x3d: {  	_ =	shalt  }
0x3e: {  	_ =	shalt  }
0x3f: {  	_ =	shalt  }
0x40: {  	_ =	shalt  }
0x41: {  	_ =	shalt  }
0x42: {  	_ =	shalt  }
0x43: {  	_ =	shalt  }
0x44: {  	_ =	shalt  }
0x45: {  	_ =	shalt  }
0x46: {  	_ =	shalt  }
0x47: {  	_ =	shalt  }
0x48: {  	_ =	shalt  }
0x49: {  	_ =	shalt  }
0x4a: {  	_ =	shalt  }
0x4b: {  	_ =	shalt  }
0x4c: {  	_ =	shalt  }
0x4d: {  	_ =	shalt  }
0x4e: {  	_ =	shalt  }
0x4f: {  	_ =	shalt  }
0x50: {  	_ =	shalt  }
0x51: {  	_ =	shalt  }
0x52: {  	_ =	shalt  }
0x53: {  	_ =	shalt  }
0x54: {  	_ =	shalt  }
0x55: {  	_ =	shalt  }
0x56: {  	_ =	shalt  }
0x57: {  	_ =	shalt  }
0x58: {  	_ =	shalt  }
0x59: {  	_ =	shalt  }
0x5a: {  	_ =	shalt  }
0x5b: {  	_ =	shalt  }
0x5c: {  	_ =	shalt  }
0x5d: {  	_ =	shalt  }
0x5e: {  	_ =	shalt  }
0x5f: {  	_ =	shalt  }
0x60: {  	_ =	shalt  }
0x61: {  	_ =	shalt  }
0x62: {  	_ =	shalt  }
0x63: {  	_ =	shalt  }
0x64: {  	_ =	shalt  }
0x65: {  	_ =	shalt  }
0x66: {  	_ =	shalt  }
0x67: {  	_ =	shalt  }
0x68: {  	_ =	shalt  }
0x69: {  	_ =	shalt  }
0x6a: {  	_ =	shalt  }
0x6b: {  	_ =	shalt  }
0x6c: {  	_ =	shalt  }
0x6d: {  	_ =	shalt  }
0x6e: {  	_ =	shalt  }
0x6f: {  	_ =	shalt  }
0x70: {  	_ =	shalt  }
0x71: {  	_ =	shalt  }
0x72: {  	_ =	shalt  }
0x73: {  	_ =	shalt  }
0x74: {  	_ =	shalt  }
0x75: {  	_ =	shalt  }
0x76: {  	_ =	shalt  }
0x77: {  	_ =	shalt  }
0x78: {  	_ =	shalt  }
0x79: {  	_ =	shalt  }
0x7a: {  	_ =	shalt  }
0x7b: {  	_ =	shalt  }
0x7c: {  	_ =	shalt  }
0x7d: {  	_ =	shalt  }
0x7e: {  	_ =	shalt  }
0x7f: {  	_ =	shalt  }
0x80: {  	_ =	shalt  }
0x81: {  	_ =	shalt  }
0x82: {  	_ =	shalt  }
0x83: {  	_ =	shalt  }
0x84: {  	_ =	shalt  }
0x85: {  	_ =	shalt  }
0x86: {  	_ =	shalt  }
0x87: {  	_ =	shalt  }
.Lfunc_end0:
.L_simem_size_0:
called_computation_lowered:
.L_overlay_start_0:
0x88: {  	s2 =	sld [smem:$0x3FD9]  }
0x89: {  	s3 =	sld [smem:$0x3FFE];
	_ =	sdelay $0x1  }
0x8a: {  	s1 =	srdreg.scid  }
0x8b: {  	s0 =	sand.u32 $0x1, s1  }
0x8c: {  	s17 =	sshll.u32 s0, $0xA;
	s2 =	sadd.s32 s3, s2  }
0x8d: {  	s2 =	sadd.s32 s2, s17  }
0x8e: {  	[smem:$0x3FC2] =	sst s2  }
0x8f: {  	_ = 	snop  }
0x90: {  	s2 =	sld [smem:$0x3FD0];
	(tm) =	ssettm $0x1  }
0x91: {  	s18 =	sld [smem:$0x3FFB];
	_ =	sdelay $0x3  }
0x92: {  	_ =	strace s18  }
0x93: {  	s3 =	sld [smem:$0x3FFC];
	_ =	sdelay $0x3  }
0x94: {  	_ =	strace s3  }
0x95: {  	s3 =	sld [smem:$0x3FFD];
	_ =	sdelay $0x3  }
0x96: {  	_ =	strace s3  }
0x97: {  	_ =	strace $0x8FFFFFFF  }
0x98: {  	s19 =	sld [smem:$0x3FDB];
	_ =	sdelay $0x1  }
0x99: {  	s4 =	simm.s32 $_scs_section_size  }
0x9a: {  	s5 =	simm.s32 $_size__tile_overlayer_lowered;
	s6 =	simm.s32 $_tile_overlayer_lowered  }
0x9b: {  	s22 =	simm.s32 $0x1BFF;
	s21 =	sshll.u32 s6, $0x1;
	s3 =	sadd.s32 s4, s19  }
0x9c: {  	s7 =	simm.s32 $0x0;
	s20 =	sshll.u32 s5, $0x1;
	s5 =	sadd.s32 s21, s3  }
0x9d: {  	[timem:s7], [sflag:s22] =	dma.local [hbm:s5], s20  }
0x9e: {  	_ =	swait.ge [sflag:s22], s20  }
0x9f: {  	s4 =	ssub.s32 $0x0, s20;
	[sflag:s22] =	ssyncset.done $0x0  }
0xa0: {  	[sflag:s22] =	ssyncadd.s32 s4;
	_ =	sdelay $0x1  }
0xa1: {  	s23 =	simm.s32 $0x1B8B  }
0xa2: {  	_ =	swait.ge [sflag:s23], $0x1  }
0xa3: {  	[sflag:s23] =	ssyncset.done $0x0  }
0xa4: {  	s25 =	simm.s32 $0x1B8E;
	s24 =	sld [smem:$0x3FFE];
	[sflag:s23] =	ssyncadd.s32 $0xFFFFFFFF  }
0xa5: {  	s26 =	simm.s32 $execute0_lowered;
	[smem:$0x3FD2] =	sst s25  }
0xa6: {  	s5 =	sshll.u32 s26, $0x1;
	_ =	strace $0x80000046;
	[dreg:$0x1] =	wrdreg $0xFFFFFFFF  }
0xa7: {  	s28 =	simm.s32 $_size_execute0_lowered;
	s3 =	sadd.s32 s3, s5;
	[dreg:$0x0] =	wrdreg $0x0  }
0xa8: {  	s5 =	sshll.u32 s28, $0x1;
	[dreg:$0x2] =	wrdreg s3  }
0xa9: {  	[dreg:$0x3] =	wrdreg s5  }
0xaa: {  	[dreg:$0x4] =	wrdreg $0xC0  }
0xab: {  	_ =	task [dreg:s7], $0x5FFFF  }
0xac: {  	[dreg:$0x1] =	wrdreg $0xFFFFFFFF  }
0xad: {  	[dreg:$0x0] =	wrdreg $0x60  }
0xae: {  	[dreg:$0x2] =	wrdreg s2  }
0xaf: {  	[dreg:$0x3] =	wrdreg s24  }
0xb0: {  	[dreg:$0x4] =	wrdreg $0x97E00  }
0xb1: {  	[dreg:$0x5] =	wrdreg $0x9  }
0xb2: {  	_ =	task.clear_ibuf [dreg:s7], $0x6FFFF;
	_ =	strace $0x90000046  }
0xb3: {  	s29 =	simm.s32 $0x9;
	_ =	strace $0x80000048  }
0xb4: {  	_ =	swait.ge [sflag:s29], $0x1  }
0xb5: {  	[sflag:s29] =	ssyncadd.s32 $0xFFFFFFFF  }
0xb6: {  	_ =	strace $0x90000048  }
0xb7: {  	_ =	sfence  }
0xb8: {  	s30 =	sld [smem:$0x0];
	_ =	sdelay $0x2  }
0xb9: {  	s31 =	sshll.u32 s1, $0xD;
	s1 =	sshrl.u32 s1, $0x2  }
0xba: {  	s3 =	sand.u32 $0x4000, s31;
	s1 =	sadd.s32 s1, s30  }
0xbb: {  	s0 =	sor.u32 s3, s0;
	s1 =	sshll.u32 s1, $0x11  }
0xbc: {  	s0 =	sor.u32 s1, s0  }
0xbd: {  	s0 =	sadd.s32 $0x8F2B, s0  }
0xbe: {  	[sflag:s0] =	ssyncadd.remote.s32 $0x1  }
0xbf: {  	_ =	sfence.sel $0xFFFF  }
0xc0: {  	[dreg:$0x0] =	wrdreg $0xFFFFFFFF;
	(pc) =	sbr.abs _section_cstart, $3  }
0xc1: {  	[dreg:$0x1] =	wrdreg $0xFFFFFFFF  }
0xc2: {  	_ =	task.clear_ibuf [dreg:s7], $0x2FFFF;
	_ =	strace $0x9FFFFFFF  }
0xc3: {  	(tm) =	ssettm $0x7FFFFFFF  }
tec
execute0_lowered:
.L_overlay_start_1:
0x0: {  	(tag) =	ssettag $0x1  }
0x1: {  	s1 =	rddreg [dreg:$0x0]  }
0x2: {  	s0 =	rddreg [dreg:$0x1]  }
0x3: {  	s2 =	rddreg [dreg:$0x2]  }
0x4: {  	s3 =	srdreg.scid;
	s4 =	simm.s32 $0x0;
	s11 =	stileid.u32  }
0x5: {  	s19 =	simm.s32 $0x870;
	s28 =	simm.s32 $0x4CE0;
	s29 =	simm.s32 $0x1  }
0x6: {  	s30 =	simm.s32 $0x3;
	s31 =	simm.s32 $0x2;
	s3 =	sand.u32 $0x1, s3  }
0x7: {  	[smem:$0x7FF] =	sst s4;
	s10 =	smul.u32 $0x16020, s11;
	s5 =	sadd.s32 $0x14200, s0  }
0x8: {  	s6 =	sadd.s32 $0x31C00, s0;
	s9 =	sshll.u32 s11, $0x1;
	s11 =	smul.u32 $0x58080, s11  }
0x9: {  	s7 =	smul.u32 $0x160200, s3;
	s20 =	sor.u32 s3, s9;
	s3 =	ssub.s32 $0x2, s3  }
0xa: {  	_ =	strace $0x80000047;
	s21 =	sshrl.u32 s11, $0x2;
	s22 =	sshrl.u32 s3, $0x1  }
0xb: {  	s26 =	sadd.s32 s10, s2;
	s8 =	sadd.s32 s10, s7;
	s7 =	sadd.s32 $0x36C00, s0  }
0xc: {  	s9 =	sadd.s32 s21, s2;
	s3 =	ssub.s32 s3, s22;
	s21 =	simm.s32 $0x78  }
0xd: {  	s22 =	simm.s32 $0xF0;
	s12 =	sshrl.u32 s8, $0x3;
	s8 =	smul.u32 $0x2760, s20  }
0xe: {  	s23 =	sadd.s32 $0x15180, s9;
	s3 =	smax.u32 s3, $0x1;
	s15 =	sadd.s32 $0x4380, s9  }
0xf: {  	s16 =	sadd.s32 $0x8700, s9;
	s17 =	sadd.s32 $0xCA80, s9;
	s18 =	sadd.s32 $0x10E00, s9  }
0x10: {  	s20 =	simm.s32 $0x4;
	s0 =	sadd.s32 s12, s0;
	[dreg:$0x4] =	wrdreg s23  }
0x11: {  	[dreg:$0x8] =	wrdreg s3;
	s24 =	sshrl.u32 s8, $0x3;
	s0 =	sadd.s32 $0x62E00, s0  }
0x12: {  	s23 =	simm.s32 $0x4BF0;
	s25 =	sadd.s32 s1, s24;
	[dreg:$0x7] =	wrdreg s0  }
0x13: {  	s11 =	sadd.s32 s5, s24;
	s24 =	simm.s32 $0x4C68;
	[dreg:$0x5] =	wrdreg s25  }
0x14: {  	v0 =	vimm.f32 $0.0e+00;
	[dreg:$0x6] =	wrdreg s11;
	s25 =	sshrl.u32 s26, $0x3;
	s26 =	simm.s32 $0x5460  }
.LBB2_1:
0x15: {  	s0 =	simm.s32 $0x0;
	s3 =	simm.s32 $0x240  }
.LBB2_2:
0x16: {  	p0 =	sne.s32 s3, $0x10BC0;
	[tilespmem:s0+$0x8F0] =	vst v0  }
0x17: {  	[tilespmem:s0+$0x870] =	vst v0  }
0x18: {  	[tilespmem:s0+$0x880] =	vst v0  }
0x19: {  	[tilespmem:s0+$0x890] =	vst v0  }
.Ltmp0:
0x1a: {  	[tilespmem:s0+$0x8A0] =	vst v0;
	(pc) =	sbr.rel @p0 .LBB2_2-.Ltmp0, $4  }
0x1b: {  	[tilespmem:s0+$0x8B0] =	vst v0  }
0x1c: {  	[tilespmem:s0+$0x8C0] =	vst v0  }
0x1d: {  	[tilespmem:s0+$0x8D0] =	vst v0  }
0x1e: {  	[tilespmem:s0+$0x8E0] =	vst v0;
	s0 =	sshra.s32 s3, $0x2;
	s3 =	sadd.s32 $0x240, s3  }
0x1f: {  	[tilespmem:s0+$0x8F0] =	vst v0  }
0x20: {  	[tilespmem:s0+$0x870] =	vst v0  }
0x21: {  	[tilespmem:s0+$0x880] =	vst v0  }
0x22: {  	[tilespmem:s0+$0x890] =	vst v0  }
0x23: {  	[tilespmem:s0+$0x8A0] =	vst v0  }
0x24: {  	[tilespmem:s0+$0x8B0] =	vst v0  }
0x25: {  	[tilespmem:s0+$0x8C0] =	vst v0  }
0x26: {  	[tilespmem:s0+$0x8D0] =	vst v0  }
0x27: {  	[tilespmem:s0+$0x8E0] =	vst v0  }
0x28: {  	[spmem:s9] =	stream.linear.scatter [tilespmem:s19], [sflag:$0x4], $0x4380, $0x38;
	[tilespmem:$0x1F800] =	vst v63  }
0x29: {  	_ =	swait.ge [sflag:s20], $0x4380  }
0x2a: {  	[sflag:s20] =	ssyncset.done $0x0  }
0x2b: {  	[sflag:s20] =	ssyncadd.s32 $0xFFFFBC80  }
0x2c: {  	[spmem:s15] =	stream.linear.scatter [tilespmem:s19], [sflag:$0x4], $0x4380, $0x38;
	[tilespmem:$0x1F800] =	vst v63  }
0x2d: {  	_ =	swait.ge [sflag:s20], $0x4380  }
0x2e: {  	[sflag:s20] =	ssyncset.done $0x0  }
0x2f: {  	[sflag:s20] =	ssyncadd.s32 $0xFFFFBC80  }
0x30: {  	[spmem:s16] =	stream.linear.scatter [tilespmem:s19], [sflag:$0x4], $0x4380, $0x38;
	[tilespmem:$0x1F800] =	vst v63  }
0x31: {  	_ =	swait.ge [sflag:s20], $0x4380  }
0x32: {  	[sflag:s20] =	ssyncset.done $0x0  }
0x33: {  	[sflag:s20] =	ssyncadd.s32 $0xFFFFBC80  }
0x34: {  	[spmem:s17] =	stream.linear.scatter [tilespmem:s19], [sflag:$0x4], $0x4380, $0x38;
	[tilespmem:$0x1F800] =	vst v63  }
0x35: {  	_ =	swait.ge [sflag:s20], $0x4380  }
0x36: {  	[sflag:s20] =	ssyncset.done $0x0  }
0x37: {  	[sflag:s20] =	ssyncadd.s32 $0xFFFFBC80  }
0x38: {  	[spmem:s18] =	stream.linear.scatter [tilespmem:s19], [sflag:$0x4], $0x4380, $0x38;
	[tilespmem:$0x1F800] =	vst v63  }
0x39: {  	_ =	swait.ge [sflag:s20], $0x4380  }
0x3a: {  	[sflag:s20] =	ssyncset.done $0x0  }
0x3b: {  	s13 =	rddreg [dreg:$0x4];
	[sflag:s20] =	ssyncadd.s32 $0xFFFFBC80  }
0x3c: {  	[spmem:s13] =	stream.linear.scatter [tilespmem:s19], [sflag:$0x4], $0xEA0, $0x38;
	[tilespmem:$0x1F800] =	vst v63  }
0x3d: {  	_ =	swait.ge [sflag:s20], $0xEA0  }
0x3e: {  	[sflag:s20] =	ssyncset.done $0x0  }
0x3f: {  	[sflag:s20] =	ssyncadd.s32 $0xFFFFF160  }
0x40: {  	[bflag:$0x0] =	sbarrier.arrive $0xFFFF  }
0x41: {  	s0 =	simm.s32 $0x0;
	s3 =	rddreg [dreg:$0x5]  }
0x42: {  	[tilespmem:s0], [sflag:$0x4] =	stream.linear.gather [hbm4b:s3+s0], $0x78, $0x38;
	[tilespmem:$0x1F800] =	vst v63  }
0x43: {  	_ =	swait.ge [sflag:s20], $0x78  }
0x44: {  	[sflag:s20] =	ssyncset.done $0x0  }
0x45: {  	s14 =	rddreg [dreg:$0x6];
	[sflag:s20] =	ssyncadd.s32 $0xFFFFFF88  }
0x46: {  	[tilespmem:s21], [sflag:$0x4] =	stream.linear.gather [hbm4b:s14+s0], $0x78, $0x38;
	[tilespmem:$0x1F800] =	vst v63  }
0x47: {  	_ =	swait.ge [sflag:s20], $0x78  }
0x48: {  	[sflag:s20] =	ssyncset.done $0x0  }
0x49: {  	[sflag:s20] =	ssyncadd.s32 $0xFFFFFF88  }
0x4a: {  	[tilespmem:s19], [sflag:$0x1] =	stream.indirect.gather [hbm4b:s7+s21], $0x90, s0, s21, $0xb8;
	[tilespmem:$0x1F800] =	vst v63  }
0x4b: {  	s3 =	simm.s32 $0x0  }
0x4c: {  	[tilespmem:s22], [sflag:$0x1] =	stream.indirect.gather [hbm4b:s6+s21], $0x10, s21, s21, $0xb8;
	[tilespmem:$0x1F800] =	vst v63  }
.LBB2_4:
0x4d: {  	s10 =	smul.u32 $0xF0, s3;
	_ =	sdelay $0x1  }
0x4e: {  	s10 =	sadd.s32 s8, s10  }
0x4f: {  	s11 =	sadd.s32 $0x78, s10  }
0x50: {  	s11 =	sshrl.u32 s11, $0x3  }
0x51: {  	s12 =	sadd.s32 s1, s11  }
0x52: {  	[tilespmem:s23], [sflag:$0x4] =	stream.linear.gather [hbm4b:s12+s0], $0x78, $0x38;
	[tilespmem:$0x1F800] =	vst v63  }
0x53: {  	_ =	swait.ge [sflag:s20], $0x78  }
0x54: {  	[sflag:s20] =	ssyncset.done $0x0  }
0x55: {  	s11 =	sadd.s32 s5, s11;
	[sflag:s20] =	ssyncadd.s32 $0xFFFFFF88  }
0x56: {  	[tilespmem:s24], [sflag:$0x4] =	stream.linear.gather [hbm4b:s11+s0], $0x78, $0x38;
	[tilespmem:$0x1F800] =	vst v63  }
0x57: {  	_ =	swait.ge [sflag:s20], $0x78  }
0x58: {  	[sflag:s20] =	ssyncset.done $0x0  }
0x59: {  	[sflag:s20] =	ssyncadd.s32 $0xFFFFFF88  }
0x5a: {  	[tilespmem:s26], [sflag:$0x2] =	stream.indirect.gather [hbm4b:s7+s21], $0x90, s23, s21, $0xb8;
	[tilespmem:$0x1F800] =	vst v63  }
0x5b: {  	_ = 	snop  }
0x5c: {  	[tilespmem:s28], [sflag:$0x2] =	stream.indirect.gather [hbm4b:s6+s21], $0x10, s24, s21, $0xb8;
	[tilespmem:$0x1F800] =	vst v63  }
0x5d: {  	_ =	swait.ge [sflag:s29], $0x4380  }
0x5e: {  	[sflag:s29] =	ssyncset.done $0x0  }
0x5f: {  	[sflag:s29] =	ssyncadd.s32 $0xFFFFBC80  }
0x60: {  	_ =	swait.ge [sflag:s29], $0x780  }
0x61: {  	[sflag:s29] =	ssyncset.done $0x0  }
0x62: {  	s11 =	simm.s32 $0x8B0;
	[sflag:s29] =	ssyncadd.s32 $0xFFFFF880  }
0x63: {  	s14 =	simm.s32 $0x0;
	s13 =	simm.s32 $0x40;
	s12 =	simm.s32 $0x8B0;
	v1 =	vld [tilespmem:s11+$0x40]  }
.LBB2_5:
0x64: {  	p0 =	sne.s32 s13, $0x1DC0;
	v2 =	vld [tilespmem:s14+$0xF0];
	_ =	sdelay $0x4  }
0x65: {  	v1 =	vadd.f32 v2, v1;
	_ =	sdelay $0x1  }
0x66: {  	v2 =	vmul.f32 $2.000000030e-01, v1  }
0x67: {  	vm0 =	vge.f32 v1, $0.0e+00  }
0x68: {  	v1 =	vsel vm0, v1, v2  }
0x69: {  	v1 =	vmul.f32 $1.442695020e+00, v1;
	_ =	sdelay $0x1  }
0x6a: {  	(erf) = vpow2.f32 v1;
	_ =	sdelay $0x4  }
0x6b: {  	v1 =	vld [tilespmem:s11+$0x30]  }
0x6c: {  	v2 =	vld [tilespmem:s11+$0x20]  }
0x6d: {  	v3 =	vld [tilespmem:s11+$0x10]  }
0x6e: {  	v4 =	vld [tilespmem:s11+$0x0]  }
0x6f: {  	v5 =	vld [tilespmem:s11+$0xFFFFFFF0];
	v6 =	vpop (erf)  }
0x70: {  	v7 =	vld [tilespmem:s11+$0xFFFFFFE0];
	v8 =	vbroadcast v6, $0x6;
	v9 =	vbroadcast v6, $0x7;
	[tilespmem:s11+$0x40] =	vst v6  }
0x71: {  	v11 =	vbroadcast v6, $0x4;
	v12 =	vbroadcast v6, $0x5;
	v10 =	vld [tilespmem:s11+$0xFFFFFFD0]  }
0x72: {  	v13 =	vld [tilespmem:s11+$0xFFFFFFC0];
	v2 =	vmul.f32 v2, v8;
	v1 =	vmul.f32 v1, v9  }
0x73: {  	v3 =	vmul.f32 v3, v12;
	v4 =	vmul.f32 v4, v11  }
0x74: {  	v8 =	vbroadcast v6, $0x2;
	v9 =	vbroadcast v6, $0x3;
	[tilespmem:s11+$0x30] =	vst v1  }
0x75: {  	v1 =	vbroadcast v6, $0x0;
	v6 =	vbroadcast v6, $0x1;
	[tilespmem:s11+$0x20] =	vst v2  }
0x76: {  	v5 =	vmul.f32 v5, v9;
	v2 =	vmul.f32 v8, v7;
	[tilespmem:s11+$0x10] =	vst v3  }
.Ltmp1:
0x77: {  	v3 =	vmul.f32 v1, v13;
	v1 =	vmul.f32 v6, v10;
	[tilespmem:s11+$0x0] =	vst v4;
	(pc) =	sbr.rel @p0 .LBB2_5-.Ltmp1, $4  }
0x78: {  	[tilespmem:s11+$0xFFFFFFF0] =	vst v5  }
0x79: {  	[tilespmem:s11+$0xFFFFFFE0] =	vst v2  }
0x7a: {  	s11 =	sadd.s32 $0x90, s11;
	[tilespmem:s12+$0xFFFFFFD0] =	vst v1  }
0x7b: {  	s14 =	sshra.s32 s13, $0x2;
	s13 =	sadd.s32 $0x40, s13;
	v1 =	vld [tilespmem:s11+$0x40];
	[tilespmem:s12+$0xFFFFFFC0] =	vst v3;
	s12 =	smov.u32 s11  }
0x7c: {  	v2 =	vld [tilespmem:s14+$0xF0];
	_ =	sdelay $0x4  }
0x7d: {  	v1 =	vadd.f32 v2, v1;
	_ =	sdelay $0x1  }
0x7e: {  	v2 =	vmul.f32 $2.000000030e-01, v1  }
0x7f: {  	vm0 =	vge.f32 v1, $0.0e+00  }
0x80: {  	v1 =	vsel vm0, v1, v2  }
0x81: {  	v1 =	vmul.f32 $1.442695020e+00, v1;
	_ =	sdelay $0x1  }
0x82: {  	(erf) = vpow2.f32 v1;
	_ =	sdelay $0x6  }
0x83: {  	v1 =	vld [tilespmem:s11+$0x30]  }
0x84: {  	v2 =	vld [tilespmem:s11+$0x20]  }
0x85: {  	v3 =	vld [tilespmem:s11+$0x10];
	v4 =	vpop (erf)  }
0x86: {  	v7 =	vld [tilespmem:s11+$0xFFFFFFF0];
	v6 =	vbroadcast v4, $0x7  }
0x87: {  	v5 =	vld [tilespmem:s11+$0x0];
	v8 =	vbroadcast v4, $0x6  }
0x88: {  	v9 =	vld [tilespmem:s11+$0xFFFFFFE0];
	v10 =	vbroadcast v4, $0x5;
	v1 =	vmul.f32 v1, v6  }
0x89: {  	v59 =	vld [tilespmem:s11+$0xFFFFFFD0];
	[tilespmem:s11+$0x40] =	vst v4;
	v61 =	vbroadcast v4, $0x3;
	v2 =	vmul.f32 v2, v8  }
0x8a: {  	v60 =	vld [tilespmem:s11+$0xFFFFFFC0];
	v11 =	vbroadcast v4, $0x4;
	v3 =	vmul.f32 v3, v10;
	[tilespmem:s11+$0x30] =	vst v1  }
0x8b: {  	v62 =	vbroadcast v4, $0x2;
	v7 =	vmul.f32 v7, v61;
	[tilespmem:s11+$0x20] =	vst v2  }
0x8c: {  	v1 =	vmul.f32 v5, v11;
	v2 =	vbroadcast v4, $0x1;
	[tilespmem:s11+$0x10] =	vst v3  }
0x8d: {  	v63 =	vmul.f32 v62, v9;
	v3 =	vbroadcast v4, $0x0;
	[tilespmem:s11+$0xFFFFFFF0] =	vst v7  }
0x8e: {  	[tilespmem:s11+$0x0] =	vst v1;
	v1 =	vmul.f32 v2, v59  }
0x8f: {  	[tilespmem:s11+$0xFFFFFFE0] =	vst v63;
	v2 =	vmul.f32 v3, v60  }
0x90: {  	[tilespmem:s12+$0xFFFFFFD0] =	vst v1  }
0x91: {  	[tilespmem:s12+$0xFFFFFFC0] =	vst v2  }
0x92: {  	[spmem:s2] =	stream.indirect.scatter.add.f32 [tilespmem:s19], [sflag:$0x3], $0x90, s21, s21, $0xb8;
	[tilespmem:$0x1F800] =	vst v63  }
0x93: {  	s10 =	sshrl.u32 s10, $0x3;
	_ =	swait.ge [sflag:s30], $0x4380  }
0x94: {  	s10 =	sadd.s32 $0x1E, s10;
	[sflag:s30] =	ssyncset.done $0x0  }
0x95: {  	s14 =	simm.s32 $0x0;
	s13 =	sadd.s32 s1, s10;
	[sflag:s30] =	ssyncadd.s32 $0xFFFFBC80  }
0x96: {  	[tilespmem:s14], [sflag:$0x4] =	stream.linear.gather [hbm4b:s13+s14], $0x78, $0x38;
	[tilespmem:$0x1F800] =	vst v63  }
0x97: {  	_ =	swait.ge [sflag:s20], $0x78  }
0x98: {  	[sflag:s20] =	ssyncset.done $0x0  }
0x99: {  	s10 =	sadd.s32 s5, s10;
	[sflag:s20] =	ssyncadd.s32 $0xFFFFFF88  }
0x9a: {  	[tilespmem:s21], [sflag:$0x4] =	stream.linear.gather [hbm4b:s10+s14], $0x78, $0x38;
	[tilespmem:$0x1F800] =	vst v63  }
0x9b: {  	_ =	swait.ge [sflag:s20], $0x78  }
0x9c: {  	[sflag:s20] =	ssyncset.done $0x0  }
0x9d: {  	[sflag:s20] =	ssyncadd.s32 $0xFFFFFF88  }
0x9e: {  	[tilespmem:s19], [sflag:$0x1] =	stream.indirect.gather [hbm4b:s7+s21], $0x90, s14, s21, $0xb8;
	[tilespmem:$0x1F800] =	vst v63  }
0x9f: {  	_ = 	snop  }
0xa0: {  	[tilespmem:s22], [sflag:$0x1] =	stream.indirect.gather [hbm4b:s6+s21], $0x10, s21, s21, $0xb8;
	[tilespmem:$0x1F800] =	vst v63  }
0xa1: {  	_ =	swait.ge [sflag:s31], $0x4380  }
0xa2: {  	[sflag:s31] =	ssyncset.done $0x0  }
0xa3: {  	[sflag:s31] =	ssyncadd.s32 $0xFFFFBC80  }
0xa4: {  	_ =	swait.ge [sflag:s31], $0x780  }
0xa5: {  	[sflag:s31] =	ssyncset.done $0x0  }
0xa6: {  	s10 =	simm.s32 $0x54A0;
	[sflag:s31] =	ssyncadd.s32 $0xFFFFF880  }
0xa7: {  	s11 =	simm.s32 $0x54A0;
	s12 =	simm.s32 $0x40;
	s13 =	simm.s32 $0x0;
	v1 =	vld [tilespmem:s10+$0x40]  }
.LBB2_7:
0xa8: {  	p0 =	sne.s32 s12, $0x1DC0;
	v2 =	vld [tilespmem:s13+$0x4CE0];
	_ =	sdelay $0x4  }
0xa9: {  	v1 =	vadd.f32 v2, v1;
	_ =	sdelay $0x1  }
0xaa: {  	v2 =	vmul.f32 $2.000000030e-01, v1  }
0xab: {  	vm0 =	vge.f32 v1, $0.0e+00  }
0xac: {  	v1 =	vsel vm0, v1, v2  }
0xad: {  	v1 =	vmul.f32 $1.442695020e+00, v1;
	_ =	sdelay $0x1  }
0xae: {  	(erf) = vpow2.f32 v1;
	_ =	sdelay $0x4  }
0xaf: {  	v1 =	vld [tilespmem:s10+$0x30]  }
0xb0: {  	v2 =	vld [tilespmem:s10+$0x20]  }
0xb1: {  	v3 =	vld [tilespmem:s10+$0x10]  }
0xb2: {  	v4 =	vld [tilespmem:s10+$0x0]  }
0xb3: {  	v5 =	vld [tilespmem:s10+$0xFFFFFFF0];
	v6 =	vpop (erf)  }
0xb4: {  	v7 =	vld [tilespmem:s10+$0xFFFFFFE0];
	v8 =	vbroadcast v6, $0x6;
	v9 =	vbroadcast v6, $0x7;
	[tilespmem:s10+$0x40] =	vst v6  }
0xb5: {  	v11 =	vbroadcast v6, $0x4;
	v12 =	vbroadcast v6, $0x5;
	v10 =	vld [tilespmem:s10+$0xFFFFFFD0]  }
0xb6: {  	v13 =	vld [tilespmem:s10+$0xFFFFFFC0];
	v2 =	vmul.f32 v2, v8;
	v1 =	vmul.f32 v1, v9  }
0xb7: {  	v3 =	vmul.f32 v3, v12;
	v4 =	vmul.f32 v4, v11  }
0xb8: {  	v8 =	vbroadcast v6, $0x2;
	v9 =	vbroadcast v6, $0x3;
	[tilespmem:s10+$0x30] =	vst v1  }
0xb9: {  	v1 =	vbroadcast v6, $0x0;
	v6 =	vbroadcast v6, $0x1;
	[tilespmem:s10+$0x20] =	vst v2  }
0xba: {  	v5 =	vmul.f32 v5, v9;
	v2 =	vmul.f32 v8, v7;
	[tilespmem:s10+$0x10] =	vst v3  }
.Ltmp2:
0xbb: {  	v3 =	vmul.f32 v1, v13;
	v1 =	vmul.f32 v6, v10;
	[tilespmem:s10+$0x0] =	vst v4;
	(pc) =	sbr.rel @p0 .LBB2_7-.Ltmp2, $4  }
0xbc: {  	[tilespmem:s10+$0xFFFFFFF0] =	vst v5  }
0xbd: {  	[tilespmem:s10+$0xFFFFFFE0] =	vst v2  }
0xbe: {  	s10 =	sadd.s32 $0x90, s10;
	[tilespmem:s11+$0xFFFFFFD0] =	vst v1  }
0xbf: {  	s13 =	sshra.s32 s12, $0x2;
	s12 =	sadd.s32 $0x40, s12;
	v1 =	vld [tilespmem:s10+$0x40];
	[tilespmem:s11+$0xFFFFFFC0] =	vst v3;
	s11 =	smov.u32 s10  }
0xc0: {  	v2 =	vld [tilespmem:s13+$0x4CE0];
	_ =	sdelay $0x4  }
0xc1: {  	v1 =	vadd.f32 v2, v1;
	_ =	sdelay $0x1  }
0xc2: {  	v2 =	vmul.f32 $2.000000030e-01, v1  }
0xc3: {  	vm0 =	vge.f32 v1, $0.0e+00  }
0xc4: {  	v1 =	vsel vm0, v1, v2  }
0xc5: {  	v1 =	vmul.f32 $1.442695020e+00, v1;
	_ =	sdelay $0x1  }
0xc6: {  	(erf) = vpow2.f32 v1;
	_ =	sdelay $0x6  }
0xc7: {  	v1 =	vld [tilespmem:s10+$0x30]  }
0xc8: {  	v2 =	vld [tilespmem:s10+$0x20]  }
0xc9: {  	v3 =	vld [tilespmem:s10+$0x10];
	v4 =	vpop (erf)  }
0xca: {  	v7 =	vld [tilespmem:s10+$0xFFFFFFF0];
	v6 =	vbroadcast v4, $0x7  }
0xcb: {  	v5 =	vld [tilespmem:s10+$0x0];
	v8 =	vbroadcast v4, $0x6  }
0xcc: {  	v9 =	vld [tilespmem:s10+$0xFFFFFFE0];
	v10 =	vbroadcast v4, $0x5;
	v1 =	vmul.f32 v1, v6  }
0xcd: {  	v59 =	vld [tilespmem:s10+$0xFFFFFFD0];
	[tilespmem:s10+$0x40] =	vst v4;
	v61 =	vbroadcast v4, $0x3;
	v2 =	vmul.f32 v2, v8  }
0xce: {  	v60 =	vld [tilespmem:s10+$0xFFFFFFC0];
	v11 =	vbroadcast v4, $0x4;
	v3 =	vmul.f32 v3, v10;
	[tilespmem:s10+$0x30] =	vst v1  }
0xcf: {  	v62 =	vbroadcast v4, $0x2;
	v7 =	vmul.f32 v7, v61;
	[tilespmem:s10+$0x20] =	vst v2  }
0xd0: {  	v1 =	vmul.f32 v5, v11;
	v2 =	vbroadcast v4, $0x1;
	[tilespmem:s10+$0x10] =	vst v3  }
0xd1: {  	v63 =	vmul.f32 v62, v9;
	v3 =	vbroadcast v4, $0x0;
	[tilespmem:s10+$0xFFFFFFF0] =	vst v7  }
0xd2: {  	[tilespmem:s10+$0x0] =	vst v1;
	v1 =	vmul.f32 v2, v59  }
0xd3: {  	s3 =	sadd.s32 $0x1, s3;
	[tilespmem:s10+$0xFFFFFFE0] =	vst v63;
	v2 =	vmul.f32 v3, v60  }
0xd4: {  	p0 =	sne.s32 s3, $0x2A;
	[tilespmem:s11+$0xFFFFFFD0] =	vst v1  }
.Ltmp3:
0xd5: {  	[tilespmem:s11+$0xFFFFFFC0] =	vst v2;
	(pc) =	sbr.rel @p0 .LBB2_4-.Ltmp3, $4  }
0xd6: {  	[spmem:s2] =	stream.indirect.scatter.add.f32 [tilespmem:s26], [sflag:$0x3], $0x90, s24, s21, $0xb8;
	[tilespmem:$0x1F800] =	vst v63  }
0xd7: {  	_ =	swait.ge [sflag:s30], $0x4380  }
0xd8: {  	[sflag:s30] =	ssyncset.done $0x0  }
0xd9: {  	[sflag:s30] =	ssyncadd.s32 $0xFFFFBC80  }
0xda: {  	_ =	swait.ge [sflag:s29], $0x4380  }
0xdb: {  	[sflag:s29] =	ssyncset.done $0x0  }
0xdc: {  	[sflag:s29] =	ssyncadd.s32 $0xFFFFBC80  }
0xdd: {  	_ =	swait.ge [sflag:s29], $0x780  }
0xde: {  	[sflag:s29] =	ssyncset.done $0x0  }
0xdf: {  	s0 =	stileid.u32;
	[sflag:s29] =	ssyncadd.s32 $0xFFFFF880  }
0xe0: {  	s0 =	sshll.u32 s0, $0x6;
	[bflag:$0x0] =	sbarrier.arrive $0xFFFF  }
0xe1: {  	s0 =	sor.u32 $0x1C04, s0;
	s3 =	rddreg [dreg:$0x7]  }
0xe2: {  	[hbm:s3], [sflag:s0] =	dma.local [spmem:s25], $0x2C04  }
0xe3: {  	_ =	swait.ge [sflag:s20], $0x2C04  }
0xe4: {  	s4 =	sadd.s32 $0x1, s4;
	s14 =	rddreg [dreg:$0x8]  }
0xe5: {  	p0 =	sne.s32 s4, s14  }
.Ltmp4:
0xe6: {  	_ = 	snop;
	(pc) =	sbr.rel @p0 .LBB2_1-.Ltmp4, $3  }
0xe7: {  	_ =	sdelay $0x1  }
0xe8: {  	[sflag:s20] =	ssyncset.done $0x0  }
0xe9: {  	[sflag:s20] =	ssyncadd.s32 $0xFFFFD3FC  }
0xea: {  	_ =	sfence.sel $0x180000  }
0xeb: {  	[bflag:$0x0] =	sbarrier.arrive $0xFFFF  }
0xec: {  	_ =	strace $0x90000047  }
0xed: {  	s0 =	stileid.u32;
	[bflag:$0x2] =	sbarrier.arrive $0xFFFF  }
0xee: {  	p0 =	sne.s32 s0, $0x0;
	s0 =	rddreg [dreg:$0x3]  }
0xef: {  	s0 =	sadd.s32 @!p0 $0x100000, s0  }
0xf0: {  	[sflag:s0] =	ssyncadd.tile.s32 @!p0 $0x1;
	_ =	shalt  }
.Lfunc_end2:
_tile_overlayer_lowered:
.L_overlay_start_2:
0xf1: {  	(tag) =	ssettag $0x2  }
0xf2: {  	s0 =	rddreg [dreg:$0x0];
	s2 =	stileid.u32  }
0xf3: {  	s1 =	rddreg [dreg:$0x1];
	p0 =	sne.s32 s2, $0x0  }
0xf4: {  	s3 =	rddreg [dreg:$0x2];
	[bflag:$0x3] =	sbarrier.arrive $0xFFFF;
	s2 =	simm.s32 @!p0 $0x1C04  }
0xf5: {  	[timem:s3], [sflag:s2] =	dma.local @!p0 [hbm:s0], s1  }
0xf6: {  	s0 =	simm.s32 @!p0 $0x4  }
0xf7: {  	_ =	swait.ge @!p0 [sflag:s0], s1  }
0xf8: {  	s1 =	ssub.s32 @!p0 $0x0, s1;
	[sflag:s0] =	ssyncset.done @!p0 $0x0  }
0xf9: {  	[sflag:s0] =	ssyncadd.s32 @!p0 s1  }
0xfa: {  	[bflag:$0x3] =	sbarrier.arrive $0xFFFF  }
0xfb: {  	_ =	shalt  }

// kernel: kernel.20.cloned.1.call-start
scs
__scs_entry_jumppad:
0x0: {  	(pc) =	sbr.rel $0x88, $3  }
0x1: {  	(tag) =	ssettag $0x0;
	lr =	simm.s32 $0x1  }
0x2: {  	[smem:$0x3F9B] =	sst lr;
	_ =	strace $0xD0000000  }
0x3: {  	_ = 	snop  }
0x4: {  	_ = 	snop  }
0x5: {  	_ = 	snop  }
0x6: {  	_ = 	snop  }
0x7: {  	_ = 	snop  }
__scs_overlays_trampoline_lowered:
0x8: {  	[smem:$0x3FAA] =	sst s0  }
0x9: {  	[smem:$0x3FAB] =	sst s1  }
0xa: {  	[smem:$0x3FAC] =	sst s2  }
0xb: {  	[smem:$0x3FAD] =	sst s3  }
0xc: {  	[smem:$0x3FAE] =	sst s4  }
0xd: {  	[smem:$0x3FAF] =	sst s5  }
0xe: {  	[smem:$0x3FB0] =	sst s6  }
0xf: {  	[smem:$0x3FB1] =	sst s7  }
0x10: {  	[smem:$0x3FB2] =	sst s8  }
0x11: {  	[smem:$0x3FB3] =	sst s9;
	s0 =	simm.s32 @!p0 $0x0  }
0x12: {  	s1 =	sld [smem:$0x3F99];
	s0 =	simm.s32 @p0 $0x1  }
0x13: {  	[smem:$0x3FB4] =	sst s0;
	s0 =	simm.s32 @!p1 $0x0  }
0x14: {  	s2 =	sld [smem:$0x3F98];
	s0 =	simm.s32 @p1 $0x1  }
0x15: {  	[smem:$0x3FB5] =	sst s0;
	s0 =	simm.s32 @!p2 $0x0  }
0x16: {  	s3 =	sld [smem:$0x3FDB];
	s0 =	simm.s32 @p2 $0x1  }
0x17: {  	s4 =	simm.s32 $0x1BF5;
	[smem:$0x3FB7] =	sst s0  }
0x18: {  	s0 =	sld [smem:$0x3F9A];
	_ =	swait.ge [sflag:s4], $0x0  }
0x19: {  	s7 =	sld [smem:$0x3F9B]  }
0x1a: {  	s8 =	sadd.s32 $0xFFFFE003, lr  }
0x1b: {  	s9 =	sadd.s32 $0xFFFFFEF7, lr;
	s5 =	simm.s32 $0xFFFFFFFF;
	p2 =	slt.u32 s8, $0xFFFFF086  }
0x1c: {  	p1 =	slt.u32 s9, $0xF7A;
	s5 =	simm.s32 @!p2 $0x0  }
0x1d: {  	s5 =	simm.s32 @p1 $0x1;
	p0 =	seq.s32 s7, s2  }
0x1e: {  	s7 =	smul.u32 @!p0 $0xF7A, s2;
	p2 =	seq.s32 @!p0 s5, $0x0  }
0x1f: {  	s9 =	smul.u32 $0xF7A, s1;
	s8 =	simm.s32 @!p0 $0x1BF5;
	p2 =	por !p2, p0  }
0x20: {  	[sflag:s8] =	ssyncset.s32 @!p0 $0xFFFFF086;
	s6 =	sadd.s32 @!p0 s3, s7;
	s7 =	simm.s32 @!p0 $0x108  }
0x21: {  	s3 =	sadd.s32 s3, s9;
	s6 =	sadd.s32 @!p0 $0x88, s6;
	s7 =	simm.s32 @p2 $0x1082  }
0x22: {  	[simem:s7], [sflag:s8] =	dma.local @!p0 [hbm:s6], $0xF7A  }
0x23: {  	s9 =	sor.u32 $0xD0000000, s2;
	s6 =	simm.s32 $0x108;
	_ =	swait.ge @!p0 [sflag:s8], $0x0  }
0x24: {  	s3 =	sadd.s32 $0x88, s3;
	s6 =	simm.s32 @!p1 $0x1082;
	[sflag:s4] =	ssyncset.s32 $0xFFFFF086  }
0x25: {  	[simem:s6], [sflag:s4] =	dma.local [hbm:s3], $0xF7A  }
0x26: {  	[smem:$0x3F9B] =	sst s1;
	(tag) =	ssettag s2;
	_ =	strace s9  }
0x27: {  	s1 =	sld [smem:$0x3FAB]  }
0x28: {  	s2 =	sld [smem:$0x3FAC]  }
0x29: {  	s4 =	sld [smem:$0x3FAE]  }
0x2a: {  	p0 =	seq.s32 s5, $0x0;
	s5 =	sld [smem:$0x3FAF]  }
0x2b: {  	s6 =	sld [smem:$0x3FB0]  }
0x2c: {  	s7 =	sld [smem:$0x3FB1]  }
0x2d: {  	s3 =	simm.s32 $0x108;
	s8 =	sld [smem:$0x3FB2]  }
0x2e: {  	s3 =	simm.s32 @!p0 $0x1082;
	s9 =	sld [smem:$0x3FB3]  }
0x2f: {  	lr =	sadd.s32 s0, s3;
	s0 =	sld [smem:$0x3FAA]  }
0x30: {  	s3 =	sld [smem:$0x3FAD]  }
0x31: {  	[smem:$0x3FB6] =	sst s10  }
0x32: {  	s10 =	sld [smem:$0x3FB4];
	_ =	sdelay $0x3  }
0x33: {  	p0 =	seq.s32 s10, $0x1;
	s10 =	sld [smem:$0x3FB6];
	_ =	sdelay $0x3  }
0x34: {  	[smem:$0x3FB6] =	sst s10  }
0x35: {  	s10 =	sld [smem:$0x3FB5];
	_ =	sdelay $0x3  }
0x36: {  	p1 =	seq.s32 s10, $0x1;
	s10 =	sld [smem:$0x3FB6];
	_ =	sdelay $0x3  }
0x37: {  	[smem:$0x3FB6] =	sst s10  }
0x38: {  	s10 =	sld [smem:$0x3FB7]  }
0x39: {  	_ = 	snop;
	(pc) =	sbr.ind lr, $3  }
0x3a: {  	_ = 	snop  }
0x3b: {  	_ = 	snop  }
0x3c: {  	p2 =	seq.s32 s10, $0x1;
	s10 =	sld [smem:$0x3FB6]  }
0x3d: {  	_ =	shalt  }
0x3e: {  	_ =	shalt  }
0x3f: {  	_ =	shalt  }
0x40: {  	_ =	shalt  }
0x41: {  	_ =	shalt  }
0x42: {  	_ =	shalt  }
0x43: {  	_ =	shalt  }
0x44: {  	_ =	shalt  }
0x45: {  	_ =	shalt  }
0x46: {  	_ =	shalt  }
0x47: {  	_ =	shalt  }
0x48: {  	_ =	shalt  }
0x49: {  	_ =	shalt  }
0x4a: {  	_ =	shalt  }
0x4b: {  	_ =	shalt  }
0x4c: {  	_ =	shalt  }
0x4d: {  	_ =	shalt  }
0x4e: {  	_ =	shalt  }
0x4f: {  	_ =	shalt  }
0x50: {  	_ =	shalt  }
0x51: {  	_ =	shalt  }
0x52: {  	_ =	shalt  }
0x53: {  	_ =	shalt  }
0x54: {  	_ =	shalt  }
0x55: {  	_ =	shalt  }
0x56: {  	_ =	shalt  }
0x57: {  	_ =	shalt  }
0x58: {  	_ =	shalt  }
0x59: {  	_ =	shalt  }
0x5a: {  	_ =	shalt  }
0x5b: {  	_ =	shalt  }
0x5c: {  	_ =	shalt  }
0x5d: {  	_ =	shalt  }
0x5e: {  	_ =	shalt  }
0x5f: {  	_ =	shalt  }
0x60: {  	_ =	shalt  }
0x61: {  	_ =	shalt  }
0x62: {  	_ =	shalt  }
0x63: {  	_ =	shalt  }
0x64: {  	_ =	shalt  }
0x65: {  	_ =	shalt  }
0x66: {  	_ =	shalt  }
0x67: {  	_ =	shalt  }
0x68: {  	_ =	shalt  }
0x69: {  	_ =	shalt  }
0x6a: {  	_ =	shalt  }
0x6b: {  	_ =	shalt  }
0x6c: {  	_ =	shalt  }
0x6d: {  	_ =	shalt  }
0x6e: {  	_ =	shalt  }
0x6f: {  	_ =	shalt  }
0x70: {  	_ =	shalt  }
0x71: {  	_ =	shalt  }
0x72: {  	_ =	shalt  }
0x73: {  	_ =	shalt  }
0x74: {  	_ =	shalt  }
0x75: {  	_ =	shalt  }
0x76: {  	_ =	shalt  }
0x77: {  	_ =	shalt  }
0x78: {  	_ =	shalt  }
0x79: {  	_ =	shalt  }
0x7a: {  	_ =	shalt  }
0x7b: {  	_ =	shalt  }
0x7c: {  	_ =	shalt  }
0x7d: {  	_ =	shalt  }
0x7e: {  	_ =	shalt  }
0x7f: {  	_ =	shalt  }
0x80: {  	_ =	shalt  }
0x81: {  	_ =	shalt  }
0x82: {  	_ =	shalt  }
0x83: {  	_ =	shalt  }
0x84: {  	_ =	shalt  }
0x85: {  	_ =	shalt  }
0x86: {  	_ =	shalt  }
0x87: {  	_ =	shalt  }
.Lfunc_end0:
.L_simem_size_0:
called_computation.1_lowered:
.L_overlay_start_0:
0x88: {  	s2 =	sld [smem:$0x3FD9]  }
0x89: {  	s3 =	sld [smem:$0x3FFE];
	_ =	sdelay $0x1  }
0x8a: {  	s1 =	srdreg.scid  }
0x8b: {  	s0 =	sand.u32 $0x1, s1  }
0x8c: {  	s16 =	sshll.u32 s0, $0xA;
	s2 =	sadd.s32 s3, s2  }
0x8d: {  	s2 =	sadd.s32 s2, s16  }
0x8e: {  	[smem:$0x3FC2] =	sst s2  }
0x8f: {  	_ = 	snop  }
0x90: {  	(tm) =	ssettm $0x1  }
0x91: {  	s17 =	sld [smem:$0x3FFB];
	_ =	sdelay $0x3  }
0x92: {  	_ =	strace s17  }
0x93: {  	s2 =	sld [smem:$0x3FFC];
	_ =	sdelay $0x3  }
0x94: {  	_ =	strace s2  }
0x95: {  	s2 =	sld [smem:$0x3FFD];
	_ =	sdelay $0x3  }
0x96: {  	_ =	strace s2  }
0x97: {  	_ =	strace $0x8FFFFFFF  }
0x98: {  	s18 =	sld [smem:$0x3FDB];
	_ =	sdelay $0x1  }
0x99: {  	s19 =	simm.s32 $_scs_section_size  }
0x9a: {  	s4 =	simm.s32 $_size__tile_overlayer_lowered;
	s5 =	simm.s32 $_tile_overlayer_lowered  }
0x9b: {  	s22 =	simm.s32 $0x1BFF;
	s21 =	sshll.u32 s5, $0x1;
	s2 =	sadd.s32 s19, s18  }
0x9c: {  	s6 =	simm.s32 $0x0;
	s20 =	sshll.u32 s4, $0x1;
	s4 =	sadd.s32 s21, s2  }
0x9d: {  	[timem:s6], [sflag:s22] =	dma.local [hbm:s4], s20  }
0x9e: {  	_ =	swait.ge [sflag:s22], s20  }
0x9f: {  	s3 =	ssub.s32 $0x0, s20;
	[sflag:s22] =	ssyncset.done $0x0  }
0xa0: {  	[sflag:s22] =	ssyncadd.s32 s3;
	_ =	sdelay $0x1  }
0xa1: {  	s23 =	simm.s32 $0x1B8B  }
0xa2: {  	_ =	swait.ge [sflag:s23], $0x1  }
0xa3: {  	[sflag:s23] =	ssyncset.done $0x0  }
0xa4: {  	s25 =	simm.s32 $0x1B8E;
	s24 =	sld [smem:$0x3FFE];
	[sflag:s23] =	ssyncadd.s32 $0xFFFFFFFF  }
0xa5: {  	s26 =	simm.s32 $execute0_lowered;
	[smem:$0x3FD2] =	sst s25  }
0xa6: {  	s4 =	sshll.u32 s26, $0x1;
	_ =	strace $0x80000049;
	[dreg:$0x1] =	wrdreg $0xFFFFFFFF  }
0xa7: {  	s28 =	simm.s32 $_size_execute0_lowered;
	s2 =	sadd.s32 s2, s4;
	[dreg:$0x0] =	wrdreg $0x0  }
0xa8: {  	s4 =	sshll.u32 s28, $0x1;
	[dreg:$0x2] =	wrdreg s2  }
0xa9: {  	[dreg:$0x3] =	wrdreg s4  }
0xaa: {  	[dreg:$0x4] =	wrdreg $0xC0  }
0xab: {  	_ =	task [dreg:s6], $0x5FFFF  }
0xac: {  	[dreg:$0x1] =	wrdreg $0xFFFFFFFF  }
0xad: {  	[dreg:$0x0] =	wrdreg $0x60  }
0xae: {  	[dreg:$0x2] =	wrdreg s24  }
0xaf: {  	[dreg:$0x3] =	wrdreg $0x97E00  }
0xb0: {  	[dreg:$0x4] =	wrdreg $0x9  }
0xb1: {  	_ =	task.clear_ibuf [dreg:s6], $0x5FFFF;
	_ =	strace $0x90000049  }
0xb2: {  	s29 =	simm.s32 $0x9;
	_ =	strace $0x8000004B  }
0xb3: {  	_ =	swait.ge [sflag:s29], $0x1  }
0xb4: {  	[sflag:s29] =	ssyncadd.s32 $0xFFFFFFFF  }
0xb5: {  	_ =	strace $0x9000004B  }
0xb6: {  	_ =	sfence  }
0xb7: {  	s30 =	sld [smem:$0x0];
	_ =	sdelay $0x2  }
0xb8: {  	s31 =	sshll.u32 s1, $0xD;
	s1 =	sshrl.u32 s1, $0x2  }
0xb9: {  	s3 =	sand.u32 $0x4000, s31;
	s1 =	sadd.s32 s1, s30  }
0xba: {  	s0 =	sor.u32 s3, s0;
	s1 =	sshll.u32 s1, $0x11  }
0xbb: {  	s0 =	sor.u32 s1, s0  }
0xbc: {  	s0 =	sadd.s32 $0x8F2B, s0  }
0xbd: {  	[sflag:s0] =	ssyncadd.remote.s32 $0x1  }
0xbe: {  	_ =	sfence.sel $0xFFFF  }
0xbf: {  	[dreg:$0x0] =	wrdreg $0xFFFFFFFF;
	(pc) =	sbr.abs _section_cstart, $3  }
0xc0: {  	[dreg:$0x1] =	wrdreg $0xFFFFFFFF  }
0xc1: {  	_ =	task.clear_ibuf [dreg:s6], $0x2FFFF;
	_ =	strace $0x9FFFFFFF  }
0xc2: {  	(tm) =	ssettm $0x7FFFFFFF  }
0xc3: {  	_ =	shalt  }
tec
execute0_lowered:
.L_overlay_start_1:
0x0: {  	(tag) =	ssettag $0x1  }
0x1: {  	s0 =	rddreg [dreg:$0x0]  }
0x2: {  	s1 =	rddreg [dreg:$0x1];
	s3 =	simm.s32 $0x0  }
0x3: {  	s2 =	srdreg.scid;
	s11 =	stileid.u32;
	s19 =	simm.s32 $0x870  }
0x4: {  	s28 =	simm.s32 $0x4CE0;
	s29 =	simm.s32 $0x1;
	s30 =	simm.s32 $0x3  }
0x5: {  	s31 =	simm.s32 $0x2;
	[smem:$0x7FF] =	sst s3;
	s2 =	sand.u32 $0x1, s2  }
0x6: {  	s10 =	smul.u32 $0x16020, s11;
	s4 =	sadd.s32 $0x600, s0;
	s5 =	sadd.s32 $0x1E000, s0  }
0x7: {  	s6 =	sadd.s32 $0x31C00, s0;
	s9 =	sshll.u32 s11, $0x1;
	s11 =	smul.u32 $0x58080, s11  }
0x8: {  	s7 =	smul.u32 $0x160200, s2;
	s20 =	sor.u32 s2, s9;
	s2 =	ssub.s32 $0x2, s2  }
0x9: {  	_ =	strace $0x8000004A;
	s21 =	sshrl.u32 s11, $0x2;
	s22 =	sshrl.u32 s2, $0x1  }
0xa: {  	s26 =	sadd.s32 s10, s1;
	s8 =	sadd.s32 s10, s7;
	s7 =	sadd.s32 $0x36C00, s0  }
0xb: {  	s9 =	sadd.s32 s21, s1;
	s2 =	ssub.s32 s2, s22;
	s21 =	simm.s32 $0x78  }
0xc: {  	s22 =	simm.s32 $0xF0;
	s12 =	sshrl.u32 s8, $0x3;
	s8 =	smul.u32 $0x2760, s20  }
0xd: {  	s23 =	sadd.s32 $0x15180, s9;
	s2 =	smax.u32 s2, $0x1;
	s15 =	sadd.s32 $0x4380, s9  }
0xe: {  	s16 =	sadd.s32 $0x8700, s9;
	s17 =	sadd.s32 $0xCA80, s9;
	s18 =	sadd.s32 $0x10E00, s9  }
0xf: {  	s20 =	simm.s32 $0x4;
	s0 =	sadd.s32 s12, s0;
	[dreg:$0x3] =	wrdreg s23  }
0x10: {  	[dreg:$0x7] =	wrdreg s2;
	s24 =	sshrl.u32 s8, $0x3;
	s0 =	sadd.s32 $0x62E00, s0  }
0x11: {  	s23 =	simm.s32 $0x4BF0;
	s25 =	sadd.s32 s4, s24;
	[dreg:$0x6] =	wrdreg s0  }
0x12: {  	s11 =	sadd.s32 s5, s24;
	s24 =	simm.s32 $0x4C68;
	[dreg:$0x4] =	wrdreg s25  }
0x13: {  	v0 =	vimm.f32 $0.0e+00;
	[dreg:$0x5] =	wrdreg s11;
	s25 =	sshrl.u32 s26, $0x3;
	s26 =	simm.s32 $0x5460  }
.LBB2_1:
0x14: {  	s0 =	simm.s32 $0x0;
	s2 =	simm.s32 $0x240  }
.LBB2_2:
0x15: {  	p0 =	sne.s32 s2, $0x10BC0;
	[tilespmem:s0+$0x8F0] =	vst v0  }
0x16: {  	[tilespmem:s0+$0x870] =	vst v0  }
0x17: {  	[tilespmem:s0+$0x880] =	vst v0  }
0x18: {  	[tilespmem:s0+$0x890] =	vst v0  }
.Ltmp0:
0x19: {  	[tilespmem:s0+$0x8A0] =	vst v0;
	(pc) =	sbr.rel @p0 .LBB2_2-.Ltmp0, $4  }
0x1a: {  	[tilespmem:s0+$0x8B0] =	vst v0  }
0x1b: {  	[tilespmem:s0+$0x8C0] =	vst v0  }
0x1c: {  	[tilespmem:s0+$0x8D0] =	vst v0  }
0x1d: {  	[tilespmem:s0+$0x8E0] =	vst v0;
	s0 =	sshra.s32 s2, $0x2;
	s2 =	sadd.s32 $0x240, s2  }
0x1e: {  	[tilespmem:s0+$0x8F0] =	vst v0  }
0x1f: {  	[tilespmem:s0+$0x870] =	vst v0  }
0x20: {  	[tilespmem:s0+$0x880] =	vst v0  }
0x21: {  	[tilespmem:s0+$0x890] =	vst v0  }
0x22: {  	[tilespmem:s0+$0x8A0] =	vst v0  }
0x23: {  	[tilespmem:s0+$0x8B0] =	vst v0  }
0x24: {  	[tilespmem:s0+$0x8C0] =	vst v0  }
0x25: {  	[tilespmem:s0+$0x8D0] =	vst v0  }
0x26: {  	[tilespmem:s0+$0x8E0] =	vst v0  }
0x27: {  	[spmem:s9] =	stream.linear.scatter [tilespmem:s19], [sflag:$0x4], $0x4380, $0x38;
	[tilespmem:$0x1F800] =	vst v63  }
0x28: {  	_ =	swait.ge [sflag:s20], $0x4380  }
0x29: {  	[sflag:s20] =	ssyncset.done $0x0  }
0x2a: {  	[sflag:s20] =	ssyncadd.s32 $0xFFFFBC80  }
0x2b: {  	[spmem:s15] =	stream.linear.scatter [tilespmem:s19], [sflag:$0x4], $0x4380, $0x38;
	[tilespmem:$0x1F800] =	vst v63  }
0x2c: {  	_ =	swait.ge [sflag:s20], $0x4380  }
0x2d: {  	[sflag:s20] =	ssyncset.done $0x0  }
0x2e: {  	[sflag:s20] =	ssyncadd.s32 $0xFFFFBC80  }
0x2f: {  	[spmem:s16] =	stream.linear.scatter [tilespmem:s19], [sflag:$0x4], $0x4380, $0x38;
	[tilespmem:$0x1F800] =	vst v63  }
0x30: {  	_ =	swait.ge [sflag:s20], $0x4380  }
0x31: {  	[sflag:s20] =	ssyncset.done $0x0  }
0x32: {  	[sflag:s20] =	ssyncadd.s32 $0xFFFFBC80  }
0x33: {  	[spmem:s17] =	stream.linear.scatter [tilespmem:s19], [sflag:$0x4], $0x4380, $0x38;
	[tilespmem:$0x1F800] =	vst v63  }
0x34: {  	_ =	swait.ge [sflag:s20], $0x4380  }
0x35: {  	[sflag:s20] =	ssyncset.done $0x0  }
0x36: {  	[sflag:s20] =	ssyncadd.s32 $0xFFFFBC80  }
0x37: {  	[spmem:s18] =	stream.linear.scatter [tilespmem:s19], [sflag:$0x4], $0x4380, $0x38;
	[tilespmem:$0x1F800] =	vst v63  }
0x38: {  	_ =	swait.ge [sflag:s20], $0x4380  }
0x39: {  	[sflag:s20] =	ssyncset.done $0x0  }
0x3a: {  	s13 =	rddreg [dreg:$0x3];
	[sflag:s20] =	ssyncadd.s32 $0xFFFFBC80  }
0x3b: {  	[spmem:s13] =	stream.linear.scatter [tilespmem:s19], [sflag:$0x4], $0xEA0, $0x38;
	[tilespmem:$0x1F800] =	vst v63  }
0x3c: {  	_ =	swait.ge [sflag:s20], $0xEA0  }
0x3d: {  	[sflag:s20] =	ssyncset.done $0x0  }
0x3e: {  	[sflag:s20] =	ssyncadd.s32 $0xFFFFF160  }
0x3f: {  	[bflag:$0x0] =	sbarrier.arrive $0xFFFF  }
0x40: {  	s0 =	simm.s32 $0x0;
	s2 =	rddreg [dreg:$0x4]  }
0x41: {  	[tilespmem:s0], [sflag:$0x4] =	stream.linear.gather [hbm4b:s2+s0], $0x78, $0x38;
	[tilespmem:$0x1F800] =	vst v63  }
0x42: {  	_ =	swait.ge [sflag:s20], $0x78  }
0x43: {  	[sflag:s20] =	ssyncset.done $0x0  }
0x44: {  	s14 =	rddreg [dreg:$0x5];
	[sflag:s20] =	ssyncadd.s32 $0xFFFFFF88  }
0x45: {  	[tilespmem:s21], [sflag:$0x4] =	stream.linear.gather [hbm4b:s14+s0], $0x78, $0x38;
	[tilespmem:$0x1F800] =	vst v63  }
0x46: {  	_ =	swait.ge [sflag:s20], $0x78  }
0x47: {  	[sflag:s20] =	ssyncset.done $0x0  }
0x48: {  	[sflag:s20] =	ssyncadd.s32 $0xFFFFFF88  }
0x49: {  	[tilespmem:s19], [sflag:$0x1] =	stream.indirect.gather [hbm4b:s7+s21], $0x90, s0, s21, $0xb8;
	[tilespmem:$0x1F800] =	vst v63  }
0x4a: {  	s2 =	simm.s32 $0x0  }
0x4b: {  	[tilespmem:s22], [sflag:$0x1] =	stream.indirect.gather [hbm4b:s6+s21], $0x10, s21, s21, $0xb8;
	[tilespmem:$0x1F800] =	vst v63  }
.LBB2_4:
0x4c: {  	s10 =	smul.u32 $0xF0, s2;
	_ =	sdelay $0x1  }
0x4d: {  	s10 =	sadd.s32 s8, s10  }
0x4e: {  	s11 =	sadd.s32 $0x78, s10  }
0x4f: {  	s11 =	sshrl.u32 s11, $0x3  }
0x50: {  	s12 =	sadd.s32 s4, s11  }
0x51: {  	[tilespmem:s23], [sflag:$0x4] =	stream.linear.gather [hbm4b:s12+s0], $0x78, $0x38;
	[tilespmem:$0x1F800] =	vst v63  }
0x52: {  	_ =	swait.ge [sflag:s20], $0x78  }
0x53: {  	[sflag:s20] =	ssyncset.done $0x0  }
0x54: {  	s11 =	sadd.s32 s5, s11;
	[sflag:s20] =	ssyncadd.s32 $0xFFFFFF88  }
0x55: {  	[tilespmem:s24], [sflag:$0x4] =	stream.linear.gather [hbm4b:s11+s0], $0x78, $0x38;
	[tilespmem:$0x1F800] =	vst v63  }
0x56: {  	_ =	swait.ge [sflag:s20], $0x78  }
0x57: {  	[sflag:s20] =	ssyncset.done $0x0  }
0x58: {  	[sflag:s20] =	ssyncadd.s32 $0xFFFFFF88  }
0x59: {  	[tilespmem:s26], [sflag:$0x2] =	stream.indirect.gather [hbm4b:s7+s21], $0x90, s23, s21, $0xb8;
	[tilespmem:$0x1F800] =	vst v63  }
0x5a: {  	_ = 	snop  }
0x5b: {  	[tilespmem:s28], [sflag:$0x2] =	stream.indirect.gather [hbm4b:s6+s21], $0x10, s24, s21, $0xb8;
	[tilespmem:$0x1F800] =	vst v63  }
0x5c: {  	_ =	swait.ge [sflag:s29], $0x4380  }
0x5d: {  	[sflag:s29] =	ssyncset.done $0x0  }
0x5e: {  	[sflag:s29] =	ssyncadd.s32 $0xFFFFBC80  }
0x5f: {  	_ =	swait.ge [sflag:s29], $0x780  }
0x60: {  	[sflag:s29] =	ssyncset.done $0x0  }
0x61: {  	s11 =	simm.s32 $0x8B0;
	[sflag:s29] =	ssyncadd.s32 $0xFFFFF880  }
0x62: {  	s14 =	simm.s32 $0x0;
	s13 =	simm.s32 $0x40;
	s12 =	simm.s32 $0x8B0;
	v1 =	vld [tilespmem:s11+$0x40]  }
.LBB2_5:
0x63: {  	p0 =	sne.s32 s13, $0x1DC0;
	v2 =	vld [tilespmem:s14+$0xF0];
	_ =	sdelay $0x4  }
0x64: {  	v1 =	vadd.f32 v2, v1;
	_ =	sdelay $0x1  }
0x65: {  	v2 =	vmul.f32 $2.000000030e-01, v1  }
0x66: {  	vm0 =	vge.f32 v1, $0.0e+00  }
0x67: {  	v1 =	vsel vm0, v1, v2  }
0x68: {  	v1 =	vmul.f32 $1.442695020e+00, v1;
	_ =	sdelay $0x1  }
0x69: {  	(erf) = vpow2.f32 v1;
	_ =	sdelay $0x4  }
0x6a: {  	v1 =	vld [tilespmem:s11+$0x30]  }
0x6b: {  	v2 =	vld [tilespmem:s11+$0x20]  }
0x6c: {  	v3 =	vld [tilespmem:s11+$0x10]  }
0x6d: {  	v4 =	vld [tilespmem:s11+$0x0]  }
0x6e: {  	v5 =	vld [tilespmem:s11+$0xFFFFFFF0];
	v6 =	vpop (erf)  }
0x6f: {  	v7 =	vld [tilespmem:s11+$0xFFFFFFE0];
	v8 =	vbroadcast v6, $0x6;
	v9 =	vbroadcast v6, $0x7;
	[tilespmem:s11+$0x40] =	vst v6  }
0x70: {  	v11 =	vbroadcast v6, $0x4;
	v12 =	vbroadcast v6, $0x5;
	v10 =	vld [tilespmem:s11+$0xFFFFFFD0]  }
0x71: {  	v13 =	vld [tilespmem:s11+$0xFFFFFFC0];
	v2 =	vmul.f32 v2, v8;
	v1 =	vmul.f32 v1, v9  }
0x72: {  	v3 =	vmul.f32 v3, v12;
	v4 =	vmul.f32 v4, v11  }
0x73: {  	v8 =	vbroadcast v6, $0x2;
	v9 =	vbroadcast v6, $0x3;
	[tilespmem:s11+$0x30] =	vst v1  }
0x74: {  	v1 =	vbroadcast v6, $0x0;
	v6 =	vbroadcast v6, $0x1;
	[tilespmem:s11+$0x20] =	vst v2  }
0x75: {  	v5 =	vmul.f32 v5, v9;
	v2 =	vmul.f32 v8, v7;
	[tilespmem:s11+$0x10] =	vst v3  }
.Ltmp1:
0x76: {  	v3 =	vmul.f32 v1, v13;
	v1 =	vmul.f32 v6, v10;
	[tilespmem:s11+$0x0] =	vst v4;
	(pc) =	sbr.rel @p0 .LBB2_5-.Ltmp1, $4  }
0x77: {  	[tilespmem:s11+$0xFFFFFFF0] =	vst v5  }
0x78: {  	[tilespmem:s11+$0xFFFFFFE0] =	vst v2  }
0x79: {  	s11 =	sadd.s32 $0x90, s11;
	[tilespmem:s12+$0xFFFFFFD0] =	vst v1  }
0x7a: {  	s14 =	sshra.s32 s13, $0x2;
	s13 =	sadd.s32 $0x40, s13;
	v1 =	vld [tilespmem:s11+$0x40];
	[tilespmem:s12+$0xFFFFFFC0] =	vst v3;
	s12 =	smov.u32 s11  }
0x7b: {  	v2 =	vld [tilespmem:s14+$0xF0];
	_ =	sdelay $0x4  }
0x7c: {  	v1 =	vadd.f32 v2, v1;
	_ =	sdelay $0x1  }
0x7d: {  	v2 =	vmul.f32 $2.000000030e-01, v1  }
0x7e: {  	vm0 =	vge.f32 v1, $0.0e+00  }
0x7f: {  	v1 =	vsel vm0, v1, v2  }
0x80: {  	v1 =	vmul.f32 $1.442695020e+00, v1;
	_ =	sdelay $0x1  }
0x81: {  	(erf) = vpow2.f32 v1;
	_ =	sdelay $0x6  }
0x82: {  	v1 =	vld [tilespmem:s11+$0x30]  }
0x83: {  	v2 =	vld [tilespmem:s11+$0x20]  }
0x84: {  	v3 =	vld [tilespmem:s11+$0x10];
	v4 =	vpop (erf)  }
0x85: {  	v7 =	vld [tilespmem:s11+$0xFFFFFFF0];
	v6 =	vbroadcast v4, $0x7  }
0x86: {  	v5 =	vld [tilespmem:s11+$0x0];
	v8 =	vbroadcast v4, $0x6  }
0x87: {  	v9 =	vld [tilespmem:s11+$0xFFFFFFE0];
	v10 =	vbroadcast v4, $0x5;
	v1 =	vmul.f32 v1, v6  }
0x88: {  	v59 =	vld [tilespmem:s11+$0xFFFFFFD0];
	[tilespmem:s11+$0x40] =	vst v4;
	v61 =	vbroadcast v4, $0x3;
	v2 =	vmul.f32 v2, v8  }
0x89: {  	v60 =	vld [tilespmem:s11+$0xFFFFFFC0];
	v11 =	vbroadcast v4, $0x4;
	v3 =	vmul.f32 v3, v10;
	[tilespmem:s11+$0x30] =	vst v1  }
0x8a: {  	v62 =	vbroadcast v4, $0x2;
	v7 =	vmul.f32 v7, v61;
	[tilespmem:s11+$0x20] =	vst v2  }
0x8b: {  	v1 =	vmul.f32 v5, v11;
	v2 =	vbroadcast v4, $0x1;
	[tilespmem:s11+$0x10] =	vst v3  }
0x8c: {  	v63 =	vmul.f32 v62, v9;
	v3 =	vbroadcast v4, $0x0;
	[tilespmem:s11+$0xFFFFFFF0] =	vst v7  }
0x8d: {  	[tilespmem:s11+$0x0] =	vst v1;
	v1 =	vmul.f32 v2, v59  }
0x8e: {  	[tilespmem:s11+$0xFFFFFFE0] =	vst v63;
	v2 =	vmul.f32 v3, v60  }
0x8f: {  	[tilespmem:s12+$0xFFFFFFD0] =	vst v1  }
0x90: {  	[tilespmem:s12+$0xFFFFFFC0] =	vst v2  }
0x91: {  	[spmem:s1] =	stream.indirect.scatter.add.f32 [tilespmem:s19], [sflag:$0x3], $0x90, s21, s21, $0xb8;
	[tilespmem:$0x1F800] =	vst v63  }
0x92: {  	s10 =	sshrl.u32 s10, $0x3;
	_ =	swait.ge [sflag:s30], $0x4380  }
0x93: {  	s10 =	sadd.s32 $0x1E, s10;
	[sflag:s30] =	ssyncset.done $0x0  }
0x94: {  	s14 =	simm.s32 $0x0;
	s13 =	sadd.s32 s4, s10;
	[sflag:s30] =	ssyncadd.s32 $0xFFFFBC80  }
0x95: {  	[tilespmem:s14], [sflag:$0x4] =	stream.linear.gather [hbm4b:s13+s14], $0x78, $0x38;
	[tilespmem:$0x1F800] =	vst v63  }
0x96: {  	_ =	swait.ge [sflag:s20], $0x78  }
0x97: {  	[sflag:s20] =	ssyncset.done $0x0  }
0x98: {  	s10 =	sadd.s32 s5, s10;
	[sflag:s20] =	ssyncadd.s32 $0xFFFFFF88  }
0x99: {  	[tilespmem:s21], [sflag:$0x4] =	stream.linear.gather [hbm4b:s10+s14], $0x78, $0x38;
	[tilespmem:$0x1F800] =	vst v63  }
0x9a: {  	_ =	swait.ge [sflag:s20], $0x78  }
0x9b: {  	[sflag:s20] =	ssyncset.done $0x0  }
0x9c: {  	[sflag:s20] =	ssyncadd.s32 $0xFFFFFF88  }
0x9d: {  	[tilespmem:s19], [sflag:$0x1] =	stream.indirect.gather [hbm4b:s7+s21], $0x90, s14, s21, $0xb8;
	[tilespmem:$0x1F800] =	vst v63  }
0x9e: {  	_ = 	snop  }
0x9f: {  	[tilespmem:s22], [sflag:$0x1] =	stream.indirect.gather [hbm4b:s6+s21], $0x10, s21, s21, $0xb8;
	[tilespmem:$0x1F800] =	vst v63  }
0xa0: {  	_ =	swait.ge [sflag:s31], $0x4380  }
0xa1: {  	[sflag:s31] =	ssyncset.done $0x0  }
0xa2: {  	[sflag:s31] =	ssyncadd.s32 $0xFFFFBC80  }
0xa3: {  	_ =	swait.ge [sflag:s31], $0x780  }
0xa4: {  	[sflag:s31] =	ssyncset.done $0x0  }
0xa5: {  	s10 =	simm.s32 $0x54A0;
	[sflag:s31] =	ssyncadd.s32 $0xFFFFF880  }
0xa6: {  	s11 =	simm.s32 $0x54A0;
	s12 =	simm.s32 $0x40;
	s13 =	simm.s32 $0x0;
	v1 =	vld [tilespmem:s10+$0x40]  }
.LBB2_7:
0xa7: {  	p0 =	sne.s32 s12, $0x1DC0;
	v2 =	vld [tilespmem:s13+$0x4CE0];
	_ =	sdelay $0x4  }
0xa8: {  	v1 =	vadd.f32 v2, v1;
	_ =	sdelay $0x1  }
0xa9: {  	v2 =	vmul.f32 $2.000000030e-01, v1  }
0xaa: {  	vm0 =	vge.f32 v1, $0.0e+00  }
0xab: {  	v1 =	vsel vm0, v1, v2  }
0xac: {  	v1 =	vmul.f32 $1.442695020e+00, v1;
	_ =	sdelay $0x1  }
0xad: {  	(erf) = vpow2.f32 v1;
	_ =	sdelay $0x4  }
0xae: {  	v1 =	vld [tilespmem:s10+$0x30]  }
0xaf: {  	v2 =	vld [tilespmem:s10+$0x20]  }
0xb0: {  	v3 =	vld [tilespmem:s10+$0x10]  }
0xb1: {  	v4 =	vld [tilespmem:s10+$0x0]  }
0xb2: {  	v5 =	vld [tilespmem:s10+$0xFFFFFFF0];
	v6 =	vpop (erf)  }
0xb3: {  	v7 =	vld [tilespmem:s10+$0xFFFFFFE0];
	v8 =	vbroadcast v6, $0x6;
	v9 =	vbroadcast v6, $0x7;
	[tilespmem:s10+$0x40] =	vst v6  }
0xb4: {  	v11 =	vbroadcast v6, $0x4;
	v12 =	vbroadcast v6, $0x5;
	v10 =	vld [tilespmem:s10+$0xFFFFFFD0]  }
0xb5: {  	v13 =	vld [tilespmem:s10+$0xFFFFFFC0];
	v2 =	vmul.f32 v2, v8;
	v1 =	vmul.f32 v1, v9  }
0xb6: {  	v3 =	vmul.f32 v3, v12;
	v4 =	vmul.f32 v4, v11  }
0xb7: {  	v8 =	vbroadcast v6, $0x2;
	v9 =	vbroadcast v6, $0x3;
	[tilespmem:s10+$0x30] =	vst v1  }
0xb8: {  	v1 =	vbroadcast v6, $0x0;
	v6 =	vbroadcast v6, $0x1;
	[tilespmem:s10+$0x20] =	vst v2  }
0xb9: {  	v5 =	vmul.f32 v5, v9;
	v2 =	vmul.f32 v8, v7;
	[tilespmem:s10+$0x10] =	vst v3  }
.Ltmp2:
0xba: {  	v3 =	vmul.f32 v1, v13;
	v1 =	vmul.f32 v6, v10;
	[tilespmem:s10+$0x0] =	vst v4;
	(pc) =	sbr.rel @p0 .LBB2_7-.Ltmp2, $4  }
0xbb: {  	[tilespmem:s10+$0xFFFFFFF0] =	vst v5  }
0xbc: {  	[tilespmem:s10+$0xFFFFFFE0] =	vst v2  }
0xbd: {  	s10 =	sadd.s32 $0x90, s10;
	[tilespmem:s11+$0xFFFFFFD0] =	vst v1  }
0xbe: {  	s13 =	sshra.s32 s12, $0x2;
	s12 =	sadd.s32 $0x40, s12;
	v1 =	vld [tilespmem:s10+$0x40];
	[tilespmem:s11+$0xFFFFFFC0] =	vst v3;
	s11 =	smov.u32 s10  }
0xbf: {  	v2 =	vld [tilespmem:s13+$0x4CE0];
	_ =	sdelay $0x4  }
0xc0: {  	v1 =	vadd.f32 v2, v1;
	_ =	sdelay $0x1  }
0xc1: {  	v2 =	vmul.f32 $2.000000030e-01, v1  }
0xc2: {  	vm0 =	vge.f32 v1, $0.0e+00  }
0xc3: {  	v1 =	vsel vm0, v1, v2  }
0xc4: {  	v1 =	vmul.f32 $1.442695020e+00, v1;
	_ =	sdelay $0x1  }
0xc5: {  	(erf) = vpow2.f32 v1;
	_ =	sdelay $0x6  }
0xc6: {  	v1 =	vld [tilespmem:s10+$0x30]  }
0xc7: {  	v2 =	vld [tilespmem:s10+$0x20]  }
0xc8: {  	v3 =	vld [tilespmem:s10+$0x10];
	v4 =	vpop (erf)  }
0xc9: {  	v7 =	vld [tilespmem:s10+$0xFFFFFFF0];
	v6 =	vbroadcast v4, $0x7  }
0xca: {  	v5 =	vld [tilespmem:s10+$0x0];
	v8 =	vbroadcast v4, $0x6  }
0xcb: {  	v9 =	vld [tilespmem:s10+$0xFFFFFFE0];
	v10 =	vbroadcast v4, $0x5;
	v1 =	vmul.f32 v1, v6  }
0xcc: {  	v59 =	vld [tilespmem:s10+$0xFFFFFFD0];
	[tilespmem:s10+$0x40] =	vst v4;
	v61 =	vbroadcast v4, $0x3;
	v2 =	vmul.f32 v2, v8  }
0xcd: {  	v60 =	vld [tilespmem:s10+$0xFFFFFFC0];
	v11 =	vbroadcast v4, $0x4;
	v3 =	vmul.f32 v3, v10;
	[tilespmem:s10+$0x30] =	vst v1  }
0xce: {  	v62 =	vbroadcast v4, $0x2;
	v7 =	vmul.f32 v7, v61;
	[tilespmem:s10+$0x20] =	vst v2  }
0xcf: {  	v1 =	vmul.f32 v5, v11;
	v2 =	vbroadcast v4, $0x1;
	[tilespmem:s10+$0x10] =	vst v3  }
0xd0: {  	v63 =	vmul.f32 v62, v9;
	v3 =	vbroadcast v4, $0x0;
	[tilespmem:s10+$0xFFFFFFF0] =	vst v7  }
0xd1: {  	[tilespmem:s10+$0x0] =	vst v1;
	v1 =	vmul.f32 v2, v59  }
0xd2: {  	s2 =	sadd.s32 $0x1, s2;
	[tilespmem:s10+$0xFFFFFFE0] =	vst v63;
	v2 =	vmul.f32 v3, v60  }
0xd3: {  	p0 =	sne.s32 s2, $0x2A;
	[tilespmem:s11+$0xFFFFFFD0] =	vst v1  }
.Ltmp3:
0xd4: {  	[tilespmem:s11+$0xFFFFFFC0] =	vst v2;
	(pc) =	sbr.rel @p0 .LBB2_4-.Ltmp3, $4  }
0xd5: {  	[spmem:s1] =	stream.indirect.scatter.add.f32 [tilespmem:s26], [sflag:$0x3], $0x90, s24, s21, $0xb8;
	[tilespmem:$0x1F800] =	vst v63  }
0xd6: {  	_ =	swait.ge [sflag:s30], $0x4380  }
0xd7: {  	[sflag:s30] =	ssyncset.done $0x0  }
0xd8: {  	[sflag:s30] =	ssyncadd.s32 $0xFFFFBC80  }
0xd9: {  	_ =	swait.ge [sflag:s29], $0x4380  }
0xda: {  	[sflag:s29] =	ssyncset.done $0x0  }
0xdb: {  	[sflag:s29] =	ssyncadd.s32 $0xFFFFBC80  }
0xdc: {  	_ =	swait.ge [sflag:s29], $0x780  }
0xdd: {  	[sflag:s29] =	ssyncset.done $0x0  }
0xde: {  	s0 =	stileid.u32;
	[sflag:s29] =	ssyncadd.s32 $0xFFFFF880  }
0xdf: {  	s0 =	sshll.u32 s0, $0x6;
	[bflag:$0x0] =	sbarrier.arrive $0xFFFF  }
0xe0: {  	s0 =	sor.u32 $0x1C04, s0;
	s2 =	rddreg [dreg:$0x6]  }
0xe1: {  	[hbm:s2], [sflag:s0] =	dma.local [spmem:s25], $0x2C04  }
0xe2: {  	_ =	swait.ge [sflag:s20], $0x2C04  }
0xe3: {  	s3 =	sadd.s32 $0x1, s3;
	s14 =	rddreg [dreg:$0x7]  }
0xe4: {  	p0 =	sne.s32 s3, s14  }
.Ltmp4:
0xe5: {  	_ = 	snop;
	(pc) =	sbr.rel @p0 .LBB2_1-.Ltmp4, $3  }
0xe6: {  	_ =	sdelay $0x1  }
0xe7: {  	[sflag:s20] =	ssyncset.done $0x0  }
0xe8: {  	[sflag:s20] =	ssyncadd.s32 $0xFFFFD3FC  }
0xe9: {  	_ =	sfence.sel $0x180000  }
0xea: {  	[bflag:$0x0] =	sbarrier.arrive $0xFFFF  }
0xeb: {  	_ =	strace $0x9000004A  }
0xec: {  	s0 =	stileid.u32;
	[bflag:$0x2] =	sbarrier.arrive $0xFFFF  }
0xed: {  	p0 =	sne.s32 s0, $0x0;
	s0 =	rddreg [dreg:$0x2]  }
0xee: {  	s0 =	sadd.s32 @!p0 $0x100000, s0  }
0xef: {  	[sflag:s0] =	ssyncadd.tile.s32 @!p0 $0x1;
	_ =	shalt  }
.Lfunc_end2:
_tile_overlayer_lowered:
.L_overlay_start_2:
0xf0: {  	(tag) =	ssettag $0x2  }
0xf1: {  	s0 =	rddreg [dreg:$0x0];
	s2 =	stileid.u32  }
0xf2: {  	s1 =	rddreg [dreg:$0x1];
	p0 =	sne.s32 s2, $0x0  }
0xf3: {  	s3 =	rddreg [dreg:$0x2];
	[bflag:$0x3] =	sbarrier.arrive $0xFFFF;
	s2 =	simm.s32 @!p0 $0x1C04  }
0xf4: {  	[timem:s3], [sflag:s2] =	dma.local @!p0 [hbm:s0], s1  }
0xf5: {  	s0 =	simm.s32 @!p0 $0x4  }
0xf6: {  	_ =	swait.ge @!p0 [sflag:s0], s1  }
0xf7: {  	s1 =	ssub.s32 @!p0 $0x0, s1;
	[sflag:s0] =	ssyncset.done @!p0 $0x0  }
0xf8: {  	[sflag:s0] =	ssyncadd.s32 @!p0 s1  }
0xf9: {  	[bflag:$0x3] =	sbarrier.arrive $0xFFFF  }
0xfa: {  	_ =	shalt  }

// kernel: kernel.23.cloned.1.call-start
scs
__scs_entry_jumppad:
0x0: {  	(pc) =	sbr.rel $0x88, $3  }
0x1: {  	(tag) =	ssettag $0x0;
	lr =	simm.s32 $0x1  }
0x2: {  	[smem:$0x3F9B] =	sst lr;
	_ =	strace $0xD0000000  }
0x3: {  	_ = 	snop  }
0x4: {  	_ = 	snop  }
0x5: {  	_ = 	snop  }
0x6: {  	_ = 	snop  }
0x7: {  	_ = 	snop  }
__scs_overlays_trampoline_lowered:
0x8: {  	[smem:$0x3FAA] =	sst s0  }
0x9: {  	[smem:$0x3FAB] =	sst s1  }
0xa: {  	[smem:$0x3FAC] =	sst s2  }
0xb: {  	[smem:$0x3FAD] =	sst s3  }
0xc: {  	[smem:$0x3FAE] =	sst s4  }
0xd: {  	[smem:$0x3FAF] =	sst s5  }
0xe: {  	[smem:$0x3FB0] =	sst s6  }
0xf: {  	[smem:$0x3FB1] =	sst s7  }
0x10: {  	[smem:$0x3FB2] =	sst s8  }
0x11: {  	[smem:$0x3FB3] =	sst s9;
	s0 =	simm.s32 @!p0 $0x0  }
0x12: {  	s1 =	sld [smem:$0x3F99];
	s0 =	simm.s32 @p0 $0x1  }
0x13: {  	[smem:$0x3FB4] =	sst s0;
	s0 =	simm.s32 @!p1 $0x0  }
0x14: {  	s2 =	sld [smem:$0x3F98];
	s0 =	simm.s32 @p1 $0x1  }
0x15: {  	[smem:$0x3FB5] =	sst s0;
	s0 =	simm.s32 @!p2 $0x0  }
0x16: {  	s3 =	sld [smem:$0x3FDB];
	s0 =	simm.s32 @p2 $0x1  }
0x17: {  	s4 =	simm.s32 $0x1BF5;
	[smem:$0x3FB7] =	sst s0  }
0x18: {  	s0 =	sld [smem:$0x3F9A];
	_ =	swait.ge [sflag:s4], $0x0  }
0x19: {  	s7 =	sld [smem:$0x3F9B]  }
0x1a: {  	s8 =	sadd.s32 $0xFFFFE003, lr  }
0x1b: {  	s9 =	sadd.s32 $0xFFFFFEF7, lr;
	s5 =	simm.s32 $0xFFFFFFFF;
	p2 =	slt.u32 s8, $0xFFFFF086  }
0x1c: {  	p1 =	slt.u32 s9, $0xF7A;
	s5 =	simm.s32 @!p2 $0x0  }
0x1d: {  	s5 =	simm.s32 @p1 $0x1;
	p0 =	seq.s32 s7, s2  }
0x1e: {  	s7 =	smul.u32 @!p0 $0xF7A, s2;
	p2 =	seq.s32 @!p0 s5, $0x0  }
0x1f: {  	s9 =	smul.u32 $0xF7A, s1;
	s8 =	simm.s32 @!p0 $0x1BF5;
	p2 =	por !p2, p0  }
0x20: {  	[sflag:s8] =	ssyncset.s32 @!p0 $0xFFFFF086;
	s6 =	sadd.s32 @!p0 s3, s7;
	s7 =	simm.s32 @!p0 $0x108  }
0x21: {  	s3 =	sadd.s32 s3, s9;
	s6 =	sadd.s32 @!p0 $0x88, s6;
	s7 =	simm.s32 @p2 $0x1082  }
0x22: {  	[simem:s7], [sflag:s8] =	dma.local @!p0 [hbm:s6], $0xF7A  }
0x23: {  	s9 =	sor.u32 $0xD0000000, s2;
	s6 =	simm.s32 $0x108;
	_ =	swait.ge @!p0 [sflag:s8], $0x0  }
0x24: {  	s3 =	sadd.s32 $0x88, s3;
	s6 =	simm.s32 @!p1 $0x1082;
	[sflag:s4] =	ssyncset.s32 $0xFFFFF086  }
0x25: {  	[simem:s6], [sflag:s4] =	dma.local [hbm:s3], $0xF7A  }
0x26: {  	[smem:$0x3F9B] =	sst s1;
	(tag) =	ssettag s2;
	_ =	strace s9  }
0x27: {  	s1 =	sld [smem:$0x3FAB]  }
0x28: {  	s2 =	sld [smem:$0x3FAC]  }
0x29: {  	s4 =	sld [smem:$0x3FAE]  }
0x2a: {  	p0 =	seq.s32 s5, $0x0;
	s5 =	sld [smem:$0x3FAF]  }
0x2b: {  	s6 =	sld [smem:$0x3FB0]  }
0x2c: {  	s7 =	sld [smem:$0x3FB1]  }
0x2d: {  	s3 =	simm.s32 $0x108;
	s8 =	sld [smem:$0x3FB2]  }
0x2e: {  	s3 =	simm.s32 @!p0 $0x1082;
	s9 =	sld [smem:$0x3FB3]  }
0x2f: {  	lr =	sadd.s32 s0, s3;
	s0 =	sld [smem:$0x3FAA]  }
0x30: {  	s3 =	sld [smem:$0x3FAD]  }
0x31: {  	[smem:$0x3FB6] =	sst s10  }
0x32: {  	s10 =	sld [smem:$0x3FB4];
	_ =	sdelay $0x3  }
0x33: {  	p0 =	seq.s32 s10, $0x1;
	s10 =	sld [smem:$0x3FB6];
	_ =	sdelay $0x3  }
0x34: {  	[smem:$0x3FB6] =	sst s10  }
0x35: {  	s10 =	sld [smem:$0x3FB5];
	_ =	sdelay $0x3  }
0x36: {  	p1 =	seq.s32 s10, $0x1;
	s10 =	sld [smem:$0x3FB6];
	_ =	sdelay $0x3  }
0x37: {  	[smem:$0x3FB6] =	sst s10  }
0x38: {  	s10 =	sld [smem:$0x3FB7]  }
0x39: {  	_ = 	snop;
	(pc) =	sbr.ind lr, $3  }
0x3a: {  	_ = 	snop  }
0x3b: {  	_ = 	snop  }
0x3c: {  	p2 =	seq.s32 s10, $0x1;
	s10 =	sld [smem:$0x3FB6]  }
0x3d: {  	_ =	shalt  }
0x3e: {  	_ =	shalt  }
0x3f: {  	_ =	shalt  }
0x40: {  	_ =	shalt  }
0x41: {  	_ =	shalt  }
0x42: {  	_ =	shalt  }
0x43: {  	_ =	shalt  }
0x44: {  	_ =	shalt  }
0x45: {  	_ =	shalt  }
0x46: {  	_ =	shalt  }
0x47: {  	_ =	shalt  }
0x48: {  	_ =	shalt  }
0x49: {  	_ =	shalt  }
0x4a: {  	_ =	shalt  }
0x4b: {  	_ =	shalt  }
0x4c: {  	_ =	shalt  }
0x4d: {  	_ =	shalt  }
0x4e: {  	_ =	shalt  }
0x4f: {  	_ =	shalt  }
0x50: {  	_ =	shalt  }
0x51: {  	_ =	shalt  }
0x52: {  	_ =	shalt  }
0x53: {  	_ =	shalt  }
0x54: {  	_ =	shalt  }
0x55: {  	_ =	shalt  }
0x56: {  	_ =	shalt  }
0x57: {  	_ =	shalt  }
0x58: {  	_ =	shalt  }
0x59: {  	_ =	shalt  }
0x5a: {  	_ =	shalt  }
0x5b: {  	_ =	shalt  }
0x5c: {  	_ =	shalt  }
0x5d: {  	_ =	shalt  }
0x5e: {  	_ =	shalt  }
0x5f: {  	_ =	shalt  }
0x60: {  	_ =	shalt  }
0x61: {  	_ =	shalt  }
0x62: {  	_ =	shalt  }
0x63: {  	_ =	shalt  }
0x64: {  	_ =	shalt  }
0x65: {  	_ =	shalt  }
0x66: {  	_ =	shalt  }
0x67: {  	_ =	shalt  }
0x68: {  	_ =	shalt  }
0x69: {  	_ =	shalt  }
0x6a: {  	_ =	shalt  }
0x6b: {  	_ =	shalt  }
0x6c: {  	_ =	shalt  }
0x6d: {  	_ =	shalt  }
0x6e: {  	_ =	shalt  }
0x6f: {  	_ =	shalt  }
0x70: {  	_ =	shalt  }
0x71: {  	_ =	shalt  }
0x72: {  	_ =	shalt  }
0x73: {  	_ =	shalt  }
0x74: {  	_ =	shalt  }
0x75: {  	_ =	shalt  }
0x76: {  	_ =	shalt  }
0x77: {  	_ =	shalt  }
0x78: {  	_ =	shalt  }
0x79: {  	_ =	shalt  }
0x7a: {  	_ =	shalt  }
0x7b: {  	_ =	shalt  }
0x7c: {  	_ =	shalt  }
0x7d: {  	_ =	shalt  }
0x7e: {  	_ =	shalt  }
0x7f: {  	_ =	shalt  }
0x80: {  	_ =	shalt  }
0x81: {  	_ =	shalt  }
0x82: {  	_ =	shalt  }
0x83: {  	_ =	shalt  }
0x84: {  	_ =	shalt  }
0x85: {  	_ =	shalt  }
0x86: {  	_ =	shalt  }
0x87: {  	_ =	shalt  }
.Lfunc_end0:
.L_simem_size_0:
called_computation.2_lowered:
.L_overlay_start_0:
0x88: {  	s2 =	sld [smem:$0x3FD9]  }
0x89: {  	s3 =	sld [smem:$0x3FFE];
	_ =	sdelay $0x1  }
0x8a: {  	s1 =	srdreg.scid  }
0x8b: {  	s0 =	sand.u32 $0x1, s1  }
0x8c: {  	s16 =	sshll.u32 s0, $0xA;
	s2 =	sadd.s32 s3, s2  }
0x8d: {  	s2 =	sadd.s32 s2, s16  }
0x8e: {  	[smem:$0x3FC2] =	sst s2  }
0x8f: {  	_ = 	snop  }
0x90: {  	(tm) =	ssettm $0x1  }
0x91: {  	s17 =	sld [smem:$0x3FFB];
	_ =	sdelay $0x3  }
0x92: {  	_ =	strace s17  }
0x93: {  	s2 =	sld [smem:$0x3FFC];
	_ =	sdelay $0x3  }
0x94: {  	_ =	strace s2  }
0x95: {  	s2 =	sld [smem:$0x3FFD];
	_ =	sdelay $0x3  }
0x96: {  	_ =	strace s2  }
0x97: {  	_ =	strace $0x8FFFFFFF  }
0x98: {  	s18 =	sld [smem:$0x3FDB];
	_ =	sdelay $0x1  }
0x99: {  	s19 =	simm.s32 $_scs_section_size  }
0x9a: {  	s4 =	simm.s32 $_size__tile_overlayer_lowered;
	s5 =	simm.s32 $_tile_overlayer_lowered  }
0x9b: {  	s22 =	simm.s32 $0x1BFF;
	s21 =	sshll.u32 s5, $0x1;
	s2 =	sadd.s32 s19, s18  }
0x9c: {  	s6 =	simm.s32 $0x0;
	s20 =	sshll.u32 s4, $0x1;
	s4 =	sadd.s32 s21, s2  }
0x9d: {  	[timem:s6], [sflag:s22] =	dma.local [hbm:s4], s20  }
0x9e: {  	_ =	swait.ge [sflag:s22], s20  }
0x9f: {  	s3 =	ssub.s32 $0x0, s20;
	[sflag:s22] =	ssyncset.done $0x0  }
0xa0: {  	[sflag:s22] =	ssyncadd.s32 s3;
	_ =	sdelay $0x1  }
0xa1: {  	s23 =	simm.s32 $0x1B8B  }
0xa2: {  	_ =	swait.ge [sflag:s23], $0x1  }
0xa3: {  	[sflag:s23] =	ssyncset.done $0x0  }
0xa4: {  	s25 =	simm.s32 $0x1B8E;
	s24 =	sld [smem:$0x3FFE];
	[sflag:s23] =	ssyncadd.s32 $0xFFFFFFFF  }
0xa5: {  	s26 =	simm.s32 $execute0_lowered;
	[smem:$0x3FD2] =	sst s25  }
0xa6: {  	s4 =	sshll.u32 s26, $0x1;
	_ =	strace $0x8000004C;
	[dreg:$0x1] =	wrdreg $0xFFFFFFFF  }
0xa7: {  	s28 =	simm.s32 $_size_execute0_lowered;
	s2 =	sadd.s32 s2, s4;
	[dreg:$0x0] =	wrdreg $0x0  }
0xa8: {  	s4 =	sshll.u32 s28, $0x1;
	[dreg:$0x2] =	wrdreg s2  }
0xa9: {  	[dreg:$0x3] =	wrdreg s4  }
0xaa: {  	[dreg:$0x4] =	wrdreg $0xC0  }
0xab: {  	_ =	task [dreg:s6], $0x5FFFF  }
0xac: {  	[dreg:$0x1] =	wrdreg $0xFFFFFFFF  }
0xad: {  	[dreg:$0x0] =	wrdreg $0x60  }
0xae: {  	[dreg:$0x2] =	wrdreg s24  }
0xaf: {  	[dreg:$0x3] =	wrdreg $0x97E00  }
0xb0: {  	[dreg:$0x4] =	wrdreg $0x9  }
0xb1: {  	_ =	task.clear_ibuf [dreg:s6], $0x5FFFF;
	_ =	strace $0x9000004C  }
0xb2: {  	s29 =	simm.s32 $0x9;
	_ =	strace $0x8000004E  }
0xb3: {  	_ =	swait.ge [sflag:s29], $0x1  }
0xb4: {  	[sflag:s29] =	ssyncadd.s32 $0xFFFFFFFF  }
0xb5: {  	_ =	strace $0x9000004E  }
0xb6: {  	_ =	sfence  }
0xb7: {  	s30 =	sld [smem:$0x0];
	_ =	sdelay $0x2  }
0xb8: {  	s31 =	sshll.u32 s1, $0xD;
	s1 =	sshrl.u32 s1, $0x2  }
0xb9: {  	s3 =	sand.u32 $0x4000, s31;
	s1 =	sadd.s32 s1, s30  }
0xba: {  	s0 =	sor.u32 s3, s0;
	s1 =	sshll.u32 s1, $0x11  }
0xbb: {  	s0 =	sor.u32 s1, s0  }
0xbc: {  	s0 =	sadd.s32 $0x8F2B, s0  }
0xbd: {  	[sflag:s0] =	ssyncadd.remote.s32 $0x1  }
0xbe: {  	_ =	sfence.sel $0xFFFF  }
0xbf: {  	[dreg:$0x0] =	wrdreg $0xFFFFFFFF;
	(pc) =	sbr.abs _section_cstart, $3  }
0xc0: {  	[dreg:$0x1] =	wrdreg $0xFFFFFFFF  }
0xc1: {  	_ =	task.clear_ibuf [dreg:s6], $0x2FFFF;
	_ =	strace $0x9FFFFFFF  }
0xc2: {  	(tm) =	ssettm $0x7FFFFFFF  }
0xc3: {  	_ =	shalt  }
tec
execute0_lowered:
.L_overlay_start_1:
0x0: {  	(tag) =	ssettag $0x1  }
0x1: {  	s0 =	rddreg [dreg:$0x0]  }
0x2: {  	s1 =	rddreg [dreg:$0x1];
	s3 =	simm.s32 $0x0  }
0x3: {  	s2 =	srdreg.scid;
	s11 =	stileid.u32;
	s19 =	simm.s32 $0x870  }
0x4: {  	s28 =	simm.s32 $0x4CE0;
	s29 =	simm.s32 $0x1;
	s30 =	simm.s32 $0x3  }
0x5: {  	s31 =	simm.s32 $0x2;
	[smem:$0x7FF] =	sst s3;
	s2 =	sand.u32 $0x1, s2  }
0x6: {  	s10 =	smul.u32 $0x16020, s11;
	s4 =	sadd.s32 $0xA400, s0;
	s5 =	sadd.s32 $0x27E00, s0  }
0x7: {  	s6 =	sadd.s32 $0x31C00, s0;
	s9 =	sshll.u32 s11, $0x1;
	s11 =	smul.u32 $0x58080, s11  }
0x8: {  	s7 =	smul.u32 $0x160200, s2;
	s20 =	sor.u32 s2, s9;
	s2 =	ssub.s32 $0x2, s2  }
0x9: {  	_ =	strace $0x8000004D;
	s21 =	sshrl.u32 s11, $0x2;
	s22 =	sshrl.u32 s2, $0x1  }
0xa: {  	s26 =	sadd.s32 s10, s1;
	s8 =	sadd.s32 s10, s7;
	s7 =	sadd.s32 $0x36C00, s0  }
0xb: {  	s9 =	sadd.s32 s21, s1;
	s2 =	ssub.s32 s2, s22;
	s21 =	simm.s32 $0x78  }
0xc: {  	s22 =	simm.s32 $0xF0;
	s12 =	sshrl.u32 s8, $0x3;
	s8 =	smul.u32 $0x2760, s20  }
0xd: {  	s23 =	sadd.s32 $0x15180, s9;
	s2 =	smax.u32 s2, $0x1;
	s15 =	sadd.s32 $0x4380, s9  }
0xe: {  	s16 =	sadd.s32 $0x8700, s9;
	s17 =	sadd.s32 $0xCA80, s9;
	s18 =	sadd.s32 $0x10E00, s9  }
0xf: {  	s20 =	simm.s32 $0x4;
	s0 =	sadd.s32 s12, s0;
	[dreg:$0x3] =	wrdreg s23  }
0x10: {  	[dreg:$0x7] =	wrdreg s2;
	s24 =	sshrl.u32 s8, $0x3;
	s0 =	sadd.s32 $0x62E00, s0  }
0x11: {  	s23 =	simm.s32 $0x4BF0;
	s25 =	sadd.s32 s4, s24;
	[dreg:$0x6] =	wrdreg s0  }
0x12: {  	s11 =	sadd.s32 s5, s24;
	s24 =	simm.s32 $0x4C68;
	[dreg:$0x4] =	wrdreg s25  }
0x13: {  	v0 =	vimm.f32 $0.0e+00;
	[dreg:$0x5] =	wrdreg s11;
	s25 =	sshrl.u32 s26, $0x3;
	s26 =	simm.s32 $0x5460  }
.LBB2_1:
0x14: {  	s0 =	simm.s32 $0x0;
	s2 =	simm.s32 $0x240  }
.LBB2_2:
0x15: {  	p0 =	sne.s32 s2, $0x10BC0;
	[tilespmem:s0+$0x8F0] =	vst v0  }
0x16: {  	[tilespmem:s0+$0x870] =	vst v0  }
0x17: {  	[tilespmem:s0+$0x880] =	vst v0  }
0x18: {  	[tilespmem:s0+$0x890] =	vst v0  }
.Ltmp0:
0x19: {  	[tilespmem:s0+$0x8A0] =	vst v0;
	(pc) =	sbr.rel @p0 .LBB2_2-.Ltmp0, $4  }
0x1a: {  	[tilespmem:s0+$0x8B0] =	vst v0  }
0x1b: {  	[tilespmem:s0+$0x8C0] =	vst v0  }
0x1c: {  	[tilespmem:s0+$0x8D0] =	vst v0  }
0x1d: {  	[tilespmem:s0+$0x8E0] =	vst v0;
	s0 =	sshra.s32 s2, $0x2;
	s2 =	sadd.s32 $0x240, s2  }
0x1e: {  	[tilespmem:s0+$0x8F0] =	vst v0  }
0x1f: {  	[tilespmem:s0+$0x870] =	vst v0  }
0x20: {  	[tilespmem:s0+$0x880] =	vst v0  }
0x21: {  	[tilespmem:s0+$0x890] =	vst v0  }
0x22: {  	[tilespmem:s0+$0x8A0] =	vst v0  }
0x23: {  	[tilespmem:s0+$0x8B0] =	vst v0  }
0x24: {  	[tilespmem:s0+$0x8C0] =	vst v0  }
0x25: {  	[tilespmem:s0+$0x8D0] =	vst v0  }
0x26: {  	[tilespmem:s0+$0x8E0] =	vst v0  }
0x27: {  	[spmem:s9] =	stream.linear.scatter [tilespmem:s19], [sflag:$0x4], $0x4380, $0x38;
	[tilespmem:$0x1F800] =	vst v63  }
0x28: {  	_ =	swait.ge [sflag:s20], $0x4380  }
0x29: {  	[sflag:s20] =	ssyncset.done $0x0  }
0x2a: {  	[sflag:s20] =	ssyncadd.s32 $0xFFFFBC80  }
0x2b: {  	[spmem:s15] =	stream.linear.scatter [tilespmem:s19], [sflag:$0x4], $0x4380, $0x38;
	[tilespmem:$0x1F800] =	vst v63  }
0x2c: {  	_ =	swait.ge [sflag:s20], $0x4380  }
0x2d: {  	[sflag:s20] =	ssyncset.done $0x0  }
0x2e: {  	[sflag:s20] =	ssyncadd.s32 $0xFFFFBC80  }
0x2f: {  	[spmem:s16] =	stream.linear.scatter [tilespmem:s19], [sflag:$0x4], $0x4380, $0x38;
	[tilespmem:$0x1F800] =	vst v63  }
0x30: {  	_ =	swait.ge [sflag:s20], $0x4380  }
0x31: {  	[sflag:s20] =	ssyncset.done $0x0  }
0x32: {  	[sflag:s20] =	ssyncadd.s32 $0xFFFFBC80  }
0x33: {  	[spmem:s17] =	stream.linear.scatter [tilespmem:s19], [sflag:$0x4], $0x4380, $0x38;
	[tilespmem:$0x1F800] =	vst v63  }
0x34: {  	_ =	swait.ge [sflag:s20], $0x4380  }
0x35: {  	[sflag:s20] =	ssyncset.done $0x0  }
0x36: {  	[sflag:s20] =	ssyncadd.s32 $0xFFFFBC80  }
0x37: {  	[spmem:s18] =	stream.linear.scatter [tilespmem:s19], [sflag:$0x4], $0x4380, $0x38;
	[tilespmem:$0x1F800] =	vst v63  }
0x38: {  	_ =	swait.ge [sflag:s20], $0x4380  }
0x39: {  	[sflag:s20] =	ssyncset.done $0x0  }
0x3a: {  	s13 =	rddreg [dreg:$0x3];
	[sflag:s20] =	ssyncadd.s32 $0xFFFFBC80  }
0x3b: {  	[spmem:s13] =	stream.linear.scatter [tilespmem:s19], [sflag:$0x4], $0xEA0, $0x38;
	[tilespmem:$0x1F800] =	vst v63  }
0x3c: {  	_ =	swait.ge [sflag:s20], $0xEA0  }
0x3d: {  	[sflag:s20] =	ssyncset.done $0x0  }
0x3e: {  	[sflag:s20] =	ssyncadd.s32 $0xFFFFF160  }
0x3f: {  	[bflag:$0x0] =	sbarrier.arrive $0xFFFF  }
0x40: {  	s0 =	simm.s32 $0x0;
	s2 =	rddreg [dreg:$0x4]  }
0x41: {  	[tilespmem:s0], [sflag:$0x4] =	stream.linear.gather [hbm4b:s2+s0], $0x78, $0x38;
	[tilespmem:$0x1F800] =	vst v63  }
0x42: {  	_ =	swait.ge [sflag:s20], $0x78  }
0x43: {  	[sflag:s20] =	ssyncset.done $0x0  }
0x44: {  	s14 =	rddreg [dreg:$0x5];
	[sflag:s20] =	ssyncadd.s32 $0xFFFFFF88  }
0x45: {  	[tilespmem:s21], [sflag:$0x4] =	stream.linear.gather [hbm4b:s14+s0], $0x78, $0x38;
	[tilespmem:$0x1F800] =	vst v63  }
0x46: {  	_ =	swait.ge [sflag:s20], $0x78  }
0x47: {  	[sflag:s20] =	ssyncset.done $0x0  }
0x48: {  	[sflag:s20] =	ssyncadd.s32 $0xFFFFFF88  }
0x49: {  	[tilespmem:s19], [sflag:$0x1] =	stream.indirect.gather [hbm4b:s7+s21], $0x90, s0, s21, $0xb8;
	[tilespmem:$0x1F800] =	vst v63  }
0x4a: {  	s2 =	simm.s32 $0x0  }
0x4b: {  	[tilespmem:s22], [sflag:$0x1] =	stream.indirect.gather [hbm4b:s6+s21], $0x10, s21, s21, $0xb8;
	[tilespmem:$0x1F800] =	vst v63  }
.LBB2_4:
0x4c: {  	s10 =	smul.u32 $0xF0, s2;
	_ =	sdelay $0x1  }
0x4d: {  	s10 =	sadd.s32 s8, s10  }
0x4e: {  	s11 =	sadd.s32 $0x78, s10  }
0x4f: {  	s11 =	sshrl.u32 s11, $0x3  }
0x50: {  	s12 =	sadd.s32 s4, s11  }
0x51: {  	[tilespmem:s23], [sflag:$0x4] =	stream.linear.gather [hbm4b:s12+s0], $0x78, $0x38;
	[tilespmem:$0x1F800] =	vst v63  }
0x52: {  	_ =	swait.ge [sflag:s20], $0x78  }
0x53: {  	[sflag:s20] =	ssyncset.done $0x0  }
0x54: {  	s11 =	sadd.s32 s5, s11;
	[sflag:s20] =	ssyncadd.s32 $0xFFFFFF88  }
0x55: {  	[tilespmem:s24], [sflag:$0x4] =	stream.linear.gather [hbm4b:s11+s0], $0x78, $0x38;
	[tilespmem:$0x1F800] =	vst v63  }
0x56: {  	_ =	swait.ge [sflag:s20], $0x78  }
0x57: {  	[sflag:s20] =	ssyncset.done $0x0  }
0x58: {  	[sflag:s20] =	ssyncadd.s32 $0xFFFFFF88  }
0x59: {  	[tilespmem:s26], [sflag:$0x2] =	stream.indirect.gather [hbm4b:s7+s21], $0x90, s23, s21, $0xb8;
	[tilespmem:$0x1F800] =	vst v63  }
0x5a: {  	_ = 	snop  }
0x5b: {  	[tilespmem:s28], [sflag:$0x2] =	stream.indirect.gather [hbm4b:s6+s21], $0x10, s24, s21, $0xb8;
	[tilespmem:$0x1F800] =	vst v63  }
0x5c: {  	_ =	swait.ge [sflag:s29], $0x4380  }
0x5d: {  	[sflag:s29] =	ssyncset.done $0x0  }
0x5e: {  	[sflag:s29] =	ssyncadd.s32 $0xFFFFBC80  }
0x5f: {  	_ =	swait.ge [sflag:s29], $0x780  }
0x60: {  	[sflag:s29] =	ssyncset.done $0x0  }
0x61: {  	s11 =	simm.s32 $0x8B0;
	[sflag:s29] =	ssyncadd.s32 $0xFFFFF880  }
0x62: {  	s14 =	simm.s32 $0x0;
	s13 =	simm.s32 $0x40;
	s12 =	simm.s32 $0x8B0;
	v1 =	vld [tilespmem:s11+$0x40]  }
.LBB2_5:
0x63: {  	p0 =	sne.s32 s13, $0x1DC0;
	v2 =	vld [tilespmem:s14+$0xF0];
	_ =	sdelay $0x4  }
0x64: {  	v1 =	vadd.f32 v2, v1;
	_ =	sdelay $0x1  }
0x65: {  	v2 =	vmul.f32 $2.000000030e-01, v1  }
0x66: {  	vm0 =	vge.f32 v1, $0.0e+00  }
0x67: {  	v1 =	vsel vm0, v1, v2  }
0x68: {  	v1 =	vmul.f32 $1.442695020e+00, v1;
	_ =	sdelay $0x1  }
0x69: {  	(erf) = vpow2.f32 v1;
	_ =	sdelay $0x4  }
0x6a: {  	v1 =	vld [tilespmem:s11+$0x30]  }
0x6b: {  	v2 =	vld [tilespmem:s11+$0x20]  }
0x6c: {  	v3 =	vld [tilespmem:s11+$0x10]  }
0x6d: {  	v4 =	vld [tilespmem:s11+$0x0]  }
0x6e: {  	v5 =	vld [tilespmem:s11+$0xFFFFFFF0];
	v6 =	vpop (erf)  }
0x6f: {  	v7 =	vld [tilespmem:s11+$0xFFFFFFE0];
	v8 =	vbroadcast v6, $0x6;
	v9 =	vbroadcast v6, $0x7;
	[tilespmem:s11+$0x40] =	vst v6  }
0x70: {  	v11 =	vbroadcast v6, $0x4;
	v12 =	vbroadcast v6, $0x5;
	v10 =	vld [tilespmem:s11+$0xFFFFFFD0]  }
0x71: {  	v13 =	vld [tilespmem:s11+$0xFFFFFFC0];
	v2 =	vmul.f32 v2, v8;
	v1 =	vmul.f32 v1, v9  }
0x72: {  	v3 =	vmul.f32 v3, v12;
	v4 =	vmul.f32 v4, v11  }
0x73: {  	v8 =	vbroadcast v6, $0x2;
	v9 =	vbroadcast v6, $0x3;
	[tilespmem:s11+$0x30] =	vst v1  }
0x74: {  	v1 =	vbroadcast v6, $0x0;
	v6 =	vbroadcast v6, $0x1;
	[tilespmem:s11+$0x20] =	vst v2  }
0x75: {  	v5 =	vmul.f32 v5, v9;
	v2 =	vmul.f32 v8, v7;
	[tilespmem:s11+$0x10] =	vst v3  }
.Ltmp1:
0x76: {  	v3 =	vmul.f32 v1, v13;
	v1 =	vmul.f32 v6, v10;
	[tilespmem:s11+$0x0] =	vst v4;
	(pc) =	sbr.rel @p0 .LBB2_5-.Ltmp1, $4  }
0x77: {  	[tilespmem:s11+$0xFFFFFFF0] =	vst v5  }
0x78: {  	[tilespmem:s11+$0xFFFFFFE0] =	vst v2  }
0x79: {  	s11 =	sadd.s32 $0x90, s11;
	[tilespmem:s12+$0xFFFFFFD0] =	vst v1  }
0x7a: {  	s14 =	sshra.s32 s13, $0x2;
	s13 =	sadd.s32 $0x40, s13;
	v1 =	vld [tilespmem:s11+$0x40];
	[tilespmem:s12+$0xFFFFFFC0] =	vst v3;
	s12 =	smov.u32 s11  }
0x7b: {  	v2 =	vld [tilespmem:s14+$0xF0];
	_ =	sdelay $0x4  }
0x7c: {  	v1 =	vadd.f32 v2, v1;
	_ =	sdelay $0x1  }
0x7d: {  	v2 =	vmul.f32 $2.000000030e-01, v1  }
0x7e: {  	vm0 =	vge.f32 v1, $0.0e+00  }
0x7f: {  	v1 =	vsel vm0, v1, v2  }
0x80: {  	v1 =	vmul.f32 $1.442695020e+00, v1;
	_ =	sdelay $0x1  }
0x81: {  	(erf) = vpow2.f32 v1;
	_ =	sdelay $0x6  }
0x82: {  	v1 =	vld [tilespmem:s11+$0x30]  }
0x83: {  	v2 =	vld [tilespmem:s11+$0x20]  }
0x84: {  	v3 =	vld [tilespmem:s11+$0x10];
	v4 =	vpop (erf)  }
0x85: {  	v7 =	vld [tilespmem:s11+$0xFFFFFFF0];
	v6 =	vbroadcast v4, $0x7  }
0x86: {  	v5 =	vld [tilespmem:s11+$0x0];
	v8 =	vbroadcast v4, $0x6  }
0x87: {  	v9 =	vld [tilespmem:s11+$0xFFFFFFE0];
	v10 =	vbroadcast v4, $0x5;
	v1 =	vmul.f32 v1, v6  }
0x88: {  	v59 =	vld [tilespmem:s11+$0xFFFFFFD0];
	[tilespmem:s11+$0x40] =	vst v4;
	v61 =	vbroadcast v4, $0x3;
	v2 =	vmul.f32 v2, v8  }
0x89: {  	v60 =	vld [tilespmem:s11+$0xFFFFFFC0];
	v11 =	vbroadcast v4, $0x4;
	v3 =	vmul.f32 v3, v10;
	[tilespmem:s11+$0x30] =	vst v1  }
0x8a: {  	v62 =	vbroadcast v4, $0x2;
	v7 =	vmul.f32 v7, v61;
	[tilespmem:s11+$0x20] =	vst v2  }
0x8b: {  	v1 =	vmul.f32 v5, v11;
	v2 =	vbroadcast v4, $0x1;
	[tilespmem:s11+$0x10] =	vst v3  }
0x8c: {  	v63 =	vmul.f32 v62, v9;
	v3 =	vbroadcast v4, $0x0;
	[tilespmem:s11+$0xFFFFFFF0] =	vst v7  }
0x8d: {  	[tilespmem:s11+$0x0] =	vst v1;
	v1 =	vmul.f32 v2, v59  }
0x8e: {  	[tilespmem:s11+$0xFFFFFFE0] =	vst v63;
	v2 =	vmul.f32 v3, v60  }
0x8f: {  	[tilespmem:s12+$0xFFFFFFD0] =	vst v1  }
0x90: {  	[tilespmem:s12+$0xFFFFFFC0] =	vst v2  }
0x91: {  	[spmem:s1] =	stream.indirect.scatter.add.f32 [tilespmem:s19], [sflag:$0x3], $0x90, s21, s21, $0xb8;
	[tilespmem:$0x1F800] =	vst v63  }
0x92: {  	s10 =	sshrl.u32 s10, $0x3;
	_ =	swait.ge [sflag:s30], $0x4380  }
0x93: {  	s10 =	sadd.s32 $0x1E, s10;
	[sflag:s30] =	ssyncset.done $0x0  }
0x94: {  	s14 =	simm.s32 $0x0;
	s13 =	sadd.s32 s4, s10;
	[sflag:s30] =	ssyncadd.s32 $0xFFFFBC80  }
0x95: {  	[tilespmem:s14], [sflag:$0x4] =	stream.linear.gather [hbm4b:s13+s14], $0x78, $0x38;
	[tilespmem:$0x1F800] =	vst v63  }
0x96: {  	_ =	swait.ge [sflag:s20], $0x78  }
0x97: {  	[sflag:s20] =	ssyncset.done $0x0  }
0x98: {  	s10 =	sadd.s32 s5, s10;
	[sflag:s20] =	ssyncadd.s32 $0xFFFFFF88  }
0x99: {  	[tilespmem:s21], [sflag:$0x4] =	stream.linear.gather [hbm4b:s10+s14], $0x78, $0x38;
	[tilespmem:$0x1F800] =	vst v63  }
0x9a: {  	_ =	swait.ge [sflag:s20], $0x78  }
0x9b: {  	[sflag:s20] =	ssyncset.done $0x0  }
0x9c: {  	[sflag:s20] =	ssyncadd.s32 $0xFFFFFF88  }
0x9d: {  	[tilespmem:s19], [sflag:$0x1] =	stream.indirect.gather [hbm4b:s7+s21], $0x90, s14, s21, $0xb8;
	[tilespmem:$0x1F800] =	vst v63  }
0x9e: {  	_ = 	snop  }
0x9f: {  	[tilespmem:s22], [sflag:$0x1] =	stream.indirect.gather [hbm4b:s6+s21], $0x10, s21, s21, $0xb8;
	[tilespmem:$0x1F800] =	vst v63  }
0xa0: {  	_ =	swait.ge [sflag:s31], $0x4380  }
0xa1: {  	[sflag:s31] =	ssyncset.done $0x0  }
0xa2: {  	[sflag:s31] =	ssyncadd.s32 $0xFFFFBC80  }
0xa3: {  	_ =	swait.ge [sflag:s31], $0x780  }
0xa4: {  	[sflag:s31] =	ssyncset.done $0x0  }
0xa5: {  	s10 =	simm.s32 $0x54A0;
	[sflag:s31] =	ssyncadd.s32 $0xFFFFF880  }
0xa6: {  	s11 =	simm.s32 $0x54A0;
	s12 =	simm.s32 $0x40;
	s13 =	simm.s32 $0x0;
	v1 =	vld [tilespmem:s10+$0x40]  }
.LBB2_7:
0xa7: {  	p0 =	sne.s32 s12, $0x1DC0;
	v2 =	vld [tilespmem:s13+$0x4CE0];
	_ =	sdelay $0x4  }
0xa8: {  	v1 =	vadd.f32 v2, v1;
	_ =	sdelay $0x1  }
0xa9: {  	v2 =	vmul.f32 $2.000000030e-01, v1  }
0xaa: {  	vm0 =	vge.f32 v1, $0.0e+00  }
0xab: {  	v1 =	vsel vm0, v1, v2  }
0xac: {  	v1 =	vmul.f32 $1.442695020e+00, v1;
	_ =	sdelay $0x1  }
0xad: {  	(erf) = vpow2.f32 v1;
	_ =	sdelay $0x4  }
0xae: {  	v1 =	vld [tilespmem:s10+$0x30]  }
0xaf: {  	v2 =	vld [tilespmem:s10+$0x20]  }
0xb0: {  	v3 =	vld [tilespmem:s10+$0x10]  }
0xb1: {  	v4 =	vld [tilespmem:s10+$0x0]  }
0xb2: {  	v5 =	vld [tilespmem:s10+$0xFFFFFFF0];
	v6 =	vpop (erf)  }
0xb3: {  	v7 =	vld [tilespmem:s10+$0xFFFFFFE0];
	v8 =	vbroadcast v6, $0x6;
	v9 =	vbroadcast v6, $0x7;
	[tilespmem:s10+$0x40] =	vst v6  }
0xb4: {  	v11 =	vbroadcast v6, $0x4;
	v12 =	vbroadcast v6, $0x5;
	v10 =	vld [tilespmem:s10+$0xFFFFFFD0]  }
0xb5: {  	v13 =	vld [tilespmem:s10+$0xFFFFFFC0];
	v2 =	vmul.f32 v2, v8;
	v1 =	vmul.f32 v1, v9  }
0xb6: {  	v3 =	vmul.f32 v3, v12;
	v4 =	vmul.f32 v4, v11  }
0xb7: {  	v8 =	vbroadcast v6, $0x2;
	v9 =	vbroadcast v6, $0x3;
	[tilespmem:s10+$0x30] =	vst v1  }
0xb8: {  	v1 =	vbroadcast v6, $0x0;
	v6 =	vbroadcast v6, $0x1;
	[tilespmem:s10+$0x20] =	vst v2  }
0xb9: {  	v5 =	vmul.f32 v5, v9;
	v2 =	vmul.f32 v8, v7;
	[tilespmem:s10+$0x10] =	vst v3  }
.Ltmp2:
0xba: {  	v3 =	vmul.f32 v1, v13;
	v1 =	vmul.f32 v6, v10;
	[tilespmem:s10+$0x0] =	vst v4;
	(pc) =	sbr.rel @p0 .LBB2_7-.Ltmp2, $4  }
0xbb: {  	[tilespmem:s10+$0xFFFFFFF0] =	vst v5  }
0xbc: {  	[tilespmem:s10+$0xFFFFFFE0] =	vst v2  }
0xbd: {  	s10 =	sadd.s32 $0x90, s10;
	[tilespmem:s11+$0xFFFFFFD0] =	vst v1  }
0xbe: {  	s13 =	sshra.s32 s12, $0x2;
	s12 =	sadd.s32 $0x40, s12;
	v1 =	vld [tilespmem:s10+$0x40];
	[tilespmem:s11+$0xFFFFFFC0] =	vst v3;
	s11 =	smov.u32 s10  }
0xbf: {  	v2 =	vld [tilespmem:s13+$0x4CE0];
	_ =	sdelay $0x4  }
0xc0: {  	v1 =	vadd.f32 v2, v1;
	_ =	sdelay $0x1  }
0xc1: {  	v2 =	vmul.f32 $2.000000030e-01, v1  }
0xc2: {  	vm0 =	vge.f32 v1, $0.0e+00  }
0xc3: {  	v1 =	vsel vm0, v1, v2  }
0xc4: {  	v1 =	vmul.f32 $1.442695020e+00, v1;
	_ =	sdelay $0x1  }
0xc5: {  	(erf) = vpow2.f32 v1;
	_ =	sdelay $0x6  }
0xc6: {  	v1 =	vld [tilespmem:s10+$0x30]  }
0xc7: {  	v2 =	vld [tilespmem:s10+$0x20]  }
0xc8: {  	v3 =	vld [tilespmem:s10+$0x10];
	v4 =	vpop (erf)  }
0xc9: {  	v7 =	vld [tilespmem:s10+$0xFFFFFFF0];
	v6 =	vbroadcast v4, $0x7  }
0xca: {  	v5 =	vld [tilespmem:s10+$0x0];
	v8 =	vbroadcast v4, $0x6  }
0xcb: {  	v9 =	vld [tilespmem:s10+$0xFFFFFFE0];
	v10 =	vbroadcast v4, $0x5;
	v1 =	vmul.f32 v1, v6  }
0xcc: {  	v59 =	vld [tilespmem:s10+$0xFFFFFFD0];
	[tilespmem:s10+$0x40] =	vst v4;
	v61 =	vbroadcast v4, $0x3;
	v2 =	vmul.f32 v2, v8  }
0xcd: {  	v60 =	vld [tilespmem:s10+$0xFFFFFFC0];
	v11 =	vbroadcast v4, $0x4;
	v3 =	vmul.f32 v3, v10;
	[tilespmem:s10+$0x30] =	vst v1  }
0xce: {  	v62 =	vbroadcast v4, $0x2;
	v7 =	vmul.f32 v7, v61;
	[tilespmem:s10+$0x20] =	vst v2  }
0xcf: {  	v1 =	vmul.f32 v5, v11;
	v2 =	vbroadcast v4, $0x1;
	[tilespmem:s10+$0x10] =	vst v3  }
0xd0: {  	v63 =	vmul.f32 v62, v9;
	v3 =	vbroadcast v4, $0x0;
	[tilespmem:s10+$0xFFFFFFF0] =	vst v7  }
0xd1: {  	[tilespmem:s10+$0x0] =	vst v1;
	v1 =	vmul.f32 v2, v59  }
0xd2: {  	s2 =	sadd.s32 $0x1, s2;
	[tilespmem:s10+$0xFFFFFFE0] =	vst v63;
	v2 =	vmul.f32 v3, v60  }
0xd3: {  	p0 =	sne.s32 s2, $0x2A;
	[tilespmem:s11+$0xFFFFFFD0] =	vst v1  }
.Ltmp3:
0xd4: {  	[tilespmem:s11+$0xFFFFFFC0] =	vst v2;
	(pc) =	sbr.rel @p0 .LBB2_4-.Ltmp3, $4  }
0xd5: {  	[spmem:s1] =	stream.indirect.scatter.add.f32 [tilespmem:s26], [sflag:$0x3], $0x90, s24, s21, $0xb8;
	[tilespmem:$0x1F800] =	vst v63  }
0xd6: {  	_ =	swait.ge [sflag:s30], $0x4380  }
0xd7: {  	[sflag:s30] =	ssyncset.done $0x0  }
0xd8: {  	[sflag:s30] =	ssyncadd.s32 $0xFFFFBC80  }
0xd9: {  	_ =	swait.ge [sflag:s29], $0x4380  }
0xda: {  	[sflag:s29] =	ssyncset.done $0x0  }
0xdb: {  	[sflag:s29] =	ssyncadd.s32 $0xFFFFBC80  }
0xdc: {  	_ =	swait.ge [sflag:s29], $0x780  }
0xdd: {  	[sflag:s29] =	ssyncset.done $0x0  }
0xde: {  	s0 =	stileid.u32;
	[sflag:s29] =	ssyncadd.s32 $0xFFFFF880  }
0xdf: {  	s0 =	sshll.u32 s0, $0x6;
	[bflag:$0x0] =	sbarrier.arrive $0xFFFF  }
0xe0: {  	s0 =	sor.u32 $0x1C04, s0;
	s2 =	rddreg [dreg:$0x6]  }
0xe1: {  	[hbm:s2], [sflag:s0] =	dma.local [spmem:s25], $0x2C04  }
0xe2: {  	_ =	swait.ge [sflag:s20], $0x2C04  }
0xe3: {  	s3 =	sadd.s32 $0x1, s3;
	s14 =	rddreg [dreg:$0x7]  }
0xe4: {  	p0 =	sne.s32 s3, s14  }
.Ltmp4:
0xe5: {  	_ = 	snop;
	(pc) =	sbr.rel @p0 .LBB2_1-.Ltmp4, $3  }
0xe6: {  	_ =	sdelay $0x1  }
0xe7: {  	[sflag:s20] =	ssyncset.done $0x0  }
0xe8: {  	[sflag:s20] =	ssyncadd.s32 $0xFFFFD3FC  }
0xe9: {  	_ =	sfence.sel $0x180000  }
0xea: {  	[bflag:$0x0] =	sbarrier.arrive $0xFFFF  }
0xeb: {  	_ =	strace $0x9000004D  }
0xec: {  	s0 =	stileid.u32;
	[bflag:$0x2] =	sbarrier.arrive $0xFFFF  }
0xed: {  	p0 =	sne.s32 s0, $0x0;
	s0 =	rddreg [dreg:$0x2]  }
0xee: {  	s0 =	sadd.s32 @!p0 $0x100000, s0  }
0xef: {  	[sflag:s0] =	ssyncadd.tile.s32 @!p0 $0x1;
	_ =	shalt  }
.Lfunc_end2:
_tile_overlayer_lowered:
.L_overlay_start_2:
0xf0: {  	(tag) =	ssettag $0x2  }
0xf1: {  	s0 =	rddreg [dreg:$0x0];
	s2 =	stileid.u32  }
0xf2: {  	s1 =	rddreg [dreg:$0x1];
	p0 =	sne.s32 s2, $0x0  }
0xf3: {  	s3 =	rddreg [dreg:$0x2];
	[bflag:$0x3] =	sbarrier.arrive $0xFFFF;
	s2 =	simm.s32 @!p0 $0x1C04  }
0xf4: {  	[timem:s3], [sflag:s2] =	dma.local @!p0 [hbm:s0], s1  }
0xf5: {  	s0 =	simm.s32 @!p0 $0x4  }
0xf6: {  	_ =	swait.ge @!p0 [sflag:s0], s1  }
0xf7: {  	s1 =	ssub.s32 @!p0 $0x0, s1;
	[sflag:s0] =	ssyncset.done @!p0 $0x0  }
0xf8: {  	[sflag:s0] =	ssyncadd.s32 @!p0 s1  }
0xf9: {  	[bflag:$0x3] =	sbarrier.arrive $0xFFFF  }
0xfa: {  	_ =	shalt  }

// kernel: kernel.26.cloned.1.call-start
scs
__scs_entry_jumppad:
0x0: {  	(pc) =	sbr.rel $0x88, $3  }
0x1: {  	(tag) =	ssettag $0x0;
	lr =	simm.s32 $0x1  }
0x2: {  	[smem:$0x3F9B] =	sst lr;
	_ =	strace $0xD0000000  }
0x3: {  	_ = 	snop  }
0x4: {  	_ = 	snop  }
0x5: {  	_ = 	snop  }
0x6: {  	_ = 	snop  }
0x7: {  	_ = 	snop  }
__scs_overlays_trampoline_lowered:
0x8: {  	[smem:$0x3FAA] =	sst s0  }
0x9: {  	[smem:$0x3FAB] =	sst s1  }
0xa: {  	[smem:$0x3FAC] =	sst s2  }
0xb: {  	[smem:$0x3FAD] =	sst s3  }
0xc: {  	[smem:$0x3FAE] =	sst s4  }
0xd: {  	[smem:$0x3FAF] =	sst s5  }
0xe: {  	[smem:$0x3FB0] =	sst s6  }
0xf: {  	[smem:$0x3FB1] =	sst s7  }
0x10: {  	[smem:$0x3FB2] =	sst s8  }
0x11: {  	[smem:$0x3FB3] =	sst s9;
	s0 =	simm.s32 @!p0 $0x0  }
0x12: {  	s1 =	sld [smem:$0x3F99];
	s0 =	simm.s32 @p0 $0x1  }
0x13: {  	[smem:$0x3FB4] =	sst s0;
	s0 =	simm.s32 @!p1 $0x0  }
0x14: {  	s2 =	sld [smem:$0x3F98];
	s0 =	simm.s32 @p1 $0x1  }
0x15: {  	[smem:$0x3FB5] =	sst s0;
	s0 =	simm.s32 @!p2 $0x0  }
0x16: {  	s3 =	sld [smem:$0x3FDB];
	s0 =	simm.s32 @p2 $0x1  }
0x17: {  	s4 =	simm.s32 $0x1BF5;
	[smem:$0x3FB7] =	sst s0  }
0x18: {  	s0 =	sld [smem:$0x3F9A];
	_ =	swait.ge [sflag:s4], $0x0  }
0x19: {  	s7 =	sld [smem:$0x3F9B]  }
0x1a: {  	s8 =	sadd.s32 $0xFFFFE003, lr  }
0x1b: {  	s9 =	sadd.s32 $0xFFFFFEF7, lr;
	s5 =	simm.s32 $0xFFFFFFFF;
	p2 =	slt.u32 s8, $0xFFFFF086  }
0x1c: {  	p1 =	slt.u32 s9, $0xF7A;
	s5 =	simm.s32 @!p2 $0x0  }
0x1d: {  	s5 =	simm.s32 @p1 $0x1;
	p0 =	seq.s32 s7, s2  }
0x1e: {  	s7 =	smul.u32 @!p0 $0xF7A, s2;
	p2 =	seq.s32 @!p0 s5, $0x0  }
0x1f: {  	s9 =	smul.u32 $0xF7A, s1;
	s8 =	simm.s32 @!p0 $0x1BF5;
	p2 =	por !p2, p0  }
0x20: {  	[sflag:s8] =	ssyncset.s32 @!p0 $0xFFFFF086;
	s6 =	sadd.s32 @!p0 s3, s7;
	s7 =	simm.s32 @!p0 $0x108  }
0x21: {  	s3 =	sadd.s32 s3, s9;
	s6 =	sadd.s32 @!p0 $0x88, s6;
	s7 =	simm.s32 @p2 $0x1082  }
0x22: {  	[simem:s7], [sflag:s8] =	dma.local @!p0 [hbm:s6], $0xF7A  }
0x23: {  	s9 =	sor.u32 $0xD0000000, s2;
	s6 =	simm.s32 $0x108;
	_ =	swait.ge @!p0 [sflag:s8], $0x0  }
0x24: {  	s3 =	sadd.s32 $0x88, s3;
	s6 =	simm.s32 @!p1 $0x1082;
	[sflag:s4] =	ssyncset.s32 $0xFFFFF086  }
0x25: {  	[simem:s6], [sflag:s4] =	dma.local [hbm:s3], $0xF7A  }
0x26: {  	[smem:$0x3F9B] =	sst s1;
	(tag) =	ssettag s2;
	_ =	strace s9  }
0x27: {  	s1 =	sld [smem:$0x3FAB]  }
0x28: {  	s2 =	sld [smem:$0x3FAC]  }
0x29: {  	s4 =	sld [smem:$0x3FAE]  }
0x2a: {  	p0 =	seq.s32 s5, $0x0;
	s5 =	sld [smem:$0x3FAF]  }
0x2b: {  	s6 =	sld [smem:$0x3FB0]  }
0x2c: {  	s7 =	sld [smem:$0x3FB1]  }
0x2d: {  	s3 =	simm.s32 $0x108;
	s8 =	sld [smem:$0x3FB2]  }
0x2e: {  	s3 =	simm.s32 @!p0 $0x1082;
	s9 =	sld [smem:$0x3FB3]  }
0x2f: {  	lr =	sadd.s32 s0, s3;
	s0 =	sld [smem:$0x3FAA]  }
0x30: {  	s3 =	sld [smem:$0x3FAD]  }
0x31: {  	[smem:$0x3FB6] =	sst s10  }
0x32: {  	s10 =	sld [smem:$0x3FB4];
	_ =	sdelay $0x3  }
0x33: {  	p0 =	seq.s32 s10, $0x1;
	s10 =	sld [smem:$0x3FB6];
	_ =	sdelay $0x3  }
0x34: {  	[smem:$0x3FB6] =	sst s10  }
0x35: {  	s10 =	sld [smem:$0x3FB5];
	_ =	sdelay $0x3  }
0x36: {  	p1 =	seq.s32 s10, $0x1;
	s10 =	sld [smem:$0x3FB6];
	_ =	sdelay $0x3  }
0x37: {  	[smem:$0x3FB6] =	sst s10  }
0x38: {  	s10 =	sld [smem:$0x3FB7]  }
0x39: {  	_ = 	snop;
	(pc) =	sbr.ind lr, $3  }
0x3a: {  	_ = 	snop  }
0x3b: {  	_ = 	snop  }
0x3c: {  	p2 =	seq.s32 s10, $0x1;
	s10 =	sld [smem:$0x3FB6]  }
0x3d: {  	_ =	shalt  }
0x3e: {  	_ =	shalt  }
0x3f: {  	_ =	shalt  }
0x40: {  	_ =	shalt  }
0x41: {  	_ =	shalt  }
0x42: {  	_ =	shalt  }
0x43: {  	_ =	shalt  }
0x44: {  	_ =	shalt  }
0x45: {  	_ =	shalt  }
0x46: {  	_ =	shalt  }
0x47: {  	_ =	shalt  }
0x48: {  	_ =	shalt  }
0x49: {  	_ =	shalt  }
0x4a: {  	_ =	shalt  }
0x4b: {  	_ =	shalt  }
0x4c: {  	_ =	shalt  }
0x4d: {  	_ =	shalt  }
0x4e: {  	_ =	shalt  }
0x4f: {  	_ =	shalt  }
0x50: {  	_ =	shalt  }
0x51: {  	_ =	shalt  }
0x52: {  	_ =	shalt  }
0x53: {  	_ =	shalt  }
0x54: {  	_ =	shalt  }
0x55: {  	_ =	shalt  }
0x56: {  	_ =	shalt  }
0x57: {  	_ =	shalt  }
0x58: {  	_ =	shalt  }
0x59: {  	_ =	shalt  }
0x5a: {  	_ =	shalt  }
0x5b: {  	_ =	shalt  }
0x5c: {  	_ =	shalt  }
0x5d: {  	_ =	shalt  }
0x5e: {  	_ =	shalt  }
0x5f: {  	_ =	shalt  }
0x60: {  	_ =	shalt  }
0x61: {  	_ =	shalt  }
0x62: {  	_ =	shalt  }
0x63: {  	_ =	shalt  }
0x64: {  	_ =	shalt  }
0x65: {  	_ =	shalt  }
0x66: {  	_ =	shalt  }
0x67: {  	_ =	shalt  }
0x68: {  	_ =	shalt  }
0x69: {  	_ =	shalt  }
0x6a: {  	_ =	shalt  }
0x6b: {  	_ =	shalt  }
0x6c: {  	_ =	shalt  }
0x6d: {  	_ =	shalt  }
0x6e: {  	_ =	shalt  }
0x6f: {  	_ =	shalt  }
0x70: {  	_ =	shalt  }
0x71: {  	_ =	shalt  }
0x72: {  	_ =	shalt  }
0x73: {  	_ =	shalt  }
0x74: {  	_ =	shalt  }
0x75: {  	_ =	shalt  }
0x76: {  	_ =	shalt  }
0x77: {  	_ =	shalt  }
0x78: {  	_ =	shalt  }
0x79: {  	_ =	shalt  }
0x7a: {  	_ =	shalt  }
0x7b: {  	_ =	shalt  }
0x7c: {  	_ =	shalt  }
0x7d: {  	_ =	shalt  }
0x7e: {  	_ =	shalt  }
0x7f: {  	_ =	shalt  }
0x80: {  	_ =	shalt  }
0x81: {  	_ =	shalt  }
0x82: {  	_ =	shalt  }
0x83: {  	_ =	shalt  }
0x84: {  	_ =	shalt  }
0x85: {  	_ =	shalt  }
0x86: {  	_ =	shalt  }
0x87: {  	_ =	shalt  }
.Lfunc_end0:
.L_simem_size_0:
called_computation.3_lowered:
.L_overlay_start_0:
0x88: {  	s2 =	sld [smem:$0x3FD9]  }
0x89: {  	s3 =	sld [smem:$0x3FFE];
	_ =	sdelay $0x1  }
0x8a: {  	s1 =	srdreg.scid  }
0x8b: {  	s0 =	sand.u32 $0x1, s1  }
0x8c: {  	s17 =	sshll.u32 s0, $0xA;
	s2 =	sadd.s32 s3, s2  }
0x8d: {  	s2 =	sadd.s32 s2, s17  }
0x8e: {  	[smem:$0x3FC2] =	sst s2  }
0x8f: {  	_ = 	snop  }
0x90: {  	s2 =	sld [smem:$0x3FD0];
	(tm) =	ssettm $0x1  }
0x91: {  	s18 =	sld [smem:$0x3FFB];
	_ =	sdelay $0x3  }
0x92: {  	_ =	strace s18  }
0x93: {  	s3 =	sld [smem:$0x3FFC];
	_ =	sdelay $0x3  }
0x94: {  	_ =	strace s3  }
0x95: {  	s3 =	sld [smem:$0x3FFD];
	_ =	sdelay $0x3  }
0x96: {  	_ =	strace s3  }
0x97: {  	_ =	strace $0x8FFFFFFF  }
0x98: {  	s19 =	sld [smem:$0x3FDB];
	_ =	sdelay $0x1  }
0x99: {  	s4 =	simm.s32 $_scs_section_size  }
0x9a: {  	s5 =	simm.s32 $_size__tile_overlayer_lowered;
	s6 =	simm.s32 $_tile_overlayer_lowered  }
0x9b: {  	s22 =	simm.s32 $0x1BFF;
	s21 =	sshll.u32 s6, $0x1;
	s3 =	sadd.s32 s4, s19  }
0x9c: {  	s7 =	simm.s32 $0x0;
	s20 =	sshll.u32 s5, $0x1;
	s5 =	sadd.s32 s21, s3  }
0x9d: {  	[timem:s7], [sflag:s22] =	dma.local [hbm:s5], s20  }
0x9e: {  	_ =	swait.ge [sflag:s22], s20  }
0x9f: {  	s4 =	ssub.s32 $0x0, s20;
	[sflag:s22] =	ssyncset.done $0x0  }
0xa0: {  	[sflag:s22] =	ssyncadd.s32 s4;
	_ =	sdelay $0x1  }
0xa1: {  	s23 =	simm.s32 $0x1B8B  }
0xa2: {  	_ =	swait.ge [sflag:s23], $0x1  }
0xa3: {  	[sflag:s23] =	ssyncset.done $0x0  }
0xa4: {  	s25 =	simm.s32 $0x1B8E;
	s24 =	sld [smem:$0x3FFE];
	[sflag:s23] =	ssyncadd.s32 $0xFFFFFFFF  }
0xa5: {  	s26 =	simm.s32 $execute0_lowered;
	[smem:$0x3FD2] =	sst s25  }
0xa6: {  	s5 =	sshll.u32 s26, $0x1;
	_ =	strace $0x8000004F;
	[dreg:$0x1] =	wrdreg $0xFFFFFFFF  }
0xa7: {  	s28 =	simm.s32 $_size_execute0_lowered;
	s3 =	sadd.s32 s3, s5;
	[dreg:$0x0] =	wrdreg $0x0  }
0xa8: {  	s5 =	sshll.u32 s28, $0x1;
	[dreg:$0x2] =	wrdreg s3  }
0xa9: {  	[dreg:$0x3] =	wrdreg s5  }
0xaa: {  	[dreg:$0x4] =	wrdreg $0xC0  }
0xab: {  	_ =	task [dreg:s7], $0x5FFFF  }
0xac: {  	[dreg:$0x1] =	wrdreg $0xFFFFFFFF  }
0xad: {  	[dreg:$0x0] =	wrdreg $0x60  }
0xae: {  	[dreg:$0x2] =	wrdreg s2  }
0xaf: {  	[dreg:$0x3] =	wrdreg s24  }
0xb0: {  	[dreg:$0x4] =	wrdreg $0x3DE00  }
0xb1: {  	[dreg:$0x5] =	wrdreg $0x9  }
0xb2: {  	_ =	task.clear_ibuf [dreg:s7], $0x6FFFF;
	_ =	strace $0x9000004F  }
0xb3: {  	s29 =	simm.s32 $0x9;
	_ =	strace $0x80000051  }
0xb4: {  	_ =	swait.ge [sflag:s29], $0x1  }
0xb5: {  	[sflag:s29] =	ssyncadd.s32 $0xFFFFFFFF  }
0xb6: {  	_ =	strace $0x90000051  }
0xb7: {  	_ =	sfence  }
0xb8: {  	s30 =	sld [smem:$0x0];
	_ =	sdelay $0x2  }
0xb9: {  	s31 =	sshll.u32 s1, $0xD;
	s1 =	sshrl.u32 s1, $0x2  }
0xba: {  	s3 =	sand.u32 $0x4000, s31;
	s1 =	sadd.s32 s1, s30  }
0xbb: {  	s0 =	sor.u32 s3, s0;
	s1 =	sshll.u32 s1, $0x11  }
0xbc: {  	s0 =	sor.u32 s1, s0  }
0xbd: {  	s0 =	sadd.s32 $0x8F2B, s0  }
0xbe: {  	[sflag:s0] =	ssyncadd.remote.s32 $0x1  }
0xbf: {  	_ =	sfence.sel $0xFFFF  }
0xc0: {  	[dreg:$0x0] =	wrdreg $0xFFFFFFFF;
	(pc) =	sbr.abs _section_cstart, $3  }
0xc1: {  	[dreg:$0x1] =	wrdreg $0xFFFFFFFF  }
0xc2: {  	_ =	task.clear_ibuf [dreg:s7], $0x2FFFF;
	_ =	strace $0x9FFFFFFF  }
0xc3: {  	(tm) =	ssettm $0x7FFFFFFF  }
tec
execute0_lowered:
.L_overlay_start_1:
0x0: {  	(tag) =	ssettag $0x1  }
0x1: {  	s1 =	rddreg [dreg:$0x0]  }
0x2: {  	s0 =	rddreg [dreg:$0x1]  }
0x3: {  	s2 =	rddreg [dreg:$0x2]  }
0x4: {  	s3 =	srdreg.scid;
	s4 =	simm.s32 $0x0;
	s11 =	stileid.u32  }
0x5: {  	s19 =	simm.s32 $0x870;
	s28 =	simm.s32 $0x1FE0;
	s29 =	simm.s32 $0x1  }
0x6: {  	s30 =	simm.s32 $0x3;
	s31 =	simm.s32 $0x2;
	s3 =	sand.u32 $0x1, s3  }
0x7: {  	[smem:$0x7FF] =	sst s4;
	s10 =	smul.u32 $0x7560, s11;
	s5 =	sadd.s32 $0x14200, s0  }
0x8: {  	s6 =	sadd.s32 $0x31C00, s0;
	s9 =	sshll.u32 s11, $0x1;
	s11 =	smul.u32 $0x1D580, s11  }
0x9: {  	s7 =	smul.u32 $0x75600, s3;
	s20 =	sor.u32 s3, s9;
	s3 =	ssub.s32 $0x2, s3  }
0xa: {  	_ =	strace $0x80000050;
	s21 =	sshrl.u32 s11, $0x2;
	s22 =	sshrl.u32 s3, $0x1  }
0xb: {  	s26 =	sadd.s32 s10, s2;
	s8 =	sadd.s32 s10, s7;
	s7 =	sadd.s32 $0x36C00, s0  }
0xc: {  	s9 =	sadd.s32 s21, s2;
	s3 =	ssub.s32 s3, s22;
	s21 =	simm.s32 $0x78  }
0xd: {  	s22 =	simm.s32 $0xF0;
	s12 =	sshrl.u32 s8, $0x3;
	s8 =	smul.u32 $0x2760, s20  }
0xe: {  	s23 =	sadd.s32 $0x7080, s9;
	s3 =	smax.u32 s3, $0x1;
	s15 =	sadd.s32 $0x1680, s9  }
0xf: {  	s16 =	sadd.s32 $0x2D00, s9;
	s17 =	sadd.s32 $0x4380, s9;
	s18 =	sadd.s32 $0x5A00, s9  }
0x10: {  	s20 =	simm.s32 $0x4;
	s0 =	sadd.s32 s12, s0;
	[dreg:$0x4] =	wrdreg s23  }
0x11: {  	[dreg:$0x8] =	wrdreg s3;
	s24 =	sshrl.u32 s8, $0x3;
	s0 =	sadd.s32 $0x45800, s0  }
0x12: {  	s23 =	simm.s32 $0x1EF0;
	s25 =	sadd.s32 s1, s24;
	[dreg:$0x7] =	wrdreg s0  }
0x13: {  	s11 =	sadd.s32 s5, s24;
	s24 =	simm.s32 $0x1F68;
	[dreg:$0x5] =	wrdreg s25  }
0x14: {  	v0 =	vimm.f32 $0.0e+00;
	[dreg:$0x6] =	wrdreg s11;
	s25 =	sshrl.u32 s26, $0x3;
	s26 =	simm.s32 $0x2760  }
.LBB2_1:
0x15: {  	s0 =	simm.s32 $0xC0;
	s3 =	simm.s32 $0x0  }
.LBB2_2:
0x16: {  	p0 =	sne.s32 s0, $0x5940;
	[tilespmem:s3+$0x890] =	vst v0;
	s10 =	smov.u32 s0;
	s0 =	sadd.s32 $0xC0, s0  }
.Ltmp0:
0x17: {  	[tilespmem:s3+$0x870] =	vst v0;
	(pc) =	sbr.rel @p0 .LBB2_2-.Ltmp0, $2  }
0x18: {  	[tilespmem:s3+$0x880] =	vst v0;
	_ =	sdelay $0x2  }
0x19: {  	s3 =	sshra.s32 s10, $0x2  }
0x1a: {  	[tilespmem:s3+$0x890] =	vst v0  }
0x1b: {  	[tilespmem:s3+$0x870] =	vst v0  }
0x1c: {  	[tilespmem:s3+$0x880] =	vst v0  }
0x1d: {  	[spmem:s9] =	stream.linear.scatter [tilespmem:s19], [sflag:$0x4], $0x1680, $0x38;
	[tilespmem:$0xB340] =	vst v63  }
0x1e: {  	_ =	swait.ge [sflag:s20], $0x1680  }
0x1f: {  	[sflag:s20] =	ssyncset.done $0x0  }
0x20: {  	[sflag:s20] =	ssyncadd.s32 $0xFFFFE980  }
0x21: {  	[spmem:s15] =	stream.linear.scatter [tilespmem:s19], [sflag:$0x4], $0x1680, $0x38;
	[tilespmem:$0xB340] =	vst v63  }
0x22: {  	_ =	swait.ge [sflag:s20], $0x1680  }
0x23: {  	[sflag:s20] =	ssyncset.done $0x0  }
0x24: {  	[sflag:s20] =	ssyncadd.s32 $0xFFFFE980  }
0x25: {  	[spmem:s16] =	stream.linear.scatter [tilespmem:s19], [sflag:$0x4], $0x1680, $0x38;
	[tilespmem:$0xB340] =	vst v63  }
0x26: {  	_ =	swait.ge [sflag:s20], $0x1680  }
0x27: {  	[sflag:s20] =	ssyncset.done $0x0  }
0x28: {  	[sflag:s20] =	ssyncadd.s32 $0xFFFFE980  }
0x29: {  	[spmem:s17] =	stream.linear.scatter [tilespmem:s19], [sflag:$0x4], $0x1680, $0x38;
	[tilespmem:$0xB340] =	vst v63  }
0x2a: {  	_ =	swait.ge [sflag:s20], $0x1680  }
0x2b: {  	[sflag:s20] =	ssyncset.done $0x0  }
0x2c: {  	[sflag:s20] =	ssyncadd.s32 $0xFFFFE980  }
0x2d: {  	[spmem:s18] =	stream.linear.scatter [tilespmem:s19], [sflag:$0x4], $0x1680, $0x38;
	[tilespmem:$0xB340] =	vst v63  }
0x2e: {  	_ =	swait.ge [sflag:s20], $0x1680  }
0x2f: {  	[sflag:s20] =	ssyncset.done $0x0  }
0x30: {  	s0 =	rddreg [dreg:$0x4];
	[sflag:s20] =	ssyncadd.s32 $0xFFFFE980  }
0x31: {  	[spmem:s0] =	stream.linear.scatter [tilespmem:s19], [sflag:$0x4], $0x4E0, $0x38;
	[tilespmem:$0xB340] =	vst v63  }
0x32: {  	_ =	swait.ge [sflag:s20], $0x4E0  }
0x33: {  	[sflag:s20] =	ssyncset.done $0x0  }
0x34: {  	[sflag:s20] =	ssyncadd.s32 $0xFFFFFB20  }
0x35: {  	[bflag:$0x0] =	sbarrier.arrive $0xFFFF  }
0x36: {  	s0 =	simm.s32 $0x0;
	s13 =	rddreg [dreg:$0x5]  }
0x37: {  	[tilespmem:s0], [sflag:$0x4] =	stream.linear.gather [hbm4b:s13+s0], $0x78, $0x38;
	[tilespmem:$0xB340] =	vst v63  }
0x38: {  	_ =	swait.ge [sflag:s20], $0x78  }
0x39: {  	[sflag:s20] =	ssyncset.done $0x0  }
0x3a: {  	s14 =	rddreg [dreg:$0x6];
	[sflag:s20] =	ssyncadd.s32 $0xFFFFFF88  }
0x3b: {  	[tilespmem:s21], [sflag:$0x4] =	stream.linear.gather [hbm4b:s14+s0], $0x78, $0x38;
	[tilespmem:$0xB340] =	vst v63  }
0x3c: {  	_ =	swait.ge [sflag:s20], $0x78  }
0x3d: {  	[sflag:s20] =	ssyncset.done $0x0  }
0x3e: {  	[sflag:s20] =	ssyncadd.s32 $0xFFFFFF88  }
0x3f: {  	[tilespmem:s19], [sflag:$0x1] =	stream.indirect.gather [hbm4b:s7+s21], $0x30, s0, s21, $0xb8;
	[tilespmem:$0xB340] =	vst v63  }
0x40: {  	s3 =	simm.s32 $0x0  }
0x41: {  	[tilespmem:s22], [sflag:$0x1] =	stream.indirect.gather [hbm4b:s6+s21], $0x10, s21, s21, $0xb8;
	[tilespmem:$0xB340] =	vst v63  }
.LBB2_4:
0x42: {  	s10 =	smul.u32 $0xF0, s3;
	_ =	sdelay $0x1  }
0x43: {  	s10 =	sadd.s32 s8, s10  }
0x44: {  	s11 =	sadd.s32 $0x78, s10  }
0x45: {  	s11 =	sshrl.u32 s11, $0x3  }
0x46: {  	s12 =	sadd.s32 s1, s11  }
0x47: {  	[tilespmem:s23], [sflag:$0x4] =	stream.linear.gather [hbm4b:s12+s0], $0x78, $0x38;
	[tilespmem:$0xB340] =	vst v63  }
0x48: {  	_ =	swait.ge [sflag:s20], $0x78  }
0x49: {  	[sflag:s20] =	ssyncset.done $0x0  }
0x4a: {  	s11 =	sadd.s32 s5, s11;
	[sflag:s20] =	ssyncadd.s32 $0xFFFFFF88  }
0x4b: {  	[tilespmem:s24], [sflag:$0x4] =	stream.linear.gather [hbm4b:s11+s0], $0x78, $0x38;
	[tilespmem:$0xB340] =	vst v63  }
0x4c: {  	_ =	swait.ge [sflag:s20], $0x78  }
0x4d: {  	[sflag:s20] =	ssyncset.done $0x0  }
0x4e: {  	[sflag:s20] =	ssyncadd.s32 $0xFFFFFF88  }
0x4f: {  	[tilespmem:s26], [sflag:$0x2] =	stream.indirect.gather [hbm4b:s7+s21], $0x30, s23, s21, $0xb8;
	[tilespmem:$0xB340] =	vst v63  }
0x50: {  	_ = 	snop  }
0x51: {  	[tilespmem:s28], [sflag:$0x2] =	stream.indirect.gather [hbm4b:s6+s21], $0x10, s24, s21, $0xb8;
	[tilespmem:$0xB340] =	vst v63  }
0x52: {  	_ =	swait.ge [sflag:s29], $0x1680  }
0x53: {  	[sflag:s29] =	ssyncset.done $0x0  }
0x54: {  	[sflag:s29] =	ssyncadd.s32 $0xFFFFE980  }
0x55: {  	_ =	swait.ge [sflag:s29], $0x780  }
0x56: {  	[sflag:s29] =	ssyncset.done $0x0  }
0x57: {  	s11 =	simm.s32 $0x890;
	[sflag:s29] =	ssyncadd.s32 $0xFFFFF880  }
0x58: {  	s14 =	simm.s32 $0x0;
	s13 =	simm.s32 $0x40;
	s12 =	simm.s32 $0x890;
	v1 =	vld [tilespmem:s11+$0x0]  }
.LBB2_5:
0x59: {  	p0 =	sne.s32 s13, $0x1DC0;
	v2 =	vld [tilespmem:s14+$0xF0];
	_ =	sdelay $0x4  }
0x5a: {  	v1 =	vadd.f32 v2, v1;
	_ =	sdelay $0x1  }
0x5b: {  	v2 =	vmul.f32 $2.000000030e-01, v1  }
0x5c: {  	vm0 =	vge.f32 v1, $0.0e+00  }
0x5d: {  	v1 =	vsel vm0, v1, v2  }
0x5e: {  	v1 =	vmul.f32 $1.442695020e+00, v1;
	_ =	sdelay $0x1  }
0x5f: {  	(erf) = vpow2.f32 v1;
	_ =	sdelay $0x5  }
0x60: {  	v1 =	vld [tilespmem:s11+$0xFFFFFFF0]  }
0x61: {  	v2 =	vld [tilespmem:s11+$0xFFFFFFE0];
	_ =	sdelay $0x1  }
0x62: {  	v3 =	vpop (erf)  }
0x63: {  	v4 =	vbroadcast v3, $0x0;
	[tilespmem:s11+$0x0] =	vst v3  }
.Ltmp1:
0x64: {  	(pc) =	sbr.rel @p0 .LBB2_5-.Ltmp1, $3  }
0x65: {  	v2 =	vmul.f32 v4, v2;
	v1 =	vmul.f32 v4, v1;
	_ =	sdelay $0x1  }
0x66: {  	s11 =	sadd.s32 $0x30, s11;
	[tilespmem:s12+$0xFFFFFFF0] =	vst v1  }
0x67: {  	s14 =	sshra.s32 s13, $0x2;
	s13 =	sadd.s32 $0x40, s13;
	v1 =	vld [tilespmem:s11+$0x0];
	[tilespmem:s12+$0xFFFFFFE0] =	vst v2;
	s12 =	smov.u32 s11  }
0x68: {  	v2 =	vld [tilespmem:s14+$0xF0];
	_ =	sdelay $0x4  }
0x69: {  	v1 =	vadd.f32 v2, v1;
	_ =	sdelay $0x1  }
0x6a: {  	v2 =	vmul.f32 $2.000000030e-01, v1  }
0x6b: {  	vm0 =	vge.f32 v1, $0.0e+00  }
0x6c: {  	v1 =	vsel vm0, v1, v2  }
0x6d: {  	v1 =	vmul.f32 $1.442695020e+00, v1;
	_ =	sdelay $0x1  }
0x6e: {  	(erf) = vpow2.f32 v1;
	_ =	sdelay $0x6  }
0x6f: {  	v1 =	vld [tilespmem:s11+$0xFFFFFFF0]  }
0x70: {  	v2 =	vld [tilespmem:s11+$0xFFFFFFE0]  }
0x71: {  	v3 =	vpop (erf)  }
0x72: {  	v4 =	vbroadcast v3, $0x0;
	_ =	sdelay $0x1  }
0x73: {  	v1 =	vmul.f32 v4, v1  }
0x74: {  	[tilespmem:s11+$0x0] =	vst v3;
	v2 =	vmul.f32 v4, v2  }
0x75: {  	[tilespmem:s12+$0xFFFFFFF0] =	vst v1  }
0x76: {  	[tilespmem:s12+$0xFFFFFFE0] =	vst v2  }
0x77: {  	[spmem:s2] =	stream.indirect.scatter.add.f32 [tilespmem:s19], [sflag:$0x3], $0x30, s21, s21, $0xb8;
	[tilespmem:$0xB340] =	vst v63  }
0x78: {  	s10 =	sshrl.u32 s10, $0x3;
	_ =	swait.ge [sflag:s30], $0x1680  }
0x79: {  	s10 =	sadd.s32 $0x1E, s10;
	[sflag:s30] =	ssyncset.done $0x0  }
0x7a: {  	s14 =	simm.s32 $0x0;
	s13 =	sadd.s32 s1, s10;
	[sflag:s30] =	ssyncadd.s32 $0xFFFFE980  }
0x7b: {  	[tilespmem:s14], [sflag:$0x4] =	stream.linear.gather [hbm4b:s13+s14], $0x78, $0x38;
	[tilespmem:$0xB340] =	vst v63  }
0x7c: {  	_ =	swait.ge [sflag:s20], $0x78  }
0x7d: {  	[sflag:s20] =	ssyncset.done $0x0  }
0x7e: {  	s10 =	sadd.s32 s5, s10;
	[sflag:s20] =	ssyncadd.s32 $0xFFFFFF88  }
0x7f: {  	[tilespmem:s21], [sflag:$0x4] =	stream.linear.gather [hbm4b:s10+s14], $0x78, $0x38;
	[tilespmem:$0xB340] =	vst v63  }
0x80: {  	_ =	swait.ge [sflag:s20], $0x78  }
0x81: {  	[sflag:s20] =	ssyncset.done $0x0  }
0x82: {  	[sflag:s20] =	ssyncadd.s32 $0xFFFFFF88  }
0x83: {  	[tilespmem:s19], [sflag:$0x1] =	stream.indirect.gather [hbm4b:s7+s21], $0x30, s14, s21, $0xb8;
	[tilespmem:$0xB340] =	vst v63  }
0x84: {  	_ = 	snop  }
0x85: {  	[tilespmem:s22], [sflag:$0x1] =	stream.indirect.gather [hbm4b:s6+s21], $0x10, s21, s21, $0xb8;
	[tilespmem:$0xB340] =	vst v63  }
0x86: {  	_ =	swait.ge [sflag:s31], $0x1680  }
0x87: {  	[sflag:s31] =	ssyncset.done $0x0  }
0x88: {  	[sflag:s31] =	ssyncadd.s32 $0xFFFFE980  }
0x89: {  	_ =	swait.ge [sflag:s31], $0x780  }
0x8a: {  	[sflag:s31] =	ssyncset.done $0x0  }
0x8b: {  	s10 =	simm.s32 $0x2780;
	[sflag:s31] =	ssyncadd.s32 $0xFFFFF880  }
0x8c: {  	s11 =	simm.s32 $0x2780;
	s12 =	simm.s32 $0x40;
	s13 =	simm.s32 $0x0;
	v1 =	vld [tilespmem:s10+$0x0]  }
.LBB2_7:
0x8d: {  	p0 =	sne.s32 s12, $0x1DC0;
	v2 =	vld [tilespmem:s13+$0x1FE0];
	_ =	sdelay $0x4  }
0x8e: {  	v1 =	vadd.f32 v2, v1;
	_ =	sdelay $0x1  }
0x8f: {  	v2 =	vmul.f32 $2.000000030e-01, v1  }
0x90: {  	vm0 =	vge.f32 v1, $0.0e+00  }
0x91: {  	v1 =	vsel vm0, v1, v2  }
0x92: {  	v1 =	vmul.f32 $1.442695020e+00, v1;
	_ =	sdelay $0x1  }
0x93: {  	(erf) = vpow2.f32 v1;
	_ =	sdelay $0x5  }
0x94: {  	v1 =	vld [tilespmem:s10+$0xFFFFFFF0]  }
0x95: {  	v2 =	vld [tilespmem:s10+$0xFFFFFFE0];
	_ =	sdelay $0x1  }
0x96: {  	v3 =	vpop (erf)  }
0x97: {  	v4 =	vbroadcast v3, $0x0;
	[tilespmem:s10+$0x0] =	vst v3  }
.Ltmp2:
0x98: {  	(pc) =	sbr.rel @p0 .LBB2_7-.Ltmp2, $3  }
0x99: {  	v2 =	vmul.f32 v4, v2;
	v1 =	vmul.f32 v4, v1;
	_ =	sdelay $0x1  }
0x9a: {  	s10 =	sadd.s32 $0x30, s10;
	[tilespmem:s11+$0xFFFFFFF0] =	vst v1  }
0x9b: {  	s13 =	sshra.s32 s12, $0x2;
	s12 =	sadd.s32 $0x40, s12;
	v1 =	vld [tilespmem:s10+$0x0];
	[tilespmem:s11+$0xFFFFFFE0] =	vst v2;
	s11 =	smov.u32 s10  }
0x9c: {  	v2 =	vld [tilespmem:s13+$0x1FE0];
	_ =	sdelay $0x4  }
0x9d: {  	v1 =	vadd.f32 v2, v1;
	_ =	sdelay $0x1  }
0x9e: {  	v2 =	vmul.f32 $2.000000030e-01, v1  }
0x9f: {  	vm0 =	vge.f32 v1, $0.0e+00  }
0xa0: {  	v1 =	vsel vm0, v1, v2  }
0xa1: {  	v1 =	vmul.f32 $1.442695020e+00, v1;
	_ =	sdelay $0x1  }
0xa2: {  	(erf) = vpow2.f32 v1;
	_ =	sdelay $0x6  }
0xa3: {  	v1 =	vld [tilespmem:s10+$0xFFFFFFF0]  }
0xa4: {  	v2 =	vld [tilespmem:s10+$0xFFFFFFE0]  }
0xa5: {  	v3 =	vpop (erf)  }
0xa6: {  	v4 =	vbroadcast v3, $0x0;
	_ =	sdelay $0x1  }
0xa7: {  	v1 =	vmul.f32 v4, v1  }
0xa8: {  	s3 =	sadd.s32 $0x1, s3;
	[tilespmem:s10+$0x0] =	vst v3;
	v2 =	vmul.f32 v4, v2  }
0xa9: {  	p0 =	sne.s32 s3, $0x2A;
	[tilespmem:s11+$0xFFFFFFF0] =	vst v1  }
.Ltmp3:
0xaa: {  	[tilespmem:s11+$0xFFFFFFE0] =	vst v2;
	(pc) =	sbr.rel @p0 .LBB2_4-.Ltmp3, $4  }
0xab: {  	[spmem:s2] =	stream.indirect.scatter.add.f32 [tilespmem:s26], [sflag:$0x3], $0x30, s24, s21, $0xb8;
	[tilespmem:$0xB340] =	vst v63  }
0xac: {  	_ =	swait.ge [sflag:s30], $0x1680  }
0xad: {  	[sflag:s30] =	ssyncset.done $0x0  }
0xae: {  	[sflag:s30] =	ssyncadd.s32 $0xFFFFE980  }
0xaf: {  	_ =	swait.ge [sflag:s29], $0x1680  }
0xb0: {  	[sflag:s29] =	ssyncset.done $0x0  }
0xb1: {  	[sflag:s29] =	ssyncadd.s32 $0xFFFFE980  }
0xb2: {  	_ =	swait.ge [sflag:s29], $0x780  }
0xb3: {  	[sflag:s29] =	ssyncset.done $0x0  }
0xb4: {  	s0 =	stileid.u32;
	[sflag:s29] =	ssyncadd.s32 $0xFFFFF880  }
0xb5: {  	s0 =	sshll.u32 s0, $0x6;
	[bflag:$0x0] =	sbarrier.arrive $0xFFFF  }
0xb6: {  	s0 =	sor.u32 $0x1C04, s0;
	s3 =	rddreg [dreg:$0x7]  }
0xb7: {  	[hbm:s3], [sflag:s0] =	dma.local [spmem:s25], $0xEAC  }
0xb8: {  	_ =	swait.ge [sflag:s20], $0xEAC  }
0xb9: {  	s4 =	sadd.s32 $0x1, s4;
	s14 =	rddreg [dreg:$0x8]  }
0xba: {  	p0 =	sne.s32 s4, s14  }
.Ltmp4:
0xbb: {  	_ = 	snop;
	(pc) =	sbr.rel @p0 .LBB2_1-.Ltmp4, $3  }
0xbc: {  	_ =	sdelay $0x1  }
0xbd: {  	[sflag:s20] =	ssyncset.done $0x0  }
0xbe: {  	[sflag:s20] =	ssyncadd.s32 $0xFFFFF154  }
0xbf: {  	_ =	sfence.sel $0x180000  }
0xc0: {  	[bflag:$0x0] =	sbarrier.arrive $0xFFFF  }
0xc1: {  	_ =	strace $0x90000050  }
0xc2: {  	s0 =	stileid.u32;
	[bflag:$0x2] =	sbarrier.arrive $0xFFFF  }
0xc3: {  	p0 =	sne.s32 s0, $0x0;
	s0 =	rddreg [dreg:$0x3]  }
0xc4: {  	s0 =	sadd.s32 @!p0 $0x100000, s0  }
0xc5: {  	[sflag:s0] =	ssyncadd.tile.s32 @!p0 $0x1;
	_ =	shalt  }
.Lfunc_end2:
_tile_overlayer_lowered:
.L_overlay_start_2:
0xc6: {  	(tag) =	ssettag $0x2  }
0xc7: {  	s0 =	rddreg [dreg:$0x0];
	s2 =	stileid.u32  }
0xc8: {  	s1 =	rddreg [dreg:$0x1];
	p0 =	sne.s32 s2, $0x0  }
0xc9: {  	s3 =	rddreg [dreg:$0x2];
	[bflag:$0x3] =	sbarrier.arrive $0xFFFF;
	s2 =	simm.s32 @!p0 $0x1C04  }
0xca: {  	[timem:s3], [sflag:s2] =	dma.local @!p0 [hbm:s0], s1  }
0xcb: {  	s0 =	simm.s32 @!p0 $0x4  }
0xcc: {  	_ =	swait.ge @!p0 [sflag:s0], s1  }
0xcd: {  	s1 =	ssub.s32 @!p0 $0x0, s1;
	[sflag:s0] =	ssyncset.done @!p0 $0x0  }
0xce: {  	[sflag:s0] =	ssyncadd.s32 @!p0 s1  }
0xcf: {  	[bflag:$0x3] =	sbarrier.arrive $0xFFFF  }
0xd0: {  	_ =	shalt  }

// kernel: kernel.29.cloned.1.call-start
scs
__scs_entry_jumppad:
0x0: {  	(pc) =	sbr.rel $0x88, $3  }
0x1: {  	(tag) =	ssettag $0x0;
	lr =	simm.s32 $0x1  }
0x2: {  	[smem:$0x3F9B] =	sst lr;
	_ =	strace $0xD0000000  }
0x3: {  	_ = 	snop  }
0x4: {  	_ = 	snop  }
0x5: {  	_ = 	snop  }
0x6: {  	_ = 	snop  }
0x7: {  	_ = 	snop  }
__scs_overlays_trampoline_lowered:
0x8: {  	[smem:$0x3FAA] =	sst s0  }
0x9: {  	[smem:$0x3FAB] =	sst s1  }
0xa: {  	[smem:$0x3FAC] =	sst s2  }
0xb: {  	[smem:$0x3FAD] =	sst s3  }
0xc: {  	[smem:$0x3FAE] =	sst s4  }
0xd: {  	[smem:$0x3FAF] =	sst s5  }
0xe: {  	[smem:$0x3FB0] =	sst s6  }
0xf: {  	[smem:$0x3FB1] =	sst s7  }
0x10: {  	[smem:$0x3FB2] =	sst s8  }
0x11: {  	[smem:$0x3FB3] =	sst s9;
	s0 =	simm.s32 @!p0 $0x0  }
0x12: {  	s1 =	sld [smem:$0x3F99];
	s0 =	simm.s32 @p0 $0x1  }
0x13: {  	[smem:$0x3FB4] =	sst s0;
	s0 =	simm.s32 @!p1 $0x0  }
0x14: {  	s2 =	sld [smem:$0x3F98];
	s0 =	simm.s32 @p1 $0x1  }
0x15: {  	[smem:$0x3FB5] =	sst s0;
	s0 =	simm.s32 @!p2 $0x0  }
0x16: {  	s3 =	sld [smem:$0x3FDB];
	s0 =	simm.s32 @p2 $0x1  }
0x17: {  	s4 =	simm.s32 $0x1BF5;
	[smem:$0x3FB7] =	sst s0  }
0x18: {  	s0 =	sld [smem:$0x3F9A];
	_ =	swait.ge [sflag:s4], $0x0  }
0x19: {  	s7 =	sld [smem:$0x3F9B]  }
0x1a: {  	s8 =	sadd.s32 $0xFFFFE003, lr  }
0x1b: {  	s9 =	sadd.s32 $0xFFFFFEF7, lr;
	s5 =	simm.s32 $0xFFFFFFFF;
	p2 =	slt.u32 s8, $0xFFFFF086  }
0x1c: {  	p1 =	slt.u32 s9, $0xF7A;
	s5 =	simm.s32 @!p2 $0x0  }
0x1d: {  	s5 =	simm.s32 @p1 $0x1;
	p0 =	seq.s32 s7, s2  }
0x1e: {  	s7 =	smul.u32 @!p0 $0xF7A, s2;
	p2 =	seq.s32 @!p0 s5, $0x0  }
0x1f: {  	s9 =	smul.u32 $0xF7A, s1;
	s8 =	simm.s32 @!p0 $0x1BF5;
	p2 =	por !p2, p0  }
0x20: {  	[sflag:s8] =	ssyncset.s32 @!p0 $0xFFFFF086;
	s6 =	sadd.s32 @!p0 s3, s7;
	s7 =	simm.s32 @!p0 $0x108  }
0x21: {  	s3 =	sadd.s32 s3, s9;
	s6 =	sadd.s32 @!p0 $0x88, s6;
	s7 =	simm.s32 @p2 $0x1082  }
0x22: {  	[simem:s7], [sflag:s8] =	dma.local @!p0 [hbm:s6], $0xF7A  }
0x23: {  	s9 =	sor.u32 $0xD0000000, s2;
	s6 =	simm.s32 $0x108;
	_ =	swait.ge @!p0 [sflag:s8], $0x0  }
0x24: {  	s3 =	sadd.s32 $0x88, s3;
	s6 =	simm.s32 @!p1 $0x1082;
	[sflag:s4] =	ssyncset.s32 $0xFFFFF086  }
0x25: {  	[simem:s6], [sflag:s4] =	dma.local [hbm:s3], $0xF7A  }
0x26: {  	[smem:$0x3F9B] =	sst s1;
	(tag) =	ssettag s2;
	_ =	strace s9  }
0x27: {  	s1 =	sld [smem:$0x3FAB]  }
0x28: {  	s2 =	sld [smem:$0x3FAC]  }
0x29: {  	s4 =	sld [smem:$0x3FAE]  }
0x2a: {  	p0 =	seq.s32 s5, $0x0;
	s5 =	sld [smem:$0x3FAF]  }
0x2b: {  	s6 =	sld [smem:$0x3FB0]  }
0x2c: {  	s7 =	sld [smem:$0x3FB1]  }
0x2d: {  	s3 =	simm.s32 $0x108;
	s8 =	sld [smem:$0x3FB2]  }
0x2e: {  	s3 =	simm.s32 @!p0 $0x1082;
	s9 =	sld [smem:$0x3FB3]  }
0x2f: {  	lr =	sadd.s32 s0, s3;
	s0 =	sld [smem:$0x3FAA]  }
0x30: {  	s3 =	sld [smem:$0x3FAD]  }
0x31: {  	[smem:$0x3FB6] =	sst s10  }
0x32: {  	s10 =	sld [smem:$0x3FB4];
	_ =	sdelay $0x3  }
0x33: {  	p0 =	seq.s32 s10, $0x1;
	s10 =	sld [smem:$0x3FB6];
	_ =	sdelay $0x3  }
0x34: {  	[smem:$0x3FB6] =	sst s10  }
0x35: {  	s10 =	sld [smem:$0x3FB5];
	_ =	sdelay $0x3  }
0x36: {  	p1 =	seq.s32 s10, $0x1;
	s10 =	sld [smem:$0x3FB6];
	_ =	sdelay $0x3  }
0x37: {  	[smem:$0x3FB6] =	sst s10  }
0x38: {  	s10 =	sld [smem:$0x3FB7]  }
0x39: {  	_ = 	snop;
	(pc) =	sbr.ind lr, $3  }
0x3a: {  	_ = 	snop  }
0x3b: {  	_ = 	snop  }
0x3c: {  	p2 =	seq.s32 s10, $0x1;
	s10 =	sld [smem:$0x3FB6]  }
0x3d: {  	_ =	shalt  }
0x3e: {  	_ =	shalt  }
0x3f: {  	_ =	shalt  }
0x40: {  	_ =	shalt  }
0x41: {  	_ =	shalt  }
0x42: {  	_ =	shalt  }
0x43: {  	_ =	shalt  }
0x44: {  	_ =	shalt  }
0x45: {  	_ =	shalt  }
0x46: {  	_ =	shalt  }
0x47: {  	_ =	shalt  }
0x48: {  	_ =	shalt  }
0x49: {  	_ =	shalt  }
0x4a: {  	_ =	shalt  }
0x4b: {  	_ =	shalt  }
0x4c: {  	_ =	shalt  }
0x4d: {  	_ =	shalt  }
0x4e: {  	_ =	shalt  }
0x4f: {  	_ =	shalt  }
0x50: {  	_ =	shalt  }
0x51: {  	_ =	shalt  }
0x52: {  	_ =	shalt  }
0x53: {  	_ =	shalt  }
0x54: {  	_ =	shalt  }
0x55: {  	_ =	shalt  }
0x56: {  	_ =	shalt  }
0x57: {  	_ =	shalt  }
0x58: {  	_ =	shalt  }
0x59: {  	_ =	shalt  }
0x5a: {  	_ =	shalt  }
0x5b: {  	_ =	shalt  }
0x5c: {  	_ =	shalt  }
0x5d: {  	_ =	shalt  }
0x5e: {  	_ =	shalt  }
0x5f: {  	_ =	shalt  }
0x60: {  	_ =	shalt  }
0x61: {  	_ =	shalt  }
0x62: {  	_ =	shalt  }
0x63: {  	_ =	shalt  }
0x64: {  	_ =	shalt  }
0x65: {  	_ =	shalt  }
0x66: {  	_ =	shalt  }
0x67: {  	_ =	shalt  }
0x68: {  	_ =	shalt  }
0x69: {  	_ =	shalt  }
0x6a: {  	_ =	shalt  }
0x6b: {  	_ =	shalt  }
0x6c: {  	_ =	shalt  }
0x6d: {  	_ =	shalt  }
0x6e: {  	_ =	shalt  }
0x6f: {  	_ =	shalt  }
0x70: {  	_ =	shalt  }
0x71: {  	_ =	shalt  }
0x72: {  	_ =	shalt  }
0x73: {  	_ =	shalt  }
0x74: {  	_ =	shalt  }
0x75: {  	_ =	shalt  }
0x76: {  	_ =	shalt  }
0x77: {  	_ =	shalt  }
0x78: {  	_ =	shalt  }
0x79: {  	_ =	shalt  }
0x7a: {  	_ =	shalt  }
0x7b: {  	_ =	shalt  }
0x7c: {  	_ =	shalt  }
0x7d: {  	_ =	shalt  }
0x7e: {  	_ =	shalt  }
0x7f: {  	_ =	shalt  }
0x80: {  	_ =	shalt  }
0x81: {  	_ =	shalt  }
0x82: {  	_ =	shalt  }
0x83: {  	_ =	shalt  }
0x84: {  	_ =	shalt  }
0x85: {  	_ =	shalt  }
0x86: {  	_ =	shalt  }
0x87: {  	_ =	shalt  }
.Lfunc_end0:
.L_simem_size_0:
called_computation.4_lowered:
.L_overlay_start_0:
0x88: {  	s2 =	sld [smem:$0x3FD9]  }
0x89: {  	s3 =	sld [smem:$0x3FFE];
	_ =	sdelay $0x1  }
0x8a: {  	s1 =	srdreg.scid  }
0x8b: {  	s0 =	sand.u32 $0x1, s1  }
0x8c: {  	s16 =	sshll.u32 s0, $0xA;
	s2 =	sadd.s32 s3, s2  }
0x8d: {  	s2 =	sadd.s32 s2, s16  }
0x8e: {  	[smem:$0x3FC2] =	sst s2  }
0x8f: {  	_ = 	snop  }
0x90: {  	(tm) =	ssettm $0x1  }
0x91: {  	s17 =	sld [smem:$0x3FFB];
	_ =	sdelay $0x3  }
0x92: {  	_ =	strace s17  }
0x93: {  	s2 =	sld [smem:$0x3FFC];
	_ =	sdelay $0x3  }
0x94: {  	_ =	strace s2  }
0x95: {  	s2 =	sld [smem:$0x3FFD];
	_ =	sdelay $0x3  }
0x96: {  	_ =	strace s2  }
0x97: {  	_ =	strace $0x8FFFFFFF  }
0x98: {  	s18 =	sld [smem:$0x3FDB];
	_ =	sdelay $0x1  }
0x99: {  	s19 =	simm.s32 $_scs_section_size  }
0x9a: {  	s4 =	simm.s32 $_size__tile_overlayer_lowered;
	s5 =	simm.s32 $_tile_overlayer_lowered  }
0x9b: {  	s22 =	simm.s32 $0x1BFF;
	s21 =	sshll.u32 s5, $0x1;
	s2 =	sadd.s32 s19, s18  }
0x9c: {  	s6 =	simm.s32 $0x0;
	s20 =	sshll.u32 s4, $0x1;
	s4 =	sadd.s32 s21, s2  }
0x9d: {  	[timem:s6], [sflag:s22] =	dma.local [hbm:s4], s20  }
0x9e: {  	_ =	swait.ge [sflag:s22], s20  }
0x9f: {  	s3 =	ssub.s32 $0x0, s20;
	[sflag:s22] =	ssyncset.done $0x0  }
0xa0: {  	[sflag:s22] =	ssyncadd.s32 s3;
	_ =	sdelay $0x1  }
0xa1: {  	s23 =	simm.s32 $0x1B8B  }
0xa2: {  	_ =	swait.ge [sflag:s23], $0x1  }
0xa3: {  	[sflag:s23] =	ssyncset.done $0x0  }
0xa4: {  	s25 =	simm.s32 $0x1B8E;
	s24 =	sld [smem:$0x3FFE];
	[sflag:s23] =	ssyncadd.s32 $0xFFFFFFFF  }
0xa5: {  	s26 =	simm.s32 $execute0_lowered;
	[smem:$0x3FD2] =	sst s25  }
0xa6: {  	s4 =	sshll.u32 s26, $0x1;
	_ =	strace $0x80000052;
	[dreg:$0x1] =	wrdreg $0xFFFFFFFF  }
0xa7: {  	s28 =	simm.s32 $_size_execute0_lowered;
	s2 =	sadd.s32 s2, s4;
	[dreg:$0x0] =	wrdreg $0x0  }
0xa8: {  	s4 =	sshll.u32 s28, $0x1;
	[dreg:$0x2] =	wrdreg s2  }
0xa9: {  	[dreg:$0x3] =	wrdreg s4  }
0xaa: {  	[dreg:$0x4] =	wrdreg $0xC0  }
0xab: {  	_ =	task [dreg:s6], $0x5FFFF  }
0xac: {  	[dreg:$0x1] =	wrdreg $0xFFFFFFFF  }
0xad: {  	[dreg:$0x0] =	wrdreg $0x60  }
0xae: {  	[dreg:$0x2] =	wrdreg s24  }
0xaf: {  	[dreg:$0x3] =	wrdreg $0x3DE00  }
0xb0: {  	[dreg:$0x4] =	wrdreg $0x9  }
0xb1: {  	_ =	task.clear_ibuf [dreg:s6], $0x5FFFF;
	_ =	strace $0x90000052  }
0xb2: {  	s29 =	simm.s32 $0x9;
	_ =	strace $0x80000054  }
0xb3: {  	_ =	swait.ge [sflag:s29], $0x1  }
0xb4: {  	[sflag:s29] =	ssyncadd.s32 $0xFFFFFFFF  }
0xb5: {  	_ =	strace $0x90000054  }
0xb6: {  	_ =	sfence  }
0xb7: {  	s30 =	sld [smem:$0x0];
	_ =	sdelay $0x2  }
0xb8: {  	s31 =	sshll.u32 s1, $0xD;
	s1 =	sshrl.u32 s1, $0x2  }
0xb9: {  	s3 =	sand.u32 $0x4000, s31;
	s1 =	sadd.s32 s1, s30  }
0xba: {  	s0 =	sor.u32 s3, s0;
	s1 =	sshll.u32 s1, $0x11  }
0xbb: {  	s0 =	sor.u32 s1, s0  }
0xbc: {  	s0 =	sadd.s32 $0x8F2B, s0  }
0xbd: {  	[sflag:s0] =	ssyncadd.remote.s32 $0x1  }
0xbe: {  	_ =	sfence.sel $0xFFFF  }
0xbf: {  	[dreg:$0x0] =	wrdreg $0xFFFFFFFF;
	(pc) =	sbr.abs _section_cstart, $3  }
0xc0: {  	[dreg:$0x1] =	wrdreg $0xFFFFFFFF  }
0xc1: {  	_ =	task.clear_ibuf [dreg:s6], $0x2FFFF;
	_ =	strace $0x9FFFFFFF  }
0xc2: {  	(tm) =	ssettm $0x7FFFFFFF  }
0xc3: {  	_ =	shalt  }
tec
execute0_lowered:
.L_overlay_start_1:
0x0: {  	(tag) =	ssettag $0x1  }
0x1: {  	s0 =	rddreg [dreg:$0x0]  }
0x2: {  	s1 =	rddreg [dreg:$0x1];
	s3 =	simm.s32 $0x0  }
0x3: {  	s2 =	srdreg.scid;
	s11 =	stileid.u32;
	s19 =	simm.s32 $0x870  }
0x4: {  	s28 =	simm.s32 $0x1FE0;
	s29 =	simm.s32 $0x1;
	s30 =	simm.s32 $0x3  }
0x5: {  	s31 =	simm.s32 $0x2;
	[smem:$0x7FF] =	sst s3;
	s2 =	sand.u32 $0x1, s2  }
0x6: {  	s10 =	smul.u32 $0x7560, s11;
	s4 =	sadd.s32 $0x600, s0;
	s5 =	sadd.s32 $0x1E000, s0  }
0x7: {  	s6 =	sadd.s32 $0x31C00, s0;
	s9 =	sshll.u32 s11, $0x1;
	s11 =	smul.u32 $0x1D580, s11  }
0x8: {  	s7 =	smul.u32 $0x75600, s2;
	s20 =	sor.u32 s2, s9;
	s2 =	ssub.s32 $0x2, s2  }
0x9: {  	_ =	strace $0x80000053;
	s21 =	sshrl.u32 s11, $0x2;
	s22 =	sshrl.u32 s2, $0x1  }
0xa: {  	s26 =	sadd.s32 s10, s1;
	s8 =	sadd.s32 s10, s7;
	s7 =	sadd.s32 $0x36C00, s0  }
0xb: {  	s9 =	sadd.s32 s21, s1;
	s2 =	ssub.s32 s2, s22;
	s21 =	simm.s32 $0x78  }
0xc: {  	s22 =	simm.s32 $0xF0;
	s12 =	sshrl.u32 s8, $0x3;
	s8 =	smul.u32 $0x2760, s20  }
0xd: {  	s23 =	sadd.s32 $0x7080, s9;
	s2 =	smax.u32 s2, $0x1;
	s15 =	sadd.s32 $0x1680, s9  }
0xe: {  	s16 =	sadd.s32 $0x2D00, s9;
	s17 =	sadd.s32 $0x4380, s9;
	s18 =	sadd.s32 $0x5A00, s9  }
0xf: {  	s20 =	simm.s32 $0x4;
	s0 =	sadd.s32 s12, s0;
	[dreg:$0x3] =	wrdreg s23  }
0x10: {  	[dreg:$0x7] =	wrdreg s2;
	s24 =	sshrl.u32 s8, $0x3;
	s0 =	sadd.s32 $0x45800, s0  }
0x11: {  	s23 =	simm.s32 $0x1EF0;
	s25 =	sadd.s32 s4, s24;
	[dreg:$0x6] =	wrdreg s0  }
0x12: {  	s11 =	sadd.s32 s5, s24;
	s24 =	simm.s32 $0x1F68;
	[dreg:$0x4] =	wrdreg s25  }
0x13: {  	v0 =	vimm.f32 $0.0e+00;
	[dreg:$0x5] =	wrdreg s11;
	s25 =	sshrl.u32 s26, $0x3;
	s26 =	simm.s32 $0x2760  }
.LBB2_1:
0x14: {  	s0 =	simm.s32 $0xC0;
	s2 =	simm.s32 $0x0  }
.LBB2_2:
0x15: {  	p0 =	sne.s32 s0, $0x5940;
	[tilespmem:s2+$0x890] =	vst v0;
	s10 =	smov.u32 s0;
	s0 =	sadd.s32 $0xC0, s0  }
.Ltmp0:
0x16: {  	[tilespmem:s2+$0x870] =	vst v0;
	(pc) =	sbr.rel @p0 .LBB2_2-.Ltmp0, $2  }
0x17: {  	[tilespmem:s2+$0x880] =	vst v0;
	_ =	sdelay $0x2  }
0x18: {  	s2 =	sshra.s32 s10, $0x2  }
0x19: {  	[tilespmem:s2+$0x890] =	vst v0  }
0x1a: {  	[tilespmem:s2+$0x870] =	vst v0  }
0x1b: {  	[tilespmem:s2+$0x880] =	vst v0  }
0x1c: {  	[spmem:s9] =	stream.linear.scatter [tilespmem:s19], [sflag:$0x4], $0x1680, $0x38;
	[tilespmem:$0xB340] =	vst v63  }
0x1d: {  	_ =	swait.ge [sflag:s20], $0x1680  }
0x1e: {  	[sflag:s20] =	ssyncset.done $0x0  }
0x1f: {  	[sflag:s20] =	ssyncadd.s32 $0xFFFFE980  }
0x20: {  	[spmem:s15] =	stream.linear.scatter [tilespmem:s19], [sflag:$0x4], $0x1680, $0x38;
	[tilespmem:$0xB340] =	vst v63  }
0x21: {  	_ =	swait.ge [sflag:s20], $0x1680  }
0x22: {  	[sflag:s20] =	ssyncset.done $0x0  }
0x23: {  	[sflag:s20] =	ssyncadd.s32 $0xFFFFE980  }
0x24: {  	[spmem:s16] =	stream.linear.scatter [tilespmem:s19], [sflag:$0x4], $0x1680, $0x38;
	[tilespmem:$0xB340] =	vst v63  }
0x25: {  	_ =	swait.ge [sflag:s20], $0x1680  }
0x26: {  	[sflag:s20] =	ssyncset.done $0x0  }
0x27: {  	[sflag:s20] =	ssyncadd.s32 $0xFFFFE980  }
0x28: {  	[spmem:s17] =	stream.linear.scatter [tilespmem:s19], [sflag:$0x4], $0x1680, $0x38;
	[tilespmem:$0xB340] =	vst v63  }
0x29: {  	_ =	swait.ge [sflag:s20], $0x1680  }
0x2a: {  	[sflag:s20] =	ssyncset.done $0x0  }
0x2b: {  	[sflag:s20] =	ssyncadd.s32 $0xFFFFE980  }
0x2c: {  	[spmem:s18] =	stream.linear.scatter [tilespmem:s19], [sflag:$0x4], $0x1680, $0x38;
	[tilespmem:$0xB340] =	vst v63  }
0x2d: {  	_ =	swait.ge [sflag:s20], $0x1680  }
0x2e: {  	[sflag:s20] =	ssyncset.done $0x0  }
0x2f: {  	s0 =	rddreg [dreg:$0x3];
	[sflag:s20] =	ssyncadd.s32 $0xFFFFE980  }
0x30: {  	[spmem:s0] =	stream.linear.scatter [tilespmem:s19], [sflag:$0x4], $0x4E0, $0x38;
	[tilespmem:$0xB340] =	vst v63  }
0x31: {  	_ =	swait.ge [sflag:s20], $0x4E0  }
0x32: {  	[sflag:s20] =	ssyncset.done $0x0  }
0x33: {  	[sflag:s20] =	ssyncadd.s32 $0xFFFFFB20  }
0x34: {  	[bflag:$0x0] =	sbarrier.arrive $0xFFFF  }
0x35: {  	s0 =	simm.s32 $0x0;
	s13 =	rddreg [dreg:$0x4]  }
0x36: {  	[tilespmem:s0], [sflag:$0x4] =	stream.linear.gather [hbm4b:s13+s0], $0x78, $0x38;
	[tilespmem:$0xB340] =	vst v63  }
0x37: {  	_ =	swait.ge [sflag:s20], $0x78  }
0x38: {  	[sflag:s20] =	ssyncset.done $0x0  }
0x39: {  	s14 =	rddreg [dreg:$0x5];
	[sflag:s20] =	ssyncadd.s32 $0xFFFFFF88  }
0x3a: {  	[tilespmem:s21], [sflag:$0x4] =	stream.linear.gather [hbm4b:s14+s0], $0x78, $0x38;
	[tilespmem:$0xB340] =	vst v63  }
0x3b: {  	_ =	swait.ge [sflag:s20], $0x78  }
0x3c: {  	[sflag:s20] =	ssyncset.done $0x0  }
0x3d: {  	[sflag:s20] =	ssyncadd.s32 $0xFFFFFF88  }
0x3e: {  	[tilespmem:s19], [sflag:$0x1] =	stream.indirect.gather [hbm4b:s7+s21], $0x30, s0, s21, $0xb8;
	[tilespmem:$0xB340] =	vst v63  }
0x3f: {  	s2 =	simm.s32 $0x0  }
0x40: {  	[tilespmem:s22], [sflag:$0x1] =	stream.indirect.gather [hbm4b:s6+s21], $0x10, s21, s21, $0xb8;
	[tilespmem:$0xB340] =	vst v63  }
.LBB2_4:
0x41: {  	s10 =	smul.u32 $0xF0, s2;
	_ =	sdelay $0x1  }
0x42: {  	s10 =	sadd.s32 s8, s10  }
0x43: {  	s11 =	sadd.s32 $0x78, s10  }
0x44: {  	s11 =	sshrl.u32 s11, $0x3  }
0x45: {  	s12 =	sadd.s32 s4, s11  }
0x46: {  	[tilespmem:s23], [sflag:$0x4] =	stream.linear.gather [hbm4b:s12+s0], $0x78, $0x38;
	[tilespmem:$0xB340] =	vst v63  }
0x47: {  	_ =	swait.ge [sflag:s20], $0x78  }
0x48: {  	[sflag:s20] =	ssyncset.done $0x0  }
0x49: {  	s11 =	sadd.s32 s5, s11;
	[sflag:s20] =	ssyncadd.s32 $0xFFFFFF88  }
0x4a: {  	[tilespmem:s24], [sflag:$0x4] =	stream.linear.gather [hbm4b:s11+s0], $0x78, $0x38;
	[tilespmem:$0xB340] =	vst v63  }
0x4b: {  	_ =	swait.ge [sflag:s20], $0x78  }
0x4c: {  	[sflag:s20] =	ssyncset.done $0x0  }
0x4d: {  	[sflag:s20] =	ssyncadd.s32 $0xFFFFFF88  }
0x4e: {  	[tilespmem:s26], [sflag:$0x2] =	stream.indirect.gather [hbm4b:s7+s21], $0x30, s23, s21, $0xb8;
	[tilespmem:$0xB340] =	vst v63  }
0x4f: {  	_ = 	snop  }
0x50: {  	[tilespmem:s28], [sflag:$0x2] =	stream.indirect.gather [hbm4b:s6+s21], $0x10, s24, s21, $0xb8;
	[tilespmem:$0xB340] =	vst v63  }
0x51: {  	_ =	swait.ge [sflag:s29], $0x1680  }
0x52: {  	[sflag:s29] =	ssyncset.done $0x0  }
0x53: {  	[sflag:s29] =	ssyncadd.s32 $0xFFFFE980  }
0x54: {  	_ =	swait.ge [sflag:s29], $0x780  }
0x55: {  	[sflag:s29] =	ssyncset.done $0x0  }
0x56: {  	s11 =	simm.s32 $0x890;
	[sflag:s29] =	ssyncadd.s32 $0xFFFFF880  }
0x57: {  	s14 =	simm.s32 $0x0;
	s13 =	simm.s32 $0x40;
	s12 =	simm.s32 $0x890;
	v1 =	vld [tilespmem:s11+$0x0]  }
.LBB2_5:
0x58: {  	p0 =	sne.s32 s13, $0x1DC0;
	v2 =	vld [tilespmem:s14+$0xF0];
	_ =	sdelay $0x4  }
0x59: {  	v1 =	vadd.f32 v2, v1;
	_ =	sdelay $0x1  }
0x5a: {  	v2 =	vmul.f32 $2.000000030e-01, v1  }
0x5b: {  	vm0 =	vge.f32 v1, $0.0e+00  }
0x5c: {  	v1 =	vsel vm0, v1, v2  }
0x5d: {  	v1 =	vmul.f32 $1.442695020e+00, v1;
	_ =	sdelay $0x1  }
0x5e: {  	(erf) = vpow2.f32 v1;
	_ =	sdelay $0x5  }
0x5f: {  	v1 =	vld [tilespmem:s11+$0xFFFFFFF0]  }
0x60: {  	v2 =	vld [tilespmem:s11+$0xFFFFFFE0];
	_ =	sdelay $0x1  }
0x61: {  	v3 =	vpop (erf)  }
0x62: {  	v4 =	vbroadcast v3, $0x0;
	[tilespmem:s11+$0x0] =	vst v3  }
.Ltmp1:
0x63: {  	(pc) =	sbr.rel @p0 .LBB2_5-.Ltmp1, $3  }
0x64: {  	v2 =	vmul.f32 v4, v2;
	v1 =	vmul.f32 v4, v1;
	_ =	sdelay $0x1  }
0x65: {  	s11 =	sadd.s32 $0x30, s11;
	[tilespmem:s12+$0xFFFFFFF0] =	vst v1  }
0x66: {  	s14 =	sshra.s32 s13, $0x2;
	s13 =	sadd.s32 $0x40, s13;
	v1 =	vld [tilespmem:s11+$0x0];
	[tilespmem:s12+$0xFFFFFFE0] =	vst v2;
	s12 =	smov.u32 s11  }
0x67: {  	v2 =	vld [tilespmem:s14+$0xF0];
	_ =	sdelay $0x4  }
0x68: {  	v1 =	vadd.f32 v2, v1;
	_ =	sdelay $0x1  }
0x69: {  	v2 =	vmul.f32 $2.000000030e-01, v1  }
0x6a: {  	vm0 =	vge.f32 v1, $0.0e+00  }
0x6b: {  	v1 =	vsel vm0, v1, v2  }
0x6c: {  	v1 =	vmul.f32 $1.442695020e+00, v1;
	_ =	sdelay $0x1  }
0x6d: {  	(erf) = vpow2.f32 v1;
	_ =	sdelay $0x6  }
0x6e: {  	v1 =	vld [tilespmem:s11+$0xFFFFFFF0]  }
0x6f: {  	v2 =	vld [tilespmem:s11+$0xFFFFFFE0]  }
0x70: {  	v3 =	vpop (erf)  }
0x71: {  	v4 =	vbroadcast v3, $0x0;
	_ =	sdelay $0x1  }
0x72: {  	v1 =	vmul.f32 v4, v1  }
0x73: {  	[tilespmem:s11+$0x0] =	vst v3;
	v2 =	vmul.f32 v4, v2  }
0x74: {  	[tilespmem:s12+$0xFFFFFFF0] =	vst v1  }
0x75: {  	[tilespmem:s12+$0xFFFFFFE0] =	vst v2  }
0x76: {  	[spmem:s1] =	stream.indirect.scatter.add.f32 [tilespmem:s19], [sflag:$0x3], $0x30, s21, s21, $0xb8;
	[tilespmem:$0xB340] =	vst v63  }
0x77: {  	s10 =	sshrl.u32 s10, $0x3;
	_ =	swait.ge [sflag:s30], $0x1680  }
0x78: {  	s10 =	sadd.s32 $0x1E, s10;
	[sflag:s30] =	ssyncset.done $0x0  }
0x79: {  	s14 =	simm.s32 $0x0;
	s13 =	sadd.s32 s4, s10;
	[sflag:s30] =	ssyncadd.s32 $0xFFFFE980  }
0x7a: {  	[tilespmem:s14], [sflag:$0x4] =	stream.linear.gather [hbm4b:s13+s14], $0x78, $0x38;
	[tilespmem:$0xB340] =	vst v63  }
0x7b: {  	_ =	swait.ge [sflag:s20], $0x78  }
0x7c: {  	[sflag:s20] =	ssyncset.done $0x0  }
0x7d: {  	s10 =	sadd.s32 s5, s10;
	[sflag:s20] =	ssyncadd.s32 $0xFFFFFF88  }
0x7e: {  	[tilespmem:s21], [sflag:$0x4] =	stream.linear.gather [hbm4b:s10+s14], $0x78, $0x38;
	[tilespmem:$0xB340] =	vst v63  }
0x7f: {  	_ =	swait.ge [sflag:s20], $0x78  }
0x80: {  	[sflag:s20] =	ssyncset.done $0x0  }
0x81: {  	[sflag:s20] =	ssyncadd.s32 $0xFFFFFF88  }
0x82: {  	[tilespmem:s19], [sflag:$0x1] =	stream.indirect.gather [hbm4b:s7+s21], $0x30, s14, s21, $0xb8;
	[tilespmem:$0xB340] =	vst v63  }
0x83: {  	_ = 	snop  }
0x84: {  	[tilespmem:s22], [sflag:$0x1] =	stream.indirect.gather [hbm4b:s6+s21], $0x10, s21, s21, $0xb8;
	[tilespmem:$0xB340] =	vst v63  }
0x85: {  	_ =	swait.ge [sflag:s31], $0x1680  }
0x86: {  	[sflag:s31] =	ssyncset.done $0x0  }
0x87: {  	[sflag:s31] =	ssyncadd.s32 $0xFFFFE980  }
0x88: {  	_ =	swait.ge [sflag:s31], $0x780  }
0x89: {  	[sflag:s31] =	ssyncset.done $0x0  }
0x8a: {  	s10 =	simm.s32 $0x2780;
	[sflag:s31] =	ssyncadd.s32 $0xFFFFF880  }
0x8b: {  	s11 =	simm.s32 $0x2780;
	s12 =	simm.s32 $0x40;
	s13 =	simm.s32 $0x0;
	v1 =	vld [tilespmem:s10+$0x0]  }
.LBB2_7:
0x8c: {  	p0 =	sne.s32 s12, $0x1DC0;
	v2 =	vld [tilespmem:s13+$0x1FE0];
	_ =	sdelay $0x4  }
0x8d: {  	v1 =	vadd.f32 v2, v1;
	_ =	sdelay $0x1  }
0x8e: {  	v2 =	vmul.f32 $2.000000030e-01, v1  }
0x8f: {  	vm0 =	vge.f32 v1, $0.0e+00  }
0x90: {  	v1 =	vsel vm0, v1, v2  }
0x91: {  	v1 =	vmul.f32 $1.442695020e+00, v1;
	_ =	sdelay $0x1  }
0x92: {  	(erf) = vpow2.f32 v1;
	_ =	sdelay $0x5  }
0x93: {  	v1 =	vld [tilespmem:s10+$0xFFFFFFF0]  }
0x94: {  	v2 =	vld [tilespmem:s10+$0xFFFFFFE0];
	_ =	sdelay $0x1  }
0x95: {  	v3 =	vpop (erf)  }
0x96: {  	v4 =	vbroadcast v3, $0x0;
	[tilespmem:s10+$0x0] =	vst v3  }
.Ltmp2:
0x97: {  	(pc) =	sbr.rel @p0 .LBB2_7-.Ltmp2, $3  }
0x98: {  	v2 =	vmul.f32 v4, v2;
	v1 =	vmul.f32 v4, v1;
	_ =	sdelay $0x1  }
0x99: {  	s10 =	sadd.s32 $0x30, s10;
	[tilespmem:s11+$0xFFFFFFF0] =	vst v1  }
0x9a: {  	s13 =	sshra.s32 s12, $0x2;
	s12 =	sadd.s32 $0x40, s12;
	v1 =	vld [tilespmem:s10+$0x0];
	[tilespmem:s11+$0xFFFFFFE0] =	vst v2;
	s11 =	smov.u32 s10  }
0x9b: {  	v2 =	vld [tilespmem:s13+$0x1FE0];
	_ =	sdelay $0x4  }
0x9c: {  	v1 =	vadd.f32 v2, v1;
	_ =	sdelay $0x1  }
0x9d: {  	v2 =	vmul.f32 $2.000000030e-01, v1  }
0x9e: {  	vm0 =	vge.f32 v1, $0.0e+00  }
0x9f: {  	v1 =	vsel vm0, v1, v2  }
0xa0: {  	v1 =	vmul.f32 $1.442695020e+00, v1;
	_ =	sdelay $0x1  }
0xa1: {  	(erf) = vpow2.f32 v1;
	_ =	sdelay $0x6  }
0xa2: {  	v1 =	vld [tilespmem:s10+$0xFFFFFFF0]  }
0xa3: {  	v2 =	vld [tilespmem:s10+$0xFFFFFFE0]  }
0xa4: {  	v3 =	vpop (erf)  }
0xa5: {  	v4 =	vbroadcast v3, $0x0;
	_ =	sdelay $0x1  }
0xa6: {  	v1 =	vmul.f32 v4, v1  }
0xa7: {  	s2 =	sadd.s32 $0x1, s2;
	[tilespmem:s10+$0x0] =	vst v3;
	v2 =	vmul.f32 v4, v2  }
0xa8: {  	p0 =	sne.s32 s2, $0x2A;
	[tilespmem:s11+$0xFFFFFFF0] =	vst v1  }
.Ltmp3:
0xa9: {  	[tilespmem:s11+$0xFFFFFFE0] =	vst v2;
	(pc) =	sbr.rel @p0 .LBB2_4-.Ltmp3, $4  }
0xaa: {  	[spmem:s1] =	stream.indirect.scatter.add.f32 [tilespmem:s26], [sflag:$0x3], $0x30, s24, s21, $0xb8;
	[tilespmem:$0xB340] =	vst v63  }
0xab: {  	_ =	swait.ge [sflag:s30], $0x1680  }
0xac: {  	[sflag:s30] =	ssyncset.done $0x0  }
0xad: {  	[sflag:s30] =	ssyncadd.s32 $0xFFFFE980  }
0xae: {  	_ =	swait.ge [sflag:s29], $0x1680  }
0xaf: {  	[sflag:s29] =	ssyncset.done $0x0  }
0xb0: {  	[sflag:s29] =	ssyncadd.s32 $0xFFFFE980  }
0xb1: {  	_ =	swait.ge [sflag:s29], $0x780  }
0xb2: {  	[sflag:s29] =	ssyncset.done $0x0  }
0xb3: {  	s0 =	stileid.u32;
	[sflag:s29] =	ssyncadd.s32 $0xFFFFF880  }
0xb4: {  	s0 =	sshll.u32 s0, $0x6;
	[bflag:$0x0] =	sbarrier.arrive $0xFFFF  }
0xb5: {  	s0 =	sor.u32 $0x1C04, s0;
	s2 =	rddreg [dreg:$0x6]  }
0xb6: {  	[hbm:s2], [sflag:s0] =	dma.local [spmem:s25], $0xEAC  }
0xb7: {  	_ =	swait.ge [sflag:s20], $0xEAC  }
0xb8: {  	s3 =	sadd.s32 $0x1, s3;
	s14 =	rddreg [dreg:$0x7]  }
0xb9: {  	p0 =	sne.s32 s3, s14  }
.Ltmp4:
0xba: {  	_ = 	snop;
	(pc) =	sbr.rel @p0 .LBB2_1-.Ltmp4, $3  }
0xbb: {  	_ =	sdelay $0x1  }
0xbc: {  	[sflag:s20] =	ssyncset.done $0x0  }
0xbd: {  	[sflag:s20] =	ssyncadd.s32 $0xFFFFF154  }
0xbe: {  	_ =	sfence.sel $0x180000  }
0xbf: {  	[bflag:$0x0] =	sbarrier.arrive $0xFFFF  }
0xc0: {  	_ =	strace $0x90000053  }
0xc1: {  	s0 =	stileid.u32;
	[bflag:$0x2] =	sbarrier.arrive $0xFFFF  }
0xc2: {  	p0 =	sne.s32 s0, $0x0;
	s0 =	rddreg [dreg:$0x2]  }
0xc3: {  	s0 =	sadd.s32 @!p0 $0x100000, s0  }
0xc4: {  	[sflag:s0] =	ssyncadd.tile.s32 @!p0 $0x1;
	_ =	shalt  }
.Lfunc_end2:
_tile_overlayer_lowered:
.L_overlay_start_2:
0xc5: {  	(tag) =	ssettag $0x2  }
0xc6: {  	s0 =	rddreg [dreg:$0x0];
	s2 =	stileid.u32  }
0xc7: {  	s1 =	rddreg [dreg:$0x1];
	p0 =	sne.s32 s2, $0x0  }
0xc8: {  	s3 =	rddreg [dreg:$0x2];
	[bflag:$0x3] =	sbarrier.arrive $0xFFFF;
	s2 =	simm.s32 @!p0 $0x1C04  }
0xc9: {  	[timem:s3], [sflag:s2] =	dma.local @!p0 [hbm:s0], s1  }
0xca: {  	s0 =	simm.s32 @!p0 $0x4  }
0xcb: {  	_ =	swait.ge @!p0 [sflag:s0], s1  }
0xcc: {  	s1 =	ssub.s32 @!p0 $0x0, s1;
	[sflag:s0] =	ssyncset.done @!p0 $0x0  }
0xcd: {  	[sflag:s0] =	ssyncadd.s32 @!p0 s1  }
0xce: {  	[bflag:$0x3] =	sbarrier.arrive $0xFFFF  }
0xcf: {  	_ =	shalt  }

// kernel: kernel.32.cloned.1.call-start
scs
__scs_entry_jumppad:
0x0: {  	(pc) =	sbr.rel $0x88, $3  }
0x1: {  	(tag) =	ssettag $0x0;
	lr =	simm.s32 $0x1  }
0x2: {  	[smem:$0x3F9B] =	sst lr;
	_ =	strace $0xD0000000  }
0x3: {  	_ = 	snop  }
0x4: {  	_ = 	snop  }
0x5: {  	_ = 	snop  }
0x6: {  	_ = 	snop  }
0x7: {  	_ = 	snop  }
__scs_overlays_trampoline_lowered:
0x8: {  	[smem:$0x3FAA] =	sst s0  }
0x9: {  	[smem:$0x3FAB] =	sst s1  }
0xa: {  	[smem:$0x3FAC] =	sst s2  }
0xb: {  	[smem:$0x3FAD] =	sst s3  }
0xc: {  	[smem:$0x3FAE] =	sst s4  }
0xd: {  	[smem:$0x3FAF] =	sst s5  }
0xe: {  	[smem:$0x3FB0] =	sst s6  }
0xf: {  	[smem:$0x3FB1] =	sst s7  }
0x10: {  	[smem:$0x3FB2] =	sst s8  }
0x11: {  	[smem:$0x3FB3] =	sst s9;
	s0 =	simm.s32 @!p0 $0x0  }
0x12: {  	s1 =	sld [smem:$0x3F99];
	s0 =	simm.s32 @p0 $0x1  }
0x13: {  	[smem:$0x3FB4] =	sst s0;
	s0 =	simm.s32 @!p1 $0x0  }
0x14: {  	s2 =	sld [smem:$0x3F98];
	s0 =	simm.s32 @p1 $0x1  }
0x15: {  	[smem:$0x3FB5] =	sst s0;
	s0 =	simm.s32 @!p2 $0x0  }
0x16: {  	s3 =	sld [smem:$0x3FDB];
	s0 =	simm.s32 @p2 $0x1  }
0x17: {  	s4 =	simm.s32 $0x1BF5;
	[smem:$0x3FB7] =	sst s0  }
0x18: {  	s0 =	sld [smem:$0x3F9A];
	_ =	swait.ge [sflag:s4], $0x0  }
0x19: {  	s7 =	sld [smem:$0x3F9B]  }
0x1a: {  	s8 =	sadd.s32 $0xFFFFE003, lr  }
0x1b: {  	s9 =	sadd.s32 $0xFFFFFEF7, lr;
	s5 =	simm.s32 $0xFFFFFFFF;
	p2 =	slt.u32 s8, $0xFFFFF086  }
0x1c: {  	p1 =	slt.u32 s9, $0xF7A;
	s5 =	simm.s32 @!p2 $0x0  }
0x1d: {  	s5 =	simm.s32 @p1 $0x1;
	p0 =	seq.s32 s7, s2  }
0x1e: {  	s7 =	smul.u32 @!p0 $0xF7A, s2;
	p2 =	seq.s32 @!p0 s5, $0x0  }
0x1f: {  	s9 =	smul.u32 $0xF7A, s1;
	s8 =	simm.s32 @!p0 $0x1BF5;
	p2 =	por !p2, p0  }
0x20: {  	[sflag:s8] =	ssyncset.s32 @!p0 $0xFFFFF086;
	s6 =	sadd.s32 @!p0 s3, s7;
	s7 =	simm.s32 @!p0 $0x108  }
0x21: {  	s3 =	sadd.s32 s3, s9;
	s6 =	sadd.s32 @!p0 $0x88, s6;
	s7 =	simm.s32 @p2 $0x1082  }
0x22: {  	[simem:s7], [sflag:s8] =	dma.local @!p0 [hbm:s6], $0xF7A  }
0x23: {  	s9 =	sor.u32 $0xD0000000, s2;
	s6 =	simm.s32 $0x108;
	_ =	swait.ge @!p0 [sflag:s8], $0x0  }
0x24: {  	s3 =	sadd.s32 $0x88, s3;
	s6 =	simm.s32 @!p1 $0x1082;
	[sflag:s4] =	ssyncset.s32 $0xFFFFF086  }
0x25: {  	[simem:s6], [sflag:s4] =	dma.local [hbm:s3], $0xF7A  }
0x26: {  	[smem:$0x3F9B] =	sst s1;
	(tag) =	ssettag s2;
	_ =	strace s9  }
0x27: {  	s1 =	sld [smem:$0x3FAB]  }
0x28: {  	s2 =	sld [smem:$0x3FAC]  }
0x29: {  	s4 =	sld [smem:$0x3FAE]  }
0x2a: {  	p0 =	seq.s32 s5, $0x0;
	s5 =	sld [smem:$0x3FAF]  }
0x2b: {  	s6 =	sld [smem:$0x3FB0]  }
0x2c: {  	s7 =	sld [smem:$0x3FB1]  }
0x2d: {  	s3 =	simm.s32 $0x108;
	s8 =	sld [smem:$0x3FB2]  }
0x2e: {  	s3 =	simm.s32 @!p0 $0x1082;
	s9 =	sld [smem:$0x3FB3]  }
0x2f: {  	lr =	sadd.s32 s0, s3;
	s0 =	sld [smem:$0x3FAA]  }
0x30: {  	s3 =	sld [smem:$0x3FAD]  }
0x31: {  	[smem:$0x3FB6] =	sst s10  }
0x32: {  	s10 =	sld [smem:$0x3FB4];
	_ =	sdelay $0x3  }
0x33: {  	p0 =	seq.s32 s10, $0x1;
	s10 =	sld [smem:$0x3FB6];
	_ =	sdelay $0x3  }
0x34: {  	[smem:$0x3FB6] =	sst s10  }
0x35: {  	s10 =	sld [smem:$0x3FB5];
	_ =	sdelay $0x3  }
0x36: {  	p1 =	seq.s32 s10, $0x1;
	s10 =	sld [smem:$0x3FB6];
	_ =	sdelay $0x3  }
0x37: {  	[smem:$0x3FB6] =	sst s10  }
0x38: {  	s10 =	sld [smem:$0x3FB7]  }
0x39: {  	_ = 	snop;
	(pc) =	sbr.ind lr, $3  }
0x3a: {  	_ = 	snop  }
0x3b: {  	_ = 	snop  }
0x3c: {  	p2 =	seq.s32 s10, $0x1;
	s10 =	sld [smem:$0x3FB6]  }
0x3d: {  	_ =	shalt  }
0x3e: {  	_ =	shalt  }
0x3f: {  	_ =	shalt  }
0x40: {  	_ =	shalt  }
0x41: {  	_ =	shalt  }
0x42: {  	_ =	shalt  }
0x43: {  	_ =	shalt  }
0x44: {  	_ =	shalt  }
0x45: {  	_ =	shalt  }
0x46: {  	_ =	shalt  }
0x47: {  	_ =	shalt  }
0x48: {  	_ =	shalt  }
0x49: {  	_ =	shalt  }
0x4a: {  	_ =	shalt  }
0x4b: {  	_ =	shalt  }
0x4c: {  	_ =	shalt  }
0x4d: {  	_ =	shalt  }
0x4e: {  	_ =	shalt  }
0x4f: {  	_ =	shalt  }
0x50: {  	_ =	shalt  }
0x51: {  	_ =	shalt  }
0x52: {  	_ =	shalt  }
0x53: {  	_ =	shalt  }
0x54: {  	_ =	shalt  }
0x55: {  	_ =	shalt  }
0x56: {  	_ =	shalt  }
0x57: {  	_ =	shalt  }
0x58: {  	_ =	shalt  }
0x59: {  	_ =	shalt  }
0x5a: {  	_ =	shalt  }
0x5b: {  	_ =	shalt  }
0x5c: {  	_ =	shalt  }
0x5d: {  	_ =	shalt  }
0x5e: {  	_ =	shalt  }
0x5f: {  	_ =	shalt  }
0x60: {  	_ =	shalt  }
0x61: {  	_ =	shalt  }
0x62: {  	_ =	shalt  }
0x63: {  	_ =	shalt  }
0x64: {  	_ =	shalt  }
0x65: {  	_ =	shalt  }
0x66: {  	_ =	shalt  }
0x67: {  	_ =	shalt  }
0x68: {  	_ =	shalt  }
0x69: {  	_ =	shalt  }
0x6a: {  	_ =	shalt  }
0x6b: {  	_ =	shalt  }
0x6c: {  	_ =	shalt  }
0x6d: {  	_ =	shalt  }
0x6e: {  	_ =	shalt  }
0x6f: {  	_ =	shalt  }
0x70: {  	_ =	shalt  }
0x71: {  	_ =	shalt  }
0x72: {  	_ =	shalt  }
0x73: {  	_ =	shalt  }
0x74: {  	_ =	shalt  }
0x75: {  	_ =	shalt  }
0x76: {  	_ =	shalt  }
0x77: {  	_ =	shalt  }
0x78: {  	_ =	shalt  }
0x79: {  	_ =	shalt  }
0x7a: {  	_ =	shalt  }
0x7b: {  	_ =	shalt  }
0x7c: {  	_ =	shalt  }
0x7d: {  	_ =	shalt  }
0x7e: {  	_ =	shalt  }
0x7f: {  	_ =	shalt  }
0x80: {  	_ =	shalt  }
0x81: {  	_ =	shalt  }
0x82: {  	_ =	shalt  }
0x83: {  	_ =	shalt  }
0x84: {  	_ =	shalt  }
0x85: {  	_ =	shalt  }
0x86: {  	_ =	shalt  }
0x87: {  	_ =	shalt  }
.Lfunc_end0:
.L_simem_size_0:
called_computation.5_lowered:
.L_overlay_start_0:
0x88: {  	s2 =	sld [smem:$0x3FD9]  }
0x89: {  	s3 =	sld [smem:$0x3FFE];
	_ =	sdelay $0x1  }
0x8a: {  	s1 =	srdreg.scid  }
0x8b: {  	s0 =	sand.u32 $0x1, s1  }
0x8c: {  	s16 =	sshll.u32 s0, $0xA;
	s2 =	sadd.s32 s3, s2  }
0x8d: {  	s2 =	sadd.s32 s2, s16  }
0x8e: {  	[smem:$0x3FC2] =	sst s2  }
0x8f: {  	_ = 	snop  }
0x90: {  	(tm) =	ssettm $0x1  }
0x91: {  	s17 =	sld [smem:$0x3FFB];
	_ =	sdelay $0x3  }
0x92: {  	_ =	strace s17  }
0x93: {  	s2 =	sld [smem:$0x3FFC];
	_ =	sdelay $0x3  }
0x94: {  	_ =	strace s2  }
0x95: {  	s2 =	sld [smem:$0x3FFD];
	_ =	sdelay $0x3  }
0x96: {  	_ =	strace s2  }
0x97: {  	_ =	strace $0x8FFFFFFF  }
0x98: {  	s18 =	sld [smem:$0x3FDB];
	_ =	sdelay $0x1  }
0x99: {  	s19 =	simm.s32 $_scs_section_size  }
0x9a: {  	s4 =	simm.s32 $_size__tile_overlayer_lowered;
	s5 =	simm.s32 $_tile_overlayer_lowered  }
0x9b: {  	s22 =	simm.s32 $0x1BFF;
	s21 =	sshll.u32 s5, $0x1;
	s2 =	sadd.s32 s19, s18  }
0x9c: {  	s6 =	simm.s32 $0x0;
	s20 =	sshll.u32 s4, $0x1;
	s4 =	sadd.s32 s21, s2  }
0x9d: {  	[timem:s6], [sflag:s22] =	dma.local [hbm:s4], s20  }
0x9e: {  	_ =	swait.ge [sflag:s22], s20  }
0x9f: {  	s3 =	ssub.s32 $0x0, s20;
	[sflag:s22] =	ssyncset.done $0x0  }
0xa0: {  	[sflag:s22] =	ssyncadd.s32 s3;
	_ =	sdelay $0x1  }
0xa1: {  	s23 =	simm.s32 $0x1B8B  }
0xa2: {  	_ =	swait.ge [sflag:s23], $0x1  }
0xa3: {  	[sflag:s23] =	ssyncset.done $0x0  }
0xa4: {  	s25 =	simm.s32 $0x1B8E;
	s24 =	sld [smem:$0x3FFE];
	[sflag:s23] =	ssyncadd.s32 $0xFFFFFFFF  }
0xa5: {  	s26 =	simm.s32 $execute0_lowered;
	[smem:$0x3FD2] =	sst s25  }
0xa6: {  	s4 =	sshll.u32 s26, $0x1;
	_ =	strace $0x80000055;
	[dreg:$0x1] =	wrdreg $0xFFFFFFFF  }
0xa7: {  	s28 =	simm.s32 $_size_execute0_lowered;
	s2 =	sadd.s32 s2, s4;
	[dreg:$0x0] =	wrdreg $0x0  }
0xa8: {  	s4 =	sshll.u32 s28, $0x1;
	[dreg:$0x2] =	wrdreg s2  }
0xa9: {  	[dreg:$0x3] =	wrdreg s4  }
0xaa: {  	[dreg:$0x4] =	wrdreg $0xC0  }
0xab: {  	_ =	task [dreg:s6], $0x5FFFF  }
0xac: {  	[dreg:$0x1] =	wrdreg $0xFFFFFFFF  }
0xad: {  	[dreg:$0x0] =	wrdreg $0x60  }
0xae: {  	[dreg:$0x2] =	wrdreg s24  }
0xaf: {  	[dreg:$0x3] =	wrdreg $0x3DE00  }
0xb0: {  	[dreg:$0x4] =	wrdreg $0x9  }
0xb1: {  	_ =	task.clear_ibuf [dreg:s6], $0x5FFFF;
	_ =	strace $0x90000055  }
0xb2: {  	s29 =	simm.s32 $0x9;
	_ =	strace $0x80000057  }
0xb3: {  	_ =	swait.ge [sflag:s29], $0x1  }
0xb4: {  	[sflag:s29] =	ssyncadd.s32 $0xFFFFFFFF  }
0xb5: {  	_ =	strace $0x90000057  }
0xb6: {  	_ =	sfence  }
0xb7: {  	s30 =	sld [smem:$0x0];
	_ =	sdelay $0x2  }
0xb8: {  	s31 =	sshll.u32 s1, $0xD;
	s1 =	sshrl.u32 s1, $0x2  }
0xb9: {  	s3 =	sand.u32 $0x4000, s31;
	s1 =	sadd.s32 s1, s30  }
0xba: {  	s0 =	sor.u32 s3, s0;
	s1 =	sshll.u32 s1, $0x11  }
0xbb: {  	s0 =	sor.u32 s1, s0  }
0xbc: {  	s0 =	sadd.s32 $0x8F2B, s0  }
0xbd: {  	[sflag:s0] =	ssyncadd.remote.s32 $0x1  }
0xbe: {  	_ =	sfence.sel $0xFFFF  }
0xbf: {  	[dreg:$0x0] =	wrdreg $0xFFFFFFFF;
	(pc) =	sbr.abs _section_cstart, $3  }
0xc0: {  	[dreg:$0x1] =	wrdreg $0xFFFFFFFF  }
0xc1: {  	_ =	task.clear_ibuf [dreg:s6], $0x2FFFF;
	_ =	strace $0x9FFFFFFF  }
0xc2: {  	(tm) =	ssettm $0x7FFFFFFF  }
0xc3: {  	_ =	shalt  }
tec
execute0_lowered:
.L_overlay_start_1:
0x0: {  	(tag) =	ssettag $0x1  }
0x1: {  	s0 =	rddreg [dreg:$0x0]  }
0x2: {  	s1 =	rddreg [dreg:$0x1];
	s3 =	simm.s32 $0x0  }
0x3: {  	s2 =	srdreg.scid;
	s11 =	stileid.u32;
	s19 =	simm.s32 $0x870  }
0x4: {  	s28 =	simm.s32 $0x1FE0;
	s29 =	simm.s32 $0x1;
	s30 =	simm.s32 $0x3  }
0x5: {  	s31 =	simm.s32 $0x2;
	[smem:$0x7FF] =	sst s3;
	s2 =	sand.u32 $0x1, s2  }
0x6: {  	s10 =	smul.u32 $0x7560, s11;
	s4 =	sadd.s32 $0xA400, s0;
	s5 =	sadd.s32 $0x27E00, s0  }
0x7: {  	s6 =	sadd.s32 $0x31C00, s0;
	s9 =	sshll.u32 s11, $0x1;
	s11 =	smul.u32 $0x1D580, s11  }
0x8: {  	s7 =	smul.u32 $0x75600, s2;
	s20 =	sor.u32 s2, s9;
	s2 =	ssub.s32 $0x2, s2  }
0x9: {  	_ =	strace $0x80000056;
	s21 =	sshrl.u32 s11, $0x2;
	s22 =	sshrl.u32 s2, $0x1  }
0xa: {  	s26 =	sadd.s32 s10, s1;
	s8 =	sadd.s32 s10, s7;
	s7 =	sadd.s32 $0x14200, s0  }
0xb: {  	s9 =	sadd.s32 s21, s1;
	s2 =	ssub.s32 s2, s22;
	s21 =	simm.s32 $0x78  }
0xc: {  	s22 =	simm.s32 $0xF0;
	s12 =	sshrl.u32 s8, $0x3;
	s8 =	smul.u32 $0x2760, s20  }
0xd: {  	s23 =	sadd.s32 $0x7080, s9;
	s2 =	smax.u32 s2, $0x1;
	s15 =	sadd.s32 $0x1680, s9  }
0xe: {  	s16 =	sadd.s32 $0x2D00, s9;
	s17 =	sadd.s32 $0x4380, s9;
	s18 =	sadd.s32 $0x5A00, s9  }
0xf: {  	s20 =	simm.s32 $0x4;
	s0 =	sadd.s32 s12, s0;
	[dreg:$0x3] =	wrdreg s23  }
0x10: {  	[dreg:$0x7] =	wrdreg s2;
	s24 =	sshrl.u32 s8, $0x3;
	s0 =	sadd.s32 $0x36C00, s0  }
0x11: {  	s23 =	simm.s32 $0x1EF0;
	s25 =	sadd.s32 s4, s24;
	[dreg:$0x6] =	wrdreg s0  }
0x12: {  	s11 =	sadd.s32 s5, s24;
	s24 =	simm.s32 $0x1F68;
	[dreg:$0x4] =	wrdreg s25  }
0x13: {  	v0 =	vimm.f32 $0.0e+00;
	[dreg:$0x5] =	wrdreg s11;
	s25 =	sshrl.u32 s26, $0x3;
	s26 =	simm.s32 $0x2760  }
.LBB2_1:
0x14: {  	s0 =	simm.s32 $0xC0;
	s2 =	simm.s32 $0x0  }
.LBB2_2:
0x15: {  	p0 =	sne.s32 s0, $0x5940;
	[tilespmem:s2+$0x890] =	vst v0;
	s10 =	smov.u32 s0;
	s0 =	sadd.s32 $0xC0, s0  }
.Ltmp0:
0x16: {  	[tilespmem:s2+$0x870] =	vst v0;
	(pc) =	sbr.rel @p0 .LBB2_2-.Ltmp0, $2  }
0x17: {  	[tilespmem:s2+$0x880] =	vst v0;
	_ =	sdelay $0x2  }
0x18: {  	s2 =	sshra.s32 s10, $0x2  }
0x19: {  	[tilespmem:s2+$0x890] =	vst v0  }
0x1a: {  	[tilespmem:s2+$0x870] =	vst v0  }
0x1b: {  	[tilespmem:s2+$0x880] =	vst v0  }
0x1c: {  	[spmem:s9] =	stream.linear.scatter [tilespmem:s19], [sflag:$0x4], $0x1680, $0x38;
	[tilespmem:$0xB340] =	vst v63  }
0x1d: {  	_ =	swait.ge [sflag:s20], $0x1680  }
0x1e: {  	[sflag:s20] =	ssyncset.done $0x0  }
0x1f: {  	[sflag:s20] =	ssyncadd.s32 $0xFFFFE980  }
0x20: {  	[spmem:s15] =	stream.linear.scatter [tilespmem:s19], [sflag:$0x4], $0x1680, $0x38;
	[tilespmem:$0xB340] =	vst v63  }
0x21: {  	_ =	swait.ge [sflag:s20], $0x1680  }
0x22: {  	[sflag:s20] =	ssyncset.done $0x0  }
0x23: {  	[sflag:s20] =	ssyncadd.s32 $0xFFFFE980  }
0x24: {  	[spmem:s16] =	stream.linear.scatter [tilespmem:s19], [sflag:$0x4], $0x1680, $0x38;
	[tilespmem:$0xB340] =	vst v63  }
0x25: {  	_ =	swait.ge [sflag:s20], $0x1680  }
0x26: {  	[sflag:s20] =	ssyncset.done $0x0  }
0x27: {  	[sflag:s20] =	ssyncadd.s32 $0xFFFFE980  }
0x28: {  	[spmem:s17] =	stream.linear.scatter [tilespmem:s19], [sflag:$0x4], $0x1680, $0x38;
	[tilespmem:$0xB340] =	vst v63  }
0x29: {  	_ =	swait.ge [sflag:s20], $0x1680  }
0x2a: {  	[sflag:s20] =	ssyncset.done $0x0  }
0x2b: {  	[sflag:s20] =	ssyncadd.s32 $0xFFFFE980  }
0x2c: {  	[spmem:s18] =	stream.linear.scatter [tilespmem:s19], [sflag:$0x4], $0x1680, $0x38;
	[tilespmem:$0xB340] =	vst v63  }
0x2d: {  	_ =	swait.ge [sflag:s20], $0x1680  }
0x2e: {  	[sflag:s20] =	ssyncset.done $0x0  }
0x2f: {  	s0 =	rddreg [dreg:$0x3];
	[sflag:s20] =	ssyncadd.s32 $0xFFFFE980  }
0x30: {  	[spmem:s0] =	stream.linear.scatter [tilespmem:s19], [sflag:$0x4], $0x4E0, $0x38;
	[tilespmem:$0xB340] =	vst v63  }
0x31: {  	_ =	swait.ge [sflag:s20], $0x4E0  }
0x32: {  	[sflag:s20] =	ssyncset.done $0x0  }
0x33: {  	[sflag:s20] =	ssyncadd.s32 $0xFFFFFB20  }
0x34: {  	[bflag:$0x0] =	sbarrier.arrive $0xFFFF  }
0x35: {  	s0 =	simm.s32 $0x0;
	s13 =	rddreg [dreg:$0x4]  }
0x36: {  	[tilespmem:s0], [sflag:$0x4] =	stream.linear.gather [hbm4b:s13+s0], $0x78, $0x38;
	[tilespmem:$0xB340] =	vst v63  }
0x37: {  	_ =	swait.ge [sflag:s20], $0x78  }
0x38: {  	[sflag:s20] =	ssyncset.done $0x0  }
0x39: {  	s14 =	rddreg [dreg:$0x5];
	[sflag:s20] =	ssyncadd.s32 $0xFFFFFF88  }
0x3a: {  	[tilespmem:s21], [sflag:$0x4] =	stream.linear.gather [hbm4b:s14+s0], $0x78, $0x38;
	[tilespmem:$0xB340] =	vst v63  }
0x3b: {  	_ =	swait.ge [sflag:s20], $0x78  }
0x3c: {  	[sflag:s20] =	ssyncset.done $0x0  }
0x3d: {  	[sflag:s20] =	ssyncadd.s32 $0xFFFFFF88  }
0x3e: {  	[tilespmem:s19], [sflag:$0x1] =	stream.indirect.gather [hbm4b:s7+s21], $0x30, s0, s21, $0xb8;
	[tilespmem:$0xB340] =	vst v63  }
0x3f: {  	s2 =	simm.s32 $0x0  }
0x40: {  	[tilespmem:s22], [sflag:$0x1] =	stream.indirect.gather [hbm4b:s6+s21], $0x10, s21, s21, $0xb8;
	[tilespmem:$0xB340] =	vst v63  }
.LBB2_4:
0x41: {  	s10 =	smul.u32 $0xF0, s2;
	_ =	sdelay $0x1  }
0x42: {  	s10 =	sadd.s32 s8, s10  }
0x43: {  	s11 =	sadd.s32 $0x78, s10  }
0x44: {  	s11 =	sshrl.u32 s11, $0x3  }
0x45: {  	s12 =	sadd.s32 s4, s11  }
0x46: {  	[tilespmem:s23], [sflag:$0x4] =	stream.linear.gather [hbm4b:s12+s0], $0x78, $0x38;
	[tilespmem:$0xB340] =	vst v63  }
0x47: {  	_ =	swait.ge [sflag:s20], $0x78  }
0x48: {  	[sflag:s20] =	ssyncset.done $0x0  }
0x49: {  	s11 =	sadd.s32 s5, s11;
	[sflag:s20] =	ssyncadd.s32 $0xFFFFFF88  }
0x4a: {  	[tilespmem:s24], [sflag:$0x4] =	stream.linear.gather [hbm4b:s11+s0], $0x78, $0x38;
	[tilespmem:$0xB340] =	vst v63  }
0x4b: {  	_ =	swait.ge [sflag:s20], $0x78  }
0x4c: {  	[sflag:s20] =	ssyncset.done $0x0  }
0x4d: {  	[sflag:s20] =	ssyncadd.s32 $0xFFFFFF88  }
0x4e: {  	[tilespmem:s26], [sflag:$0x2] =	stream.indirect.gather [hbm4b:s7+s21], $0x30, s23, s21, $0xb8;
	[tilespmem:$0xB340] =	vst v63  }
0x4f: {  	_ = 	snop  }
0x50: {  	[tilespmem:s28], [sflag:$0x2] =	stream.indirect.gather [hbm4b:s6+s21], $0x10, s24, s21, $0xb8;
	[tilespmem:$0xB340] =	vst v63  }
0x51: {  	_ =	swait.ge [sflag:s29], $0x1680  }
0x52: {  	[sflag:s29] =	ssyncset.done $0x0  }
0x53: {  	[sflag:s29] =	ssyncadd.s32 $0xFFFFE980  }
0x54: {  	_ =	swait.ge [sflag:s29], $0x780  }
0x55: {  	[sflag:s29] =	ssyncset.done $0x0  }
0x56: {  	s11 =	simm.s32 $0x890;
	[sflag:s29] =	ssyncadd.s32 $0xFFFFF880  }
0x57: {  	s14 =	simm.s32 $0x0;
	s13 =	simm.s32 $0x40;
	s12 =	simm.s32 $0x890;
	v1 =	vld [tilespmem:s11+$0x0]  }
.LBB2_5:
0x58: {  	p0 =	sne.s32 s13, $0x1DC0;
	v2 =	vld [tilespmem:s14+$0xF0];
	_ =	sdelay $0x4  }
0x59: {  	v1 =	vadd.f32 v2, v1;
	_ =	sdelay $0x1  }
0x5a: {  	v2 =	vmul.f32 $2.000000030e-01, v1  }
0x5b: {  	vm0 =	vge.f32 v1, $0.0e+00  }
0x5c: {  	v1 =	vsel vm0, v1, v2  }
0x5d: {  	v1 =	vmul.f32 $1.442695020e+00, v1;
	_ =	sdelay $0x1  }
0x5e: {  	(erf) = vpow2.f32 v1;
	_ =	sdelay $0x5  }
0x5f: {  	v1 =	vld [tilespmem:s11+$0xFFFFFFF0]  }
0x60: {  	v2 =	vld [tilespmem:s11+$0xFFFFFFE0];
	_ =	sdelay $0x1  }
0x61: {  	v3 =	vpop (erf)  }
0x62: {  	v4 =	vbroadcast v3, $0x0;
	[tilespmem:s11+$0x0] =	vst v3  }
.Ltmp1:
0x63: {  	(pc) =	sbr.rel @p0 .LBB2_5-.Ltmp1, $3  }
0x64: {  	v2 =	vmul.f32 v4, v2;
	v1 =	vmul.f32 v4, v1;
	_ =	sdelay $0x1  }
0x65: {  	s11 =	sadd.s32 $0x30, s11;
	[tilespmem:s12+$0xFFFFFFF0] =	vst v1  }
0x66: {  	s14 =	sshra.s32 s13, $0x2;
	s13 =	sadd.s32 $0x40, s13;
	v1 =	vld [tilespmem:s11+$0x0];
	[tilespmem:s12+$0xFFFFFFE0] =	vst v2;
	s12 =	smov.u32 s11  }
0x67: {  	v2 =	vld [tilespmem:s14+$0xF0];
	_ =	sdelay $0x4  }
0x68: {  	v1 =	vadd.f32 v2, v1;
	_ =	sdelay $0x1  }
0x69: {  	v2 =	vmul.f32 $2.000000030e-01, v1  }
0x6a: {  	vm0 =	vge.f32 v1, $0.0e+00  }
0x6b: {  	v1 =	vsel vm0, v1, v2  }
0x6c: {  	v1 =	vmul.f32 $1.442695020e+00, v1;
	_ =	sdelay $0x1  }
0x6d: {  	(erf) = vpow2.f32 v1;
	_ =	sdelay $0x6  }
0x6e: {  	v1 =	vld [tilespmem:s11+$0xFFFFFFF0]  }
0x6f: {  	v2 =	vld [tilespmem:s11+$0xFFFFFFE0]  }
0x70: {  	v3 =	vpop (erf)  }
0x71: {  	v4 =	vbroadcast v3, $0x0;
	_ =	sdelay $0x1  }
0x72: {  	v1 =	vmul.f32 v4, v1  }
0x73: {  	[tilespmem:s11+$0x0] =	vst v3;
	v2 =	vmul.f32 v4, v2  }
0x74: {  	[tilespmem:s12+$0xFFFFFFF0] =	vst v1  }
0x75: {  	[tilespmem:s12+$0xFFFFFFE0] =	vst v2  }
0x76: {  	[spmem:s1] =	stream.indirect.scatter.add.f32 [tilespmem:s19], [sflag:$0x3], $0x30, s21, s21, $0xb8;
	[tilespmem:$0xB340] =	vst v63  }
0x77: {  	s10 =	sshrl.u32 s10, $0x3;
	_ =	swait.ge [sflag:s30], $0x1680  }
0x78: {  	s10 =	sadd.s32 $0x1E, s10;
	[sflag:s30] =	ssyncset.done $0x0  }
0x79: {  	s14 =	simm.s32 $0x0;
	s13 =	sadd.s32 s4, s10;
	[sflag:s30] =	ssyncadd.s32 $0xFFFFE980  }
0x7a: {  	[tilespmem:s14], [sflag:$0x4] =	stream.linear.gather [hbm4b:s13+s14], $0x78, $0x38;
	[tilespmem:$0xB340] =	vst v63  }
0x7b: {  	_ =	swait.ge [sflag:s20], $0x78  }
0x7c: {  	[sflag:s20] =	ssyncset.done $0x0  }
0x7d: {  	s10 =	sadd.s32 s5, s10;
	[sflag:s20] =	ssyncadd.s32 $0xFFFFFF88  }
0x7e: {  	[tilespmem:s21], [sflag:$0x4] =	stream.linear.gather [hbm4b:s10+s14], $0x78, $0x38;
	[tilespmem:$0xB340] =	vst v63  }
0x7f: {  	_ =	swait.ge [sflag:s20], $0x78  }
0x80: {  	[sflag:s20] =	ssyncset.done $0x0  }
0x81: {  	[sflag:s20] =	ssyncadd.s32 $0xFFFFFF88  }
0x82: {  	[tilespmem:s19], [sflag:$0x1] =	stream.indirect.gather [hbm4b:s7+s21], $0x30, s14, s21, $0xb8;
	[tilespmem:$0xB340] =	vst v63  }
0x83: {  	_ = 	snop  }
0x84: {  	[tilespmem:s22], [sflag:$0x1] =	stream.indirect.gather [hbm4b:s6+s21], $0x10, s21, s21, $0xb8;
	[tilespmem:$0xB340] =	vst v63  }
0x85: {  	_ =	swait.ge [sflag:s31], $0x1680  }
0x86: {  	[sflag:s31] =	ssyncset.done $0x0  }
0x87: {  	[sflag:s31] =	ssyncadd.s32 $0xFFFFE980  }
0x88: {  	_ =	swait.ge [sflag:s31], $0x780  }
0x89: {  	[sflag:s31] =	ssyncset.done $0x0  }
0x8a: {  	s10 =	simm.s32 $0x2780;
	[sflag:s31] =	ssyncadd.s32 $0xFFFFF880  }
0x8b: {  	s11 =	simm.s32 $0x2780;
	s12 =	simm.s32 $0x40;
	s13 =	simm.s32 $0x0;
	v1 =	vld [tilespmem:s10+$0x0]  }
.LBB2_7:
0x8c: {  	p0 =	sne.s32 s12, $0x1DC0;
	v2 =	vld [tilespmem:s13+$0x1FE0];
	_ =	sdelay $0x4  }
0x8d: {  	v1 =	vadd.f32 v2, v1;
	_ =	sdelay $0x1  }
0x8e: {  	v2 =	vmul.f32 $2.000000030e-01, v1  }
0x8f: {  	vm0 =	vge.f32 v1, $0.0e+00  }
0x90: {  	v1 =	vsel vm0, v1, v2  }
0x91: {  	v1 =	vmul.f32 $1.442695020e+00, v1;
	_ =	sdelay $0x1  }
0x92: {  	(erf) = vpow2.f32 v1;
	_ =	sdelay $0x5  }
0x93: {  	v1 =	vld [tilespmem:s10+$0xFFFFFFF0]  }
0x94: {  	v2 =	vld [tilespmem:s10+$0xFFFFFFE0];
	_ =	sdelay $0x1  }
0x95: {  	v3 =	vpop (erf)  }
0x96: {  	v4 =	vbroadcast v3, $0x0;
	[tilespmem:s10+$0x0] =	vst v3  }
.Ltmp2:
0x97: {  	(pc) =	sbr.rel @p0 .LBB2_7-.Ltmp2, $3  }
0x98: {  	v2 =	vmul.f32 v4, v2;
	v1 =	vmul.f32 v4, v1;
	_ =	sdelay $0x1  }
0x99: {  	s10 =	sadd.s32 $0x30, s10;
	[tilespmem:s11+$0xFFFFFFF0] =	vst v1  }
0x9a: {  	s13 =	sshra.s32 s12, $0x2;
	s12 =	sadd.s32 $0x40, s12;
	v1 =	vld [tilespmem:s10+$0x0];
	[tilespmem:s11+$0xFFFFFFE0] =	vst v2;
	s11 =	smov.u32 s10  }
0x9b: {  	v2 =	vld [tilespmem:s13+$0x1FE0];
	_ =	sdelay $0x4  }
0x9c: {  	v1 =	vadd.f32 v2, v1;
	_ =	sdelay $0x1  }
0x9d: {  	v2 =	vmul.f32 $2.000000030e-01, v1  }
0x9e: {  	vm0 =	vge.f32 v1, $0.0e+00  }
0x9f: {  	v1 =	vsel vm0, v1, v2  }
0xa0: {  	v1 =	vmul.f32 $1.442695020e+00, v1;
	_ =	sdelay $0x1  }
0xa1: {  	(erf) = vpow2.f32 v1;
	_ =	sdelay $0x6  }
0xa2: {  	v1 =	vld [tilespmem:s10+$0xFFFFFFF0]  }
0xa3: {  	v2 =	vld [tilespmem:s10+$0xFFFFFFE0]  }
0xa4: {  	v3 =	vpop (erf)  }
0xa5: {  	v4 =	vbroadcast v3, $0x0;
	_ =	sdelay $0x1  }
0xa6: {  	v1 =	vmul.f32 v4, v1  }
0xa7: {  	s2 =	sadd.s32 $0x1, s2;
	[tilespmem:s10+$0x0] =	vst v3;
	v2 =	vmul.f32 v4, v2  }
0xa8: {  	p0 =	sne.s32 s2, $0x2A;
	[tilespmem:s11+$0xFFFFFFF0] =	vst v1  }
.Ltmp3:
0xa9: {  	[tilespmem:s11+$0xFFFFFFE0] =	vst v2;
	(pc) =	sbr.rel @p0 .LBB2_4-.Ltmp3, $4  }
0xaa: {  	[spmem:s1] =	stream.indirect.scatter.add.f32 [tilespmem:s26], [sflag:$0x3], $0x30, s24, s21, $0xb8;
	[tilespmem:$0xB340] =	vst v63  }
0xab: {  	_ =	swait.ge [sflag:s30], $0x1680  }
0xac: {  	[sflag:s30] =	ssyncset.done $0x0  }
0xad: {  	[sflag:s30] =	ssyncadd.s32 $0xFFFFE980  }
0xae: {  	_ =	swait.ge [sflag:s29], $0x1680  }
0xaf: {  	[sflag:s29] =	ssyncset.done $0x0  }
0xb0: {  	[sflag:s29] =	ssyncadd.s32 $0xFFFFE980  }
0xb1: {  	_ =	swait.ge [sflag:s29], $0x780  }
0xb2: {  	[sflag:s29] =	ssyncset.done $0x0  }
0xb3: {  	s0 =	stileid.u32;
	[sflag:s29] =	ssyncadd.s32 $0xFFFFF880  }
0xb4: {  	s0 =	sshll.u32 s0, $0x6;
	[bflag:$0x0] =	sbarrier.arrive $0xFFFF  }
0xb5: {  	s0 =	sor.u32 $0x1C04, s0;
	s2 =	rddreg [dreg:$0x6]  }
0xb6: {  	[hbm:s2], [sflag:s0] =	dma.local [spmem:s25], $0xEAC  }
0xb7: {  	_ =	swait.ge [sflag:s20], $0xEAC  }
0xb8: {  	s3 =	sadd.s32 $0x1, s3;
	s14 =	rddreg [dreg:$0x7]  }
0xb9: {  	p0 =	sne.s32 s3, s14  }
.Ltmp4:
0xba: {  	_ = 	snop;
	(pc) =	sbr.rel @p0 .LBB2_1-.Ltmp4, $3  }
0xbb: {  	_ =	sdelay $0x1  }
0xbc: {  	[sflag:s20] =	ssyncset.done $0x0  }
0xbd: {  	[sflag:s20] =	ssyncadd.s32 $0xFFFFF154  }
0xbe: {  	_ =	sfence.sel $0x180000  }
0xbf: {  	[bflag:$0x0] =	sbarrier.arrive $0xFFFF  }
0xc0: {  	_ =	strace $0x90000056  }
0xc1: {  	s0 =	stileid.u32;
	[bflag:$0x2] =	sbarrier.arrive $0xFFFF  }
0xc2: {  	p0 =	sne.s32 s0, $0x0;
	s0 =	rddreg [dreg:$0x2]  }
0xc3: {  	s0 =	sadd.s32 @!p0 $0x100000, s0  }
0xc4: {  	[sflag:s0] =	ssyncadd.tile.s32 @!p0 $0x1;
	_ =	shalt  }
.Lfunc_end2:
_tile_overlayer_lowered:
.L_overlay_start_2:
0xc5: {  	(tag) =	ssettag $0x2  }
0xc6: {  	s0 =	rddreg [dreg:$0x0];
	s2 =	stileid.u32  }
0xc7: {  	s1 =	rddreg [dreg:$0x1];
	p0 =	sne.s32 s2, $0x0  }
0xc8: {  	s3 =	rddreg [dreg:$0x2];
	[bflag:$0x3] =	sbarrier.arrive $0xFFFF;
	s2 =	simm.s32 @!p0 $0x1C04  }
0xc9: {  	[timem:s3], [sflag:s2] =	dma.local @!p0 [hbm:s0], s1  }
0xca: {  	s0 =	simm.s32 @!p0 $0x4  }
0xcb: {  	_ =	swait.ge @!p0 [sflag:s0], s1  }
0xcc: {  	s1 =	ssub.s32 @!p0 $0x0, s1;
	[sflag:s0] =	ssyncset.done @!p0 $0x0  }
0xcd: {  	[sflag:s0] =	ssyncadd.s32 @!p0 s1  }
0xce: {  	[bflag:$0x3] =	sbarrier.arrive $0xFFFF  }
0xcf: {  	_ =	shalt  }

</sc_bundles>
